<compile_context>
chip_gen: v7x
topology: tpu7x:2x2x1
jax: 0.10.2.dev20260603
libtpu: 0.0.44.dev20260713+nightly
codegen_flags: <defaults>
</compile_context>

<pallas_src>
import functools
import jax
import jax.numpy as jnp
from jax import lax
from jax.experimental import pallas as pl
from jax.experimental.pallas import tpu as pltpu
from jax.experimental.pallas import tpu_sc as plsc

NC, NS, L = 2, 16, 16
NW = NC * NS
NG = 512
N_PAD = 10240
E_PAD = 327680
D = 128
DX = 144
BN = 256
NB = N_PAD // BN
FMIN = float(jnp.finfo(jnp.float32).min)

def _make_sc_kernels():
    mesh = plsc.VectorSubcoreMesh(core_axis_name="c", subcore_axis_name="s",
                                  num_cores=NC)

    @functools.partial(
        pl.kernel, mesh=mesh,
        out_type=jax.ShapeDtypeStruct((N_PAD, D), jnp.float32),
        scratch_types=[
            pltpu.VMEM((5, 64), jnp.int32),
            pltpu.VMEM((320, D), jnp.float32),
            pltpu.SemaphoreType.DMA,
        ],
    )
    def emb_gather(emb_hbm, idx_hbm, out_hbm, idx_v, rows_v, sem):
        wid = lax.axis_index("s") * NC + lax.axis_index("c")
        base = wid * 320
        pltpu.sync_copy(idx_hbm.at[wid], idx_v)

        def chunk(j, _):
            pltpu.async_copy(emb_hbm.at[idx_v.at[j]],
                             rows_v.at[pl.ds(j * 64, 64)], sem).wait()
            return _

        lax.fori_loop(0, 5, chunk, None)
        pltpu.sync_copy(rows_v, out_hbm.at[pl.ds(base, 320)])

    @functools.partial(
        pl.kernel, mesh=mesh,
        compiler_params=pltpu.CompilerParams(needs_layout_passes=False),
        out_type=jax.ShapeDtypeStruct((NC, N_PAD, D), jnp.float32),
        scratch_types=[
            pltpu.VMEM((16, 128), jnp.int32),
            pltpu.VMEM((16, 128), jnp.int32),
            pltpu.VMEM((128, D), jnp.float32),
            pltpu.VMEM((128, D), jnp.float32),
            pltpu.VMEM_SHARED((N_PAD, D), jnp.float32),
            pltpu.SemaphoreType.DMA,
            pltpu.SemaphoreType.DMA,
        ],
    )
    def edge_agg(x_hbm, src3_hbm, dst3_hbm, zeros_hbm, agg_out,
                 sidx, didx, rows_a, rows_b, agg_sh, sem_a, sem_b):
        c = lax.axis_index("c")
        s = lax.axis_index("s")
        wid = s * NC + c
        pltpu.sync_copy(zeros_hbm, rows_a)

        def z(i, _):
            pltpu.sync_copy(rows_a, agg_sh.at[pl.ds(s * 640 + i * 128, 128)])
            return _

        lax.fori_loop(0, 5, z, None)
        plsc.subcore_barrier()

        dummy = x_hbm.at[pl.ds(0, 128)]

        def outer(o, _):
            pltpu.sync_copy(src3_hbm.at[wid, pl.ds(o * 16, 16)], sidx)
            pltpu.sync_copy(dst3_hbm.at[wid, pl.ds(o * 16, 16)], didx)
            pltpu.async_copy(x_hbm.at[sidx.at[0]], rows_a, sem_a)

            def inner(j2, __):
                pltpu.make_async_copy(dummy, rows_a, sem_a).wait()
                pltpu.async_copy(x_hbm.at[sidx.at[2 * j2 + 1]], rows_b,
                                 sem_b)
                pltpu.sync_copy(rows_a, agg_sh.at[didx.at[2 * j2]],
                                add=True)
                pltpu.make_async_copy(dummy, rows_b, sem_b).wait()
                nxt = jnp.minimum(2 * j2 + 2, 15)
                pltpu.async_copy(x_hbm.at[sidx.at[nxt]], rows_a, sem_a)
                pltpu.sync_copy(rows_b, agg_sh.at[didx.at[2 * j2 + 1]],
                                add=True)
                return __

            lax.fori_loop(0, 8, inner, None)
            pltpu.make_async_copy(dummy, rows_a, sem_a).wait()
            return _

        lax.fori_loop(0, 5, outer, None)
        plsc.subcore_barrier()

        def w(i, _):
            pltpu.sync_copy(agg_sh.at[pl.ds(s * 640 + i * 128, 128)], rows_a)
            pltpu.sync_copy(rows_a,
                            agg_out.at[c, pl.ds(s * 640 + i * 128, 128)])
            return _

        lax.fori_loop(0, 5, w, None)

    EPW = E_PAD // NW

    @functools.partial(
        pl.kernel, mesh=mesh,
        compiler_params=pltpu.CompilerParams(needs_layout_passes=False),
        out_type=jax.ShapeDtypeStruct((NW, N_PAD), jnp.float32),
        scratch_types=[
            pltpu.VMEM((EPW,), jnp.int32),
            pltpu.VMEM((EPW,), jnp.int32),
            pltpu.VMEM((N_PAD,), jnp.float32),
            pltpu.VMEM((N_PAD,), jnp.float32),
        ],
    )
    def deg_part(srcf_hbm, dstf_hbm, nm_hbm, deg_out,
                 srcf_v, dstf_v, nm_v, deg_v):
        wid = lax.axis_index("s") * NC + lax.axis_index("c")
        pltpu.sync_copy(srcf_hbm.at[wid], srcf_v)
        pltpu.sync_copy(dstf_hbm.at[wid], dstf_v)
        pltpu.sync_copy(nm_hbm, nm_v)

        def zd(k, _):
            deg_v[pl.ds(k * 16, 16)] = jnp.zeros((16,), jnp.float32)
            return _

        lax.fori_loop(0, N_PAD // 16, zd, None)

        def dloop(k, _):
            sv = srcf_v[pl.ds(k * 16, 16)]
            dv = dstf_v[pl.ds(k * 16, 16)]
            vals = plsc.load_gather(nm_v, [sv])
            plsc.addupdate_scatter(deg_v, [dv], vals)
            return _

        lax.fori_loop(0, EPW // 16, dloop, None)
        pltpu.sync_copy(deg_v, deg_out.at[wid])

    return emb_gather, edge_agg, deg_part


_SC_CACHE = []


def _emb_gather(emb, idx):
    if not _SC_CACHE:
        _SC_CACHE.extend(_make_sc_kernels())
    return _SC_CACHE[0](emb, idx)


def _edge_agg(x_tab, src3, dst3, zeros):
    if not _SC_CACHE:
        _SC_CACHE.extend(_make_sc_kernels())
    return _SC_CACHE[1](x_tab, src3, dst3, zeros)


def _deg_part(srcf, dstf, nm):
    if not _SC_CACHE:
        _SC_CACHE.extend(_make_sc_kernels())
    return _SC_CACHE[2](srcf, dstf, nm)


def _dense_body(a0, a1, dall, ones, x, nm, wl, wr, b, p, h_out, s_out):
    feat = a0[...] + a1[...]
    deg = lax.dot_general(dall[...], ones[...], (((0,), (0,)), ((), ())),
                          preferred_element_type=jnp.float32)
    deg = jnp.clip(deg, 1.0, None)
    h = lax.dot_general(feat / deg, wl[...], (((1,), (1,)), ((), ())),
                        preferred_element_type=jnp.float32)
    h = h + lax.dot_general(x[...], wr[...], (((1,), (1,)), ((), ())),
                            preferred_element_type=jnp.float32)
    h = jax.nn.relu(h + b[...]) * nm[...]
    pv = p[...]
    nrm = jnp.sqrt(jnp.sum(pv * pv))
    h_out[...] = h
    s_out[...] = lax.dot_general(h, pv, (((1,), (0,)), ((), ())),
                                 preferred_element_type=jnp.float32) / nrm


def _sage_dense(a0, a1, dall, ones, x, nm_col, wl, wr, b, p):
    return pl.pallas_call(
        _dense_body,
        grid=(NB,),
        in_specs=[
            pl.BlockSpec((BN, D), lambda i: (i, 0)),
            pl.BlockSpec((BN, D), lambda i: (i, 0)),
            pl.BlockSpec((NW, BN), lambda i: (0, i)),
            pl.BlockSpec((NW, 1), lambda i: (0, 0)),
            pl.BlockSpec((BN, D), lambda i: (i, 0)),
            pl.BlockSpec((BN, 1), lambda i: (i, 0)),
            pl.BlockSpec((D, D), lambda i: (0, 0)),
            pl.BlockSpec((D, D), lambda i: (0, 0)),
            pl.BlockSpec((1, D), lambda i: (0, 0)),
            pl.BlockSpec((D, 1), lambda i: (0, 0)),
        ],
        out_specs=[
            pl.BlockSpec((BN, D), lambda i: (i, 0)),
            pl.BlockSpec((BN, 1), lambda i: (i, 0)),
        ],
        out_shape=[
            jax.ShapeDtypeStruct((N_PAD, D), jnp.float32),
            jax.ShapeDtypeStruct((N_PAD, 1), jnp.float32),
        ],
    )(a0, a1, dall, ones, x, nm_col, wl, wr, b, p)


def _rank_body(s_col, nm_col, b_col, s_row, nm_row, b_row, keep_out,
               cnt_acc, alive_acc):
    i = pl.program_id(0)
    j = pl.program_id(1)

    @pl.when(j == 0)
    def _():
        cnt_acc[...] = jnp.zeros_like(cnt_acc)
        alive_acc[...] = jnp.zeros_like(alive_acc)

    sr_i = jnp.where(nm_col[...] > 0, s_col[...], FMIN)
    sr_j = jnp.where(nm_row[...] > 0, s_row[...], FMIN)
    ig = lax.broadcasted_iota(jnp.int32, (BN, 1), 0) + i * BN
    jg = lax.broadcasted_iota(jnp.int32, (1, BN), 1) + j * BN
    same = b_row[...] == b_col[...]
    higher = (sr_j > sr_i) | ((sr_j == sr_i) & (jg < ig))
    cnt_acc[...] += jnp.sum(jnp.where(same & higher, 1.0, 0.0), axis=1,
                            keepdims=True)
    alive_acc[...] += jnp.sum(jnp.where(same, nm_row[...], 0.0), axis=1,
                              keepdims=True)

    @pl.when(j == pl.num_programs(1) - 1)
    def _():
        k = jnp.ceil(0.8 * alive_acc[...])
        keep_out[...] = jnp.where((cnt_acc[...] < k) & (nm_col[...] > 0),
                                  1.0, 0.0)


def _topk_keep(s_col, nm_col, b_col, s_row, nm_row, b_row):
    return pl.pallas_call(
        _rank_body,
        grid=(NB, NB),
        in_specs=[
            pl.BlockSpec((BN, 1), lambda i, j: (i, 0)),
            pl.BlockSpec((BN, 1), lambda i, j: (i, 0)),
            pl.BlockSpec((BN, 1), lambda i, j: (i, 0)),
            pl.BlockSpec((1, BN), lambda i, j: (0, j)),
            pl.BlockSpec((1, BN), lambda i, j: (0, j)),
            pl.BlockSpec((1, BN), lambda i, j: (0, j)),
        ],
        out_specs=pl.BlockSpec((BN, 1), lambda i, j: (i, 0)),
        out_shape=jax.ShapeDtypeStruct((N_PAD, 1), jnp.float32),
        scratch_shapes=[
            pltpu.VMEM((BN, 1), jnp.float32),
            pltpu.VMEM((BN, 1), jnp.float32),
        ],
    )(s_col, nm_col, b_col, s_row, nm_row, b_row)


def _pool_body(h, s_col, keep_col, b_row, b_col, xp_out, sum_out, max_out,
               cnt_out):
    i = pl.program_id(0)

    @pl.when(i == 0)
    def _():
        sum_out[...] = jnp.zeros_like(sum_out)
        cnt_out[...] = jnp.zeros_like(cnt_out)
        max_out[...] = jnp.full_like(max_out, FMIN)

    keep = keep_col[...]
    xp = h[...] * jnp.tanh(s_col[...]) * keep
    xp_out[...] = xp
    gid = lax.broadcasted_iota(jnp.int32, (NG, 1), 0)
    onehot = jnp.where(gid == b_row[...], 1.0, 0.0)
    sum_out[...] += lax.dot_general(onehot, xp, (((1,), (0,)), ((), ())),
                                    preferred_element_type=jnp.float32)
    cnt_out[...] += lax.dot_general(onehot, keep, (((1,), (0,)), ((), ())),
                                    preferred_element_type=jnp.float32)
    xm = jnp.where(keep > 0, xp, FMIN)
    bc = b_col[...]
    g_lo = b_col[0, 0]
    g_hi = jnp.minimum(b_col[BN - 1, 0], NG - 1)

    def gloop(g, _):
        masked = jnp.where(bc == g, xm, FMIN)
        mx = jnp.max(masked, axis=0, keepdims=True)
        cur = max_out[pl.ds(g, 1), :]
        max_out[pl.ds(g, 1), :] = jnp.maximum(cur, mx)
        return _

    lax.fori_loop(g_lo, g_hi + 1, gloop, None)


def _pool_readout(h, s_col, keep_col, b_row, b_col):
    return pl.pallas_call(
        _pool_body,
        grid=(NB,),
        in_specs=[
            pl.BlockSpec((BN, D), lambda i: (i, 0)),
            pl.BlockSpec((BN, 1), lambda i: (i, 0)),
            pl.BlockSpec((BN, 1), lambda i: (i, 0)),
            pl.BlockSpec((1, BN), lambda i: (0, i)),
            pl.BlockSpec((BN, 1), lambda i: (i, 0)),
        ],
        out_specs=[
            pl.BlockSpec((BN, D), lambda i: (i, 0)),
            pl.BlockSpec((NG, D), lambda i: (0, 0)),
            pl.BlockSpec((NG, D), lambda i: (0, 0)),
            pl.BlockSpec((NG, 1), lambda i: (0, 0)),
        ],
        out_shape=[
            jax.ShapeDtypeStruct((N_PAD, D), jnp.float32),
            jax.ShapeDtypeStruct((NG, D), jnp.float32),
            jax.ShapeDtypeStruct((NG, D), jnp.float32),
            jax.ShapeDtypeStruct((NG, 1), jnp.float32),
        ],
    )(h, s_col, keep_col, b_row, b_col)


def _mlp_body(s1, m1, c1, s2, m2, c2, s3, m3, c3, w1, b1, w2, b2, w3, b3,
              out):
    def ro(sm, mx, cn):
        cnt = cn[...]
        mean = sm[...] / jnp.clip(cnt, 1.0, None)
        mxv = jnp.where(cnt > 0, mx[...], 0.0)
        return jnp.concatenate([mxv, mean], axis=1)

    z = ro(s1, m1, c1) + ro(s2, m2, c2) + ro(s3, m3, c3)
    z = jax.nn.relu(lax.dot_general(z, w1[...], (((1,), (1,)), ((), ())),
                                    preferred_element_type=jnp.float32)
                    + b1[...])
    z = jax.nn.relu(lax.dot_general(z, w2[...], (((1,), (1,)), ((), ())),
                                    preferred_element_type=jnp.float32)
                    + b2[...])
    z = jnp.sum(z * w3[...], axis=1, keepdims=True) + b3[0, 0]
    out[...] = 1.0 / (1.0 + jnp.exp(-z))


def _final_mlp(readouts, w1, b1, w2, b2, w3, b3):
    args = []
    for (sm, mx, cn) in readouts:
        args += [sm, mx, cn]
    args += [w1, b1.reshape(1, -1), w2, b2.reshape(1, -1),
             w3, b3.reshape(1, -1)]
    return pl.pallas_call(
        _mlp_body,
        out_shape=jax.ShapeDtypeStruct((NG, 1), jnp.float32),
    )(*args)


def kernel(x, edge_index, batch, emb, W_l1, W_r1, b1, p1, W_l2, W_r2, b2, p2,
           W_l3, W_r3, b3, p3, lin1_W, lin1_b, lin2_W, lin2_b,
           lin3_W, lin3_b):
    N = x.shape[0]
    E = edge_index.shape[1]

    idx = jnp.pad(x[:, 0].astype(jnp.int32), (0, N_PAD - N)).reshape(NW, 5, 64)
    srcf = jnp.pad(edge_index[0].astype(jnp.int32), (0, E_PAD - E),
                   constant_values=N).reshape(NW, E_PAD // NW)
    dstf = jnp.pad(edge_index[1].astype(jnp.int32), (0, E_PAD - E),
                   constant_values=N).reshape(NW, E_PAD // NW)
    src3 = srcf.reshape(NW, 80, 128)
    dst3 = dstf.reshape(NW, 80, 128)
    b_pad = jnp.pad(batch.astype(jnp.int32), (0, N_PAD - N),
                    constant_values=NG)
    b_col = b_pad.reshape(N_PAD, 1)
    b_row = b_pad.reshape(1, N_PAD)
    zeros = jnp.zeros((128, D), jnp.float32)
    ones32 = jnp.ones((NW, 1), jnp.float32)

    h = _emb_gather(emb, idx)
    nm = jnp.pad(jnp.ones((N,), jnp.float32), (0, N_PAD - N))

    params = [(W_l1, W_r1, b1, p1), (W_l2, W_r2, b2, p2), (W_l3, W_r3, b3, p3)]
    readouts = []
    for (wl, wr, bb, pp) in params:
        agg2 = _edge_agg(h, src3, dst3, zeros)
        dall = _deg_part(srcf, dstf, nm)
        nm_col = nm.reshape(N_PAD, 1)
        hd, s_col = _sage_dense(agg2[0], agg2[1], dall, ones32, h, nm_col,
                                wl, wr, bb.reshape(1, D), pp.reshape(D, 1))
        keep_col = _topk_keep(s_col, nm_col, b_col,
                              s_col.reshape(1, N_PAD),
                              nm.reshape(1, N_PAD), b_row)
        h, sm, mx, cn = _pool_readout(hd, s_col, keep_col, b_row, b_col)
        nm = keep_col[:, 0]
        readouts.append((sm, mx, cn))

    out = _final_mlp(readouts, lin1_W, lin1_b, lin2_W, lin2_b, lin3_W, lin3_b)
    return out[:, 0]

# --- scband reference (transcript-rebuilt; emitter-appended) ---
"""Pipeline reference for scband-geometric-net-53850299957816 (READ-ONLY COPY).

The authoritative reference and input builder live on the scoring server;
editing this copy changes nothing except your own understanding.
"""

import jax, jax.numpy as jnp
import numpy as np

NUM_GRAPHS = 512


def sage_conv(x, edge_index, node_mask, edge_mask, W_l, W_r, b):
    src = edge_index[0]
    dst = edge_index[1]
    N = x.shape[0]
    msg = x[src] * edge_mask[:, None]
    agg = jax.ops.segment_sum(msg, dst, num_segments=N)
    deg = jax.ops.segment_sum(edge_mask, dst, num_segments=N)
    agg = agg / jnp.clip(deg, 1.0)[:, None]
    out = agg @ W_l.T + x @ W_r.T + b
    return out * node_mask[:, None]


def topk_pool(x, edge_index, batch, node_mask, edge_mask, p, ratio):
    # TopKPooling with static shapes: dropped nodes/edges are zero-masked
    # (values on surviving nodes are identical to the dynamic-shape version).
    N = x.shape[0]
    score = (x @ p) / jnp.linalg.norm(p)
    neg = jnp.finfo(x.dtype).min
    score_rank = jnp.where(node_mask > 0, score, neg)
    alive = jax.ops.segment_sum(node_mask, batch, num_segments=NUM_GRAPHS)
    k = jnp.ceil(ratio * alive)
    counts_all = jnp.bincount(batch, length=NUM_GRAPHS)
    starts = jnp.concatenate([jnp.zeros((1,), dtype=counts_all.dtype), jnp.cumsum(counts_all)[:-1]])
    order = jnp.lexsort((-score_rank, batch))
    batch_sorted = batch[order]
    rank = jnp.arange(N) - starts[batch_sorted]
    keep_sorted = (rank < k[batch_sorted]).astype(x.dtype)
    keep = jnp.zeros((N,), dtype=x.dtype).at[order].set(keep_sorted)
    keep = keep * node_mask
    x_new = x * jnp.tanh(score)[:, None] * keep[:, None]
    src = edge_index[0]
    dst = edge_index[1]
    edge_mask_new = edge_mask * keep[src] * keep[dst]
    return x_new, keep, edge_mask_new


def readout(x, batch, node_mask):
    # cat([global_max_pool, global_mean_pool], dim=1) over alive nodes
    cnt = jax.ops.segment_sum(node_mask, batch, num_segments=NUM_GRAPHS)
    s = jax.ops.segment_sum(x * node_mask[:, None], batch, num_segments=NUM_GRAPHS)
    mean = s / jnp.clip(cnt, 1.0)[:, None]
    neg = jnp.finfo(x.dtype).min
    xm = jnp.where(node_mask[:, None] > 0, x, neg)
    mx = jax.ops.segment_max(xm, batch, num_segments=NUM_GRAPHS)
    mx = jnp.where(cnt[:, None] > 0, mx, 0.0)
    return jnp.concatenate([mx, mean], axis=1)


def setup_inputs(seed: int = 0):
    key = jax.random.key(seed)
    ks = jax.random.split(key, 20)
    N, E, V, D = 10000, 320000, 52739, 128
    x = jax.random.randint(ks[0], (N, 1), 0, V)
    edge_index = jax.random.randint(ks[1], (2, E), 0, N)
    batch = jnp.sort(jax.random.randint(ks[2], (N,), 0, NUM_GRAPHS))

    def nrm(k, shape, scale=0.05):
        return jax.random.normal(k, shape, dtype=jnp.float32) * scale

    return {
        'x': x, 'edge_index': edge_index, 'batch': batch,
        'emb': nrm(ks[3], (V, D)),
        'W_l1': nrm(ks[4], (128, 128)), 'W_r1': nrm(ks[5], (128, 128)), 'b1': jnp.zeros((128,), jnp.float32), 'p1': nrm(ks[6], (128,)),
        'W_l2': nrm(ks[7], (128, 128)), 'W_r2': nrm(ks[8], (128, 128)), 'b2': jnp.zeros((128,), jnp.float32), 'p2': nrm(ks[9], (128,)),
        'W_l3': nrm(ks[10], (128, 128)), 'W_r3': nrm(ks[11], (128, 128)), 'b3': jnp.zeros((128,), jnp.float32), 'p3': nrm(ks[12], (128,)),
        'lin1_W': nrm(ks[13], (128, 256)), 'lin1_b': jnp.zeros((128,), jnp.float32),
        'lin2_W': nrm(ks[14], (64, 128)), 'lin2_b': jnp.zeros((64,), jnp.float32),
        'lin3_W': nrm(ks[15], (1, 64)), 'lin3_b': jnp.zeros((1,), jnp.float32),
    }


def reference(x, edge_index, batch, emb, W_l1, W_r1, b1, p1, W_l2, W_r2, b2, p2, W_l3, W_r3, b3, p3, lin1_W, lin1_b, lin2_W, lin2_b, lin3_W, lin3_b):
    N = x.shape[0]
    nm = jnp.ones((N,), dtype=jnp.float32)
    em = jnp.ones((edge_index.shape[1],), dtype=jnp.float32)
    h = emb[x[:, 0]]
    h = jax.nn.relu(sage_conv(h, edge_index, nm, em, W_l1, W_r1, b1))
    h, nm, em = topk_pool(h, edge_index, batch, nm, em, p1, 0.8)
    x1 = readout(h, batch, nm)
    h = jax.nn.relu(sage_conv(h, edge_index, nm, em, W_l2, W_r2, b2))
    h, nm, em = topk_pool(h, edge_index, batch, nm, em, p2, 0.8)
    x2 = readout(h, batch, nm)
    h = jax.nn.relu(sage_conv(h, edge_index, nm, em, W_l3, W_r3, b3))
    h, nm, em = topk_pool(h, edge_index, batch, nm, em, p3, 0.8)
    x3 = readout(h, batch, nm)
    z = x1 + x2 + x3
    z = jax.nn.relu(z @ lin1_W.T + lin1_b)
    z = jax.nn.relu(z @ lin2_W.T + lin2_b)
    # dropout is identity in eval mode
    out = jax.nn.sigmoid(z @ lin3_W.T + lin3_b)[:, 0]
    return out

if __name__ == "__main__":
    import jax
    _d = setup_inputs()
    print(jax.jit(kernel)(*tuple(_d.values())))

</pallas_src>

<mosaic_0001>
#map = affine_map<(d0, d1) -> (0, 0)>
#map1 = affine_map<(d0, d1) -> (0, 0, 0)>
module attributes {stable_mosaic.version = 14 : i64} {
  func.func @edge_agg(%arg0: i32, %arg1: i32, %arg2: memref<10240x128xf32, #tpu.memory_space<hbm>>, %arg3: memref<32x80x128xi32, #tpu.memory_space<hbm>>, %arg4: memref<32x80x128xi32, #tpu.memory_space<hbm>>, %arg5: memref<128x128xf32, #tpu.memory_space<hbm>>, %arg6: memref<2x10240x128xf32, #tpu.memory_space<hbm>>, %arg7: memref<16x128xi32, #tpu.memory_space<vmem>>, %arg8: memref<16x128xi32, #tpu.memory_space<vmem>>, %arg9: memref<128x128xf32, #tpu.memory_space<vmem>>, %arg10: memref<128x128xf32, #tpu.memory_space<vmem>>, %arg11: memref<10240x128xf32, #tpu.memory_space<vmem_shared>>, %arg12: memref<!tpu.dma_semaphore, #tpu.memory_space<semaphore_mem>>, %arg13: memref<!tpu.dma_semaphore, #tpu.memory_space<semaphore_mem>>) attributes {dimension_semantics = [#tpu.dimension_semantics<core_parallel>, #tpu.dimension_semantics<subcore_parallel>], iteration_bounds = array<i64: 2, 16>, scalar_prefetch = 0 : i64, scratch_operands = 7 : i64, tpu.core_type = #tpu.core_type<sc_vector_subcore>, window_params = [{transform_indices = #map}, {transform_indices = #map1}, {transform_indices = #map1}, {transform_indices = #map}, {transform_indices = #map1}]} {
    %mul3A = arith.constant 2 : i32
    %mul3A_0 = arith.muli %arg1, %mul3A : i32
    %add3A = arith.addi %mul3A_0, %arg0 : i32
    "tpu.region"() ({
      %run_scoped3A = tpu.sem_alloc : memref<!tpu.dma_semaphore, #tpu.memory_space<semaphore_mem>>
      tpu.enqueue_dma source(%arg5 : memref<128x128xf32, #tpu.memory_space<hbm>>) target(%arg9 : memref<128x128xf32, #tpu.memory_space<vmem>>) target_semaphore(%run_scoped3A : memref<!tpu.dma_semaphore, #tpu.memory_space<semaphore_mem>>)
      tpu.wait_dma2 semaphore(%run_scoped3A : memref<!tpu.dma_semaphore, #tpu.memory_space<semaphore_mem>>) src(%arg5 : memref<128x128xf32, #tpu.memory_space<hbm>>) dst(%arg9 : memref<128x128xf32, #tpu.memory_space<vmem>>)
      tpu.yield
    }) : () -> ()
    %scan3A = arith.constant 0 : i32
    %scan3A_1 = arith.constant 5 : i32
    %scan3A_2 = arith.addi %scan3A, %scan3A_1 : i32
    %scan3A_3 = arith.constant 1 : i32
    scf.for %scan3A_16 = %scan3A to %scan3A_2 step %scan3A_3  : i32 {
      %mul3A_17 = arith.constant 640 : i32
      %mul3A_18 = arith.muli %arg1, %mul3A_17 : i32
      %mul3A_19 = arith.constant 128 : i32
      %mul3A_20 = arith.muli %scan3A_16, %mul3A_19 : i32
      %add3A_21 = arith.addi %mul3A_18, %mul3A_20 : i32
      "tpu.region"() ({
        %run_scoped3A = tpu.sem_alloc : memref<!tpu.dma_semaphore, #tpu.memory_space<semaphore_mem>>
        %dma_start3A = arith.constant 0 : i32
        %dma_start3A_22 = tpu.memref_slice %arg11[%add3A_21, %dma_start3A] : memref<10240x128xf32, #tpu.memory_space<vmem_shared>> -> memref<128x128xf32, #tpu.memory_space<vmem_shared>>
        %dma_start3A_23 = arith.constant 0 : i32
        %dma_start3A_24 = tpu.memref_slice %arg11[%add3A_21, %dma_start3A_23] : memref<10240x128xf32, #tpu.memory_space<vmem_shared>> -> memref<128x128xf32, #tpu.memory_space<vmem_shared>>
        tpu.enqueue_dma source(%arg9 : memref<128x128xf32, #tpu.memory_space<vmem>>) target(%dma_start3A_24 : memref<128x128xf32, #tpu.memory_space<vmem_shared>>) target_semaphore(%run_scoped3A : memref<!tpu.dma_semaphore, #tpu.memory_space<semaphore_mem>>)
        %dma_wait3A = arith.constant 0 : i32
        %dma_wait3A_25 = tpu.memref_slice %arg11[%add3A_21, %dma_wait3A] : memref<10240x128xf32, #tpu.memory_space<vmem_shared>> -> memref<128x128xf32, #tpu.memory_space<vmem_shared>>
        %dma_wait3A_26 = arith.constant 0 : i32
        %dma_wait3A_27 = tpu.memref_slice %arg11[%add3A_21, %dma_wait3A_26] : memref<10240x128xf32, #tpu.memory_space<vmem_shared>> -> memref<128x128xf32, #tpu.memory_space<vmem_shared>>
        tpu.wait_dma2 semaphore(%run_scoped3A : memref<!tpu.dma_semaphore, #tpu.memory_space<semaphore_mem>>) src(%arg9 : memref<128x128xf32, #tpu.memory_space<vmem>>) dst(%dma_wait3A_27 : memref<128x128xf32, #tpu.memory_space<vmem_shared>>)
        tpu.yield
      }) : () -> ()
    }
    %scan3A_4 = arith.constant 5 : i32
    %barrier3A = arith.constant 0 : index
    tpu.barrier barrier_id(%barrier3A)
    %scan3A_5 = arith.constant 0 : i32
    %scan3A_6 = arith.constant 5 : i32
    %scan3A_7 = arith.addi %scan3A_5, %scan3A_6 : i32
    %scan3A_8 = arith.constant 1 : i32
    scf.for %scan3A_16 = %scan3A_5 to %scan3A_7 step %scan3A_8  : i32 {
      %mul3A_17 = arith.constant 16 : i32
      %mul3A_18 = arith.muli %scan3A_16, %mul3A_17 : i32
      "tpu.region"() ({
        %run_scoped3A = tpu.sem_alloc : memref<!tpu.dma_semaphore, #tpu.memory_space<semaphore_mem>>
        %dma_start3A_37 = arith.constant 0 : i32
        %dma_start3A_38 = tpu.memref_slice %arg3[%add3A, %mul3A_18, %dma_start3A_37] : memref<32x80x128xi32, #tpu.memory_space<hbm>> -> memref<1x16x128xi32, #tpu.memory_space<hbm>>
        %dma_start3A_39 = tpu.memref_squeeze %dma_start3A_38 : memref<1x16x128xi32, #tpu.memory_space<hbm>> -> memref<16x128xi32, #tpu.memory_space<hbm>>
        %dma_start3A_40 = arith.constant 0 : i32
        %dma_start3A_41 = tpu.memref_slice %arg3[%add3A, %mul3A_18, %dma_start3A_40] : memref<32x80x128xi32, #tpu.memory_space<hbm>> -> memref<1x16x128xi32, #tpu.memory_space<hbm>>
        %dma_start3A_42 = tpu.memref_squeeze %dma_start3A_41 : memref<1x16x128xi32, #tpu.memory_space<hbm>> -> memref<16x128xi32, #tpu.memory_space<hbm>>
        tpu.enqueue_dma source(%dma_start3A_42 : memref<16x128xi32, #tpu.memory_space<hbm>>) target(%arg7 : memref<16x128xi32, #tpu.memory_space<vmem>>) target_semaphore(%run_scoped3A : memref<!tpu.dma_semaphore, #tpu.memory_space<semaphore_mem>>)
        %dma_wait3A_43 = arith.constant 0 : i32
        %dma_wait3A_44 = tpu.memref_slice %arg3[%add3A, %mul3A_18, %dma_wait3A_43] : memref<32x80x128xi32, #tpu.memory_space<hbm>> -> memref<1x16x128xi32, #tpu.memory_space<hbm>>
        %dma_wait3A_45 = tpu.memref_squeeze %dma_wait3A_44 : memref<1x16x128xi32, #tpu.memory_space<hbm>> -> memref<16x128xi32, #tpu.memory_space<hbm>>
        %dma_wait3A_46 = arith.constant 0 : i32
        %dma_wait3A_47 = tpu.memref_slice %arg3[%add3A, %mul3A_18, %dma_wait3A_46] : memref<32x80x128xi32, #tpu.memory_space<hbm>> -> memref<1x16x128xi32, #tpu.memory_space<hbm>>
        %dma_wait3A_48 = tpu.memref_squeeze %dma_wait3A_47 : memref<1x16x128xi32, #tpu.memory_space<hbm>> -> memref<16x128xi32, #tpu.memory_space<hbm>>
        tpu.wait_dma2 semaphore(%run_scoped3A : memref<!tpu.dma_semaphore, #tpu.memory_space<semaphore_mem>>) src(%dma_wait3A_48 : memref<16x128xi32, #tpu.memory_space<hbm>>) dst(%arg7 : memref<16x128xi32, #tpu.memory_space<vmem>>)
        tpu.yield
      }) : () -> ()
      %mul3A_19 = arith.constant 16 : i32
      %mul3A_20 = arith.muli %scan3A_16, %mul3A_19 : i32
      "tpu.region"() ({
        %run_scoped3A = tpu.sem_alloc : memref<!tpu.dma_semaphore, #tpu.memory_space<semaphore_mem>>
        %dma_start3A_37 = arith.constant 0 : i32
        %dma_start3A_38 = tpu.memref_slice %arg4[%add3A, %mul3A_20, %dma_start3A_37] : memref<32x80x128xi32, #tpu.memory_space<hbm>> -> memref<1x16x128xi32, #tpu.memory_space<hbm>>
        %dma_start3A_39 = tpu.memref_squeeze %dma_start3A_38 : memref<1x16x128xi32, #tpu.memory_space<hbm>> -> memref<16x128xi32, #tpu.memory_space<hbm>>
        %dma_start3A_40 = arith.constant 0 : i32
        %dma_start3A_41 = tpu.memref_slice %arg4[%add3A, %mul3A_20, %dma_start3A_40] : memref<32x80x128xi32, #tpu.memory_space<hbm>> -> memref<1x16x128xi32, #tpu.memory_space<hbm>>
        %dma_start3A_42 = tpu.memref_squeeze %dma_start3A_41 : memref<1x16x128xi32, #tpu.memory_space<hbm>> -> memref<16x128xi32, #tpu.memory_space<hbm>>
        tpu.enqueue_dma source(%dma_start3A_42 : memref<16x128xi32, #tpu.memory_space<hbm>>) target(%arg8 : memref<16x128xi32, #tpu.memory_space<vmem>>) target_semaphore(%run_scoped3A : memref<!tpu.dma_semaphore, #tpu.memory_space<semaphore_mem>>)
        %dma_wait3A_43 = arith.constant 0 : i32
        %dma_wait3A_44 = tpu.memref_slice %arg4[%add3A, %mul3A_20, %dma_wait3A_43] : memref<32x80x128xi32, #tpu.memory_space<hbm>> -> memref<1x16x128xi32, #tpu.memory_space<hbm>>
        %dma_wait3A_45 = tpu.memref_squeeze %dma_wait3A_44 : memref<1x16x128xi32, #tpu.memory_space<hbm>> -> memref<16x128xi32, #tpu.memory_space<hbm>>
        %dma_wait3A_46 = arith.constant 0 : i32
        %dma_wait3A_47 = tpu.memref_slice %arg4[%add3A, %mul3A_20, %dma_wait3A_46] : memref<32x80x128xi32, #tpu.memory_space<hbm>> -> memref<1x16x128xi32, #tpu.memory_space<hbm>>
        %dma_wait3A_48 = tpu.memref_squeeze %dma_wait3A_47 : memref<1x16x128xi32, #tpu.memory_space<hbm>> -> memref<16x128xi32, #tpu.memory_space<hbm>>
        tpu.wait_dma2 semaphore(%run_scoped3A : memref<!tpu.dma_semaphore, #tpu.memory_space<semaphore_mem>>) src(%dma_wait3A_48 : memref<16x128xi32, #tpu.memory_space<hbm>>) dst(%arg8 : memref<16x128xi32, #tpu.memory_space<vmem>>)
        tpu.yield
      }) : () -> ()
      %dma_start3A = arith.constant 0 : i32
      %dma_start3A_21 = arith.constant 0 : i32
      %dma_start3A_22 = tpu.memref_slice %arg7[%dma_start3A, %dma_start3A_21] : memref<16x128xi32, #tpu.memory_space<vmem>> -> memref<1x128xi32, #tpu.memory_space<vmem>>
      %dma_start3A_23 = tpu.memref_squeeze %dma_start3A_22 : memref<1x128xi32, #tpu.memory_space<vmem>> -> memref<128xi32, #tpu.memory_space<vmem>>
      %dma_start3A_24 = arith.constant 0 : i32
      %dma_start3A_25 = arith.constant 0 : i32
      %dma_start3A_26 = tpu.memref_slice %arg2[%dma_start3A_24, %dma_start3A_25] : memref<10240x128xf32, #tpu.memory_space<hbm>> -> memref<10240x128xf32, #tpu.memory_space<hbm>>
      tpu.enqueue_indirect_dma source(%dma_start3A_26 : memref<10240x128xf32, #tpu.memory_space<hbm>>) target(%arg9 : memref<128x128xf32, #tpu.memory_space<vmem>>) offsets(%dma_start3A_23 : memref<128xi32, #tpu.memory_space<vmem>>) semaphore(%arg12 : memref<!tpu.dma_semaphore, #tpu.memory_space<semaphore_mem>>)
      %scan3A_27 = arith.constant 0 : i32
      %scan3A_28 = arith.constant 8 : i32
      %scan3A_29 = arith.addi %scan3A_27, %scan3A_28 : i32
      %scan3A_30 = arith.constant 1 : i32
      scf.for %scan3A_37 = %scan3A_27 to %scan3A_29 step %scan3A_30  : i32 {
        %dma_wait3A_38 = arith.constant 0 : i32
        %dma_wait3A_39 = arith.constant 0 : i32
        %dma_wait3A_40 = tpu.memref_slice %arg2[%dma_wait3A_38, %dma_wait3A_39] : memref<10240x128xf32, #tpu.memory_space<hbm>> -> memref<128x128xf32, #tpu.memory_space<hbm>>
        %dma_wait3A_41 = arith.constant 0 : i32
        %dma_wait3A_42 = arith.constant 0 : i32
        %dma_wait3A_43 = tpu.memref_slice %arg2[%dma_wait3A_41, %dma_wait3A_42] : memref<10240x128xf32, #tpu.memory_space<hbm>> -> memref<128x128xf32, #tpu.memory_space<hbm>>
        tpu.wait_dma2 semaphore(%arg12 : memref<!tpu.dma_semaphore, #tpu.memory_space<semaphore_mem>>) src(%dma_wait3A_43 : memref<128x128xf32, #tpu.memory_space<hbm>>) dst(%arg9 : memref<128x128xf32, #tpu.memory_space<vmem>>)
        %mul3A_44 = arith.constant 2 : i32
        %mul3A_45 = arith.muli %mul3A_44, %scan3A_37 : i32
        %add3A_46 = arith.constant 1 : i32
        %add3A_47 = arith.addi %mul3A_45, %add3A_46 : i32
        %dma_start3A_48 = arith.constant 0 : i32
        %dma_start3A_49 = tpu.memref_slice %arg7[%add3A_47, %dma_start3A_48] : memref<16x128xi32, #tpu.memory_space<vmem>> -> memref<1x128xi32, #tpu.memory_space<vmem>>
        %dma_start3A_50 = tpu.memref_squeeze %dma_start3A_49 : memref<1x128xi32, #tpu.memory_space<vmem>> -> memref<128xi32, #tpu.memory_space<vmem>>
        %dma_start3A_51 = arith.constant 0 : i32
        %dma_start3A_52 = arith.constant 0 : i32
        %dma_start3A_53 = tpu.memref_slice %arg2[%dma_start3A_51, %dma_start3A_52] : memref<10240x128xf32, #tpu.memory_space<hbm>> -> memref<10240x128xf32, #tpu.memory_space<hbm>>
        tpu.enqueue_indirect_dma source(%dma_start3A_53 : memref<10240x128xf32, #tpu.memory_space<hbm>>) target(%arg10 : memref<128x128xf32, #tpu.memory_space<vmem>>) offsets(%dma_start3A_50 : memref<128xi32, #tpu.memory_space<vmem>>) semaphore(%arg13 : memref<!tpu.dma_semaphore, #tpu.memory_space<semaphore_mem>>)
        %mul3A_54 = arith.constant 2 : i32
        %mul3A_55 = arith.muli %mul3A_54, %scan3A_37 : i32
        "tpu.region"() ({
          %run_scoped3A = tpu.sem_alloc : memref<!tpu.dma_semaphore, #tpu.memory_space<semaphore_mem>>
          %dma_start3A_77 = arith.constant 0 : i32
          %dma_start3A_78 = tpu.memref_slice %arg8[%mul3A_55, %dma_start3A_77] : memref<16x128xi32, #tpu.memory_space<vmem>> -> memref<1x128xi32, #tpu.memory_space<vmem>>
          %dma_start3A_79 = tpu.memref_squeeze %dma_start3A_78 : memref<1x128xi32, #tpu.memory_space<vmem>> -> memref<128xi32, #tpu.memory_space<vmem>>
          %dma_start3A_80 = arith.constant 0 : i32
          %dma_start3A_81 = arith.constant 0 : i32
          %dma_start3A_82 = tpu.memref_slice %arg11[%dma_start3A_80, %dma_start3A_81] : memref<10240x128xf32, #tpu.memory_space<vmem_shared>> -> memref<10240x128xf32, #tpu.memory_space<vmem_shared>>
          tpu.enqueue_indirect_dma source(%arg9 : memref<128x128xf32, #tpu.memory_space<vmem>>) target(%dma_start3A_82 : memref<10240x128xf32, #tpu.memory_space<vmem_shared>>) offsets(%dma_start3A_79 : memref<128xi32, #tpu.memory_space<vmem>>) semaphore(%run_scoped3A : memref<!tpu.dma_semaphore, #tpu.memory_space<semaphore_mem>>) {add = true}
          %dma_wait3A_83 = arith.constant 0 : i32
          %dma_wait3A_84 = tpu.memref_slice %arg8[%mul3A_55, %dma_wait3A_83] : memref<16x128xi32, #tpu.memory_space<vmem>> -> memref<1x128xi32, #tpu.memory_space<vmem>>
          %dma_wait3A_85 = tpu.memref_squeeze %dma_wait3A_84 : memref<1x128xi32, #tpu.memory_space<vmem>> -> memref<128xi32, #tpu.memory_space<vmem>>
          %dma_wait3A_86 = arith.constant 0 : i32
          %dma_wait3A_87 = arith.constant 0 : i32
          %dma_wait3A_88 = tpu.memref_slice %arg11[%dma_wait3A_86, %dma_wait3A_87] : memref<10240x128xf32, #tpu.memory_space<vmem_shared>> -> memref<10240x128xf32, #tpu.memory_space<vmem_shared>>
          tpu.wait_indirect_dma semaphore(%run_scoped3A : memref<!tpu.dma_semaphore, #tpu.memory_space<semaphore_mem>>) src(%arg9 : memref<128x128xf32, #tpu.memory_space<vmem>>) dst(%dma_wait3A_88 : memref<10240x128xf32, #tpu.memory_space<vmem_shared>>)
          tpu.yield
        }) : () -> ()
        %dma_wait3A_56 = arith.constant 0 : i32
        %dma_wait3A_57 = arith.constant 0 : i32
        %dma_wait3A_58 = tpu.memref_slice %arg2[%dma_wait3A_56, %dma_wait3A_57] : memref<10240x128xf32, #tpu.memory_space<hbm>> -> memref<128x128xf32, #tpu.memory_space<hbm>>
        %dma_wait3A_59 = arith.constant 0 : i32
        %dma_wait3A_60 = arith.constant 0 : i32
        %dma_wait3A_61 = tpu.memref_slice %arg2[%dma_wait3A_59, %dma_wait3A_60] : memref<10240x128xf32, #tpu.memory_space<hbm>> -> memref<128x128xf32, #tpu.memory_space<hbm>>
        tpu.wait_dma2 semaphore(%arg13 : memref<!tpu.dma_semaphore, #tpu.memory_space<semaphore_mem>>) src(%dma_wait3A_61 : memref<128x128xf32, #tpu.memory_space<hbm>>) dst(%arg10 : memref<128x128xf32, #tpu.memory_space<vmem>>)
        %mul3A_62 = arith.constant 2 : i32
        %mul3A_63 = arith.muli %mul3A_62, %scan3A_37 : i32
        %add3A_64 = arith.constant 2 : i32
        %add3A_65 = arith.addi %mul3A_63, %add3A_64 : i32
        %min3A = arith.constant 15 : i32
        %min3A_66 = arith.minsi %add3A_65, %min3A : i32
        %dma_start3A_67 = arith.constant 0 : i32
        %dma_start3A_68 = tpu.memref_slice %arg7[%min3A_66, %dma_start3A_67] : memref<16x128xi32, #tpu.memory_space<vmem>> -> memref<1x128xi32, #tpu.memory_space<vmem>>
        %dma_start3A_69 = tpu.memref_squeeze %dma_start3A_68 : memref<1x128xi32, #tpu.memory_space<vmem>> -> memref<128xi32, #tpu.memory_space<vmem>>
        %dma_start3A_70 = arith.constant 0 : i32
        %dma_start3A_71 = arith.constant 0 : i32
        %dma_start3A_72 = tpu.memref_slice %arg2[%dma_start3A_70, %dma_start3A_71] : memref<10240x128xf32, #tpu.memory_space<hbm>> -> memref<10240x128xf32, #tpu.memory_space<hbm>>
        tpu.enqueue_indirect_dma source(%dma_start3A_72 : memref<10240x128xf32, #tpu.memory_space<hbm>>) target(%arg9 : memref<128x128xf32, #tpu.memory_space<vmem>>) offsets(%dma_start3A_69 : memref<128xi32, #tpu.memory_space<vmem>>) semaphore(%arg12 : memref<!tpu.dma_semaphore, #tpu.memory_space<semaphore_mem>>)
        %mul3A_73 = arith.constant 2 : i32
        %mul3A_74 = arith.muli %mul3A_73, %scan3A_37 : i32
        %add3A_75 = arith.constant 1 : i32
        %add3A_76 = arith.addi %mul3A_74, %add3A_75 : i32
        "tpu.region"() ({
          %run_scoped3A = tpu.sem_alloc : memref<!tpu.dma_semaphore, #tpu.memory_space<semaphore_mem>>
          %dma_start3A_77 = arith.constant 0 : i32
          %dma_start3A_78 = tpu.memref_slice %arg8[%add3A_76, %dma_start3A_77] : memref<16x128xi32, #tpu.memory_space<vmem>> -> memref<1x128xi32, #tpu.memory_space<vmem>>
          %dma_start3A_79 = tpu.memref_squeeze %dma_start3A_78 : memref<1x128xi32, #tpu.memory_space<vmem>> -> memref<128xi32, #tpu.memory_space<vmem>>
          %dma_start3A_80 = arith.constant 0 : i32
          %dma_start3A_81 = arith.constant 0 : i32
          %dma_start3A_82 = tpu.memref_slice %arg11[%dma_start3A_80, %dma_start3A_81] : memref<10240x128xf32, #tpu.memory_space<vmem_shared>> -> memref<10240x128xf32, #tpu.memory_space<vmem_shared>>
          tpu.enqueue_indirect_dma source(%arg10 : memref<128x128xf32, #tpu.memory_space<vmem>>) target(%dma_start3A_82 : memref<10240x128xf32, #tpu.memory_space<vmem_shared>>) offsets(%dma_start3A_79 : memref<128xi32, #tpu.memory_space<vmem>>) semaphore(%run_scoped3A : memref<!tpu.dma_semaphore, #tpu.memory_space<semaphore_mem>>) {add = true}
          %dma_wait3A_83 = arith.constant 0 : i32
          %dma_wait3A_84 = tpu.memref_slice %arg8[%add3A_76, %dma_wait3A_83] : memref<16x128xi32, #tpu.memory_space<vmem>> -> memref<1x128xi32, #tpu.memory_space<vmem>>
          %dma_wait3A_85 = tpu.memref_squeeze %dma_wait3A_84 : memref<1x128xi32, #tpu.memory_space<vmem>> -> memref<128xi32, #tpu.memory_space<vmem>>
          %dma_wait3A_86 = arith.constant 0 : i32
          %dma_wait3A_87 = arith.constant 0 : i32
          %dma_wait3A_88 = tpu.memref_slice %arg11[%dma_wait3A_86, %dma_wait3A_87] : memref<10240x128xf32, #tpu.memory_space<vmem_shared>> -> memref<10240x128xf32, #tpu.memory_space<vmem_shared>>
          tpu.wait_indirect_dma semaphore(%run_scoped3A : memref<!tpu.dma_semaphore, #tpu.memory_space<semaphore_mem>>) src(%arg10 : memref<128x128xf32, #tpu.memory_space<vmem>>) dst(%dma_wait3A_88 : memref<10240x128xf32, #tpu.memory_space<vmem_shared>>)
          tpu.yield
        }) : () -> ()
      }
      %scan3A_31 = arith.constant 8 : i32
      %dma_wait3A = arith.constant 0 : i32
      %dma_wait3A_32 = arith.constant 0 : i32
      %dma_wait3A_33 = tpu.memref_slice %arg2[%dma_wait3A, %dma_wait3A_32] : memref<10240x128xf32, #tpu.memory_space<hbm>> -> memref<128x128xf32, #tpu.memory_space<hbm>>
      %dma_wait3A_34 = arith.constant 0 : i32
      %dma_wait3A_35 = arith.constant 0 : i32
      %dma_wait3A_36 = tpu.memref_slice %arg2[%dma_wait3A_34, %dma_wait3A_35] : memref<10240x128xf32, #tpu.memory_space<hbm>> -> memref<128x128xf32, #tpu.memory_space<hbm>>
      tpu.wait_dma2 semaphore(%arg12 : memref<!tpu.dma_semaphore, #tpu.memory_space<semaphore_mem>>) src(%dma_wait3A_36 : memref<128x128xf32, #tpu.memory_space<hbm>>) dst(%arg9 : memref<128x128xf32, #tpu.memory_space<vmem>>)
    }
    %scan3A_9 = arith.constant 5 : i32
    %barrier3A_10 = arith.constant 0 : index
    tpu.barrier barrier_id(%barrier3A_10)
    %scan3A_11 = arith.constant 0 : i32
    %scan3A_12 = arith.constant 5 : i32
    %scan3A_13 = arith.addi %scan3A_11, %scan3A_12 : i32
    %scan3A_14 = arith.constant 1 : i32
    scf.for %scan3A_16 = %scan3A_11 to %scan3A_13 step %scan3A_14  : i32 {
      %mul3A_17 = arith.constant 640 : i32
      %mul3A_18 = arith.muli %arg1, %mul3A_17 : i32
      %mul3A_19 = arith.constant 128 : i32
      %mul3A_20 = arith.muli %scan3A_16, %mul3A_19 : i32
      %add3A_21 = arith.addi %mul3A_18, %mul3A_20 : i32
      "tpu.region"() ({
        %run_scoped3A = tpu.sem_alloc : memref<!tpu.dma_semaphore, #tpu.memory_space<semaphore_mem>>
        %dma_start3A = arith.constant 0 : i32
        %dma_start3A_27 = tpu.memref_slice %arg11[%add3A_21, %dma_start3A] : memref<10240x128xf32, #tpu.memory_space<vmem_shared>> -> memref<128x128xf32, #tpu.memory_space<vmem_shared>>
        %dma_start3A_28 = arith.constant 0 : i32
        %dma_start3A_29 = tpu.memref_slice %arg11[%add3A_21, %dma_start3A_28] : memref<10240x128xf32, #tpu.memory_space<vmem_shared>> -> memref<128x128xf32, #tpu.memory_space<vmem_shared>>
        tpu.enqueue_dma source(%dma_start3A_29 : memref<128x128xf32, #tpu.memory_space<vmem_shared>>) target(%arg9 : memref<128x128xf32, #tpu.memory_space<vmem>>) target_semaphore(%run_scoped3A : memref<!tpu.dma_semaphore, #tpu.memory_space<semaphore_mem>>)
        %dma_wait3A = arith.constant 0 : i32
        %dma_wait3A_30 = tpu.memref_slice %arg11[%add3A_21, %dma_wait3A] : memref<10240x128xf32, #tpu.memory_space<vmem_shared>> -> memref<128x128xf32, #tpu.memory_space<vmem_shared>>
        %dma_wait3A_31 = arith.constant 0 : i32
        %dma_wait3A_32 = tpu.memref_slice %arg11[%add3A_21, %dma_wait3A_31] : memref<10240x128xf32, #tpu.memory_space<vmem_shared>> -> memref<128x128xf32, #tpu.memory_space<vmem_shared>>
        tpu.wait_dma2 semaphore(%run_scoped3A : memref<!tpu.dma_semaphore, #tpu.memory_space<semaphore_mem>>) src(%dma_wait3A_32 : memref<128x128xf32, #tpu.memory_space<vmem_shared>>) dst(%arg9 : memref<128x128xf32, #tpu.memory_space<vmem>>)
        tpu.yield
      }) : () -> ()
      %mul3A_22 = arith.constant 640 : i32
      %mul3A_23 = arith.muli %arg1, %mul3A_22 : i32
      %mul3A_24 = arith.constant 128 : i32
      %mul3A_25 = arith.muli %scan3A_16, %mul3A_24 : i32
      %add3A_26 = arith.addi %mul3A_23, %mul3A_25 : i32
      "tpu.region"() ({
        %run_scoped3A = tpu.sem_alloc : memref<!tpu.dma_semaphore, #tpu.memory_space<semaphore_mem>>
        %dma_start3A = arith.constant 0 : i32
        %dma_start3A_27 = tpu.memref_slice %arg6[%arg0, %add3A_26, %dma_start3A] : memref<2x10240x128xf32, #tpu.memory_space<hbm>> -> memref<1x128x128xf32, #tpu.memory_space<hbm>>
        %dma_start3A_28 = tpu.memref_squeeze %dma_start3A_27 : memref<1x128x128xf32, #tpu.memory_space<hbm>> -> memref<128x128xf32, #tpu.memory_space<hbm>>
        %dma_start3A_29 = arith.constant 0 : i32
        %dma_start3A_30 = tpu.memref_slice %arg6[%arg0, %add3A_26, %dma_start3A_29] : memref<2x10240x128xf32, #tpu.memory_space<hbm>> -> memref<1x128x128xf32, #tpu.memory_space<hbm>>
        %dma_start3A_31 = tpu.memref_squeeze %dma_start3A_30 : memref<1x128x128xf32, #tpu.memory_space<hbm>> -> memref<128x128xf32, #tpu.memory_space<hbm>>
        tpu.enqueue_dma source(%arg9 : memref<128x128xf32, #tpu.memory_space<vmem>>) target(%dma_start3A_31 : memref<128x128xf32, #tpu.memory_space<hbm>>) target_semaphore(%run_scoped3A : memref<!tpu.dma_semaphore, #tpu.memory_space<semaphore_mem>>)
        %dma_wait3A = arith.constant 0 : i32
        %dma_wait3A_32 = tpu.memref_slice %arg6[%arg0, %add3A_26, %dma_wait3A] : memref<2x10240x128xf32, #tpu.memory_space<hbm>> -> memref<1x128x128xf32, #tpu.memory_space<hbm>>
        %dma_wait3A_33 = tpu.memref_squeeze %dma_wait3A_32 : memref<1x128x128xf32, #tpu.memory_space<hbm>> -> memref<128x128xf32, #tpu.memory_space<hbm>>
        %dma_wait3A_34 = arith.constant 0 : i32
        %dma_wait3A_35 = tpu.memref_slice %arg6[%arg0, %add3A_26, %dma_wait3A_34] : memref<2x10240x128xf32, #tpu.memory_space<hbm>> -> memref<1x128x128xf32, #tpu.memory_space<hbm>>
        %dma_wait3A_36 = tpu.memref_squeeze %dma_wait3A_35 : memref<1x128x128xf32, #tpu.memory_space<hbm>> -> memref<128x128xf32, #tpu.memory_space<hbm>>
        tpu.wait_dma2 semaphore(%run_scoped3A : memref<!tpu.dma_semaphore, #tpu.memory_space<semaphore_mem>>) src(%arg9 : memref<128x128xf32, #tpu.memory_space<vmem>>) dst(%dma_wait3A_36 : memref<128x128xf32, #tpu.memory_space<hbm>>)
        tpu.yield
      }) : () -> ()
    }
    %scan3A_15 = arith.constant 5 : i32
    return
  }
}

#map = affine_map<(d0, d1) -> (0, 0)>
#map1 = affine_map<(d0, d1) -> (0, 0, 0)>
module attributes {stable_mosaic.version = 14 : i64} {
  func.func @edge_agg(%arg0: i32, %arg1: i32, %arg2: memref<10240x128xf32, #tpu.memory_space<hbm>>, %arg3: memref<32x80x128xi32, #tpu.memory_space<hbm>>, %arg4: memref<32x80x128xi32, #tpu.memory_space<hbm>>, %arg5: memref<128x128xf32, #tpu.memory_space<hbm>>, %arg6: memref<2x10240x128xf32, #tpu.memory_space<hbm>>, %arg7: memref<16x128xi32, #tpu.memory_space<vmem>>, %arg8: memref<16x128xi32, #tpu.memory_space<vmem>>, %arg9: memref<128x128xf32, #tpu.memory_space<vmem>>, %arg10: memref<128x128xf32, #tpu.memory_space<vmem>>, %arg11: memref<10240x128xf32, #tpu.memory_space<vmem_shared>>, %arg12: memref<!tpu.dma_semaphore, #tpu.memory_space<semaphore_mem>>, %arg13: memref<!tpu.dma_semaphore, #tpu.memory_space<semaphore_mem>>) attributes {dimension_semantics = [#tpu.dimension_semantics<core_parallel>, #tpu.dimension_semantics<subcore_parallel>], iteration_bounds = array<i64: 2, 16>, scalar_prefetch = 0 : i64, scratch_operands = 7 : i64, tpu.core_type = #tpu.core_type<sc_vector_subcore>, window_params = [{transform_indices = #map}, {transform_indices = #map1}, {transform_indices = #map1}, {transform_indices = #map}, {transform_indices = #map1}]} {
    %mul3A = arith.constant 2 : i32
    %mul3A_0 = arith.muli %arg1, %mul3A : i32
    %add3A = arith.addi %mul3A_0, %arg0 : i32
    "tpu.region"() ({
      %run_scoped3A = tpu.sem_alloc : memref<!tpu.dma_semaphore, #tpu.memory_space<semaphore_mem>>
      tpu.enqueue_dma source(%arg5 : memref<128x128xf32, #tpu.memory_space<hbm>>) target(%arg9 : memref<128x128xf32, #tpu.memory_space<vmem>>) target_semaphore(%run_scoped3A : memref<!tpu.dma_semaphore, #tpu.memory_space<semaphore_mem>>)
      tpu.wait_dma2 semaphore(%run_scoped3A : memref<!tpu.dma_semaphore, #tpu.memory_space<semaphore_mem>>) src(%arg5 : memref<128x128xf32, #tpu.memory_space<hbm>>) dst(%arg9 : memref<128x128xf32, #tpu.memory_space<vmem>>)
      tpu.yield
    }) : () -> ()
    %scan3A = arith.constant 0 : i32
    %scan3A_1 = arith.constant 5 : i32
    %scan3A_2 = arith.addi %scan3A, %scan3A_1 : i32
    %scan3A_3 = arith.constant 1 : i32
    scf.for %scan3A_16 = %scan3A to %scan3A_2 step %scan3A_3  : i32 {
      %mul3A_17 = arith.constant 640 : i32
      %mul3A_18 = arith.muli %arg1, %mul3A_17 : i32
      %mul3A_19 = arith.constant 128 : i32
      %mul3A_20 = arith.muli %scan3A_16, %mul3A_19 : i32
      %add3A_21 = arith.addi %mul3A_18, %mul3A_20 : i32
      "tpu.region"() ({
        %run_scoped3A = tpu.sem_alloc : memref<!tpu.dma_semaphore, #tpu.memory_space<semaphore_mem>>
        %dma_start3A = arith.constant 0 : i32
        %dma_start3A_22 = tpu.memref_slice %arg11[%add3A_21, %dma_start3A] : memref<10240x128xf32, #tpu.memory_space<vmem_shared>> -> memref<128x128xf32, #tpu.memory_space<vmem_shared>>
        %dma_start3A_23 = arith.constant 0 : i32
        %dma_start3A_24 = tpu.memref_slice %arg11[%add3A_21, %dma_start3A_23] : memref<10240x128xf32, #tpu.memory_space<vmem_shared>> -> memref<128x128xf32, #tpu.memory_space<vmem_shared>>
        tpu.enqueue_dma source(%arg9 : memref<128x128xf32, #tpu.memory_space<vmem>>) target(%dma_start3A_24 : memref<128x128xf32, #tpu.memory_space<vmem_shared>>) target_semaphore(%run_scoped3A : memref<!tpu.dma_semaphore, #tpu.memory_space<semaphore_mem>>)
        %dma_wait3A = arith.constant 0 : i32
        %dma_wait3A_25 = tpu.memref_slice %arg11[%add3A_21, %dma_wait3A] : memref<10240x128xf32, #tpu.memory_space<vmem_shared>> -> memref<128x128xf32, #tpu.memory_space<vmem_shared>>
        %dma_wait3A_26 = arith.constant 0 : i32
        %dma_wait3A_27 = tpu.memref_slice %arg11[%add3A_21, %dma_wait3A_26] : memref<10240x128xf32, #tpu.memory_space<vmem_shared>> -> memref<128x128xf32, #tpu.memory_space<vmem_shared>>
        tpu.wait_dma2 semaphore(%run_scoped3A : memref<!tpu.dma_semaphore, #tpu.memory_space<semaphore_mem>>) src(%arg9 : memref<128x128xf32, #tpu.memory_space<vmem>>) dst(%dma_wait3A_27 : memref<128x128xf32, #tpu.memory_space<vmem_shared>>)
        tpu.yield
      }) : () -> ()
    }
    %scan3A_4 = arith.constant 5 : i32
    %barrier3A = arith.constant 0 : index
    tpu.barrier barrier_id(%barrier3A)
    %scan3A_5 = arith.constant 0 : i32
    %scan3A_6 = arith.constant 5 : i32
    %scan3A_7 = arith.addi %scan3A_5, %scan3A_6 : i32
    %scan3A_8 = arith.constant 1 : i32
    scf.for %scan3A_16 = %scan3A_5 to %scan3A_7 step %scan3A_8  : i32 {
      %mul3A_17 = arith.constant 16 : i32
      %mul3A_18 = arith.muli %scan3A_16, %mul3A_17 : i32
      "tpu.region"() ({
        %run_scoped3A = tpu.sem_alloc : memref<!tpu.dma_semaphore, #tpu.memory_space<semaphore_mem>>
        %dma_start3A_37 = arith.constant 0 : i32
        %dma_start3A_38 = tpu.memref_slice %arg3[%add3A, %mul3A_18, %dma_start3A_37] : memref<32x80x128xi32, #tpu.memory_space<hbm>> -> memref<1x16x128xi32, #tpu.memory_space<hbm>>
        %dma_start3A_39 = tpu.memref_squeeze %dma_start3A_38 : memref<1x16x128xi32, #tpu.memory_space<hbm>> -> memref<16x128xi32, #tpu.memory_space<hbm>>
        %dma_start3A_40 = arith.constant 0 : i32
        %dma_start3A_41 = tpu.memref_slice %arg3[%add3A, %mul3A_18, %dma_start3A_40] : memref<32x80x128xi32, #tpu.memory_space<hbm>> -> memref<1x16x128xi32, #tpu.memory_space<hbm>>
        %dma_start3A_42 = tpu.memref_squeeze %dma_start3A_41 : memref<1x16x128xi32, #tpu.memory_space<hbm>> -> memref<16x128xi32, #tpu.memory_space<hbm>>
        tpu.enqueue_dma source(%dma_start3A_42 : memref<16x128xi32, #tpu.memory_space<hbm>>) target(%arg7 : memref<16x128xi32, #tpu.memory_space<vmem>>) target_semaphore(%run_scoped3A : memref<!tpu.dma_semaphore, #tpu.memory_space<semaphore_mem>>)
        %dma_wait3A_43 = arith.constant 0 : i32
        %dma_wait3A_44 = tpu.memref_slice %arg3[%add3A, %mul3A_18, %dma_wait3A_43] : memref<32x80x128xi32, #tpu.memory_space<hbm>> -> memref<1x16x128xi32, #tpu.memory_space<hbm>>
        %dma_wait3A_45 = tpu.memref_squeeze %dma_wait3A_44 : memref<1x16x128xi32, #tpu.memory_space<hbm>> -> memref<16x128xi32, #tpu.memory_space<hbm>>
        %dma_wait3A_46 = arith.constant 0 : i32
        %dma_wait3A_47 = tpu.memref_slice %arg3[%add3A, %mul3A_18, %dma_wait3A_46] : memref<32x80x128xi32, #tpu.memory_space<hbm>> -> memref<1x16x128xi32, #tpu.memory_space<hbm>>
        %dma_wait3A_48 = tpu.memref_squeeze %dma_wait3A_47 : memref<1x16x128xi32, #tpu.memory_space<hbm>> -> memref<16x128xi32, #tpu.memory_space<hbm>>
        tpu.wait_dma2 semaphore(%run_scoped3A : memref<!tpu.dma_semaphore, #tpu.memory_space<semaphore_mem>>) src(%dma_wait3A_48 : memref<16x128xi32, #tpu.memory_space<hbm>>) dst(%arg7 : memref<16x128xi32, #tpu.memory_space<vmem>>)
        tpu.yield
      }) : () -> ()
      %mul3A_19 = arith.constant 16 : i32
      %mul3A_20 = arith.muli %scan3A_16, %mul3A_19 : i32
      "tpu.region"() ({
        %run_scoped3A = tpu.sem_alloc : memref<!tpu.dma_semaphore, #tpu.memory_space<semaphore_mem>>
        %dma_start3A_37 = arith.constant 0 : i32
        %dma_start3A_38 = tpu.memref_slice %arg4[%add3A, %mul3A_20, %dma_start3A_37] : memref<32x80x128xi32, #tpu.memory_space<hbm>> -> memref<1x16x128xi32, #tpu.memory_space<hbm>>
        %dma_start3A_39 = tpu.memref_squeeze %dma_start3A_38 : memref<1x16x128xi32, #tpu.memory_space<hbm>> -> memref<16x128xi32, #tpu.memory_space<hbm>>
        %dma_start3A_40 = arith.constant 0 : i32
        %dma_start3A_41 = tpu.memref_slice %arg4[%add3A, %mul3A_20, %dma_start3A_40] : memref<32x80x128xi32, #tpu.memory_space<hbm>> -> memref<1x16x128xi32, #tpu.memory_space<hbm>>
        %dma_start3A_42 = tpu.memref_squeeze %dma_start3A_41 : memref<1x16x128xi32, #tpu.memory_space<hbm>> -> memref<16x128xi32, #tpu.memory_space<hbm>>
        tpu.enqueue_dma source(%dma_start3A_42 : memref<16x128xi32, #tpu.memory_space<hbm>>) target(%arg8 : memref<16x128xi32, #tpu.memory_space<vmem>>) target_semaphore(%run_scoped3A : memref<!tpu.dma_semaphore, #tpu.memory_space<semaphore_mem>>)
        %dma_wait3A_43 = arith.constant 0 : i32
        %dma_wait3A_44 = tpu.memref_slice %arg4[%add3A, %mul3A_20, %dma_wait3A_43] : memref<32x80x128xi32, #tpu.memory_space<hbm>> -> memref<1x16x128xi32, #tpu.memory_space<hbm>>
        %dma_wait3A_45 = tpu.memref_squeeze %dma_wait3A_44 : memref<1x16x128xi32, #tpu.memory_space<hbm>> -> memref<16x128xi32, #tpu.memory_space<hbm>>
        %dma_wait3A_46 = arith.constant 0 : i32
        %dma_wait3A_47 = tpu.memref_slice %arg4[%add3A, %mul3A_20, %dma_wait3A_46] : memref<32x80x128xi32, #tpu.memory_space<hbm>> -> memref<1x16x128xi32, #tpu.memory_space<hbm>>
        %dma_wait3A_48 = tpu.memref_squeeze %dma_wait3A_47 : memref<1x16x128xi32, #tpu.memory_space<hbm>> -> memref<16x128xi32, #tpu.memory_space<hbm>>
        tpu.wait_dma2 semaphore(%run_scoped3A : memref<!tpu.dma_semaphore, #tpu.memory_space<semaphore_mem>>) src(%dma_wait3A_48 : memref<16x128xi32, #tpu.memory_space<hbm>>) dst(%arg8 : memref<16x128xi32, #tpu.memory_space<vmem>>)
        tpu.yield
      }) : () -> ()
      %dma_start3A = arith.constant 0 : i32
      %dma_start3A_21 = arith.constant 0 : i32
      %dma_start3A_22 = tpu.memref_slice %arg7[%dma_start3A, %dma_start3A_21] : memref<16x128xi32, #tpu.memory_space<vmem>> -> memref<1x128xi32, #tpu.memory_space<vmem>>
      %dma_start3A_23 = tpu.memref_squeeze %dma_start3A_22 : memref<1x128xi32, #tpu.memory_space<vmem>> -> memref<128xi32, #tpu.memory_space<vmem>>
      %dma_start3A_24 = arith.constant 0 : i32
      %dma_start3A_25 = arith.constant 0 : i32
      %dma_start3A_26 = tpu.memref_slice %arg2[%dma_start3A_24, %dma_start3A_25] : memref<10240x128xf32, #tpu.memory_space<hbm>> -> memref<10240x128xf32, #tpu.memory_space<hbm>>
      tpu.enqueue_indirect_dma source(%dma_start3A_26 : memref<10240x128xf32, #tpu.memory_space<hbm>>) target(%arg9 : memref<128x128xf32, #tpu.memory_space<vmem>>) offsets(%dma_start3A_23 : memref<128xi32, #tpu.memory_space<vmem>>) semaphore(%arg12 : memref<!tpu.dma_semaphore, #tpu.memory_space<semaphore_mem>>)
      %scan3A_27 = arith.constant 0 : i32
      %scan3A_28 = arith.constant 8 : i32
      %scan3A_29 = arith.addi %scan3A_27, %scan3A_28 : i32
      %scan3A_30 = arith.constant 1 : i32
      scf.for %scan3A_37 = %scan3A_27 to %scan3A_29 step %scan3A_30  : i32 {
        %dma_wait3A_38 = arith.constant 0 : i32
        %dma_wait3A_39 = arith.constant 0 : i32
        %dma_wait3A_40 = tpu.memref_slice %arg2[%dma_wait3A_38, %dma_wait3A_39] : memref<10240x128xf32, #tpu.memory_space<hbm>> -> memref<128x128xf32, #tpu.memory_space<hbm>>
        %dma_wait3A_41 = arith.constant 0 : i32
        %dma_wait3A_42 = arith.constant 0 : i32
        %dma_wait3A_43 = tpu.memref_slice %arg2[%dma_wait3A_41, %dma_wait3A_42] : memref<10240x128xf32, #tpu.memory_space<hbm>> -> memref<128x128xf32, #tpu.memory_space<hbm>>
        tpu.wait_dma2 semaphore(%arg12 : memref<!tpu.dma_semaphore, #tpu.memory_space<semaphore_mem>>) src(%dma_wait3A_43 : memref<128x128xf32, #tpu.memory_space<hbm>>) dst(%arg9 : memref<128x128xf32, #tpu.memory_space<vmem>>)
        %mul3A_44 = arith.constant 2 : i32
        %mul3A_45 = arith.muli %mul3A_44, %scan3A_37 : i32
        %add3A_46 = arith.constant 1 : i32
        %add3A_47 = arith.addi %mul3A_45, %add3A_46 : i32
        %dma_start3A_48 = arith.constant 0 : i32
        %dma_start3A_49 = tpu.memref_slice %arg7[%add3A_47, %dma_start3A_48] : memref<16x128xi32, #tpu.memory_space<vmem>> -> memref<1x128xi32, #tpu.memory_space<vmem>>
        %dma_start3A_50 = tpu.memref_squeeze %dma_start3A_49 : memref<1x128xi32, #tpu.memory_space<vmem>> -> memref<128xi32, #tpu.memory_space<vmem>>
        %dma_start3A_51 = arith.constant 0 : i32
        %dma_start3A_52 = arith.constant 0 : i32
        %dma_start3A_53 = tpu.memref_slice %arg2[%dma_start3A_51, %dma_start3A_52] : memref<10240x128xf32, #tpu.memory_space<hbm>> -> memref<10240x128xf32, #tpu.memory_space<hbm>>
        tpu.enqueue_indirect_dma source(%dma_start3A_53 : memref<10240x128xf32, #tpu.memory_space<hbm>>) target(%arg10 : memref<128x128xf32, #tpu.memory_space<vmem>>) offsets(%dma_start3A_50 : memref<128xi32, #tpu.memory_space<vmem>>) semaphore(%arg13 : memref<!tpu.dma_semaphore, #tpu.memory_space<semaphore_mem>>)
        %mul3A_54 = arith.constant 2 : i32
        %mul3A_55 = arith.muli %mul3A_54, %scan3A_37 : i32
        "tpu.region"() ({
          %run_scoped3A = tpu.sem_alloc : memref<!tpu.dma_semaphore, #tpu.memory_space<semaphore_mem>>
          %dma_start3A_77 = arith.constant 0 : i32
          %dma_start3A_78 = tpu.memref_slice %arg8[%mul3A_55, %dma_start3A_77] : memref<16x128xi32, #tpu.memory_space<vmem>> -> memref<1x128xi32, #tpu.memory_space<vmem>>
          %dma_start3A_79 = tpu.memref_squeeze %dma_start3A_78 : memref<1x128xi32, #tpu.memory_space<vmem>> -> memref<128xi32, #tpu.memory_space<vmem>>
          %dma_start3A_80 = arith.constant 0 : i32
          %dma_start3A_81 = arith.constant 0 : i32
          %dma_start3A_82 = tpu.memref_slice %arg11[%dma_start3A_80, %dma_start3A_81] : memref<10240x128xf32, #tpu.memory_space<vmem_shared>> -> memref<10240x128xf32, #tpu.memory_space<vmem_shared>>
          tpu.enqueue_indirect_dma source(%arg9 : memref<128x128xf32, #tpu.memory_space<vmem>>) target(%dma_start3A_82 : memref<10240x128xf32, #tpu.memory_space<vmem_shared>>) offsets(%dma_start3A_79 : memref<128xi32, #tpu.memory_space<vmem>>) semaphore(%run_scoped3A : memref<!tpu.dma_semaphore, #tpu.memory_space<semaphore_mem>>) {add = true}
          %dma_wait3A_83 = arith.constant 0 : i32
          %dma_wait3A_84 = tpu.memref_slice %arg8[%mul3A_55, %dma_wait3A_83] : memref<16x128xi32, #tpu.memory_space<vmem>> -> memref<1x128xi32, #tpu.memory_space<vmem>>
          %dma_wait3A_85 = tpu.memref_squeeze %dma_wait3A_84 : memref<1x128xi32, #tpu.memory_space<vmem>> -> memref<128xi32, #tpu.memory_space<vmem>>
          %dma_wait3A_86 = arith.constant 0 : i32
          %dma_wait3A_87 = arith.constant 0 : i32
          %dma_wait3A_88 = tpu.memref_slice %arg11[%dma_wait3A_86, %dma_wait3A_87] : memref<10240x128xf32, #tpu.memory_space<vmem_shared>> -> memref<10240x128xf32, #tpu.memory_space<vmem_shared>>
          tpu.wait_indirect_dma semaphore(%run_scoped3A : memref<!tpu.dma_semaphore, #tpu.memory_space<semaphore_mem>>) src(%arg9 : memref<128x128xf32, #tpu.memory_space<vmem>>) dst(%dma_wait3A_88 : memref<10240x128xf32, #tpu.memory_space<vmem_shared>>)
          tpu.yield
        }) : () -> ()
        %dma_wait3A_56 = arith.constant 0 : i32
        %dma_wait3A_57 = arith.constant 0 : i32
        %dma_wait3A_58 = tpu.memref_slice %arg2[%dma_wait3A_56, %dma_wait3A_57] : memref<10240x128xf32, #tpu.memory_space<hbm>> -> memref<128x128xf32, #tpu.memory_space<hbm>>
        %dma_wait3A_59 = arith.constant 0 : i32
        %dma_wait3A_60 = arith.constant 0 : i32
        %dma_wait3A_61 = tpu.memref_slice %arg2[%dma_wait3A_59, %dma_wait3A_60] : memref<10240x128xf32, #tpu.memory_space<hbm>> -> memref<128x128xf32, #tpu.memory_space<hbm>>
        tpu.wait_dma2 semaphore(%arg13 : memref<!tpu.dma_semaphore, #tpu.memory_space<semaphore_mem>>) src(%dma_wait3A_61 : memref<128x128xf32, #tpu.memory_space<hbm>>) dst(%arg10 : memref<128x128xf32, #tpu.memory_space<vmem>>)
        %mul3A_62 = arith.constant 2 : i32
        %mul3A_63 = arith.muli %mul3A_62, %scan3A_37 : i32
        %add3A_64 = arith.constant 2 : i32
        %add3A_65 = arith.addi %mul3A_63, %add3A_64 : i32
        %min3A = arith.constant 15 : i32
        %min3A_66 = arith.minsi %add3A_65, %min3A : i32
        %dma_start3A_67 = arith.constant 0 : i32
        %dma_start3A_68 = tpu.memref_slice %arg7[%min3A_66, %dma_start3A_67] : memref<16x128xi32, #tpu.memory_space<vmem>> -> memref<1x128xi32, #tpu.memory_space<vmem>>
        %dma_start3A_69 = tpu.memref_squeeze %dma_start3A_68 : memref<1x128xi32, #tpu.memory_space<vmem>> -> memref<128xi32, #tpu.memory_space<vmem>>
        %dma_start3A_70 = arith.constant 0 : i32
        %dma_start3A_71 = arith.constant 0 : i32
        %dma_start3A_72 = tpu.memref_slice %arg2[%dma_start3A_70, %dma_start3A_71] : memref<10240x128xf32, #tpu.memory_space<hbm>> -> memref<10240x128xf32, #tpu.memory_space<hbm>>
        tpu.enqueue_indirect_dma source(%dma_start3A_72 : memref<10240x128xf32, #tpu.memory_space<hbm>>) target(%arg9 : memref<128x128xf32, #tpu.memory_space<vmem>>) offsets(%dma_start3A_69 : memref<128xi32, #tpu.memory_space<vmem>>) semaphore(%arg12 : memref<!tpu.dma_semaphore, #tpu.memory_space<semaphore_mem>>)
        %mul3A_73 = arith.constant 2 : i32
        %mul3A_74 = arith.muli %mul3A_73, %scan3A_37 : i32
        %add3A_75 = arith.constant 1 : i32
        %add3A_76 = arith.addi %mul3A_74, %add3A_75 : i32
        "tpu.region"() ({
          %run_scoped3A = tpu.sem_alloc : memref<!tpu.dma_semaphore, #tpu.memory_space<semaphore_mem>>
          %dma_start3A_77 = arith.constant 0 : i32
          %dma_start3A_78 = tpu.memref_slice %arg8[%add3A_76, %dma_start3A_77] : memref<16x128xi32, #tpu.memory_space<vmem>> -> memref<1x128xi32, #tpu.memory_space<vmem>>
          %dma_start3A_79 = tpu.memref_squeeze %dma_start3A_78 : memref<1x128xi32, #tpu.memory_space<vmem>> -> memref<128xi32, #tpu.memory_space<vmem>>
          %dma_start3A_80 = arith.constant 0 : i32
          %dma_start3A_81 = arith.constant 0 : i32
          %dma_start3A_82 = tpu.memref_slice %arg11[%dma_start3A_80, %dma_start3A_81] : memref<10240x128xf32, #tpu.memory_space<vmem_shared>> -> memref<10240x128xf32, #tpu.memory_space<vmem_shared>>
          tpu.enqueue_indirect_dma source(%arg10 : memref<128x128xf32, #tpu.memory_space<vmem>>) target(%dma_start3A_82 : memref<10240x128xf32, #tpu.memory_space<vmem_shared>>) offsets(%dma_start3A_79 : memref<128xi32, #tpu.memory_space<vmem>>) semaphore(%run_scoped3A : memref<!tpu.dma_semaphore, #tpu.memory_space<semaphore_mem>>) {add = true}
          %dma_wait3A_83 = arith.constant 0 : i32
          %dma_wait3A_84 = tpu.memref_slice %arg8[%add3A_76, %dma_wait3A_83] : memref<16x128xi32, #tpu.memory_space<vmem>> -> memref<1x128xi32, #tpu.memory_space<vmem>>
          %dma_wait3A_85 = tpu.memref_squeeze %dma_wait3A_84 : memref<1x128xi32, #tpu.memory_space<vmem>> -> memref<128xi32, #tpu.memory_space<vmem>>
          %dma_wait3A_86 = arith.constant 0 : i32
          %dma_wait3A_87 = arith.constant 0 : i32
          %dma_wait3A_88 = tpu.memref_slice %arg11[%dma_wait3A_86, %dma_wait3A_87] : memref<10240x128xf32, #tpu.memory_space<vmem_shared>> -> memref<10240x128xf32, #tpu.memory_space<vmem_shared>>
          tpu.wait_indirect_dma semaphore(%run_scoped3A : memref<!tpu.dma_semaphore, #tpu.memory_space<semaphore_mem>>) src(%arg10 : memref<128x128xf32, #tpu.memory_space<vmem>>) dst(%dma_wait3A_88 : memref<10240x128xf32, #tpu.memory_space<vmem_shared>>)
          tpu.yield
        }) : () -> ()
      }
      %scan3A_31 = arith.constant 8 : i32
      %dma_wait3A = arith.constant 0 : i32
      %dma_wait3A_32 = arith.constant 0 : i32
      %dma_wait3A_33 = tpu.memref_slice %arg2[%dma_wait3A, %dma_wait3A_32] : memref<10240x128xf32, #tpu.memory_space<hbm>> -> memref<128x128xf32, #tpu.memory_space<hbm>>
      %dma_wait3A_34 = arith.constant 0 : i32
      %dma_wait3A_35 = arith.constant 0 : i32
      %dma_wait3A_36 = tpu.memref_slice %arg2[%dma_wait3A_34, %dma_wait3A_35] : memref<10240x128xf32, #tpu.memory_space<hbm>> -> memref<128x128xf32, #tpu.memory_space<hbm>>
      tpu.wait_dma2 semaphore(%arg12 : memref<!tpu.dma_semaphore, #tpu.memory_space<semaphore_mem>>) src(%dma_wait3A_36 : memref<128x128xf32, #tpu.memory_space<hbm>>) dst(%arg9 : memref<128x128xf32, #tpu.memory_space<vmem>>)
    }
    %scan3A_9 = arith.constant 5 : i32
    %barrier3A_10 = arith.constant 0 : index
    tpu.barrier barrier_id(%barrier3A_10)
    %scan3A_11 = arith.constant 0 : i32
    %scan3A_12 = arith.constant 5 : i32
    %scan3A_13 = arith.addi %scan3A_11, %scan3A_12 : i32
    %scan3A_14 = arith.constant 1 : i32
    scf.for %scan3A_16 = %scan3A_11 to %scan3A_13 step %scan3A_14  : i32 {
      %mul3A_17 = arith.constant 640 : i32
      %mul3A_18 = arith.muli %arg1, %mul3A_17 : i32
      %mul3A_19 = arith.constant 128 : i32
      %mul3A_20 = arith.muli %scan3A_16, %mul3A_19 : i32
      %add3A_21 = arith.addi %mul3A_18, %mul3A_20 : i32
      "tpu.region"() ({
        %run_scoped3A = tpu.sem_alloc : memref<!tpu.dma_semaphore, #tpu.memory_space<semaphore_mem>>
        %dma_start3A = arith.constant 0 : i32
        %dma_start3A_27 = tpu.memref_slice %arg11[%add3A_21, %dma_start3A] : memref<10240x128xf32, #tpu.memory_space<vmem_shared>> -> memref<128x128xf32, #tpu.memory_space<vmem_shared>>
        %dma_start3A_28 = arith.constant 0 : i32
        %dma_start3A_29 = tpu.memref_slice %arg11[%add3A_21, %dma_start3A_28] : memref<10240x128xf32, #tpu.memory_space<vmem_shared>> -> memref<128x128xf32, #tpu.memory_space<vmem_shared>>
        tpu.enqueue_dma source(%dma_start3A_29 : memref<128x128xf32, #tpu.memory_space<vmem_shared>>) target(%arg9 : memref<128x128xf32, #tpu.memory_space<vmem>>) target_semaphore(%run_scoped3A : memref<!tpu.dma_semaphore, #tpu.memory_space<semaphore_mem>>)
        %dma_wait3A = arith.constant 0 : i32
        %dma_wait3A_30 = tpu.memref_slice %arg11[%add3A_21, %dma_wait3A] : memref<10240x128xf32, #tpu.memory_space<vmem_shared>> -> memref<128x128xf32, #tpu.memory_space<vmem_shared>>
        %dma_wait3A_31 = arith.constant 0 : i32
        %dma_wait3A_32 = tpu.memref_slice %arg11[%add3A_21, %dma_wait3A_31] : memref<10240x128xf32, #tpu.memory_space<vmem_shared>> -> memref<128x128xf32, #tpu.memory_space<vmem_shared>>
        tpu.wait_dma2 semaphore(%run_scoped3A : memref<!tpu.dma_semaphore, #tpu.memory_space<semaphore_mem>>) src(%dma_wait3A_32 : memref<128x128xf32, #tpu.memory_space<vmem_shared>>) dst(%arg9 : memref<128x128xf32, #tpu.memory_space<vmem>>)
        tpu.yield
      }) : () -> ()
      %mul3A_22 = arith.constant 640 : i32
      %mul3A_23 = arith.muli %arg1, %mul3A_22 : i32
      %mul3A_24 = arith.constant 128 : i32
      %mul3A_25 = arith.muli %scan3A_16, %mul3A_24 : i32
      %add3A_26 = arith.addi %mul3A_23, %mul3A_25 : i32
      "tpu.region"() ({
        %run_scoped3A = tpu.sem_alloc : memref<!tpu.dma_semaphore, #tpu.memory_space<semaphore_mem>>
        %dma_start3A = arith.constant 0 : i32
        %dma_start3A_27 = tpu.memref_slice %arg6[%arg0, %add3A_26, %dma_start3A] : memref<2x10240x128xf32, #tpu.memory_space<hbm>> -> memref<1x128x128xf32, #tpu.memory_space<hbm>>
        %dma_start3A_28 = tpu.memref_squeeze %dma_start3A_27 : memref<1x128x128xf32, #tpu.memory_space<hbm>> -> memref<128x128xf32, #tpu.memory_space<hbm>>
        %dma_start3A_29 = arith.constant 0 : i32
        %dma_start3A_30 = tpu.memref_slice %arg6[%arg0, %add3A_26, %dma_start3A_29] : memref<2x10240x128xf32, #tpu.memory_space<hbm>> -> memref<1x128x128xf32, #tpu.memory_space<hbm>>
        %dma_start3A_31 = tpu.memref_squeeze %dma_start3A_30 : memref<1x128x128xf32, #tpu.memory_space<hbm>> -> memref<128x128xf32, #tpu.memory_space<hbm>>
        tpu.enqueue_dma source(%arg9 : memref<128x128xf32, #tpu.memory_space<vmem>>) target(%dma_start3A_31 : memref<128x128xf32, #tpu.memory_space<hbm>>) target_semaphore(%run_scoped3A : memref<!tpu.dma_semaphore, #tpu.memory_space<semaphore_mem>>)
        %dma_wait3A = arith.constant 0 : i32
        %dma_wait3A_32 = tpu.memref_slice %arg6[%arg0, %add3A_26, %dma_wait3A] : memref<2x10240x128xf32, #tpu.memory_space<hbm>> -> memref<1x128x128xf32, #tpu.memory_space<hbm>>
        %dma_wait3A_33 = tpu.memref_squeeze %dma_wait3A_32 : memref<1x128x128xf32, #tpu.memory_space<hbm>> -> memref<128x128xf32, #tpu.memory_space<hbm>>
        %dma_wait3A_34 = arith.constant 0 : i32
        %dma_wait3A_35 = tpu.memref_slice %arg6[%arg0, %add3A_26, %dma_wait3A_34] : memref<2x10240x128xf32, #tpu.memory_space<hbm>> -> memref<1x128x128xf32, #tpu.memory_space<hbm>>
        %dma_wait3A_36 = tpu.memref_squeeze %dma_wait3A_35 : memref<1x128x128xf32, #tpu.memory_space<hbm>> -> memref<128x128xf32, #tpu.memory_space<hbm>>
        tpu.wait_dma2 semaphore(%run_scoped3A : memref<!tpu.dma_semaphore, #tpu.memory_space<semaphore_mem>>) src(%arg9 : memref<128x128xf32, #tpu.memory_space<vmem>>) dst(%dma_wait3A_36 : memref<128x128xf32, #tpu.memory_space<hbm>>)
        tpu.yield
      }) : () -> ()
    }
    %scan3A_15 = arith.constant 5 : i32
    return
  }
}

#map = affine_map<(d0, d1) -> (0, 0)>
#map1 = affine_map<(d0, d1) -> (0, 0, 0)>
module attributes {stable_mosaic.version = 14 : i64} {
  func.func @emb_gather(%arg0: i32, %arg1: i32, %arg2: memref<52739x128xf32, #tpu.memory_space<hbm>>, %arg3: memref<32x5x64xi32, #tpu.memory_space<hbm>>, %arg4: memref<10240x128xf32, #tpu.memory_space<hbm>>, %arg5: memref<5x64xi32, #tpu.memory_space<vmem>>, %arg6: memref<320x128xf32, #tpu.memory_space<vmem>>, %arg7: memref<!tpu.dma_semaphore, #tpu.memory_space<semaphore_mem>>) attributes {dimension_semantics = [#tpu.dimension_semantics<core_parallel>, #tpu.dimension_semantics<subcore_parallel>], iteration_bounds = array<i64: 2, 16>, scalar_prefetch = 0 : i64, scratch_operands = 3 : i64, tpu.core_type = #tpu.core_type<sc_vector_subcore>, window_params = [{transform_indices = #map}, {transform_indices = #map1}, {transform_indices = #map}]} {
    %mul3A = arith.constant 2 : i32
    %mul3A_0 = arith.muli %arg1, %mul3A : i32
    %add3A = arith.addi %mul3A_0, %arg0 : i32
    %mul3A_1 = arith.constant 320 : i32
    %mul3A_2 = arith.muli %add3A, %mul3A_1 : i32
    "tpu.region"() ({
      %run_scoped3A = tpu.sem_alloc : memref<!tpu.dma_semaphore, #tpu.memory_space<semaphore_mem>>
      %dma_start3A = arith.constant 0 : i32
      %dma_start3A_7 = arith.constant 0 : i32
      %dma_start3A_8 = tpu.memref_slice %arg3[%add3A, %dma_start3A, %dma_start3A_7] : memref<32x5x64xi32, #tpu.memory_space<hbm>> -> memref<1x5x64xi32, #tpu.memory_space<hbm>>
      %dma_start3A_9 = tpu.memref_squeeze %dma_start3A_8 : memref<1x5x64xi32, #tpu.memory_space<hbm>> -> memref<5x64xi32, #tpu.memory_space<hbm>>
      %dma_start3A_10 = arith.constant 0 : i32
      %dma_start3A_11 = arith.constant 0 : i32
      %dma_start3A_12 = tpu.memref_slice %arg3[%add3A, %dma_start3A_10, %dma_start3A_11] : memref<32x5x64xi32, #tpu.memory_space<hbm>> -> memref<1x5x64xi32, #tpu.memory_space<hbm>>
      %dma_start3A_13 = tpu.memref_squeeze %dma_start3A_12 : memref<1x5x64xi32, #tpu.memory_space<hbm>> -> memref<5x64xi32, #tpu.memory_space<hbm>>
      tpu.enqueue_dma source(%dma_start3A_13 : memref<5x64xi32, #tpu.memory_space<hbm>>) target(%arg5 : memref<5x64xi32, #tpu.memory_space<vmem>>) target_semaphore(%run_scoped3A : memref<!tpu.dma_semaphore, #tpu.memory_space<semaphore_mem>>)
      %dma_wait3A = arith.constant 0 : i32
      %dma_wait3A_14 = arith.constant 0 : i32
      %dma_wait3A_15 = tpu.memref_slice %arg3[%add3A, %dma_wait3A, %dma_wait3A_14] : memref<32x5x64xi32, #tpu.memory_space<hbm>> -> memref<1x5x64xi32, #tpu.memory_space<hbm>>
      %dma_wait3A_16 = tpu.memref_squeeze %dma_wait3A_15 : memref<1x5x64xi32, #tpu.memory_space<hbm>> -> memref<5x64xi32, #tpu.memory_space<hbm>>
      %dma_wait3A_17 = arith.constant 0 : i32
      %dma_wait3A_18 = arith.constant 0 : i32
      %dma_wait3A_19 = tpu.memref_slice %arg3[%add3A, %dma_wait3A_17, %dma_wait3A_18] : memref<32x5x64xi32, #tpu.memory_space<hbm>> -> memref<1x5x64xi32, #tpu.memory_space<hbm>>
      %dma_wait3A_20 = tpu.memref_squeeze %dma_wait3A_19 : memref<1x5x64xi32, #tpu.memory_space<hbm>> -> memref<5x64xi32, #tpu.memory_space<hbm>>
      tpu.wait_dma2 semaphore(%run_scoped3A : memref<!tpu.dma_semaphore, #tpu.memory_space<semaphore_mem>>) src(%dma_wait3A_20 : memref<5x64xi32, #tpu.memory_space<hbm>>) dst(%arg5 : memref<5x64xi32, #tpu.memory_space<vmem>>)
      tpu.yield
    }) : () -> ()
    %scan3A = arith.constant 0 : i32
    %scan3A_3 = arith.constant 5 : i32
    %scan3A_4 = arith.addi %scan3A, %scan3A_3 : i32
    %scan3A_5 = arith.constant 1 : i32
    scf.for %scan3A_7 = %scan3A to %scan3A_4 step %scan3A_5  : i32 {
      %mul3A_8 = arith.constant 64 : i32
      %mul3A_9 = arith.muli %scan3A_7, %mul3A_8 : i32
      %dma_start3A = arith.constant 0 : i32
      %dma_start3A_10 = tpu.memref_slice %arg6[%mul3A_9, %dma_start3A] : memref<320x128xf32, #tpu.memory_space<vmem>> -> memref<64x128xf32, #tpu.memory_space<vmem>>
      %dma_start3A_11 = arith.constant 0 : i32
      %dma_start3A_12 = tpu.memref_slice %arg5[%scan3A_7, %dma_start3A_11] : memref<5x64xi32, #tpu.memory_space<vmem>> -> memref<1x64xi32, #tpu.memory_space<vmem>>
      %dma_start3A_13 = tpu.memref_squeeze %dma_start3A_12 : memref<1x64xi32, #tpu.memory_space<vmem>> -> memref<64xi32, #tpu.memory_space<vmem>>
      %dma_start3A_14 = arith.constant 0 : i32
      %dma_start3A_15 = arith.constant 0 : i32
      %dma_start3A_16 = tpu.memref_slice %arg2[%dma_start3A_14, %dma_start3A_15] : memref<52739x128xf32, #tpu.memory_space<hbm>> -> memref<52739x128xf32, #tpu.memory_space<hbm>>
      tpu.enqueue_indirect_dma source(%dma_start3A_16 : memref<52739x128xf32, #tpu.memory_space<hbm>>) target(%dma_start3A_10 : memref<64x128xf32, #tpu.memory_space<vmem>>) offsets(%dma_start3A_13 : memref<64xi32, #tpu.memory_space<vmem>>) semaphore(%arg7 : memref<!tpu.dma_semaphore, #tpu.memory_space<semaphore_mem>>)
      %dma_wait3A = arith.constant 0 : i32
      %dma_wait3A_17 = tpu.memref_slice %arg6[%mul3A_9, %dma_wait3A] : memref<320x128xf32, #tpu.memory_space<vmem>> -> memref<64x128xf32, #tpu.memory_space<vmem>>
      %dma_wait3A_18 = arith.constant 0 : i32
      %dma_wait3A_19 = tpu.memref_slice %arg5[%scan3A_7, %dma_wait3A_18] : memref<5x64xi32, #tpu.memory_space<vmem>> -> memref<1x64xi32, #tpu.memory_space<vmem>>
      %dma_wait3A_20 = tpu.memref_squeeze %dma_wait3A_19 : memref<1x64xi32, #tpu.memory_space<vmem>> -> memref<64xi32, #tpu.memory_space<vmem>>
      %dma_wait3A_21 = arith.constant 0 : i32
      %dma_wait3A_22 = arith.constant 0 : i32
      %dma_wait3A_23 = tpu.memref_slice %arg2[%dma_wait3A_21, %dma_wait3A_22] : memref<52739x128xf32, #tpu.memory_space<hbm>> -> memref<52739x128xf32, #tpu.memory_space<hbm>>
      tpu.wait_indirect_dma semaphore(%arg7 : memref<!tpu.dma_semaphore, #tpu.memory_space<semaphore_mem>>) src(%dma_wait3A_23 : memref<52739x128xf32, #tpu.memory_space<hbm>>) dst(%dma_wait3A_17 : memref<64x128xf32, #tpu.memory_space<vmem>>)
    }
    %scan3A_6 = arith.constant 5 : i32
    "tpu.region"() ({
      %run_scoped3A = tpu.sem_alloc : memref<!tpu.dma_semaphore, #tpu.memory_space<semaphore_mem>>
      %dma_start3A = arith.constant 0 : i32
      %dma_start3A_7 = tpu.memref_slice %arg4[%mul3A_2, %dma_start3A] : memref<10240x128xf32, #tpu.memory_space<hbm>> -> memref<320x128xf32, #tpu.memory_space<hbm>>
      %dma_start3A_8 = arith.constant 0 : i32
      %dma_start3A_9 = tpu.memref_slice %arg4[%mul3A_2, %dma_start3A_8] : memref<10240x128xf32, #tpu.memory_space<hbm>> -> memref<320x128xf32, #tpu.memory_space<hbm>>
      tpu.enqueue_dma source(%arg6 : memref<320x128xf32, #tpu.memory_space<vmem>>) target(%dma_start3A_9 : memref<320x128xf32, #tpu.memory_space<hbm>>) target_semaphore(%run_scoped3A : memref<!tpu.dma_semaphore, #tpu.memory_space<semaphore_mem>>)
      %dma_wait3A = arith.constant 0 : i32
      %dma_wait3A_10 = tpu.memref_slice %arg4[%mul3A_2, %dma_wait3A] : memref<10240x128xf32, #tpu.memory_space<hbm>> -> memref<320x128xf32, #tpu.memory_space<hbm>>
      %dma_wait3A_11 = arith.constant 0 : i32
      %dma_wait3A_12 = tpu.memref_slice %arg4[%mul3A_2, %dma_wait3A_11] : memref<10240x128xf32, #tpu.memory_space<hbm>> -> memref<320x128xf32, #tpu.memory_space<hbm>>
      tpu.wait_dma2 semaphore(%run_scoped3A : memref<!tpu.dma_semaphore, #tpu.memory_space<semaphore_mem>>) src(%arg6 : memref<320x128xf32, #tpu.memory_space<vmem>>) dst(%dma_wait3A_12 : memref<320x128xf32, #tpu.memory_space<hbm>>)
      tpu.yield
    }) : () -> ()
    return
  }
}

#map = affine_map<(d0, d1) -> (0, 0)>
#map1 = affine_map<(d0, d1) -> (0)>
module attributes {stable_mosaic.version = 14 : i64} {
  func.func @deg_part(%arg0: i32, %arg1: i32, %arg2: memref<32x10240xi32, #tpu.memory_space<hbm>>, %arg3: memref<32x10240xi32, #tpu.memory_space<hbm>>, %arg4: memref<10240xf32, #tpu.memory_space<hbm>>, %arg5: memref<32x10240xf32, #tpu.memory_space<hbm>>, %arg6: memref<10240xi32, #tpu.memory_space<vmem>>, %arg7: memref<10240xi32, #tpu.memory_space<vmem>>, %arg8: memref<10240xf32, #tpu.memory_space<vmem>>, %arg9: memref<10240xf32, #tpu.memory_space<vmem>>) attributes {dimension_semantics = [#tpu.dimension_semantics<core_parallel>, #tpu.dimension_semantics<subcore_parallel>], iteration_bounds = array<i64: 2, 16>, scalar_prefetch = 0 : i64, scratch_operands = 4 : i64, tpu.core_type = #tpu.core_type<sc_vector_subcore>, window_params = [{transform_indices = #map}, {transform_indices = #map}, {transform_indices = #map1}, {transform_indices = #map}]} {
    %mul3A = arith.constant 2 : i32
    %mul3A_0 = arith.muli %arg1, %mul3A : i32
    %add3A = arith.addi %mul3A_0, %arg0 : i32
    "tpu.region"() ({
      %run_scoped3A = tpu.sem_alloc : memref<!tpu.dma_semaphore, #tpu.memory_space<semaphore_mem>>
      %dma_start3A = arith.constant 0 : i32
      %dma_start3A_10 = tpu.memref_slice %arg2[%add3A, %dma_start3A] : memref<32x10240xi32, #tpu.memory_space<hbm>> -> memref<1x10240xi32, #tpu.memory_space<hbm>>
      %dma_start3A_11 = tpu.memref_squeeze %dma_start3A_10 : memref<1x10240xi32, #tpu.memory_space<hbm>> -> memref<10240xi32, #tpu.memory_space<hbm>>
      %dma_start3A_12 = arith.constant 0 : i32
      %dma_start3A_13 = tpu.memref_slice %arg2[%add3A, %dma_start3A_12] : memref<32x10240xi32, #tpu.memory_space<hbm>> -> memref<1x10240xi32, #tpu.memory_space<hbm>>
      %dma_start3A_14 = tpu.memref_squeeze %dma_start3A_13 : memref<1x10240xi32, #tpu.memory_space<hbm>> -> memref<10240xi32, #tpu.memory_space<hbm>>
      tpu.enqueue_dma source(%dma_start3A_14 : memref<10240xi32, #tpu.memory_space<hbm>>) target(%arg6 : memref<10240xi32, #tpu.memory_space<vmem>>) target_semaphore(%run_scoped3A : memref<!tpu.dma_semaphore, #tpu.memory_space<semaphore_mem>>)
      %dma_wait3A = arith.constant 0 : i32
      %dma_wait3A_15 = tpu.memref_slice %arg2[%add3A, %dma_wait3A] : memref<32x10240xi32, #tpu.memory_space<hbm>> -> memref<1x10240xi32, #tpu.memory_space<hbm>>
      %dma_wait3A_16 = tpu.memref_squeeze %dma_wait3A_15 : memref<1x10240xi32, #tpu.memory_space<hbm>> -> memref<10240xi32, #tpu.memory_space<hbm>>
      %dma_wait3A_17 = arith.constant 0 : i32
      %dma_wait3A_18 = tpu.memref_slice %arg2[%add3A, %dma_wait3A_17] : memref<32x10240xi32, #tpu.memory_space<hbm>> -> memref<1x10240xi32, #tpu.memory_space<hbm>>
      %dma_wait3A_19 = tpu.memref_squeeze %dma_wait3A_18 : memref<1x10240xi32, #tpu.memory_space<hbm>> -> memref<10240xi32, #tpu.memory_space<hbm>>
      tpu.wait_dma2 semaphore(%run_scoped3A : memref<!tpu.dma_semaphore, #tpu.memory_space<semaphore_mem>>) src(%dma_wait3A_19 : memref<10240xi32, #tpu.memory_space<hbm>>) dst(%arg6 : memref<10240xi32, #tpu.memory_space<vmem>>)
      tpu.yield
    }) : () -> ()
    "tpu.region"() ({
      %run_scoped3A = tpu.sem_alloc : memref<!tpu.dma_semaphore, #tpu.memory_space<semaphore_mem>>
      %dma_start3A = arith.constant 0 : i32
      %dma_start3A_10 = tpu.memref_slice %arg3[%add3A, %dma_start3A] : memref<32x10240xi32, #tpu.memory_space<hbm>> -> memref<1x10240xi32, #tpu.memory_space<hbm>>
      %dma_start3A_11 = tpu.memref_squeeze %dma_start3A_10 : memref<1x10240xi32, #tpu.memory_space<hbm>> -> memref<10240xi32, #tpu.memory_space<hbm>>
      %dma_start3A_12 = arith.constant 0 : i32
      %dma_start3A_13 = tpu.memref_slice %arg3[%add3A, %dma_start3A_12] : memref<32x10240xi32, #tpu.memory_space<hbm>> -> memref<1x10240xi32, #tpu.memory_space<hbm>>
      %dma_start3A_14 = tpu.memref_squeeze %dma_start3A_13 : memref<1x10240xi32, #tpu.memory_space<hbm>> -> memref<10240xi32, #tpu.memory_space<hbm>>
      tpu.enqueue_dma source(%dma_start3A_14 : memref<10240xi32, #tpu.memory_space<hbm>>) target(%arg7 : memref<10240xi32, #tpu.memory_space<vmem>>) target_semaphore(%run_scoped3A : memref<!tpu.dma_semaphore, #tpu.memory_space<semaphore_mem>>)
      %dma_wait3A = arith.constant 0 : i32
      %dma_wait3A_15 = tpu.memref_slice %arg3[%add3A, %dma_wait3A] : memref<32x10240xi32, #tpu.memory_space<hbm>> -> memref<1x10240xi32, #tpu.memory_space<hbm>>
      %dma_wait3A_16 = tpu.memref_squeeze %dma_wait3A_15 : memref<1x10240xi32, #tpu.memory_space<hbm>> -> memref<10240xi32, #tpu.memory_space<hbm>>
      %dma_wait3A_17 = arith.constant 0 : i32
      %dma_wait3A_18 = tpu.memref_slice %arg3[%add3A, %dma_wait3A_17] : memref<32x10240xi32, #tpu.memory_space<hbm>> -> memref<1x10240xi32, #tpu.memory_space<hbm>>
      %dma_wait3A_19 = tpu.memref_squeeze %dma_wait3A_18 : memref<1x10240xi32, #tpu.memory_space<hbm>> -> memref<10240xi32, #tpu.memory_space<hbm>>
      tpu.wait_dma2 semaphore(%run_scoped3A : memref<!tpu.dma_semaphore, #tpu.memory_space<semaphore_mem>>) src(%dma_wait3A_19 : memref<10240xi32, #tpu.memory_space<hbm>>) dst(%arg7 : memref<10240xi32, #tpu.memory_space<vmem>>)
      tpu.yield
    }) : () -> ()
    "tpu.region"() ({
      %run_scoped3A = tpu.sem_alloc : memref<!tpu.dma_semaphore, #tpu.memory_space<semaphore_mem>>
      tpu.enqueue_dma source(%arg4 : memref<10240xf32, #tpu.memory_space<hbm>>) target(%arg8 : memref<10240xf32, #tpu.memory_space<vmem>>) target_semaphore(%run_scoped3A : memref<!tpu.dma_semaphore, #tpu.memory_space<semaphore_mem>>)
      tpu.wait_dma2 semaphore(%run_scoped3A : memref<!tpu.dma_semaphore, #tpu.memory_space<semaphore_mem>>) src(%arg4 : memref<10240xf32, #tpu.memory_space<hbm>>) dst(%arg8 : memref<10240xf32, #tpu.memory_space<vmem>>)
      tpu.yield
    }) : () -> ()
    %scan3A = arith.constant 0 : i32
    %scan3A_1 = arith.constant 640 : i32
    %scan3A_2 = arith.addi %scan3A, %scan3A_1 : i32
    %scan3A_3 = arith.constant 1 : i32
    scf.for %scan3A_10 = %scan3A to %scan3A_2 step %scan3A_3  : i32 {
      %broadcast_in_dim3A = arith.constant 0.000000e+00 : f32
      %broadcast_in_dim3A_11 = vector.broadcast %broadcast_in_dim3A : f32 to vector<16xf32>
      %mul3A_12 = arith.constant 16 : i32
      %mul3A_13 = arith.muli %scan3A_10, %mul3A_12 : i32
      %swap3A = arith.index_cast %mul3A_13 : i32 to index
      %swap3A_14 = tpu.vector_load %arg9[%swap3A] {strides = array<i32>} : memref<10240xf32, #tpu.memory_space<vmem>>, vector<16xf32>,
      tpu.vector_store %arg9[%swap3A], %broadcast_in_dim3A_11 {strides = array<i32>} : memref<10240xf32, #tpu.memory_space<vmem>>, vector<16xf32>,
    }
    %scan3A_4 = arith.constant 640 : i32
    %scan3A_5 = arith.constant 0 : i32
    %scan3A_6 = arith.constant 640 : i32
    %scan3A_7 = arith.addi %scan3A_5, %scan3A_6 : i32
    %scan3A_8 = arith.constant 1 : i32
    scf.for %scan3A_10 = %scan3A_5 to %scan3A_7 step %scan3A_8  : i32 {
      %mul3A_11 = arith.constant 16 : i32
      %mul3A_12 = arith.muli %scan3A_10, %mul3A_11 : i32
      %get3A = arith.index_cast %mul3A_12 : i32 to index
      %get3A_13 = tpu.vector_load %arg6[%get3A] {strides = array<i32>} : memref<10240xi32, #tpu.memory_space<vmem>>, vector<16xi32>,
      %mul3A_14 = arith.constant 16 : i32
      %mul3A_15 = arith.muli %scan3A_10, %mul3A_14 : i32
      %get3A_16 = arith.index_cast %mul3A_15 : i32 to index
      %get3A_17 = tpu.vector_load %arg7[%get3A_16] {strides = array<i32>} : memref<10240xi32, #tpu.memory_space<vmem>>, vector<16xi32>,
      %gather3A = tpu.vector_load_idx %arg8[%get3A_13] : memref<10240xf32, #tpu.memory_space<vmem>>[vector<16xi32>], vector<16xf32>,
      tpu.vector_store_idx %arg9[%get3A_17], %gather3A {add = true} : memref<10240xf32, #tpu.memory_space<vmem>>[vector<16xi32>], vector<16xf32>,
    }
    %scan3A_9 = arith.constant 640 : i32
    "tpu.region"() ({
      %run_scoped3A = tpu.sem_alloc : memref<!tpu.dma_semaphore, #tpu.memory_space<semaphore_mem>>
      %dma_start3A = arith.constant 0 : i32
      %dma_start3A_10 = tpu.memref_slice %arg5[%add3A, %dma_start3A] : memref<32x10240xf32, #tpu.memory_space<hbm>> -> memref<1x10240xf32, #tpu.memory_space<hbm>>
      %dma_start3A_11 = tpu.memref_squeeze %dma_start3A_10 : memref<1x10240xf32, #tpu.memory_space<hbm>> -> memref<10240xf32, #tpu.memory_space<hbm>>
      %dma_start3A_12 = arith.constant 0 : i32
      %dma_start3A_13 = tpu.memref_slice %arg5[%add3A, %dma_start3A_12] : memref<32x10240xf32, #tpu.memory_space<hbm>> -> memref<1x10240xf32, #tpu.memory_space<hbm>>
      %dma_start3A_14 = tpu.memref_squeeze %dma_start3A_13 : memref<1x10240xf32, #tpu.memory_space<hbm>> -> memref<10240xf32, #tpu.memory_space<hbm>>
      tpu.enqueue_dma source(%arg9 : memref<10240xf32, #tpu.memory_space<vmem>>) target(%dma_start3A_14 : memref<10240xf32, #tpu.memory_space<hbm>>) target_semaphore(%run_scoped3A : memref<!tpu.dma_semaphore, #tpu.memory_space<semaphore_mem>>)
      %dma_wait3A = arith.constant 0 : i32
      %dma_wait3A_15 = tpu.memref_slice %arg5[%add3A, %dma_wait3A] : memref<32x10240xf32, #tpu.memory_space<hbm>> -> memref<1x10240xf32, #tpu.memory_space<hbm>>
      %dma_wait3A_16 = tpu.memref_squeeze %dma_wait3A_15 : memref<1x10240xf32, #tpu.memory_space<hbm>> -> memref<10240xf32, #tpu.memory_space<hbm>>
      %dma_wait3A_17 = arith.constant 0 : i32
      %dma_wait3A_18 = tpu.memref_slice %arg5[%add3A, %dma_wait3A_17] : memref<32x10240xf32, #tpu.memory_space<hbm>> -> memref<1x10240xf32, #tpu.memory_space<hbm>>
      %dma_wait3A_19 = tpu.memref_squeeze %dma_wait3A_18 : memref<1x10240xf32, #tpu.memory_space<hbm>> -> memref<10240xf32, #tpu.memory_space<hbm>>
      tpu.wait_dma2 semaphore(%run_scoped3A : memref<!tpu.dma_semaphore, #tpu.memory_space<semaphore_mem>>) src(%arg9 : memref<10240xf32, #tpu.memory_space<vmem>>) dst(%dma_wait3A_19 : memref<10240xf32, #tpu.memory_space<hbm>>)
      tpu.yield
    }) : () -> ()
    return
  }
}

#map = affine_map<(d0, d1) -> (0, 0)>
#map1 = affine_map<(d0, d1) -> (0)>
module attributes {stable_mosaic.version = 14 : i64} {
  func.func @deg_part(%arg0: i32, %arg1: i32, %arg2: memref<32x10240xi32, #tpu.memory_space<hbm>>, %arg3: memref<32x10240xi32, #tpu.memory_space<hbm>>, %arg4: memref<10240xf32, #tpu.memory_space<hbm>>, %arg5: memref<32x10240xf32, #tpu.memory_space<hbm>>, %arg6: memref<10240xi32, #tpu.memory_space<vmem>>, %arg7: memref<10240xi32, #tpu.memory_space<vmem>>, %arg8: memref<10240xf32, #tpu.memory_space<vmem>>, %arg9: memref<10240xf32, #tpu.memory_space<vmem>>) attributes {dimension_semantics = [#tpu.dimension_semantics<core_parallel>, #tpu.dimension_semantics<subcore_parallel>], iteration_bounds = array<i64: 2, 16>, scalar_prefetch = 0 : i64, scratch_operands = 4 : i64, tpu.core_type = #tpu.core_type<sc_vector_subcore>, window_params = [{transform_indices = #map}, {transform_indices = #map}, {transform_indices = #map1}, {transform_indices = #map}]} {
    %mul3A = arith.constant 2 : i32
    %mul3A_0 = arith.muli %arg1, %mul3A : i32
    %add3A = arith.addi %mul3A_0, %arg0 : i32
    "tpu.region"() ({
      %run_scoped3A = tpu.sem_alloc : memref<!tpu.dma_semaphore, #tpu.memory_space<semaphore_mem>>
      %dma_start3A = arith.constant 0 : i32
      %dma_start3A_10 = tpu.memref_slice %arg2[%add3A, %dma_start3A] : memref<32x10240xi32, #tpu.memory_space<hbm>> -> memref<1x10240xi32, #tpu.memory_space<hbm>>
      %dma_start3A_11 = tpu.memref_squeeze %dma_start3A_10 : memref<1x10240xi32, #tpu.memory_space<hbm>> -> memref<10240xi32, #tpu.memory_space<hbm>>
      %dma_start3A_12 = arith.constant 0 : i32
      %dma_start3A_13 = tpu.memref_slice %arg2[%add3A, %dma_start3A_12] : memref<32x10240xi32, #tpu.memory_space<hbm>> -> memref<1x10240xi32, #tpu.memory_space<hbm>>
      %dma_start3A_14 = tpu.memref_squeeze %dma_start3A_13 : memref<1x10240xi32, #tpu.memory_space<hbm>> -> memref<10240xi32, #tpu.memory_space<hbm>>
      tpu.enqueue_dma source(%dma_start3A_14 : memref<10240xi32, #tpu.memory_space<hbm>>) target(%arg6 : memref<10240xi32, #tpu.memory_space<vmem>>) target_semaphore(%run_scoped3A : memref<!tpu.dma_semaphore, #tpu.memory_space<semaphore_mem>>)
      %dma_wait3A = arith.constant 0 : i32
      %dma_wait3A_15 = tpu.memref_slice %arg2[%add3A, %dma_wait3A] : memref<32x10240xi32, #tpu.memory_space<hbm>> -> memref<1x10240xi32, #tpu.memory_space<hbm>>
      %dma_wait3A_16 = tpu.memref_squeeze %dma_wait3A_15 : memref<1x10240xi32, #tpu.memory_space<hbm>> -> memref<10240xi32, #tpu.memory_space<hbm>>
      %dma_wait3A_17 = arith.constant 0 : i32
      %dma_wait3A_18 = tpu.memref_slice %arg2[%add3A, %dma_wait3A_17] : memref<32x10240xi32, #tpu.memory_space<hbm>> -> memref<1x10240xi32, #tpu.memory_space<hbm>>
      %dma_wait3A_19 = tpu.memref_squeeze %dma_wait3A_18 : memref<1x10240xi32, #tpu.memory_space<hbm>> -> memref<10240xi32, #tpu.memory_space<hbm>>
      tpu.wait_dma2 semaphore(%run_scoped3A : memref<!tpu.dma_semaphore, #tpu.memory_space<semaphore_mem>>) src(%dma_wait3A_19 : memref<10240xi32, #tpu.memory_space<hbm>>) dst(%arg6 : memref<10240xi32, #tpu.memory_space<vmem>>)
      tpu.yield
    }) : () -> ()
    "tpu.region"() ({
      %run_scoped3A = tpu.sem_alloc : memref<!tpu.dma_semaphore, #tpu.memory_space<semaphore_mem>>
      %dma_start3A = arith.constant 0 : i32
      %dma_start3A_10 = tpu.memref_slice %arg3[%add3A, %dma_start3A] : memref<32x10240xi32, #tpu.memory_space<hbm>> -> memref<1x10240xi32, #tpu.memory_space<hbm>>
      %dma_start3A_11 = tpu.memref_squeeze %dma_start3A_10 : memref<1x10240xi32, #tpu.memory_space<hbm>> -> memref<10240xi32, #tpu.memory_space<hbm>>
      %dma_start3A_12 = arith.constant 0 : i32
      %dma_start3A_13 = tpu.memref_slice %arg3[%add3A, %dma_start3A_12] : memref<32x10240xi32, #tpu.memory_space<hbm>> -> memref<1x10240xi32, #tpu.memory_space<hbm>>
      %dma_start3A_14 = tpu.memref_squeeze %dma_start3A_13 : memref<1x10240xi32, #tpu.memory_space<hbm>> -> memref<10240xi32, #tpu.memory_space<hbm>>
      tpu.enqueue_dma source(%dma_start3A_14 : memref<10240xi32, #tpu.memory_space<hbm>>) target(%arg7 : memref<10240xi32, #tpu.memory_space<vmem>>) target_semaphore(%run_scoped3A : memref<!tpu.dma_semaphore, #tpu.memory_space<semaphore_mem>>)
      %dma_wait3A = arith.constant 0 : i32
      %dma_wait3A_15 = tpu.memref_slice %arg3[%add3A, %dma_wait3A] : memref<32x10240xi32, #tpu.memory_space<hbm>> -> memref<1x10240xi32, #tpu.memory_space<hbm>>
      %dma_wait3A_16 = tpu.memref_squeeze %dma_wait3A_15 : memref<1x10240xi32, #tpu.memory_space<hbm>> -> memref<10240xi32, #tpu.memory_space<hbm>>
      %dma_wait3A_17 = arith.constant 0 : i32
      %dma_wait3A_18 = tpu.memref_slice %arg3[%add3A, %dma_wait3A_17] : memref<32x10240xi32, #tpu.memory_space<hbm>> -> memref<1x10240xi32, #tpu.memory_space<hbm>>
      %dma_wait3A_19 = tpu.memref_squeeze %dma_wait3A_18 : memref<1x10240xi32, #tpu.memory_space<hbm>> -> memref<10240xi32, #tpu.memory_space<hbm>>
      tpu.wait_dma2 semaphore(%run_scoped3A : memref<!tpu.dma_semaphore, #tpu.memory_space<semaphore_mem>>) src(%dma_wait3A_19 : memref<10240xi32, #tpu.memory_space<hbm>>) dst(%arg7 : memref<10240xi32, #tpu.memory_space<vmem>>)
      tpu.yield
    }) : () -> ()
    "tpu.region"() ({
      %run_scoped3A = tpu.sem_alloc : memref<!tpu.dma_semaphore, #tpu.memory_space<semaphore_mem>>
      tpu.enqueue_dma source(%arg4 : memref<10240xf32, #tpu.memory_space<hbm>>) target(%arg8 : memref<10240xf32, #tpu.memory_space<vmem>>) target_semaphore(%run_scoped3A : memref<!tpu.dma_semaphore, #tpu.memory_space<semaphore_mem>>)
      tpu.wait_dma2 semaphore(%run_scoped3A : memref<!tpu.dma_semaphore, #tpu.memory_space<semaphore_mem>>) src(%arg4 : memref<10240xf32, #tpu.memory_space<hbm>>) dst(%arg8 : memref<10240xf32, #tpu.memory_space<vmem>>)
      tpu.yield
    }) : () -> ()
    %scan3A = arith.constant 0 : i32
    %scan3A_1 = arith.constant 640 : i32
    %scan3A_2 = arith.addi %scan3A, %scan3A_1 : i32
    %scan3A_3 = arith.constant 1 : i32
    scf.for %scan3A_10 = %scan3A to %scan3A_2 step %scan3A_3  : i32 {
      %broadcast_in_dim3A = arith.constant 0.000000e+00 : f32
      %broadcast_in_dim3A_11 = vector.broadcast %broadcast_in_dim3A : f32 to vector<16xf32>
      %mul3A_12 = arith.constant 16 : i32
      %mul3A_13 = arith.muli %scan3A_10, %mul3A_12 : i32
      %swap3A = arith.index_cast %mul3A_13 : i32 to index
      %swap3A_14 = tpu.vector_load %arg9[%swap3A] {strides = array<i32>} : memref<10240xf32, #tpu.memory_space<vmem>>, vector<16xf32>,
      tpu.vector_store %arg9[%swap3A], %broadcast_in_dim3A_11 {strides = array<i32>} : memref<10240xf32, #tpu.memory_space<vmem>>, vector<16xf32>,
    }
    %scan3A_4 = arith.constant 640 : i32
    %scan3A_5 = arith.constant 0 : i32
    %scan3A_6 = arith.constant 640 : i32
    %scan3A_7 = arith.addi %scan3A_5, %scan3A_6 : i32
    %scan3A_8 = arith.constant 1 : i32
    scf.for %scan3A_10 = %scan3A_5 to %scan3A_7 step %scan3A_8  : i32 {
      %mul3A_11 = arith.constant 16 : i32
      %mul3A_12 = arith.muli %scan3A_10, %mul3A_11 : i32
      %get3A = arith.index_cast %mul3A_12 : i32 to index
      %get3A_13 = tpu.vector_load %arg6[%get3A] {strides = array<i32>} : memref<10240xi32, #tpu.memory_space<vmem>>, vector<16xi32>,
      %mul3A_14 = arith.constant 16 : i32
      %mul3A_15 = arith.muli %scan3A_10, %mul3A_14 : i32
      %get3A_16 = arith.index_cast %mul3A_15 : i32 to index
      %get3A_17 = tpu.vector_load %arg7[%get3A_16] {strides = array<i32>} : memref<10240xi32, #tpu.memory_space<vmem>>, vector<16xi32>,
      %gather3A = tpu.vector_load_idx %arg8[%get3A_13] : memref<10240xf32, #tpu.memory_space<vmem>>[vector<16xi32>], vector<16xf32>,
      tpu.vector_store_idx %arg9[%get3A_17], %gather3A {add = true} : memref<10240xf32, #tpu.memory_space<vmem>>[vector<16xi32>], vector<16xf32>,
    }
    %scan3A_9 = arith.constant 640 : i32
    "tpu.region"() ({
      %run_scoped3A = tpu.sem_alloc : memref<!tpu.dma_semaphore, #tpu.memory_space<semaphore_mem>>
      %dma_start3A = arith.constant 0 : i32
      %dma_start3A_10 = tpu.memref_slice %arg5[%add3A, %dma_start3A] : memref<32x10240xf32, #tpu.memory_space<hbm>> -> memref<1x10240xf32, #tpu.memory_space<hbm>>
      %dma_start3A_11 = tpu.memref_squeeze %dma_start3A_10 : memref<1x10240xf32, #tpu.memory_space<hbm>> -> memref<10240xf32, #tpu.memory_space<hbm>>
      %dma_start3A_12 = arith.constant 0 : i32
      %dma_start3A_13 = tpu.memref_slice %arg5[%add3A, %dma_start3A_12] : memref<32x10240xf32, #tpu.memory_space<hbm>> -> memref<1x10240xf32, #tpu.memory_space<hbm>>
      %dma_start3A_14 = tpu.memref_squeeze %dma_start3A_13 : memref<1x10240xf32, #tpu.memory_space<hbm>> -> memref<10240xf32, #tpu.memory_space<hbm>>
      tpu.enqueue_dma source(%arg9 : memref<10240xf32, #tpu.memory_space<vmem>>) target(%dma_start3A_14 : memref<10240xf32, #tpu.memory_space<hbm>>) target_semaphore(%run_scoped3A : memref<!tpu.dma_semaphore, #tpu.memory_space<semaphore_mem>>)
      %dma_wait3A = arith.constant 0 : i32
      %dma_wait3A_15 = tpu.memref_slice %arg5[%add3A, %dma_wait3A] : memref<32x10240xf32, #tpu.memory_space<hbm>> -> memref<1x10240xf32, #tpu.memory_space<hbm>>
      %dma_wait3A_16 = tpu.memref_squeeze %dma_wait3A_15 : memref<1x10240xf32, #tpu.memory_space<hbm>> -> memref<10240xf32, #tpu.memory_space<hbm>>
      %dma_wait3A_17 = arith.constant 0 : i32
      %dma_wait3A_18 = tpu.memref_slice %arg5[%add3A, %dma_wait3A_17] : memref<32x10240xf32, #tpu.memory_space<hbm>> -> memref<1x10240xf32, #tpu.memory_space<hbm>>
      %dma_wait3A_19 = tpu.memref_squeeze %dma_wait3A_18 : memref<1x10240xf32, #tpu.memory_space<hbm>> -> memref<10240xf32, #tpu.memory_space<hbm>>
      tpu.wait_dma2 semaphore(%run_scoped3A : memref<!tpu.dma_semaphore, #tpu.memory_space<semaphore_mem>>) src(%arg9 : memref<10240xf32, #tpu.memory_space<vmem>>) dst(%dma_wait3A_19 : memref<10240xf32, #tpu.memory_space<hbm>>)
      tpu.yield
    }) : () -> ()
    return
  }
}

#map = affine_map<(d0, d1) -> (0, 0)>
#map1 = affine_map<(d0, d1) -> (0, 0, 0)>
module attributes {stable_mosaic.version = 14 : i64} {
  func.func @edge_agg(%arg0: i32, %arg1: i32, %arg2: memref<10240x128xf32, #tpu.memory_space<hbm>>, %arg3: memref<32x80x128xi32, #tpu.memory_space<hbm>>, %arg4: memref<32x80x128xi32, #tpu.memory_space<hbm>>, %arg5: memref<128x128xf32, #tpu.memory_space<hbm>>, %arg6: memref<2x10240x128xf32, #tpu.memory_space<hbm>>, %arg7: memref<16x128xi32, #tpu.memory_space<vmem>>, %arg8: memref<16x128xi32, #tpu.memory_space<vmem>>, %arg9: memref<128x128xf32, #tpu.memory_space<vmem>>, %arg10: memref<128x128xf32, #tpu.memory_space<vmem>>, %arg11: memref<10240x128xf32, #tpu.memory_space<vmem_shared>>, %arg12: memref<!tpu.dma_semaphore, #tpu.memory_space<semaphore_mem>>, %arg13: memref<!tpu.dma_semaphore, #tpu.memory_space<semaphore_mem>>) attributes {dimension_semantics = [#tpu.dimension_semantics<core_parallel>, #tpu.dimension_semantics<subcore_parallel>], iteration_bounds = array<i64: 2, 16>, scalar_prefetch = 0 : i64, scratch_operands = 7 : i64, tpu.core_type = #tpu.core_type<sc_vector_subcore>, window_params = [{transform_indices = #map}, {transform_indices = #map1}, {transform_indices = #map1}, {transform_indices = #map}, {transform_indices = #map1}]} {
    %mul3A = arith.constant 2 : i32
    %mul3A_0 = arith.muli %arg1, %mul3A : i32
    %add3A = arith.addi %mul3A_0, %arg0 : i32
    "tpu.region"() ({
      %run_scoped3A = tpu.sem_alloc : memref<!tpu.dma_semaphore, #tpu.memory_space<semaphore_mem>>
      tpu.enqueue_dma source(%arg5 : memref<128x128xf32, #tpu.memory_space<hbm>>) target(%arg9 : memref<128x128xf32, #tpu.memory_space<vmem>>) target_semaphore(%run_scoped3A : memref<!tpu.dma_semaphore, #tpu.memory_space<semaphore_mem>>)
      tpu.wait_dma2 semaphore(%run_scoped3A : memref<!tpu.dma_semaphore, #tpu.memory_space<semaphore_mem>>) src(%arg5 : memref<128x128xf32, #tpu.memory_space<hbm>>) dst(%arg9 : memref<128x128xf32, #tpu.memory_space<vmem>>)
      tpu.yield
    }) : () -> ()
    %scan3A = arith.constant 0 : i32
    %scan3A_1 = arith.constant 5 : i32
    %scan3A_2 = arith.addi %scan3A, %scan3A_1 : i32
    %scan3A_3 = arith.constant 1 : i32
    scf.for %scan3A_16 = %scan3A to %scan3A_2 step %scan3A_3  : i32 {
      %mul3A_17 = arith.constant 640 : i32
      %mul3A_18 = arith.muli %arg1, %mul3A_17 : i32
      %mul3A_19 = arith.constant 128 : i32
      %mul3A_20 = arith.muli %scan3A_16, %mul3A_19 : i32
      %add3A_21 = arith.addi %mul3A_18, %mul3A_20 : i32
      "tpu.region"() ({
        %run_scoped3A = tpu.sem_alloc : memref<!tpu.dma_semaphore, #tpu.memory_space<semaphore_mem>>
        %dma_start3A = arith.constant 0 : i32
        %dma_start3A_22 = tpu.memref_slice %arg11[%add3A_21, %dma_start3A] : memref<10240x128xf32, #tpu.memory_space<vmem_shared>> -> memref<128x128xf32, #tpu.memory_space<vmem_shared>>
        %dma_start3A_23 = arith.constant 0 : i32
        %dma_start3A_24 = tpu.memref_slice %arg11[%add3A_21, %dma_start3A_23] : memref<10240x128xf32, #tpu.memory_space<vmem_shared>> -> memref<128x128xf32, #tpu.memory_space<vmem_shared>>
        tpu.enqueue_dma source(%arg9 : memref<128x128xf32, #tpu.memory_space<vmem>>) target(%dma_start3A_24 : memref<128x128xf32, #tpu.memory_space<vmem_shared>>) target_semaphore(%run_scoped3A : memref<!tpu.dma_semaphore, #tpu.memory_space<semaphore_mem>>)
        %dma_wait3A = arith.constant 0 : i32
        %dma_wait3A_25 = tpu.memref_slice %arg11[%add3A_21, %dma_wait3A] : memref<10240x128xf32, #tpu.memory_space<vmem_shared>> -> memref<128x128xf32, #tpu.memory_space<vmem_shared>>
        %dma_wait3A_26 = arith.constant 0 : i32
        %dma_wait3A_27 = tpu.memref_slice %arg11[%add3A_21, %dma_wait3A_26] : memref<10240x128xf32, #tpu.memory_space<vmem_shared>> -> memref<128x128xf32, #tpu.memory_space<vmem_shared>>
        tpu.wait_dma2 semaphore(%run_scoped3A : memref<!tpu.dma_semaphore, #tpu.memory_space<semaphore_mem>>) src(%arg9 : memref<128x128xf32, #tpu.memory_space<vmem>>) dst(%dma_wait3A_27 : memref<128x128xf32, #tpu.memory_space<vmem_shared>>)
        tpu.yield
      }) : () -> ()
    }
    %scan3A_4 = arith.constant 5 : i32
    %barrier3A = arith.constant 0 : index
    tpu.barrier barrier_id(%barrier3A)
    %scan3A_5 = arith.constant 0 : i32
    %scan3A_6 = arith.constant 5 : i32
    %scan3A_7 = arith.addi %scan3A_5, %scan3A_6 : i32
    %scan3A_8 = arith.constant 1 : i32
    scf.for %scan3A_16 = %scan3A_5 to %scan3A_7 step %scan3A_8  : i32 {
      %mul3A_17 = arith.constant 16 : i32
      %mul3A_18 = arith.muli %scan3A_16, %mul3A_17 : i32
      "tpu.region"() ({
        %run_scoped3A = tpu.sem_alloc : memref<!tpu.dma_semaphore, #tpu.memory_space<semaphore_mem>>
        %dma_start3A_37 = arith.constant 0 : i32
        %dma_start3A_38 = tpu.memref_slice %arg3[%add3A, %mul3A_18, %dma_start3A_37] : memref<32x80x128xi32, #tpu.memory_space<hbm>> -> memref<1x16x128xi32, #tpu.memory_space<hbm>>
        %dma_start3A_39 = tpu.memref_squeeze %dma_start3A_38 : memref<1x16x128xi32, #tpu.memory_space<hbm>> -> memref<16x128xi32, #tpu.memory_space<hbm>>
        %dma_start3A_40 = arith.constant 0 : i32
        %dma_start3A_41 = tpu.memref_slice %arg3[%add3A, %mul3A_18, %dma_start3A_40] : memref<32x80x128xi32, #tpu.memory_space<hbm>> -> memref<1x16x128xi32, #tpu.memory_space<hbm>>
        %dma_start3A_42 = tpu.memref_squeeze %dma_start3A_41 : memref<1x16x128xi32, #tpu.memory_space<hbm>> -> memref<16x128xi32, #tpu.memory_space<hbm>>
        tpu.enqueue_dma source(%dma_start3A_42 : memref<16x128xi32, #tpu.memory_space<hbm>>) target(%arg7 : memref<16x128xi32, #tpu.memory_space<vmem>>) target_semaphore(%run_scoped3A : memref<!tpu.dma_semaphore, #tpu.memory_space<semaphore_mem>>)
        %dma_wait3A_43 = arith.constant 0 : i32
        %dma_wait3A_44 = tpu.memref_slice %arg3[%add3A, %mul3A_18, %dma_wait3A_43] : memref<32x80x128xi32, #tpu.memory_space<hbm>> -> memref<1x16x128xi32, #tpu.memory_space<hbm>>
        %dma_wait3A_45 = tpu.memref_squeeze %dma_wait3A_44 : memref<1x16x128xi32, #tpu.memory_space<hbm>> -> memref<16x128xi32, #tpu.memory_space<hbm>>
        %dma_wait3A_46 = arith.constant 0 : i32
        %dma_wait3A_47 = tpu.memref_slice %arg3[%add3A, %mul3A_18, %dma_wait3A_46] : memref<32x80x128xi32, #tpu.memory_space<hbm>> -> memref<1x16x128xi32, #tpu.memory_space<hbm>>
        %dma_wait3A_48 = tpu.memref_squeeze %dma_wait3A_47 : memref<1x16x128xi32, #tpu.memory_space<hbm>> -> memref<16x128xi32, #tpu.memory_space<hbm>>
        tpu.wait_dma2 semaphore(%run_scoped3A : memref<!tpu.dma_semaphore, #tpu.memory_space<semaphore_mem>>) src(%dma_wait3A_48 : memref<16x128xi32, #tpu.memory_space<hbm>>) dst(%arg7 : memref<16x128xi32, #tpu.memory_space<vmem>>)
        tpu.yield
      }) : () -> ()
      %mul3A_19 = arith.constant 16 : i32
      %mul3A_20 = arith.muli %scan3A_16, %mul3A_19 : i32
      "tpu.region"() ({
        %run_scoped3A = tpu.sem_alloc : memref<!tpu.dma_semaphore, #tpu.memory_space<semaphore_mem>>
        %dma_start3A_37 = arith.constant 0 : i32
        %dma_start3A_38 = tpu.memref_slice %arg4[%add3A, %mul3A_20, %dma_start3A_37] : memref<32x80x128xi32, #tpu.memory_space<hbm>> -> memref<1x16x128xi32, #tpu.memory_space<hbm>>
        %dma_start3A_39 = tpu.memref_squeeze %dma_start3A_38 : memref<1x16x128xi32, #tpu.memory_space<hbm>> -> memref<16x128xi32, #tpu.memory_space<hbm>>
        %dma_start3A_40 = arith.constant 0 : i32
        %dma_start3A_41 = tpu.memref_slice %arg4[%add3A, %mul3A_20, %dma_start3A_40] : memref<32x80x128xi32, #tpu.memory_space<hbm>> -> memref<1x16x128xi32, #tpu.memory_space<hbm>>
        %dma_start3A_42 = tpu.memref_squeeze %dma_start3A_41 : memref<1x16x128xi32, #tpu.memory_space<hbm>> -> memref<16x128xi32, #tpu.memory_space<hbm>>
        tpu.enqueue_dma source(%dma_start3A_42 : memref<16x128xi32, #tpu.memory_space<hbm>>) target(%arg8 : memref<16x128xi32, #tpu.memory_space<vmem>>) target_semaphore(%run_scoped3A : memref<!tpu.dma_semaphore, #tpu.memory_space<semaphore_mem>>)
        %dma_wait3A_43 = arith.constant 0 : i32
        %dma_wait3A_44 = tpu.memref_slice %arg4[%add3A, %mul3A_20, %dma_wait3A_43] : memref<32x80x128xi32, #tpu.memory_space<hbm>> -> memref<1x16x128xi32, #tpu.memory_space<hbm>>
        %dma_wait3A_45 = tpu.memref_squeeze %dma_wait3A_44 : memref<1x16x128xi32, #tpu.memory_space<hbm>> -> memref<16x128xi32, #tpu.memory_space<hbm>>
        %dma_wait3A_46 = arith.constant 0 : i32
        %dma_wait3A_47 = tpu.memref_slice %arg4[%add3A, %mul3A_20, %dma_wait3A_46] : memref<32x80x128xi32, #tpu.memory_space<hbm>> -> memref<1x16x128xi32, #tpu.memory_space<hbm>>
        %dma_wait3A_48 = tpu.memref_squeeze %dma_wait3A_47 : memref<1x16x128xi32, #tpu.memory_space<hbm>> -> memref<16x128xi32, #tpu.memory_space<hbm>>
        tpu.wait_dma2 semaphore(%run_scoped3A : memref<!tpu.dma_semaphore, #tpu.memory_space<semaphore_mem>>) src(%dma_wait3A_48 : memref<16x128xi32, #tpu.memory_space<hbm>>) dst(%arg8 : memref<16x128xi32, #tpu.memory_space<vmem>>)
        tpu.yield
      }) : () -> ()
      %dma_start3A = arith.constant 0 : i32
      %dma_start3A_21 = arith.constant 0 : i32
      %dma_start3A_22 = tpu.memref_slice %arg7[%dma_start3A, %dma_start3A_21] : memref<16x128xi32, #tpu.memory_space<vmem>> -> memref<1x128xi32, #tpu.memory_space<vmem>>
      %dma_start3A_23 = tpu.memref_squeeze %dma_start3A_22 : memref<1x128xi32, #tpu.memory_space<vmem>> -> memref<128xi32, #tpu.memory_space<vmem>>
      %dma_start3A_24 = arith.constant 0 : i32
      %dma_start3A_25 = arith.constant 0 : i32
      %dma_start3A_26 = tpu.memref_slice %arg2[%dma_start3A_24, %dma_start3A_25] : memref<10240x128xf32, #tpu.memory_space<hbm>> -> memref<10240x128xf32, #tpu.memory_space<hbm>>
      tpu.enqueue_indirect_dma source(%dma_start3A_26 : memref<10240x128xf32, #tpu.memory_space<hbm>>) target(%arg9 : memref<128x128xf32, #tpu.memory_space<vmem>>) offsets(%dma_start3A_23 : memref<128xi32, #tpu.memory_space<vmem>>) semaphore(%arg12 : memref<!tpu.dma_semaphore, #tpu.memory_space<semaphore_mem>>)
      %scan3A_27 = arith.constant 0 : i32
      %scan3A_28 = arith.constant 8 : i32
      %scan3A_29 = arith.addi %scan3A_27, %scan3A_28 : i32
      %scan3A_30 = arith.constant 1 : i32
      scf.for %scan3A_37 = %scan3A_27 to %scan3A_29 step %scan3A_30  : i32 {
        %dma_wait3A_38 = arith.constant 0 : i32
        %dma_wait3A_39 = arith.constant 0 : i32
        %dma_wait3A_40 = tpu.memref_slice %arg2[%dma_wait3A_38, %dma_wait3A_39] : memref<10240x128xf32, #tpu.memory_space<hbm>> -> memref<128x128xf32, #tpu.memory_space<hbm>>
        %dma_wait3A_41 = arith.constant 0 : i32
        %dma_wait3A_42 = arith.constant 0 : i32
        %dma_wait3A_43 = tpu.memref_slice %arg2[%dma_wait3A_41, %dma_wait3A_42] : memref<10240x128xf32, #tpu.memory_space<hbm>> -> memref<128x128xf32, #tpu.memory_space<hbm>>
        tpu.wait_dma2 semaphore(%arg12 : memref<!tpu.dma_semaphore, #tpu.memory_space<semaphore_mem>>) src(%dma_wait3A_43 : memref<128x128xf32, #tpu.memory_space<hbm>>) dst(%arg9 : memref<128x128xf32, #tpu.memory_space<vmem>>)
        %mul3A_44 = arith.constant 2 : i32
        %mul3A_45 = arith.muli %mul3A_44, %scan3A_37 : i32
        %add3A_46 = arith.constant 1 : i32
        %add3A_47 = arith.addi %mul3A_45, %add3A_46 : i32
        %dma_start3A_48 = arith.constant 0 : i32
        %dma_start3A_49 = tpu.memref_slice %arg7[%add3A_47, %dma_start3A_48] : memref<16x128xi32, #tpu.memory_space<vmem>> -> memref<1x128xi32, #tpu.memory_space<vmem>>
        %dma_start3A_50 = tpu.memref_squeeze %dma_start3A_49 : memref<1x128xi32, #tpu.memory_space<vmem>> -> memref<128xi32, #tpu.memory_space<vmem>>
        %dma_start3A_51 = arith.constant 0 : i32
        %dma_start3A_52 = arith.constant 0 : i32
        %dma_start3A_53 = tpu.memref_slice %arg2[%dma_start3A_51, %dma_start3A_52] : memref<10240x128xf32, #tpu.memory_space<hbm>> -> memref<10240x128xf32, #tpu.memory_space<hbm>>
        tpu.enqueue_indirect_dma source(%dma_start3A_53 : memref<10240x128xf32, #tpu.memory_space<hbm>>) target(%arg10 : memref<128x128xf32, #tpu.memory_space<vmem>>) offsets(%dma_start3A_50 : memref<128xi32, #tpu.memory_space<vmem>>) semaphore(%arg13 : memref<!tpu.dma_semaphore, #tpu.memory_space<semaphore_mem>>)
        %mul3A_54 = arith.constant 2 : i32
        %mul3A_55 = arith.muli %mul3A_54, %scan3A_37 : i32
        "tpu.region"() ({
          %run_scoped3A = tpu.sem_alloc : memref<!tpu.dma_semaphore, #tpu.memory_space<semaphore_mem>>
          %dma_start3A_77 = arith.constant 0 : i32
          %dma_start3A_78 = tpu.memref_slice %arg8[%mul3A_55, %dma_start3A_77] : memref<16x128xi32, #tpu.memory_space<vmem>> -> memref<1x128xi32, #tpu.memory_space<vmem>>
          %dma_start3A_79 = tpu.memref_squeeze %dma_start3A_78 : memref<1x128xi32, #tpu.memory_space<vmem>> -> memref<128xi32, #tpu.memory_space<vmem>>
          %dma_start3A_80 = arith.constant 0 : i32
          %dma_start3A_81 = arith.constant 0 : i32
          %dma_start3A_82 = tpu.memref_slice %arg11[%dma_start3A_80, %dma_start3A_81] : memref<10240x128xf32, #tpu.memory_space<vmem_shared>> -> memref<10240x128xf32, #tpu.memory_space<vmem_shared>>
          tpu.enqueue_indirect_dma source(%arg9 : memref<128x128xf32, #tpu.memory_space<vmem>>) target(%dma_start3A_82 : memref<10240x128xf32, #tpu.memory_space<vmem_shared>>) offsets(%dma_start3A_79 : memref<128xi32, #tpu.memory_space<vmem>>) semaphore(%run_scoped3A : memref<!tpu.dma_semaphore, #tpu.memory_space<semaphore_mem>>) {add = true}
          %dma_wait3A_83 = arith.constant 0 : i32
          %dma_wait3A_84 = tpu.memref_slice %arg8[%mul3A_55, %dma_wait3A_83] : memref<16x128xi32, #tpu.memory_space<vmem>> -> memref<1x128xi32, #tpu.memory_space<vmem>>
          %dma_wait3A_85 = tpu.memref_squeeze %dma_wait3A_84 : memref<1x128xi32, #tpu.memory_space<vmem>> -> memref<128xi32, #tpu.memory_space<vmem>>
          %dma_wait3A_86 = arith.constant 0 : i32
          %dma_wait3A_87 = arith.constant 0 : i32
          %dma_wait3A_88 = tpu.memref_slice %arg11[%dma_wait3A_86, %dma_wait3A_87] : memref<10240x128xf32, #tpu.memory_space<vmem_shared>> -> memref<10240x128xf32, #tpu.memory_space<vmem_shared>>
          tpu.wait_indirect_dma semaphore(%run_scoped3A : memref<!tpu.dma_semaphore, #tpu.memory_space<semaphore_mem>>) src(%arg9 : memref<128x128xf32, #tpu.memory_space<vmem>>) dst(%dma_wait3A_88 : memref<10240x128xf32, #tpu.memory_space<vmem_shared>>)
          tpu.yield
        }) : () -> ()
        %dma_wait3A_56 = arith.constant 0 : i32
        %dma_wait3A_57 = arith.constant 0 : i32
        %dma_wait3A_58 = tpu.memref_slice %arg2[%dma_wait3A_56, %dma_wait3A_57] : memref<10240x128xf32, #tpu.memory_space<hbm>> -> memref<128x128xf32, #tpu.memory_space<hbm>>
        %dma_wait3A_59 = arith.constant 0 : i32
        %dma_wait3A_60 = arith.constant 0 : i32
        %dma_wait3A_61 = tpu.memref_slice %arg2[%dma_wait3A_59, %dma_wait3A_60] : memref<10240x128xf32, #tpu.memory_space<hbm>> -> memref<128x128xf32, #tpu.memory_space<hbm>>
        tpu.wait_dma2 semaphore(%arg13 : memref<!tpu.dma_semaphore, #tpu.memory_space<semaphore_mem>>) src(%dma_wait3A_61 : memref<128x128xf32, #tpu.memory_space<hbm>>) dst(%arg10 : memref<128x128xf32, #tpu.memory_space<vmem>>)
        %mul3A_62 = arith.constant 2 : i32
        %mul3A_63 = arith.muli %mul3A_62, %scan3A_37 : i32
        %add3A_64 = arith.constant 2 : i32
        %add3A_65 = arith.addi %mul3A_63, %add3A_64 : i32
        %min3A = arith.constant 15 : i32
        %min3A_66 = arith.minsi %add3A_65, %min3A : i32
        %dma_start3A_67 = arith.constant 0 : i32
        %dma_start3A_68 = tpu.memref_slice %arg7[%min3A_66, %dma_start3A_67] : memref<16x128xi32, #tpu.memory_space<vmem>> -> memref<1x128xi32, #tpu.memory_space<vmem>>
        %dma_start3A_69 = tpu.memref_squeeze %dma_start3A_68 : memref<1x128xi32, #tpu.memory_space<vmem>> -> memref<128xi32, #tpu.memory_space<vmem>>
        %dma_start3A_70 = arith.constant 0 : i32
        %dma_start3A_71 = arith.constant 0 : i32
        %dma_start3A_72 = tpu.memref_slice %arg2[%dma_start3A_70, %dma_start3A_71] : memref<10240x128xf32, #tpu.memory_space<hbm>> -> memref<10240x128xf32, #tpu.memory_space<hbm>>
        tpu.enqueue_indirect_dma source(%dma_start3A_72 : memref<10240x128xf32, #tpu.memory_space<hbm>>) target(%arg9 : memref<128x128xf32, #tpu.memory_space<vmem>>) offsets(%dma_start3A_69 : memref<128xi32, #tpu.memory_space<vmem>>) semaphore(%arg12 : memref<!tpu.dma_semaphore, #tpu.memory_space<semaphore_mem>>)
        %mul3A_73 = arith.constant 2 : i32
        %mul3A_74 = arith.muli %mul3A_73, %scan3A_37 : i32
        %add3A_75 = arith.constant 1 : i32
        %add3A_76 = arith.addi %mul3A_74, %add3A_75 : i32
        "tpu.region"() ({
          %run_scoped3A = tpu.sem_alloc : memref<!tpu.dma_semaphore, #tpu.memory_space<semaphore_mem>>
          %dma_start3A_77 = arith.constant 0 : i32
          %dma_start3A_78 = tpu.memref_slice %arg8[%add3A_76, %dma_start3A_77] : memref<16x128xi32, #tpu.memory_space<vmem>> -> memref<1x128xi32, #tpu.memory_space<vmem>>
          %dma_start3A_79 = tpu.memref_squeeze %dma_start3A_78 : memref<1x128xi32, #tpu.memory_space<vmem>> -> memref<128xi32, #tpu.memory_space<vmem>>
          %dma_start3A_80 = arith.constant 0 : i32
          %dma_start3A_81 = arith.constant 0 : i32
          %dma_start3A_82 = tpu.memref_slice %arg11[%dma_start3A_80, %dma_start3A_81] : memref<10240x128xf32, #tpu.memory_space<vmem_shared>> -> memref<10240x128xf32, #tpu.memory_space<vmem_shared>>
          tpu.enqueue_indirect_dma source(%arg10 : memref<128x128xf32, #tpu.memory_space<vmem>>) target(%dma_start3A_82 : memref<10240x128xf32, #tpu.memory_space<vmem_shared>>) offsets(%dma_start3A_79 : memref<128xi32, #tpu.memory_space<vmem>>) semaphore(%run_scoped3A : memref<!tpu.dma_semaphore, #tpu.memory_space<semaphore_mem>>) {add = true}
          %dma_wait3A_83 = arith.constant 0 : i32
          %dma_wait3A_84 = tpu.memref_slice %arg8[%add3A_76, %dma_wait3A_83] : memref<16x128xi32, #tpu.memory_space<vmem>> -> memref<1x128xi32, #tpu.memory_space<vmem>>
          %dma_wait3A_85 = tpu.memref_squeeze %dma_wait3A_84 : memref<1x128xi32, #tpu.memory_space<vmem>> -> memref<128xi32, #tpu.memory_space<vmem>>
          %dma_wait3A_86 = arith.constant 0 : i32
          %dma_wait3A_87 = arith.constant 0 : i32
          %dma_wait3A_88 = tpu.memref_slice %arg11[%dma_wait3A_86, %dma_wait3A_87] : memref<10240x128xf32, #tpu.memory_space<vmem_shared>> -> memref<10240x128xf32, #tpu.memory_space<vmem_shared>>
          tpu.wait_indirect_dma semaphore(%run_scoped3A : memref<!tpu.dma_semaphore, #tpu.memory_space<semaphore_mem>>) src(%arg10 : memref<128x128xf32, #tpu.memory_space<vmem>>) dst(%dma_wait3A_88 : memref<10240x128xf32, #tpu.memory_space<vmem_shared>>)
          tpu.yield
        }) : () -> ()
      }
      %scan3A_31 = arith.constant 8 : i32
      %dma_wait3A = arith.constant 0 : i32
      %dma_wait3A_32 = arith.constant 0 : i32
      %dma_wait3A_33 = tpu.memref_slice %arg2[%dma_wait3A, %dma_wait3A_32] : memref<10240x128xf32, #tpu.memory_space<hbm>> -> memref<128x128xf32, #tpu.memory_space<hbm>>
      %dma_wait3A_34 = arith.constant 0 : i32
      %dma_wait3A_35 = arith.constant 0 : i32
      %dma_wait3A_36 = tpu.memref_slice %arg2[%dma_wait3A_34, %dma_wait3A_35] : memref<10240x128xf32, #tpu.memory_space<hbm>> -> memref<128x128xf32, #tpu.memory_space<hbm>>
      tpu.wait_dma2 semaphore(%arg12 : memref<!tpu.dma_semaphore, #tpu.memory_space<semaphore_mem>>) src(%dma_wait3A_36 : memref<128x128xf32, #tpu.memory_space<hbm>>) dst(%arg9 : memref<128x128xf32, #tpu.memory_space<vmem>>)
    }
    %scan3A_9 = arith.constant 5 : i32
    %barrier3A_10 = arith.constant 0 : index
    tpu.barrier barrier_id(%barrier3A_10)
    %scan3A_11 = arith.constant 0 : i32
    %scan3A_12 = arith.constant 5 : i32
    %scan3A_13 = arith.addi %scan3A_11, %scan3A_12 : i32
    %scan3A_14 = arith.constant 1 : i32
    scf.for %scan3A_16 = %scan3A_11 to %scan3A_13 step %scan3A_14  : i32 {
      %mul3A_17 = arith.constant 640 : i32
      %mul3A_18 = arith.muli %arg1, %mul3A_17 : i32
      %mul3A_19 = arith.constant 128 : i32
      %mul3A_20 = arith.muli %scan3A_16, %mul3A_19 : i32
      %add3A_21 = arith.addi %mul3A_18, %mul3A_20 : i32
      "tpu.region"() ({
        %run_scoped3A = tpu.sem_alloc : memref<!tpu.dma_semaphore, #tpu.memory_space<semaphore_mem>>
        %dma_start3A = arith.constant 0 : i32
        %dma_start3A_27 = tpu.memref_slice %arg11[%add3A_21, %dma_start3A] : memref<10240x128xf32, #tpu.memory_space<vmem_shared>> -> memref<128x128xf32, #tpu.memory_space<vmem_shared>>
        %dma_start3A_28 = arith.constant 0 : i32
        %dma_start3A_29 = tpu.memref_slice %arg11[%add3A_21, %dma_start3A_28] : memref<10240x128xf32, #tpu.memory_space<vmem_shared>> -> memref<128x128xf32, #tpu.memory_space<vmem_shared>>
        tpu.enqueue_dma source(%dma_start3A_29 : memref<128x128xf32, #tpu.memory_space<vmem_shared>>) target(%arg9 : memref<128x128xf32, #tpu.memory_space<vmem>>) target_semaphore(%run_scoped3A : memref<!tpu.dma_semaphore, #tpu.memory_space<semaphore_mem>>)
        %dma_wait3A = arith.constant 0 : i32
        %dma_wait3A_30 = tpu.memref_slice %arg11[%add3A_21, %dma_wait3A] : memref<10240x128xf32, #tpu.memory_space<vmem_shared>> -> memref<128x128xf32, #tpu.memory_space<vmem_shared>>
        %dma_wait3A_31 = arith.constant 0 : i32
        %dma_wait3A_32 = tpu.memref_slice %arg11[%add3A_21, %dma_wait3A_31] : memref<10240x128xf32, #tpu.memory_space<vmem_shared>> -> memref<128x128xf32, #tpu.memory_space<vmem_shared>>
        tpu.wait_dma2 semaphore(%run_scoped3A : memref<!tpu.dma_semaphore, #tpu.memory_space<semaphore_mem>>) src(%dma_wait3A_32 : memref<128x128xf32, #tpu.memory_space<vmem_shared>>) dst(%arg9 : memref<128x128xf32, #tpu.memory_space<vmem>>)
        tpu.yield
      }) : () -> ()
      %mul3A_22 = arith.constant 640 : i32
      %mul3A_23 = arith.muli %arg1, %mul3A_22 : i32
      %mul3A_24 = arith.constant 128 : i32
      %mul3A_25 = arith.muli %scan3A_16, %mul3A_24 : i32
      %add3A_26 = arith.addi %mul3A_23, %mul3A_25 : i32
      "tpu.region"() ({
        %run_scoped3A = tpu.sem_alloc : memref<!tpu.dma_semaphore, #tpu.memory_space<semaphore_mem>>
        %dma_start3A = arith.constant 0 : i32
        %dma_start3A_27 = tpu.memref_slice %arg6[%arg0, %add3A_26, %dma_start3A] : memref<2x10240x128xf32, #tpu.memory_space<hbm>> -> memref<1x128x128xf32, #tpu.memory_space<hbm>>
        %dma_start3A_28 = tpu.memref_squeeze %dma_start3A_27 : memref<1x128x128xf32, #tpu.memory_space<hbm>> -> memref<128x128xf32, #tpu.memory_space<hbm>>
        %dma_start3A_29 = arith.constant 0 : i32
        %dma_start3A_30 = tpu.memref_slice %arg6[%arg0, %add3A_26, %dma_start3A_29] : memref<2x10240x128xf32, #tpu.memory_space<hbm>> -> memref<1x128x128xf32, #tpu.memory_space<hbm>>
        %dma_start3A_31 = tpu.memref_squeeze %dma_start3A_30 : memref<1x128x128xf32, #tpu.memory_space<hbm>> -> memref<128x128xf32, #tpu.memory_space<hbm>>
        tpu.enqueue_dma source(%arg9 : memref<128x128xf32, #tpu.memory_space<vmem>>) target(%dma_start3A_31 : memref<128x128xf32, #tpu.memory_space<hbm>>) target_semaphore(%run_scoped3A : memref<!tpu.dma_semaphore, #tpu.memory_space<semaphore_mem>>)
        %dma_wait3A = arith.constant 0 : i32
        %dma_wait3A_32 = tpu.memref_slice %arg6[%arg0, %add3A_26, %dma_wait3A] : memref<2x10240x128xf32, #tpu.memory_space<hbm>> -> memref<1x128x128xf32, #tpu.memory_space<hbm>>
        %dma_wait3A_33 = tpu.memref_squeeze %dma_wait3A_32 : memref<1x128x128xf32, #tpu.memory_space<hbm>> -> memref<128x128xf32, #tpu.memory_space<hbm>>
        %dma_wait3A_34 = arith.constant 0 : i32
        %dma_wait3A_35 = tpu.memref_slice %arg6[%arg0, %add3A_26, %dma_wait3A_34] : memref<2x10240x128xf32, #tpu.memory_space<hbm>> -> memref<1x128x128xf32, #tpu.memory_space<hbm>>
        %dma_wait3A_36 = tpu.memref_squeeze %dma_wait3A_35 : memref<1x128x128xf32, #tpu.memory_space<hbm>> -> memref<128x128xf32, #tpu.memory_space<hbm>>
        tpu.wait_dma2 semaphore(%run_scoped3A : memref<!tpu.dma_semaphore, #tpu.memory_space<semaphore_mem>>) src(%arg9 : memref<128x128xf32, #tpu.memory_space<vmem>>) dst(%dma_wait3A_36 : memref<128x128xf32, #tpu.memory_space<hbm>>)
        tpu.yield
      }) : () -> ()
    }
    %scan3A_15 = arith.constant 5 : i32
    return
  }
}

#map = affine_map<(d0, d1) -> (0, 0)>
#map1 = affine_map<(d0, d1) -> (0)>
module attributes {stable_mosaic.version = 14 : i64} {
  func.func @deg_part(%arg0: i32, %arg1: i32, %arg2: memref<32x10240xi32, #tpu.memory_space<hbm>>, %arg3: memref<32x10240xi32, #tpu.memory_space<hbm>>, %arg4: memref<10240xf32, #tpu.memory_space<hbm>>, %arg5: memref<32x10240xf32, #tpu.memory_space<hbm>>, %arg6: memref<10240xi32, #tpu.memory_space<vmem>>, %arg7: memref<10240xi32, #tpu.memory_space<vmem>>, %arg8: memref<10240xf32, #tpu.memory_space<vmem>>, %arg9: memref<10240xf32, #tpu.memory_space<vmem>>) attributes {dimension_semantics = [#tpu.dimension_semantics<core_parallel>, #tpu.dimension_semantics<subcore_parallel>], iteration_bounds = array<i64: 2, 16>, scalar_prefetch = 0 : i64, scratch_operands = 4 : i64, tpu.core_type = #tpu.core_type<sc_vector_subcore>, window_params = [{transform_indices = #map}, {transform_indices = #map}, {transform_indices = #map1}, {transform_indices = #map}]} {
    %mul3A = arith.constant 2 : i32
    %mul3A_0 = arith.muli %arg1, %mul3A : i32
    %add3A = arith.addi %mul3A_0, %arg0 : i32
    "tpu.region"() ({
      %run_scoped3A = tpu.sem_alloc : memref<!tpu.dma_semaphore, #tpu.memory_space<semaphore_mem>>
      %dma_start3A = arith.constant 0 : i32
      %dma_start3A_10 = tpu.memref_slice %arg2[%add3A, %dma_start3A] : memref<32x10240xi32, #tpu.memory_space<hbm>> -> memref<1x10240xi32, #tpu.memory_space<hbm>>
      %dma_start3A_11 = tpu.memref_squeeze %dma_start3A_10 : memref<1x10240xi32, #tpu.memory_space<hbm>> -> memref<10240xi32, #tpu.memory_space<hbm>>
      %dma_start3A_12 = arith.constant 0 : i32
      %dma_start3A_13 = tpu.memref_slice %arg2[%add3A, %dma_start3A_12] : memref<32x10240xi32, #tpu.memory_space<hbm>> -> memref<1x10240xi32, #tpu.memory_space<hbm>>
      %dma_start3A_14 = tpu.memref_squeeze %dma_start3A_13 : memref<1x10240xi32, #tpu.memory_space<hbm>> -> memref<10240xi32, #tpu.memory_space<hbm>>
      tpu.enqueue_dma source(%dma_start3A_14 : memref<10240xi32, #tpu.memory_space<hbm>>) target(%arg6 : memref<10240xi32, #tpu.memory_space<vmem>>) target_semaphore(%run_scoped3A : memref<!tpu.dma_semaphore, #tpu.memory_space<semaphore_mem>>)
      %dma_wait3A = arith.constant 0 : i32
      %dma_wait3A_15 = tpu.memref_slice %arg2[%add3A, %dma_wait3A] : memref<32x10240xi32, #tpu.memory_space<hbm>> -> memref<1x10240xi32, #tpu.memory_space<hbm>>
      %dma_wait3A_16 = tpu.memref_squeeze %dma_wait3A_15 : memref<1x10240xi32, #tpu.memory_space<hbm>> -> memref<10240xi32, #tpu.memory_space<hbm>>
      %dma_wait3A_17 = arith.constant 0 : i32
      %dma_wait3A_18 = tpu.memref_slice %arg2[%add3A, %dma_wait3A_17] : memref<32x10240xi32, #tpu.memory_space<hbm>> -> memref<1x10240xi32, #tpu.memory_space<hbm>>
      %dma_wait3A_19 = tpu.memref_squeeze %dma_wait3A_18 : memref<1x10240xi32, #tpu.memory_space<hbm>> -> memref<10240xi32, #tpu.memory_space<hbm>>
      tpu.wait_dma2 semaphore(%run_scoped3A : memref<!tpu.dma_semaphore, #tpu.memory_space<semaphore_mem>>) src(%dma_wait3A_19 : memref<10240xi32, #tpu.memory_space<hbm>>) dst(%arg6 : memref<10240xi32, #tpu.memory_space<vmem>>)
      tpu.yield
    }) : () -> ()
    "tpu.region"() ({
      %run_scoped3A = tpu.sem_alloc : memref<!tpu.dma_semaphore, #tpu.memory_space<semaphore_mem>>
      %dma_start3A = arith.constant 0 : i32
      %dma_start3A_10 = tpu.memref_slice %arg3[%add3A, %dma_start3A] : memref<32x10240xi32, #tpu.memory_space<hbm>> -> memref<1x10240xi32, #tpu.memory_space<hbm>>
      %dma_start3A_11 = tpu.memref_squeeze %dma_start3A_10 : memref<1x10240xi32, #tpu.memory_space<hbm>> -> memref<10240xi32, #tpu.memory_space<hbm>>
      %dma_start3A_12 = arith.constant 0 : i32
      %dma_start3A_13 = tpu.memref_slice %arg3[%add3A, %dma_start3A_12] : memref<32x10240xi32, #tpu.memory_space<hbm>> -> memref<1x10240xi32, #tpu.memory_space<hbm>>
      %dma_start3A_14 = tpu.memref_squeeze %dma_start3A_13 : memref<1x10240xi32, #tpu.memory_space<hbm>> -> memref<10240xi32, #tpu.memory_space<hbm>>
      tpu.enqueue_dma source(%dma_start3A_14 : memref<10240xi32, #tpu.memory_space<hbm>>) target(%arg7 : memref<10240xi32, #tpu.memory_space<vmem>>) target_semaphore(%run_scoped3A : memref<!tpu.dma_semaphore, #tpu.memory_space<semaphore_mem>>)
      %dma_wait3A = arith.constant 0 : i32
      %dma_wait3A_15 = tpu.memref_slice %arg3[%add3A, %dma_wait3A] : memref<32x10240xi32, #tpu.memory_space<hbm>> -> memref<1x10240xi32, #tpu.memory_space<hbm>>
      %dma_wait3A_16 = tpu.memref_squeeze %dma_wait3A_15 : memref<1x10240xi32, #tpu.memory_space<hbm>> -> memref<10240xi32, #tpu.memory_space<hbm>>
      %dma_wait3A_17 = arith.constant 0 : i32
      %dma_wait3A_18 = tpu.memref_slice %arg3[%add3A, %dma_wait3A_17] : memref<32x10240xi32, #tpu.memory_space<hbm>> -> memref<1x10240xi32, #tpu.memory_space<hbm>>
      %dma_wait3A_19 = tpu.memref_squeeze %dma_wait3A_18 : memref<1x10240xi32, #tpu.memory_space<hbm>> -> memref<10240xi32, #tpu.memory_space<hbm>>
      tpu.wait_dma2 semaphore(%run_scoped3A : memref<!tpu.dma_semaphore, #tpu.memory_space<semaphore_mem>>) src(%dma_wait3A_19 : memref<10240xi32, #tpu.memory_space<hbm>>) dst(%arg7 : memref<10240xi32, #tpu.memory_space<vmem>>)
      tpu.yield
    }) : () -> ()
    "tpu.region"() ({
      %run_scoped3A = tpu.sem_alloc : memref<!tpu.dma_semaphore, #tpu.memory_space<semaphore_mem>>
      tpu.enqueue_dma source(%arg4 : memref<10240xf32, #tpu.memory_space<hbm>>) target(%arg8 : memref<10240xf32, #tpu.memory_space<vmem>>) target_semaphore(%run_scoped3A : memref<!tpu.dma_semaphore, #tpu.memory_space<semaphore_mem>>)
      tpu.wait_dma2 semaphore(%run_scoped3A : memref<!tpu.dma_semaphore, #tpu.memory_space<semaphore_mem>>) src(%arg4 : memref<10240xf32, #tpu.memory_space<hbm>>) dst(%arg8 : memref<10240xf32, #tpu.memory_space<vmem>>)
      tpu.yield
    }) : () -> ()
    %scan3A = arith.constant 0 : i32
    %scan3A_1 = arith.constant 640 : i32
    %scan3A_2 = arith.addi %scan3A, %scan3A_1 : i32
    %scan3A_3 = arith.constant 1 : i32
    scf.for %scan3A_10 = %scan3A to %scan3A_2 step %scan3A_3  : i32 {
      %broadcast_in_dim3A = arith.constant 0.000000e+00 : f32
      %broadcast_in_dim3A_11 = vector.broadcast %broadcast_in_dim3A : f32 to vector<16xf32>
      %mul3A_12 = arith.constant 16 : i32
      %mul3A_13 = arith.muli %scan3A_10, %mul3A_12 : i32
      %swap3A = arith.index_cast %mul3A_13 : i32 to index
      %swap3A_14 = tpu.vector_load %arg9[%swap3A] {strides = array<i32>} : memref<10240xf32, #tpu.memory_space<vmem>>, vector<16xf32>,
      tpu.vector_store %arg9[%swap3A], %broadcast_in_dim3A_11 {strides = array<i32>} : memref<10240xf32, #tpu.memory_space<vmem>>, vector<16xf32>,
    }
    %scan3A_4 = arith.constant 640 : i32
    %scan3A_5 = arith.constant 0 : i32
    %scan3A_6 = arith.constant 640 : i32
    %scan3A_7 = arith.addi %scan3A_5, %scan3A_6 : i32
    %scan3A_8 = arith.constant 1 : i32
    scf.for %scan3A_10 = %scan3A_5 to %scan3A_7 step %scan3A_8  : i32 {
      %mul3A_11 = arith.constant 16 : i32
      %mul3A_12 = arith.muli %scan3A_10, %mul3A_11 : i32
      %get3A = arith.index_cast %mul3A_12 : i32 to index
      %get3A_13 = tpu.vector_load %arg6[%get3A] {strides = array<i32>} : memref<10240xi32, #tpu.memory_space<vmem>>, vector<16xi32>,
      %mul3A_14 = arith.constant 16 : i32
      %mul3A_15 = arith.muli %scan3A_10, %mul3A_14 : i32
      %get3A_16 = arith.index_cast %mul3A_15 : i32 to index
      %get3A_17 = tpu.vector_load %arg7[%get3A_16] {strides = array<i32>} : memref<10240xi32, #tpu.memory_space<vmem>>, vector<16xi32>,
      %gather3A = tpu.vector_load_idx %arg8[%get3A_13] : memref<10240xf32, #tpu.memory_space<vmem>>[vector<16xi32>], vector<16xf32>,
      tpu.vector_store_idx %arg9[%get3A_17], %gather3A {add = true} : memref<10240xf32, #tpu.memory_space<vmem>>[vector<16xi32>], vector<16xf32>,
    }
    %scan3A_9 = arith.constant 640 : i32
    "tpu.region"() ({
      %run_scoped3A = tpu.sem_alloc : memref<!tpu.dma_semaphore, #tpu.memory_space<semaphore_mem>>
      %dma_start3A = arith.constant 0 : i32
      %dma_start3A_10 = tpu.memref_slice %arg5[%add3A, %dma_start3A] : memref<32x10240xf32, #tpu.memory_space<hbm>> -> memref<1x10240xf32, #tpu.memory_space<hbm>>
      %dma_start3A_11 = tpu.memref_squeeze %dma_start3A_10 : memref<1x10240xf32, #tpu.memory_space<hbm>> -> memref<10240xf32, #tpu.memory_space<hbm>>
      %dma_start3A_12 = arith.constant 0 : i32
      %dma_start3A_13 = tpu.memref_slice %arg5[%add3A, %dma_start3A_12] : memref<32x10240xf32, #tpu.memory_space<hbm>> -> memref<1x10240xf32, #tpu.memory_space<hbm>>
      %dma_start3A_14 = tpu.memref_squeeze %dma_start3A_13 : memref<1x10240xf32, #tpu.memory_space<hbm>> -> memref<10240xf32, #tpu.memory_space<hbm>>
      tpu.enqueue_dma source(%arg9 : memref<10240xf32, #tpu.memory_space<vmem>>) target(%dma_start3A_14 : memref<10240xf32, #tpu.memory_space<hbm>>) target_semaphore(%run_scoped3A : memref<!tpu.dma_semaphore, #tpu.memory_space<semaphore_mem>>)
      %dma_wait3A = arith.constant 0 : i32
      %dma_wait3A_15 = tpu.memref_slice %arg5[%add3A, %dma_wait3A] : memref<32x10240xf32, #tpu.memory_space<hbm>> -> memref<1x10240xf32, #tpu.memory_space<hbm>>
      %dma_wait3A_16 = tpu.memref_squeeze %dma_wait3A_15 : memref<1x10240xf32, #tpu.memory_space<hbm>> -> memref<10240xf32, #tpu.memory_space<hbm>>
      %dma_wait3A_17 = arith.constant 0 : i32
      %dma_wait3A_18 = tpu.memref_slice %arg5[%add3A, %dma_wait3A_17] : memref<32x10240xf32, #tpu.memory_space<hbm>> -> memref<1x10240xf32, #tpu.memory_space<hbm>>
      %dma_wait3A_19 = tpu.memref_squeeze %dma_wait3A_18 : memref<1x10240xf32, #tpu.memory_space<hbm>> -> memref<10240xf32, #tpu.memory_space<hbm>>
      tpu.wait_dma2 semaphore(%run_scoped3A : memref<!tpu.dma_semaphore, #tpu.memory_space<semaphore_mem>>) src(%arg9 : memref<10240xf32, #tpu.memory_space<vmem>>) dst(%dma_wait3A_19 : memref<10240xf32, #tpu.memory_space<hbm>>)
      tpu.yield
    }) : () -> ()
    return
  }
}

module attributes {stable_mosaic.version = 14 : i64} {
  func.func @_dense_body(%arg0: i32, %arg1: memref<256x128xf32, #tpu.memory_space<vmem>>, %arg2: memref<256x128xf32, #tpu.memory_space<vmem>>, %arg3: memref<32x256xf32, #tpu.memory_space<vmem>>, %arg4: memref<32x1xf32, #tpu.memory_space<vmem>>, %arg5: memref<256x128xf32, #tpu.memory_space<vmem>>, %arg6: memref<256x1xf32, #tpu.memory_space<vmem>>, %arg7: memref<128x128xf32, #tpu.memory_space<vmem>>, %arg8: memref<128x128xf32, #tpu.memory_space<vmem>>, %arg9: memref<1x128xf32, #tpu.memory_space<vmem>>, %arg10: memref<128x1xf32, #tpu.memory_space<vmem>>, %arg11: memref<256x128xf32, #tpu.memory_space<vmem>>, %arg12: memref<256x1xf32, #tpu.memory_space<vmem>>) attributes {dimension_semantics = [#tpu.dimension_semantics<arbitrary>], iteration_bounds = array<i64: 40>, scalar_prefetch = 0 : i64, scratch_operands = 0 : i64, tpu.core_type = #tpu.core_type<tc>, window_params = [{transform_indices = @transform_0, window_bounds = array<i64: 256, 128>}, {transform_indices = @transform_1, window_bounds = array<i64: 256, 128>}, {transform_indices = @transform_2, window_bounds = array<i64: 32, 256>}, {pipeline_mode = #tpu.pipeline_mode<synchronous>, transform_indices = @transform_3, window_bounds = array<i64: 32, 1>}, {transform_indices = @transform_4, window_bounds = array<i64: 256, 128>}, {transform_indices = @transform_5, window_bounds = array<i64: 256, 1>}, {pipeline_mode = #tpu.pipeline_mode<synchronous>, transform_indices = @transform_6, window_bounds = array<i64: 128, 128>}, {pipeline_mode = #tpu.pipeline_mode<synchronous>, transform_indices = @transform_7, window_bounds = array<i64: 128, 128>}, {pipeline_mode = #tpu.pipeline_mode<synchronous>, transform_indices = @transform_8, window_bounds = array<i64: 1, 128>}, {pipeline_mode = #tpu.pipeline_mode<synchronous>, transform_indices = @transform_9, window_bounds = array<i64: 128, 1>}, {transform_indices = @transform_10, window_bounds = array<i64: 256, 128>}, {transform_indices = @transform_11, window_bounds = array<i64: 256, 1>}]} {
    %get3A = arith.constant 0 : index
    %get3A_0 = arith.constant 0 : index
    %get3A_1 = vector.load %arg1[%get3A, %get3A_0] : memref<256x128xf32, #tpu.memory_space<vmem>>, vector<256x128xf32>
    %get3A_2 = arith.constant 0 : index
    %get3A_3 = arith.constant 0 : index
    %get3A_4 = vector.load %arg2[%get3A_2, %get3A_3] : memref<256x128xf32, #tpu.memory_space<vmem>>, vector<256x128xf32>
    %add3A = arith.addf %get3A_1, %get3A_4 : vector<256x128xf32>
    %get3A_5 = arith.constant 0 : index
    %get3A_6 = arith.constant 0 : index
    %get3A_7 = vector.load %arg3[%get3A_5, %get3A_6] : memref<32x256xf32, #tpu.memory_space<vmem>>, vector<32x256xf32>
    %get3A_8 = arith.constant 0 : index
    %get3A_9 = arith.constant 0 : index
    %get3A_10 = vector.load %arg4[%get3A_8, %get3A_9] : memref<32x1xf32, #tpu.memory_space<vmem>>, vector<32x1xf32>
    %dot_general3A = arith.constant dense<0.000000e+00> : vector<256x1xf32>
    %dot_general3A_11 = tpu.matmul %get3A_7, %get3A_10, %dot_general3A {dimension_numbers = #tpu.dot_dimension_numbers<[0], [0], [1], [1], [0, 1, 1, 1], [], []>, transpose_lhs_hint = false} : vector<32x256xf32>, vector<32x1xf32>, vector<256x1xf32> -> vector<256x1xf32>
    %jit3A = arith.constant 1.000000e+00 : f32
    %max3A = vector.broadcast %jit3A : f32 to vector<256x1xf32>
    %max3A_12 = arith.maximumf %max3A, %dot_general3A_11 : vector<256x1xf32>
    %div3A = vector.broadcast %max3A_12 : vector<256x1xf32> to vector<256x128xf32>
    %div3A_13 = arith.divf %add3A, %div3A : vector<256x128xf32>
    %get3A_14 = arith.constant 0 : index
    %get3A_15 = arith.constant 0 : index
    %get3A_16 = vector.load %arg7[%get3A_14, %get3A_15] : memref<128x128xf32, #tpu.memory_space<vmem>>, vector<128x128xf32>
    %dot_general3A_17 = arith.constant dense<0.000000e+00> : vector<256x128xf32>
    %dot_general3A_18 = tpu.matmul %div3A_13, %get3A_16, %dot_general3A_17 {dimension_numbers = #tpu.dot_dimension_numbers<[1], [1], [0], [0], [0, 0, 1, 0], [], []>, transpose_lhs_hint = false} : vector<256x128xf32>, vector<128x128xf32>, vector<256x128xf32> -> vector<256x128xf32>
    %get3A_19 = arith.constant 0 : index
    %get3A_20 = arith.constant 0 : index
    %get3A_21 = vector.load %arg5[%get3A_19, %get3A_20] : memref<256x128xf32, #tpu.memory_space<vmem>>, vector<256x128xf32>
    %get3A_22 = arith.constant 0 : index
    %get3A_23 = arith.constant 0 : index
    %get3A_24 = vector.load %arg8[%get3A_22, %get3A_23] : memref<128x128xf32, #tpu.memory_space<vmem>>, vector<128x128xf32>
    %dot_general3A_25 = arith.constant dense<0.000000e+00> : vector<256x128xf32>
    %dot_general3A_26 = tpu.matmul %get3A_21, %get3A_24, %dot_general3A_25 {dimension_numbers = #tpu.dot_dimension_numbers<[1], [1], [0], [0], [0, 0, 1, 0], [], []>, transpose_lhs_hint = false} : vector<256x128xf32>, vector<128x128xf32>, vector<256x128xf32> -> vector<256x128xf32>
    %add3A_27 = arith.addf %dot_general3A_18, %dot_general3A_26 : vector<256x128xf32>
    %get3A_28 = arith.constant 0 : index
    %get3A_29 = arith.constant 0 : index
    %get3A_30 = vector.load %arg9[%get3A_28, %get3A_29] : memref<1x128xf32, #tpu.memory_space<vmem>>, vector<1x128xf32>
    %add3A_31 = vector.broadcast %get3A_30 : vector<1x128xf32> to vector<256x128xf32>
    %add3A_32 = arith.addf %add3A_27, %add3A_31 : vector<256x128xf32>
    %max3A_33 = arith.constant 0.000000e+00 : f32
    %max3A_34 = vector.broadcast %max3A_33 : f32 to vector<256x128xf32>
    %max3A_35 = arith.maximumf %add3A_32, %max3A_34 : vector<256x128xf32>
    %get3A_36 = arith.constant 0 : index
    %get3A_37 = arith.constant 0 : index
    %get3A_38 = vector.load %arg6[%get3A_36, %get3A_37] : memref<256x1xf32, #tpu.memory_space<vmem>>, vector<256x1xf32>
    %mul3A = vector.broadcast %get3A_38 : vector<256x1xf32> to vector<256x128xf32>
    %mul3A_39 = arith.mulf %max3A_35, %mul3A : vector<256x128xf32>
    %get3A_40 = arith.constant 0 : index
    %get3A_41 = arith.constant 0 : index
    %get3A_42 = vector.load %arg10[%get3A_40, %get3A_41] : memref<128x1xf32, #tpu.memory_space<vmem>>, vector<128x1xf32>
    %mul3A_43 = arith.mulf %get3A_42, %get3A_42 : vector<128x1xf32>
    %reduce_sum3A = vector.shape_cast %mul3A_43 : vector<128x1xf32> to vector<1x128x1xf32>
    %reduce_sum3A_44 = arith.constant dense<0.000000e+00> : vector<1xf32>
    %reduce_sum3A_45 = vector.multi_reduction <add>, %reduce_sum3A, %reduce_sum3A_44 [1, 2] : vector<1x128x1xf32> to vector<1xf32>
    %reduce_sum3A_46 = vector.shape_cast %reduce_sum3A_45 : vector<1xf32> to vector<1x1x1xf32>
    %reduce_sum3A_47 = vector.extract %reduce_sum3A_46[0, 0, 0] : f32 from vector<1x1x1xf32>
    %sqrt3A = math.sqrt %reduce_sum3A_47 : f32
    %swap3A = arith.constant 0 : index
    %swap3A_48 = arith.constant 0 : index
    %swap3A_49 = vector.load %arg11[%swap3A, %swap3A_48] : memref<256x128xf32, #tpu.memory_space<vmem>>, vector<256x128xf32>
    tpu.vector_store %arg11[%swap3A, %swap3A_48], %mul3A_39 {strides = array<i32>} : memref<256x128xf32, #tpu.memory_space<vmem>>, vector<256x128xf32>,
    %dot_general3A_50 = arith.constant dense<0.000000e+00> : vector<256x1xf32>
    %dot_general3A_51 = tpu.matmul %mul3A_39, %get3A_42, %dot_general3A_50 {dimension_numbers = #tpu.dot_dimension_numbers<[1], [0], [0], [1], [0, 0, 1, 1], [], []>, transpose_lhs_hint = false} : vector<256x128xf32>, vector<128x1xf32>, vector<256x1xf32> -> vector<256x1xf32>
    %div3A_52 = vector.broadcast %sqrt3A : f32 to vector<256x1xf32>
    %div3A_53 = arith.divf %dot_general3A_51, %div3A_52 : vector<256x1xf32>
    %swap3A_54 = arith.constant 0 : index
    %swap3A_55 = arith.constant 0 : index
    %swap3A_56 = vector.load %arg12[%swap3A_54, %swap3A_55] : memref<256x1xf32, #tpu.memory_space<vmem>>, vector<256x1xf32>
    tpu.vector_store %arg12[%swap3A_54, %swap3A_55], %div3A_53 {strides = array<i32>} : memref<256x1xf32, #tpu.memory_space<vmem>>, vector<256x1xf32>,
    return
  }
  func.func @transform_0(%arg0: i32) -> (i32, i32) {
    %c0_i32 = arith.constant 0 : i32
    %c0_i32_0 = arith.constant 0 : i32
    return %arg0, %c0_i32 : i32, i32
  }
  func.func @transform_1(%arg0: i32) -> (i32, i32) {
    %c0_i32 = arith.constant 0 : i32
    %c0_i32_0 = arith.constant 0 : i32
    return %arg0, %c0_i32 : i32, i32
  }
  func.func @transform_2(%arg0: i32) -> (i32, i32) {
    %c0_i32 = arith.constant 0 : i32
    %c0_i32_0 = arith.constant 0 : i32
    return %c0_i32, %arg0 : i32, i32
  }
  func.func @transform_3(%arg0: i32) -> (i32, i32) {
    %c0_i32 = arith.constant 0 : i32
    %c0_i32_0 = arith.constant 0 : i32
    %c0_i32_1 = arith.constant 0 : i32
    return %c0_i32, %c0_i32_0 : i32, i32
  }
  func.func @transform_4(%arg0: i32) -> (i32, i32) {
    %c0_i32 = arith.constant 0 : i32
    %c0_i32_0 = arith.constant 0 : i32
    return %arg0, %c0_i32 : i32, i32
  }
  func.func @transform_5(%arg0: i32) -> (i32, i32) {
    %c0_i32 = arith.constant 0 : i32
    %c0_i32_0 = arith.constant 0 : i32
    return %arg0, %c0_i32 : i32, i32
  }
  func.func @transform_6(%arg0: i32) -> (i32, i32) {
    %c0_i32 = arith.constant 0 : i32
    %c0_i32_0 = arith.constant 0 : i32
    %c0_i32_1 = arith.constant 0 : i32
    return %c0_i32, %c0_i32_0 : i32, i32
  }
  func.func @transform_7(%arg0: i32) -> (i32, i32) {
    %c0_i32 = arith.constant 0 : i32
    %c0_i32_0 = arith.constant 0 : i32
    %c0_i32_1 = arith.constant 0 : i32
    return %c0_i32, %c0_i32_0 : i32, i32
  }
  func.func @transform_8(%arg0: i32) -> (i32, i32) {
    %c0_i32 = arith.constant 0 : i32
    %c0_i32_0 = arith.constant 0 : i32
    %c0_i32_1 = arith.constant 0 : i32
    return %c0_i32, %c0_i32_0 : i32, i32
  }
  func.func @transform_9(%arg0: i32) -> (i32, i32) {
    %c0_i32 = arith.constant 0 : i32
    %c0_i32_0 = arith.constant 0 : i32
    %c0_i32_1 = arith.constant 0 : i32
    return %c0_i32, %c0_i32_0 : i32, i32
  }
  func.func @transform_10(%arg0: i32) -> (i32, i32) {
    %c0_i32 = arith.constant 0 : i32
    %c0_i32_0 = arith.constant 0 : i32
    return %arg0, %c0_i32 : i32, i32
  }
  func.func @transform_11(%arg0: i32) -> (i32, i32) {
    %c0_i32 = arith.constant 0 : i32
    %c0_i32_0 = arith.constant 0 : i32
    return %arg0, %c0_i32 : i32, i32
  }
}

module attributes {stable_mosaic.version = 14 : i64} {
  func.func @_rank_body(%arg0: i32, %arg1: i32, %arg2: memref<256x1xf32, #tpu.memory_space<vmem>>, %arg3: memref<256x1xf32, #tpu.memory_space<vmem>>, %arg4: memref<256x1xi32, #tpu.memory_space<vmem>>, %arg5: memref<1x256xf32, #tpu.memory_space<vmem>>, %arg6: memref<1x256xf32, #tpu.memory_space<vmem>>, %arg7: memref<1x256xi32, #tpu.memory_space<vmem>>, %arg8: memref<256x1xf32, #tpu.memory_space<vmem>>, %arg9: memref<256x1xf32, #tpu.memory_space<vmem>>, %arg10: memref<256x1xf32, #tpu.memory_space<vmem>>) attributes {dimension_semantics = [#tpu.dimension_semantics<arbitrary>, #tpu.dimension_semantics<arbitrary>], iteration_bounds = array<i64: 40, 40>, scalar_prefetch = 0 : i64, scratch_operands = 2 : i64, tpu.core_type = #tpu.core_type<tc>, window_params = [{transform_indices = @transform_0, window_bounds = array<i64: 256, 1>}, {transform_indices = @transform_1, window_bounds = array<i64: 256, 1>}, {transform_indices = @transform_2, window_bounds = array<i64: 256, 1>}, {transform_indices = @transform_3, window_bounds = array<i64: 1, 256>}, {transform_indices = @transform_4, window_bounds = array<i64: 1, 256>}, {transform_indices = @transform_5, window_bounds = array<i64: 1, 256>}, {transform_indices = @transform_6, window_bounds = array<i64: 256, 1>}]} {
    %eq3A = arith.constant 0 : i32
    %eq3A_0 = arith.cmpi eq, %arg1, %eq3A : i32
    %convert_element_type3A = arith.extui %eq3A_0 : i1 to i32
    %cond3A = arith.constant 0 : i32
    %cond3A_1 = arith.cmpi ne, %convert_element_type3A, %cond3A : i32
    scf.if %cond3A_1 {
      %broadcast_in_dim3A_82 = arith.constant 0.000000e+00 : f32
      %broadcast_in_dim3A_83 = vector.broadcast %broadcast_in_dim3A_82 : f32 to vector<256x1xf32>
      %swap3A_84 = arith.constant 0 : index
      %swap3A_85 = arith.constant 0 : index
      %swap3A_86 = vector.load %arg9[%swap3A_84, %swap3A_85] : memref<256x1xf32, #tpu.memory_space<vmem>>, vector<256x1xf32>
      tpu.vector_store %arg9[%swap3A_84, %swap3A_85], %broadcast_in_dim3A_83 {strides = array<i32>} : memref<256x1xf32, #tpu.memory_space<vmem>>, vector<256x1xf32>,
      %broadcast_in_dim3A_87 = arith.constant 0.000000e+00 : f32
      %broadcast_in_dim3A_88 = vector.broadcast %broadcast_in_dim3A_87 : f32 to vector<256x1xf32>
      %swap3A_89 = arith.constant 0 : index
      %swap3A_90 = arith.constant 0 : index
      %swap3A_91 = vector.load %arg10[%swap3A_89, %swap3A_90] : memref<256x1xf32, #tpu.memory_space<vmem>>, vector<256x1xf32>
      tpu.vector_store %arg10[%swap3A_89, %swap3A_90], %broadcast_in_dim3A_88 {strides = array<i32>} : memref<256x1xf32, #tpu.memory_space<vmem>>, vector<256x1xf32>,
    } else {
    }
    %get3A = arith.constant 0 : index
    %get3A_2 = arith.constant 0 : index
    %get3A_3 = vector.load %arg3[%get3A, %get3A_2] : memref<256x1xf32, #tpu.memory_space<vmem>>, vector<256x1xf32>
    %gt3A = arith.constant 0.000000e+00 : f32
    %gt3A_4 = vector.broadcast %gt3A : f32 to vector<256x1xf32>
    %gt3A_5 = arith.cmpf ogt, %get3A_3, %gt3A_4 : vector<256x1xf32>
    %get3A_6 = arith.constant 0 : index
    %get3A_7 = arith.constant 0 : index
    %get3A_8 = vector.load %arg2[%get3A_6, %get3A_7] : memref<256x1xf32, #tpu.memory_space<vmem>>, vector<256x1xf32>
    %jit3A = arith.constant -3.40282347E+38 : f32
    %broadcast_in_dim3A = vector.broadcast %jit3A : f32 to vector<256x1xf32>
    %select_n3A = arith.select %gt3A_5, %get3A_8, %broadcast_in_dim3A : vector<256x1xi1>, vector<256x1xf32>
    %get3A_9 = arith.constant 0 : index
    %get3A_10 = arith.constant 0 : index
    %get3A_11 = vector.load %arg6[%get3A_9, %get3A_10] : memref<1x256xf32, #tpu.memory_space<vmem>>, vector<1x256xf32>
    %gt3A_12 = arith.constant 0.000000e+00 : f32
    %gt3A_13 = vector.broadcast %gt3A_12 : f32 to vector<1x256xf32>
    %gt3A_14 = arith.cmpf ogt, %get3A_11, %gt3A_13 : vector<1x256xf32>
    %get3A_15 = arith.constant 0 : index
    %get3A_16 = arith.constant 0 : index
    %get3A_17 = vector.load %arg5[%get3A_15, %get3A_16] : memref<1x256xf32, #tpu.memory_space<vmem>>, vector<1x256xf32>
    %jit3A_18 = arith.constant -3.40282347E+38 : f32
    %broadcast_in_dim3A_19 = vector.broadcast %jit3A_18 : f32 to vector<1x256xf32>
    %select_n3A_20 = arith.select %gt3A_14, %get3A_17, %broadcast_in_dim3A_19 : vector<1x256xi1>, vector<1x256xf32>
    %iota3A = tpu.iota {dimensions = array<i32: 0>} : vector<256x1xi32>
    %mul3A = arith.constant 256 : i32
    %mul3A_21 = arith.muli %arg0, %mul3A : i32
    %add3A = vector.broadcast %mul3A_21 : i32 to vector<256x1xi32>
    %add3A_22 = arith.addi %iota3A, %add3A : vector<256x1xi32>
    %iota3A_23 = tpu.iota {dimensions = array<i32: 1>} : vector<1x256xi32>
    %mul3A_24 = arith.constant 256 : i32
    %mul3A_25 = arith.muli %arg1, %mul3A_24 : i32
    %add3A_26 = vector.broadcast %mul3A_25 : i32 to vector<1x256xi32>
    %add3A_27 = arith.addi %iota3A_23, %add3A_26 : vector<1x256xi32>
    %get3A_28 = arith.constant 0 : index
    %get3A_29 = arith.constant 0 : index
    %get3A_30 = vector.load %arg7[%get3A_28, %get3A_29] : memref<1x256xi32, #tpu.memory_space<vmem>>, vector<1x256xi32>
    %get3A_31 = arith.constant 0 : index
    %get3A_32 = arith.constant 0 : index
    %get3A_33 = vector.load %arg4[%get3A_31, %get3A_32] : memref<256x1xi32, #tpu.memory_space<vmem>>, vector<256x1xi32>
    %eq3A_34 = vector.broadcast %get3A_30 : vector<1x256xi32> to vector<256x256xi32>
    %eq3A_35 = vector.broadcast %get3A_33 : vector<256x1xi32> to vector<256x256xi32>
    %eq3A_36 = arith.cmpi eq, %eq3A_34, %eq3A_35 : vector<256x256xi32>
    %gt3A_37 = vector.broadcast %select_n3A_20 : vector<1x256xf32> to vector<256x256xf32>
    %gt3A_38 = vector.broadcast %select_n3A : vector<256x1xf32> to vector<256x256xf32>
    %gt3A_39 = arith.cmpf ogt, %gt3A_37, %gt3A_38 : vector<256x256xf32>
    %eq3A_40 = vector.broadcast %select_n3A_20 : vector<1x256xf32> to vector<256x256xf32>
    %eq3A_41 = vector.broadcast %select_n3A : vector<256x1xf32> to vector<256x256xf32>
    %eq3A_42 = arith.cmpf oeq, %eq3A_40, %eq3A_41 : vector<256x256xf32>
    %lt3A = vector.broadcast %add3A_27 : vector<1x256xi32> to vector<256x256xi32>
    %lt3A_43 = vector.broadcast %add3A_22 : vector<256x1xi32> to vector<256x256xi32>
    %lt3A_44 = arith.cmpi slt, %lt3A, %lt3A_43 : vector<256x256xi32>
    %and3A = arith.andi %eq3A_42, %lt3A_44 : vector<256x256xi1>
    %or3A = arith.ori %gt3A_39, %and3A : vector<256x256xi1>
    %get3A_45 = arith.constant 0 : index
    %get3A_46 = arith.constant 0 : index
    %get3A_47 = vector.load %arg9[%get3A_45, %get3A_46] : memref<256x1xf32, #tpu.memory_space<vmem>>, vector<256x1xf32>
    %and3A_48 = arith.andi %eq3A_36, %or3A : vector<256x256xi1>
    %jit3A_49 = arith.constant 1.000000e+00 : f32
    %jit3A_50 = arith.constant 0.000000e+00 : f32
    %broadcast_in_dim3A_51 = vector.broadcast %jit3A_49 : f32 to vector<256x256xf32>
    %broadcast_in_dim3A_52 = vector.broadcast %jit3A_50 : f32 to vector<256x256xf32>
    %select_n3A_53 = arith.select %and3A_48, %broadcast_in_dim3A_51, %broadcast_in_dim3A_52 : vector<256x256xi1>, vector<256x256xf32>
    %reduce_sum3A = arith.constant dense<0.000000e+00> : vector<256xf32>
    %reduce_sum3A_54 = vector.multi_reduction <add>, %select_n3A_53, %reduce_sum3A [1] : vector<256x256xf32> to vector<256xf32>
    %broadcast_in_dim3A_55 = vector.shape_cast %reduce_sum3A_54 : vector<256xf32> to vector<256x1xf32>
    %add3A_56 = arith.addf %get3A_47, %broadcast_in_dim3A_55 : vector<256x1xf32>
    %swap3A = arith.constant 0 : index
    %swap3A_57 = arith.constant 0 : index
    %swap3A_58 = vector.load %arg9[%swap3A, %swap3A_57] : memref<256x1xf32, #tpu.memory_space<vmem>>, vector<256x1xf32>
    tpu.vector_store %arg9[%swap3A, %swap3A_57], %add3A_56 {strides = array<i32>} : memref<256x1xf32, #tpu.memory_space<vmem>>, vector<256x1xf32>,
    %get3A_59 = arith.constant 0 : index
    %get3A_60 = arith.constant 0 : index
    %get3A_61 = vector.load %arg10[%get3A_59, %get3A_60] : memref<256x1xf32, #tpu.memory_space<vmem>>, vector<256x1xf32>
    %get3A_62 = arith.constant 0 : index
    %get3A_63 = arith.constant 0 : index
    %get3A_64 = vector.load %arg6[%get3A_62, %get3A_63] : memref<1x256xf32, #tpu.memory_space<vmem>>, vector<1x256xf32>
    %jit3A_65 = arith.constant 0.000000e+00 : f32
    %broadcast_in_dim3A_66 = vector.shape_cast %get3A_64 : vector<1x256xf32> to vector<1x256xf32>
    %broadcast_in_dim3A_67 = vector.broadcast %broadcast_in_dim3A_66 : vector<1x256xf32> to vector<256x256xf32>
    %broadcast_in_dim3A_68 = vector.broadcast %jit3A_65 : f32 to vector<256x256xf32>
    %select_n3A_69 = arith.select %eq3A_36, %broadcast_in_dim3A_67, %broadcast_in_dim3A_68 : vector<256x256xi1>, vector<256x256xf32>
    %reduce_sum3A_70 = arith.constant dense<0.000000e+00> : vector<256xf32>
    %reduce_sum3A_71 = vector.multi_reduction <add>, %select_n3A_69, %reduce_sum3A_70 [1] : vector<256x256xf32> to vector<256xf32>
    %broadcast_in_dim3A_72 = vector.shape_cast %reduce_sum3A_71 : vector<256xf32> to vector<256x1xf32>
    %add3A_73 = arith.addf %get3A_61, %broadcast_in_dim3A_72 : vector<256x1xf32>
    %swap3A_74 = arith.constant 0 : index
    %swap3A_75 = arith.constant 0 : index
    %swap3A_76 = vector.load %arg10[%swap3A_74, %swap3A_75] : memref<256x1xf32, #tpu.memory_space<vmem>>, vector<256x1xf32>
    tpu.vector_store %arg10[%swap3A_74, %swap3A_75], %add3A_73 {strides = array<i32>} : memref<256x1xf32, #tpu.memory_space<vmem>>, vector<256x1xf32>,
    %eq3A_77 = arith.constant 39 : i32
    %eq3A_78 = arith.cmpi eq, %arg1, %eq3A_77 : i32
    %convert_element_type3A_79 = arith.extui %eq3A_78 : i1 to i32
    %cond3A_80 = arith.constant 0 : i32
    %cond3A_81 = arith.cmpi ne, %convert_element_type3A_79, %cond3A_80 : i32
    scf.if %cond3A_81 {
      %get3A_82 = arith.constant 0 : index
      %get3A_83 = arith.constant 0 : index
      %get3A_84 = vector.load %arg10[%get3A_82, %get3A_83] : memref<256x1xf32, #tpu.memory_space<vmem>>, vector<256x1xf32>
      %mul3A_85 = arith.constant 8.000000e-01 : f32
      %mul3A_86 = vector.broadcast %mul3A_85 : f32 to vector<256x1xf32>
      %mul3A_87 = arith.mulf %mul3A_86, %get3A_84 : vector<256x1xf32>
      %ceil3A = math.ceil %mul3A_87 : vector<256x1xf32>
      %get3A_88 = arith.constant 0 : index
      %get3A_89 = arith.constant 0 : index
      %get3A_90 = vector.load %arg9[%get3A_88, %get3A_89] : memref<256x1xf32, #tpu.memory_space<vmem>>, vector<256x1xf32>
      %lt3A_91 = arith.cmpf olt, %get3A_90, %ceil3A : vector<256x1xf32>
      %get3A_92 = arith.constant 0 : index
      %get3A_93 = arith.constant 0 : index
      %get3A_94 = vector.load %arg3[%get3A_92, %get3A_93] : memref<256x1xf32, #tpu.memory_space<vmem>>, vector<256x1xf32>
      %gt3A_95 = arith.constant 0.000000e+00 : f32
      %gt3A_96 = vector.broadcast %gt3A_95 : f32 to vector<256x1xf32>
      %gt3A_97 = arith.cmpf ogt, %get3A_94, %gt3A_96 : vector<256x1xf32>
      %and3A_98 = arith.andi %lt3A_91, %gt3A_97 : vector<256x1xi1>
      %jit3A_99 = arith.constant 1.000000e+00 : f32
      %jit3A_100 = arith.constant 0.000000e+00 : f32
      %broadcast_in_dim3A_101 = vector.broadcast %jit3A_99 : f32 to vector<256x1xf32>
      %broadcast_in_dim3A_102 = vector.broadcast %jit3A_100 : f32 to vector<256x1xf32>
      %select_n3A_103 = arith.select %and3A_98, %broadcast_in_dim3A_101, %broadcast_in_dim3A_102 : vector<256x1xi1>, vector<256x1xf32>
      %swap3A_104 = arith.constant 0 : index
      %swap3A_105 = arith.constant 0 : index
      %swap3A_106 = vector.load %arg8[%swap3A_104, %swap3A_105] : memref<256x1xf32, #tpu.memory_space<vmem>>, vector<256x1xf32>
      tpu.vector_store %arg8[%swap3A_104, %swap3A_105], %select_n3A_103 {strides = array<i32>} : memref<256x1xf32, #tpu.memory_space<vmem>>, vector<256x1xf32>,
    } else {
    }
    return
  }
  func.func @transform_0(%arg0: i32, %arg1: i32) -> (i32, i32) {
    %c0_i32 = arith.constant 0 : i32
    %c0_i32_0 = arith.constant 0 : i32
    return %arg0, %c0_i32 : i32, i32
  }
  func.func @transform_1(%arg0: i32, %arg1: i32) -> (i32, i32) {
    %c0_i32 = arith.constant 0 : i32
    %c0_i32_0 = arith.constant 0 : i32
    return %arg0, %c0_i32 : i32, i32
  }
  func.func @transform_2(%arg0: i32, %arg1: i32) -> (i32, i32) {
    %c0_i32 = arith.constant 0 : i32
    %c0_i32_0 = arith.constant 0 : i32
    return %arg0, %c0_i32 : i32, i32
  }
  func.func @transform_3(%arg0: i32, %arg1: i32) -> (i32, i32) {
    %c0_i32 = arith.constant 0 : i32
    %c0_i32_0 = arith.constant 0 : i32
    return %c0_i32, %arg1 : i32, i32
  }
  func.func @transform_4(%arg0: i32, %arg1: i32) -> (i32, i32) {
    %c0_i32 = arith.constant 0 : i32
    %c0_i32_0 = arith.constant 0 : i32
    return %c0_i32, %arg1 : i32, i32
  }
  func.func @transform_5(%arg0: i32, %arg1: i32) -> (i32, i32) {
    %c0_i32 = arith.constant 0 : i32
    %c0_i32_0 = arith.constant 0 : i32
    return %c0_i32, %arg1 : i32, i32
  }
  func.func @transform_6(%arg0: i32, %arg1: i32) -> (i32, i32) {
    %c0_i32 = arith.constant 0 : i32
    %c0_i32_0 = arith.constant 0 : i32
    return %arg0, %c0_i32 : i32, i32
  }
}

module attributes {stable_mosaic.version = 14 : i64} {
  func.func @_pool_body(%arg0: i32, %arg1: memref<256x128xf32, #tpu.memory_space<vmem>>, %arg2: memref<256x1xf32, #tpu.memory_space<vmem>>, %arg3: memref<256x1xf32, #tpu.memory_space<vmem>>, %arg4: memref<1x256xi32, #tpu.memory_space<vmem>>, %arg5: memref<256x1xi32, #tpu.memory_space<vmem>>, %arg6: memref<256x128xf32, #tpu.memory_space<vmem>>, %arg7: memref<512x128xf32, #tpu.memory_space<vmem>>, %arg8: memref<512x128xf32, #tpu.memory_space<vmem>>, %arg9: memref<512x1xf32, #tpu.memory_space<vmem>>) attributes {dimension_semantics = [#tpu.dimension_semantics<arbitrary>], iteration_bounds = array<i64: 40>, scalar_prefetch = 0 : i64, scratch_operands = 0 : i64, tpu.core_type = #tpu.core_type<tc>, window_params = [{transform_indices = @transform_0, window_bounds = array<i64: 256, 128>}, {transform_indices = @transform_1, window_bounds = array<i64: 256, 1>}, {transform_indices = @transform_2, window_bounds = array<i64: 256, 1>}, {transform_indices = @transform_3, window_bounds = array<i64: 1, 256>}, {transform_indices = @transform_4, window_bounds = array<i64: 256, 1>}, {transform_indices = @transform_5, window_bounds = array<i64: 256, 128>}, {pipeline_mode = #tpu.pipeline_mode<synchronous>, transform_indices = @transform_6, window_bounds = array<i64: 512, 128>}, {pipeline_mode = #tpu.pipeline_mode<synchronous>, transform_indices = @transform_7, window_bounds = array<i64: 512, 128>}, {pipeline_mode = #tpu.pipeline_mode<synchronous>, transform_indices = @transform_8, window_bounds = array<i64: 512, 1>}]} {
    %eq3A = arith.constant 0 : i32
    %eq3A_0 = arith.cmpi eq, %arg0, %eq3A : i32
    %convert_element_type3A = arith.extui %eq3A_0 : i1 to i32
    %cond3A = arith.constant 0 : i32
    %cond3A_1 = arith.cmpi ne, %convert_element_type3A, %cond3A : i32
    scf.if %cond3A_1 {
      %broadcast_in_dim3A_67 = arith.constant 0.000000e+00 : f32
      %broadcast_in_dim3A_68 = vector.broadcast %broadcast_in_dim3A_67 : f32 to vector<512x128xf32>
      %swap3A_69 = arith.constant 0 : index
      %swap3A_70 = arith.constant 0 : index
      %swap3A_71 = vector.load %arg7[%swap3A_69, %swap3A_70] : memref<512x128xf32, #tpu.memory_space<vmem>>, vector<512x128xf32>
      tpu.vector_store %arg7[%swap3A_69, %swap3A_70], %broadcast_in_dim3A_68 {strides = array<i32>} : memref<512x128xf32, #tpu.memory_space<vmem>>, vector<512x128xf32>,
      %broadcast_in_dim3A_72 = arith.constant 0.000000e+00 : f32
      %broadcast_in_dim3A_73 = vector.broadcast %broadcast_in_dim3A_72 : f32 to vector<512x1xf32>
      %swap3A_74 = arith.constant 0 : index
      %swap3A_75 = arith.constant 0 : index
      %swap3A_76 = vector.load %arg9[%swap3A_74, %swap3A_75] : memref<512x1xf32, #tpu.memory_space<vmem>>, vector<512x1xf32>
      tpu.vector_store %arg9[%swap3A_74, %swap3A_75], %broadcast_in_dim3A_73 {strides = array<i32>} : memref<512x1xf32, #tpu.memory_space<vmem>>, vector<512x1xf32>,
      %broadcast_in_dim3A_77 = arith.constant -3.40282347E+38 : f32
      %broadcast_in_dim3A_78 = vector.broadcast %broadcast_in_dim3A_77 : f32 to vector<512x128xf32>
      %swap3A_79 = arith.constant 0 : index
      %swap3A_80 = arith.constant 0 : index
      %swap3A_81 = vector.load %arg8[%swap3A_79, %swap3A_80] : memref<512x128xf32, #tpu.memory_space<vmem>>, vector<512x128xf32>
      tpu.vector_store %arg8[%swap3A_79, %swap3A_80], %broadcast_in_dim3A_78 {strides = array<i32>} : memref<512x128xf32, #tpu.memory_space<vmem>>, vector<512x128xf32>,
    } else {
    }
    %get3A = arith.constant 0 : index
    %get3A_2 = arith.constant 0 : index
    %get3A_3 = vector.load %arg3[%get3A, %get3A_2] : memref<256x1xf32, #tpu.memory_space<vmem>>, vector<256x1xf32>
    %get3A_4 = arith.constant 0 : index
    %get3A_5 = arith.constant 0 : index
    %get3A_6 = vector.load %arg1[%get3A_4, %get3A_5] : memref<256x128xf32, #tpu.memory_space<vmem>>, vector<256x128xf32>
    %get3A_7 = arith.constant 0 : index
    %get3A_8 = arith.constant 0 : index
    %get3A_9 = vector.load %arg2[%get3A_7, %get3A_8] : memref<256x1xf32, #tpu.memory_space<vmem>>, vector<256x1xf32>
    %tanh3A = math.tanh %get3A_9 : vector<256x1xf32>
    %mul3A = vector.broadcast %tanh3A : vector<256x1xf32> to vector<256x128xf32>
    %mul3A_10 = arith.mulf %get3A_6, %mul3A : vector<256x128xf32>
    %mul3A_11 = vector.broadcast %get3A_3 : vector<256x1xf32> to vector<256x128xf32>
    %mul3A_12 = arith.mulf %mul3A_10, %mul3A_11 : vector<256x128xf32>
    %swap3A = arith.constant 0 : index
    %swap3A_13 = arith.constant 0 : index
    %swap3A_14 = vector.load %arg6[%swap3A, %swap3A_13] : memref<256x128xf32, #tpu.memory_space<vmem>>, vector<256x128xf32>
    tpu.vector_store %arg6[%swap3A, %swap3A_13], %mul3A_12 {strides = array<i32>} : memref<256x128xf32, #tpu.memory_space<vmem>>, vector<256x128xf32>,
    %iota3A = tpu.iota {dimensions = array<i32: 0>} : vector<512x1xi32>
    %get3A_15 = arith.constant 0 : index
    %get3A_16 = arith.constant 0 : index
    %get3A_17 = vector.load %arg4[%get3A_15, %get3A_16] : memref<1x256xi32, #tpu.memory_space<vmem>>, vector<1x256xi32>
    %eq3A_18 = vector.broadcast %iota3A : vector<512x1xi32> to vector<512x256xi32>
    %eq3A_19 = vector.broadcast %get3A_17 : vector<1x256xi32> to vector<512x256xi32>
    %eq3A_20 = arith.cmpi eq, %eq3A_18, %eq3A_19 : vector<512x256xi32>
    %jit3A = arith.constant 1.000000e+00 : f32
    %jit3A_21 = arith.constant 0.000000e+00 : f32
    %broadcast_in_dim3A = vector.broadcast %jit3A : f32 to vector<512x256xf32>
    %broadcast_in_dim3A_22 = vector.broadcast %jit3A_21 : f32 to vector<512x256xf32>
    %select_n3A = arith.select %eq3A_20, %broadcast_in_dim3A, %broadcast_in_dim3A_22 : vector<512x256xi1>, vector<512x256xf32>
    %get3A_23 = arith.constant 0 : index
    %get3A_24 = arith.constant 0 : index
    %get3A_25 = vector.load %arg7[%get3A_23, %get3A_24] : memref<512x128xf32, #tpu.memory_space<vmem>>, vector<512x128xf32>
    %dot_general3A = arith.constant dense<0.000000e+00> : vector<512x128xf32>
    %dot_general3A_26 = tpu.matmul %select_n3A, %mul3A_12, %dot_general3A {dimension_numbers = #tpu.dot_dimension_numbers<[1], [0], [0], [1], [0, 0, 1, 1], [], []>, transpose_lhs_hint = false} : vector<512x256xf32>, vector<256x128xf32>, vector<512x128xf32> -> vector<512x128xf32>
    %add3A = arith.addf %get3A_25, %dot_general3A_26 : vector<512x128xf32>
    %swap3A_27 = arith.constant 0 : index
    %swap3A_28 = arith.constant 0 : index
    %swap3A_29 = vector.load %arg7[%swap3A_27, %swap3A_28] : memref<512x128xf32, #tpu.memory_space<vmem>>, vector<512x128xf32>
    tpu.vector_store %arg7[%swap3A_27, %swap3A_28], %add3A {strides = array<i32>} : memref<512x128xf32, #tpu.memory_space<vmem>>, vector<512x128xf32>,
    %get3A_30 = arith.constant 0 : index
    %get3A_31 = arith.constant 0 : index
    %get3A_32 = vector.load %arg9[%get3A_30, %get3A_31] : memref<512x1xf32, #tpu.memory_space<vmem>>, vector<512x1xf32>
    %dot_general3A_33 = arith.constant dense<0.000000e+00> : vector<512x1xf32>
    %dot_general3A_34 = tpu.matmul %select_n3A, %get3A_3, %dot_general3A_33 {dimension_numbers = #tpu.dot_dimension_numbers<[1], [0], [0], [1], [0, 0, 1, 1], [], []>, transpose_lhs_hint = false} : vector<512x256xf32>, vector<256x1xf32>, vector<512x1xf32> -> vector<512x1xf32>
    %add3A_35 = arith.addf %get3A_32, %dot_general3A_34 : vector<512x1xf32>
    %swap3A_36 = arith.constant 0 : index
    %swap3A_37 = arith.constant 0 : index
    %swap3A_38 = vector.load %arg9[%swap3A_36, %swap3A_37] : memref<512x1xf32, #tpu.memory_space<vmem>>, vector<512x1xf32>
    tpu.vector_store %arg9[%swap3A_36, %swap3A_37], %add3A_35 {strides = array<i32>} : memref<512x1xf32, #tpu.memory_space<vmem>>, vector<512x1xf32>,
    %gt3A = arith.constant 0.000000e+00 : f32
    %gt3A_39 = vector.broadcast %gt3A : f32 to vector<256x1xf32>
    %gt3A_40 = arith.cmpf ogt, %get3A_3, %gt3A_39 : vector<256x1xf32>
    %jit3A_41 = arith.constant -3.40282347E+38 : f32
    %broadcast_in_dim3A_42 = vector.shape_cast %gt3A_40 : vector<256x1xi1> to vector<256x1xi1>
    %broadcast_in_dim3A_43 = vector.broadcast %broadcast_in_dim3A_42 : vector<256x1xi1> to vector<256x128xi1>
    %broadcast_in_dim3A_44 = vector.broadcast %jit3A_41 : f32 to vector<256x128xf32>
    %select_n3A_45 = arith.select %broadcast_in_dim3A_43, %mul3A_12, %broadcast_in_dim3A_44 : vector<256x128xi1>, vector<256x128xf32>
    %get3A_46 = arith.constant 0 : index
    %get3A_47 = arith.constant 0 : index
    %get3A_48 = vector.load %arg5[%get3A_46, %get3A_47] : memref<256x1xi32, #tpu.memory_space<vmem>>, vector<256x1xi32>
    %get3A_49 = arith.constant 0 : index
    %get3A_50 = arith.constant 0 : index
    %get3A_51 = vector.load %arg5[%get3A_49, %get3A_50] : memref<256x1xi32, #tpu.memory_space<vmem>>, vector<1x1xi32>
    %get3A_52 = vector.extract %get3A_51[0, 0] : i32 from vector<1x1xi32>
    %get3A_53 = arith.constant 255 : index
    %get3A_54 = arith.constant 0 : index
    %get3A_55 = vector.load %arg5[%get3A_53, %get3A_54] : memref<256x1xi32, #tpu.memory_space<vmem>>, vector<1x1xi32>
    %get3A_56 = vector.extract %get3A_55[0, 0] : i32 from vector<1x1xi32>
    %min3A = arith.constant 511 : i32
    %min3A_57 = arith.minsi %get3A_56, %min3A : i32
    %add3A_58 = arith.constant 1 : i32
    %add3A_59 = arith.addi %min3A_57, %add3A_58 : i32
    %while3A = arith.subi %add3A_59, %get3A_52 : i32
    %while3A_60 = arith.addi %get3A_52, %while3A : i32
    %while3A_61 = arith.constant 1 : i32
    %while3A_62 = arith.divsi %while3A, %while3A_61 : i32
    %while3A_63 = arith.muli %while3A_62, %while3A_61 : i32
    %while3A_64 = arith.addi %get3A_52, %while3A_63 : i32
    %while3A_65 = arith.constant 1 : i32
    scf.for %while3A_67 = %get3A_52 to %while3A_64 step %while3A_65  : i32 {
      %eq3A_68 = vector.broadcast %while3A_67 : i32 to vector<256x1xi32>
      %eq3A_69 = arith.cmpi eq, %get3A_48, %eq3A_68 : vector<256x1xi32>
      %jit3A_70 = arith.constant -3.40282347E+38 : f32
      %broadcast_in_dim3A_71 = vector.shape_cast %eq3A_69 : vector<256x1xi1> to vector<256x1xi1>
      %broadcast_in_dim3A_72 = vector.broadcast %broadcast_in_dim3A_71 : vector<256x1xi1> to vector<256x128xi1>
      %broadcast_in_dim3A_73 = vector.broadcast %jit3A_70 : f32 to vector<256x128xf32>
      %select_n3A_74 = arith.select %broadcast_in_dim3A_72, %select_n3A_45, %broadcast_in_dim3A_73 : vector<256x128xi1>, vector<256x128xf32>
      %reduce_max3A = arith.constant dense<0xFF800000> : vector<128xf32>
      %reduce_max3A_75 = vector.multi_reduction <maximumf>, %select_n3A_74, %reduce_max3A [0] : vector<256x128xf32> to vector<128xf32>
      %broadcast_in_dim3A_76 = vector.shape_cast %reduce_max3A_75 : vector<128xf32> to vector<1x128xf32>
      %get3A_77 = arith.index_cast %while3A_67 : i32 to index
      %get3A_78 = arith.constant 0 : index
      %get3A_79 = vector.load %arg8[%get3A_77, %get3A_78] : memref<512x128xf32, #tpu.memory_space<vmem>>, vector<1x128xf32>
      %max3A = arith.maximumf %get3A_79, %broadcast_in_dim3A_76 : vector<1x128xf32>
      %swap3A_80 = arith.index_cast %while3A_67 : i32 to index
      %swap3A_81 = arith.constant 0 : index
      %swap3A_82 = vector.load %arg8[%swap3A_80, %swap3A_81] : memref<512x128xf32, #tpu.memory_space<vmem>>, vector<1x128xf32>
      tpu.vector_store %arg8[%swap3A_80, %swap3A_81], %max3A {strides = array<i32>} : memref<512x128xf32, #tpu.memory_space<vmem>>, vector<1x128xf32>,
    }
    %while3A_66 = arith.constant 1 : i32
    scf.for %while3A_67 = %while3A_64 to %while3A_60 step %while3A_66  : i32 {
      %eq3A_68 = vector.broadcast %while3A_67 : i32 to vector<256x1xi32>
      %eq3A_69 = arith.cmpi eq, %get3A_48, %eq3A_68 : vector<256x1xi32>
      %jit3A_70 = arith.constant -3.40282347E+38 : f32
      %broadcast_in_dim3A_71 = vector.shape_cast %eq3A_69 : vector<256x1xi1> to vector<256x1xi1>
      %broadcast_in_dim3A_72 = vector.broadcast %broadcast_in_dim3A_71 : vector<256x1xi1> to vector<256x128xi1>
      %broadcast_in_dim3A_73 = vector.broadcast %jit3A_70 : f32 to vector<256x128xf32>
      %select_n3A_74 = arith.select %broadcast_in_dim3A_72, %select_n3A_45, %broadcast_in_dim3A_73 : vector<256x128xi1>, vector<256x128xf32>
      %reduce_max3A = arith.constant dense<0xFF800000> : vector<128xf32>
      %reduce_max3A_75 = vector.multi_reduction <maximumf>, %select_n3A_74, %reduce_max3A [0] : vector<256x128xf32> to vector<128xf32>
      %broadcast_in_dim3A_76 = vector.shape_cast %reduce_max3A_75 : vector<128xf32> to vector<1x128xf32>
      %get3A_77 = arith.index_cast %while3A_67 : i32 to index
      %get3A_78 = arith.constant 0 : index
      %get3A_79 = vector.load %arg8[%get3A_77, %get3A_78] : memref<512x128xf32, #tpu.memory_space<vmem>>, vector<1x128xf32>
      %max3A = arith.maximumf %get3A_79, %broadcast_in_dim3A_76 : vector<1x128xf32>
      %swap3A_80 = arith.index_cast %while3A_67 : i32 to index
      %swap3A_81 = arith.constant 0 : index
      %swap3A_82 = vector.load %arg8[%swap3A_80, %swap3A_81] : memref<512x128xf32, #tpu.memory_space<vmem>>, vector<1x128xf32>
      tpu.vector_store %arg8[%swap3A_80, %swap3A_81], %max3A {strides = array<i32>} : memref<512x128xf32, #tpu.memory_space<vmem>>, vector<1x128xf32>,
    }
    return
  }
  func.func @transform_0(%arg0: i32) -> (i32, i32) {
    %c0_i32 = arith.constant 0 : i32
    %c0_i32_0 = arith.constant 0 : i32
    return %arg0, %c0_i32 : i32, i32
  }
  func.func @transform_1(%arg0: i32) -> (i32, i32) {
    %c0_i32 = arith.constant 0 : i32
    %c0_i32_0 = arith.constant 0 : i32
    return %arg0, %c0_i32 : i32, i32
  }
  func.func @transform_2(%arg0: i32) -> (i32, i32) {
    %c0_i32 = arith.constant 0 : i32
    %c0_i32_0 = arith.constant 0 : i32
    return %arg0, %c0_i32 : i32, i32
  }
  func.func @transform_3(%arg0: i32) -> (i32, i32) {
    %c0_i32 = arith.constant 0 : i32
    %c0_i32_0 = arith.constant 0 : i32
    return %c0_i32, %arg0 : i32, i32
  }
  func.func @transform_4(%arg0: i32) -> (i32, i32) {
    %c0_i32 = arith.constant 0 : i32
    %c0_i32_0 = arith.constant 0 : i32
    return %arg0, %c0_i32 : i32, i32
  }
  func.func @transform_5(%arg0: i32) -> (i32, i32) {
    %c0_i32 = arith.constant 0 : i32
    %c0_i32_0 = arith.constant 0 : i32
    return %arg0, %c0_i32 : i32, i32
  }
  func.func @transform_6(%arg0: i32) -> (i32, i32) {
    %c0_i32 = arith.constant 0 : i32
    %c0_i32_0 = arith.constant 0 : i32
    %c0_i32_1 = arith.constant 0 : i32
    return %c0_i32, %c0_i32_0 : i32, i32
  }
  func.func @transform_7(%arg0: i32) -> (i32, i32) {
    %c0_i32 = arith.constant 0 : i32
    %c0_i32_0 = arith.constant 0 : i32
    %c0_i32_1 = arith.constant 0 : i32
    return %c0_i32, %c0_i32_0 : i32, i32
  }
  func.func @transform_8(%arg0: i32) -> (i32, i32) {
    %c0_i32 = arith.constant 0 : i32
    %c0_i32_0 = arith.constant 0 : i32
    %c0_i32_1 = arith.constant 0 : i32
    return %c0_i32, %c0_i32_0 : i32, i32
  }
}

module attributes {stable_mosaic.version = 14 : i64} {
  func.func @_pool_body(%arg0: i32, %arg1: memref<256x128xf32, #tpu.memory_space<vmem>>, %arg2: memref<256x1xf32, #tpu.memory_space<vmem>>, %arg3: memref<256x1xf32, #tpu.memory_space<vmem>>, %arg4: memref<1x256xi32, #tpu.memory_space<vmem>>, %arg5: memref<256x1xi32, #tpu.memory_space<vmem>>, %arg6: memref<256x128xf32, #tpu.memory_space<vmem>>, %arg7: memref<512x128xf32, #tpu.memory_space<vmem>>, %arg8: memref<512x128xf32, #tpu.memory_space<vmem>>, %arg9: memref<512x1xf32, #tpu.memory_space<vmem>>) attributes {dimension_semantics = [#tpu.dimension_semantics<arbitrary>], iteration_bounds = array<i64: 40>, scalar_prefetch = 0 : i64, scratch_operands = 0 : i64, tpu.core_type = #tpu.core_type<tc>, window_params = [{transform_indices = @transform_0, window_bounds = array<i64: 256, 128>}, {transform_indices = @transform_1, window_bounds = array<i64: 256, 1>}, {transform_indices = @transform_2, window_bounds = array<i64: 256, 1>}, {transform_indices = @transform_3, window_bounds = array<i64: 1, 256>}, {transform_indices = @transform_4, window_bounds = array<i64: 256, 1>}, {transform_indices = @transform_5, window_bounds = array<i64: 256, 128>}, {pipeline_mode = #tpu.pipeline_mode<synchronous>, transform_indices = @transform_6, window_bounds = array<i64: 512, 128>}, {pipeline_mode = #tpu.pipeline_mode<synchronous>, transform_indices = @transform_7, window_bounds = array<i64: 512, 128>}, {pipeline_mode = #tpu.pipeline_mode<synchronous>, transform_indices = @transform_8, window_bounds = array<i64: 512, 1>}]} {
    %eq3A = arith.constant 0 : i32
    %eq3A_0 = arith.cmpi eq, %arg0, %eq3A : i32
    %convert_element_type3A = arith.extui %eq3A_0 : i1 to i32
    %cond3A = arith.constant 0 : i32
    %cond3A_1 = arith.cmpi ne, %convert_element_type3A, %cond3A : i32
    scf.if %cond3A_1 {
      %broadcast_in_dim3A_67 = arith.constant 0.000000e+00 : f32
      %broadcast_in_dim3A_68 = vector.broadcast %broadcast_in_dim3A_67 : f32 to vector<512x128xf32>
      %swap3A_69 = arith.constant 0 : index
      %swap3A_70 = arith.constant 0 : index
      %swap3A_71 = vector.load %arg7[%swap3A_69, %swap3A_70] : memref<512x128xf32, #tpu.memory_space<vmem>>, vector<512x128xf32>
      tpu.vector_store %arg7[%swap3A_69, %swap3A_70], %broadcast_in_dim3A_68 {strides = array<i32>} : memref<512x128xf32, #tpu.memory_space<vmem>>, vector<512x128xf32>,
      %broadcast_in_dim3A_72 = arith.constant 0.000000e+00 : f32
      %broadcast_in_dim3A_73 = vector.broadcast %broadcast_in_dim3A_72 : f32 to vector<512x1xf32>
      %swap3A_74 = arith.constant 0 : index
      %swap3A_75 = arith.constant 0 : index
      %swap3A_76 = vector.load %arg9[%swap3A_74, %swap3A_75] : memref<512x1xf32, #tpu.memory_space<vmem>>, vector<512x1xf32>
      tpu.vector_store %arg9[%swap3A_74, %swap3A_75], %broadcast_in_dim3A_73 {strides = array<i32>} : memref<512x1xf32, #tpu.memory_space<vmem>>, vector<512x1xf32>,
      %broadcast_in_dim3A_77 = arith.constant -3.40282347E+38 : f32
      %broadcast_in_dim3A_78 = vector.broadcast %broadcast_in_dim3A_77 : f32 to vector<512x128xf32>
      %swap3A_79 = arith.constant 0 : index
      %swap3A_80 = arith.constant 0 : index
      %swap3A_81 = vector.load %arg8[%swap3A_79, %swap3A_80] : memref<512x128xf32, #tpu.memory_space<vmem>>, vector<512x128xf32>
      tpu.vector_store %arg8[%swap3A_79, %swap3A_80], %broadcast_in_dim3A_78 {strides = array<i32>} : memref<512x128xf32, #tpu.memory_space<vmem>>, vector<512x128xf32>,
    } else {
    }
    %get3A = arith.constant 0 : index
    %get3A_2 = arith.constant 0 : index
    %get3A_3 = vector.load %arg3[%get3A, %get3A_2] : memref<256x1xf32, #tpu.memory_space<vmem>>, vector<256x1xf32>
    %get3A_4 = arith.constant 0 : index
    %get3A_5 = arith.constant 0 : index
    %get3A_6 = vector.load %arg1[%get3A_4, %get3A_5] : memref<256x128xf32, #tpu.memory_space<vmem>>, vector<256x128xf32>
    %get3A_7 = arith.constant 0 : index
    %get3A_8 = arith.constant 0 : index
    %get3A_9 = vector.load %arg2[%get3A_7, %get3A_8] : memref<256x1xf32, #tpu.memory_space<vmem>>, vector<256x1xf32>
    %tanh3A = math.tanh %get3A_9 : vector<256x1xf32>
    %mul3A = vector.broadcast %tanh3A : vector<256x1xf32> to vector<256x128xf32>
    %mul3A_10 = arith.mulf %get3A_6, %mul3A : vector<256x128xf32>
    %mul3A_11 = vector.broadcast %get3A_3 : vector<256x1xf32> to vector<256x128xf32>
    %mul3A_12 = arith.mulf %mul3A_10, %mul3A_11 : vector<256x128xf32>
    %swap3A = arith.constant 0 : index
    %swap3A_13 = arith.constant 0 : index
    %swap3A_14 = vector.load %arg6[%swap3A, %swap3A_13] : memref<256x128xf32, #tpu.memory_space<vmem>>, vector<256x128xf32>
    tpu.vector_store %arg6[%swap3A, %swap3A_13], %mul3A_12 {strides = array<i32>} : memref<256x128xf32, #tpu.memory_space<vmem>>, vector<256x128xf32>,
    %iota3A = tpu.iota {dimensions = array<i32: 0>} : vector<512x1xi32>
    %get3A_15 = arith.constant 0 : index
    %get3A_16 = arith.constant 0 : index
    %get3A_17 = vector.load %arg4[%get3A_15, %get3A_16] : memref<1x256xi32, #tpu.memory_space<vmem>>, vector<1x256xi32>
    %eq3A_18 = vector.broadcast %iota3A : vector<512x1xi32> to vector<512x256xi32>
    %eq3A_19 = vector.broadcast %get3A_17 : vector<1x256xi32> to vector<512x256xi32>
    %eq3A_20 = arith.cmpi eq, %eq3A_18, %eq3A_19 : vector<512x256xi32>
    %jit3A = arith.constant 1.000000e+00 : f32
    %jit3A_21 = arith.constant 0.000000e+00 : f32
    %broadcast_in_dim3A = vector.broadcast %jit3A : f32 to vector<512x256xf32>
    %broadcast_in_dim3A_22 = vector.broadcast %jit3A_21 : f32 to vector<512x256xf32>
    %select_n3A = arith.select %eq3A_20, %broadcast_in_dim3A, %broadcast_in_dim3A_22 : vector<512x256xi1>, vector<512x256xf32>
    %get3A_23 = arith.constant 0 : index
    %get3A_24 = arith.constant 0 : index
    %get3A_25 = vector.load %arg7[%get3A_23, %get3A_24] : memref<512x128xf32, #tpu.memory_space<vmem>>, vector<512x128xf32>
    %dot_general3A = arith.constant dense<0.000000e+00> : vector<512x128xf32>
    %dot_general3A_26 = tpu.matmul %select_n3A, %mul3A_12, %dot_general3A {dimension_numbers = #tpu.dot_dimension_numbers<[1], [0], [0], [1], [0, 0, 1, 1], [], []>, transpose_lhs_hint = false} : vector<512x256xf32>, vector<256x128xf32>, vector<512x128xf32> -> vector<512x128xf32>
    %add3A = arith.addf %get3A_25, %dot_general3A_26 : vector<512x128xf32>
    %swap3A_27 = arith.constant 0 : index
    %swap3A_28 = arith.constant 0 : index
    %swap3A_29 = vector.load %arg7[%swap3A_27, %swap3A_28] : memref<512x128xf32, #tpu.memory_space<vmem>>, vector<512x128xf32>
    tpu.vector_store %arg7[%swap3A_27, %swap3A_28], %add3A {strides = array<i32>} : memref<512x128xf32, #tpu.memory_space<vmem>>, vector<512x128xf32>,
    %get3A_30 = arith.constant 0 : index
    %get3A_31 = arith.constant 0 : index
    %get3A_32 = vector.load %arg9[%get3A_30, %get3A_31] : memref<512x1xf32, #tpu.memory_space<vmem>>, vector<512x1xf32>
    %dot_general3A_33 = arith.constant dense<0.000000e+00> : vector<512x1xf32>
    %dot_general3A_34 = tpu.matmul %select_n3A, %get3A_3, %dot_general3A_33 {dimension_numbers = #tpu.dot_dimension_numbers<[1], [0], [0], [1], [0, 0, 1, 1], [], []>, transpose_lhs_hint = false} : vector<512x256xf32>, vector<256x1xf32>, vector<512x1xf32> -> vector<512x1xf32>
    %add3A_35 = arith.addf %get3A_32, %dot_general3A_34 : vector<512x1xf32>
    %swap3A_36 = arith.constant 0 : index
    %swap3A_37 = arith.constant 0 : index
    %swap3A_38 = vector.load %arg9[%swap3A_36, %swap3A_37] : memref<512x1xf32, #tpu.memory_space<vmem>>, vector<512x1xf32>
    tpu.vector_store %arg9[%swap3A_36, %swap3A_37], %add3A_35 {strides = array<i32>} : memref<512x1xf32, #tpu.memory_space<vmem>>, vector<512x1xf32>,
    %gt3A = arith.constant 0.000000e+00 : f32
    %gt3A_39 = vector.broadcast %gt3A : f32 to vector<256x1xf32>
    %gt3A_40 = arith.cmpf ogt, %get3A_3, %gt3A_39 : vector<256x1xf32>
    %jit3A_41 = arith.constant -3.40282347E+38 : f32
    %broadcast_in_dim3A_42 = vector.shape_cast %gt3A_40 : vector<256x1xi1> to vector<256x1xi1>
    %broadcast_in_dim3A_43 = vector.broadcast %broadcast_in_dim3A_42 : vector<256x1xi1> to vector<256x128xi1>
    %broadcast_in_dim3A_44 = vector.broadcast %jit3A_41 : f32 to vector<256x128xf32>
    %select_n3A_45 = arith.select %broadcast_in_dim3A_43, %mul3A_12, %broadcast_in_dim3A_44 : vector<256x128xi1>, vector<256x128xf32>
    %get3A_46 = arith.constant 0 : index
    %get3A_47 = arith.constant 0 : index
    %get3A_48 = vector.load %arg5[%get3A_46, %get3A_47] : memref<256x1xi32, #tpu.memory_space<vmem>>, vector<256x1xi32>
    %get3A_49 = arith.constant 0 : index
    %get3A_50 = arith.constant 0 : index
    %get3A_51 = vector.load %arg5[%get3A_49, %get3A_50] : memref<256x1xi32, #tpu.memory_space<vmem>>, vector<1x1xi32>
    %get3A_52 = vector.extract %get3A_51[0, 0] : i32 from vector<1x1xi32>
    %get3A_53 = arith.constant 255 : index
    %get3A_54 = arith.constant 0 : index
    %get3A_55 = vector.load %arg5[%get3A_53, %get3A_54] : memref<256x1xi32, #tpu.memory_space<vmem>>, vector<1x1xi32>
    %get3A_56 = vector.extract %get3A_55[0, 0] : i32 from vector<1x1xi32>
    %min3A = arith.constant 511 : i32
    %min3A_57 = arith.minsi %get3A_56, %min3A : i32
    %add3A_58 = arith.constant 1 : i32
    %add3A_59 = arith.addi %min3A_57, %add3A_58 : i32
    %while3A = arith.subi %add3A_59, %get3A_52 : i32
    %while3A_60 = arith.addi %get3A_52, %while3A : i32
    %while3A_61 = arith.constant 1 : i32
    %while3A_62 = arith.divsi %while3A, %while3A_61 : i32
    %while3A_63 = arith.muli %while3A_62, %while3A_61 : i32
    %while3A_64 = arith.addi %get3A_52, %while3A_63 : i32
    %while3A_65 = arith.constant 1 : i32
    scf.for %while3A_67 = %get3A_52 to %while3A_64 step %while3A_65  : i32 {
      %eq3A_68 = vector.broadcast %while3A_67 : i32 to vector<256x1xi32>
      %eq3A_69 = arith.cmpi eq, %get3A_48, %eq3A_68 : vector<256x1xi32>
      %jit3A_70 = arith.constant -3.40282347E+38 : f32
      %broadcast_in_dim3A_71 = vector.shape_cast %eq3A_69 : vector<256x1xi1> to vector<256x1xi1>
      %broadcast_in_dim3A_72 = vector.broadcast %broadcast_in_dim3A_71 : vector<256x1xi1> to vector<256x128xi1>
      %broadcast_in_dim3A_73 = vector.broadcast %jit3A_70 : f32 to vector<256x128xf32>
      %select_n3A_74 = arith.select %broadcast_in_dim3A_72, %select_n3A_45, %broadcast_in_dim3A_73 : vector<256x128xi1>, vector<256x128xf32>
      %reduce_max3A = arith.constant dense<0xFF800000> : vector<128xf32>
      %reduce_max3A_75 = vector.multi_reduction <maximumf>, %select_n3A_74, %reduce_max3A [0] : vector<256x128xf32> to vector<128xf32>
      %broadcast_in_dim3A_76 = vector.shape_cast %reduce_max3A_75 : vector<128xf32> to vector<1x128xf32>
      %get3A_77 = arith.index_cast %while3A_67 : i32 to index
      %get3A_78 = arith.constant 0 : index
      %get3A_79 = vector.load %arg8[%get3A_77, %get3A_78] : memref<512x128xf32, #tpu.memory_space<vmem>>, vector<1x128xf32>
      %max3A = arith.maximumf %get3A_79, %broadcast_in_dim3A_76 : vector<1x128xf32>
      %swap3A_80 = arith.index_cast %while3A_67 : i32 to index
      %swap3A_81 = arith.constant 0 : index
      %swap3A_82 = vector.load %arg8[%swap3A_80, %swap3A_81] : memref<512x128xf32, #tpu.memory_space<vmem>>, vector<1x128xf32>
      tpu.vector_store %arg8[%swap3A_80, %swap3A_81], %max3A {strides = array<i32>} : memref<512x128xf32, #tpu.memory_space<vmem>>, vector<1x128xf32>,
    }
    %while3A_66 = arith.constant 1 : i32
    scf.for %while3A_67 = %while3A_64 to %while3A_60 step %while3A_66  : i32 {
      %eq3A_68 = vector.broadcast %while3A_67 : i32 to vector<256x1xi32>
      %eq3A_69 = arith.cmpi eq, %get3A_48, %eq3A_68 : vector<256x1xi32>
      %jit3A_70 = arith.constant -3.40282347E+38 : f32
      %broadcast_in_dim3A_71 = vector.shape_cast %eq3A_69 : vector<256x1xi1> to vector<256x1xi1>
      %broadcast_in_dim3A_72 = vector.broadcast %broadcast_in_dim3A_71 : vector<256x1xi1> to vector<256x128xi1>
      %broadcast_in_dim3A_73 = vector.broadcast %jit3A_70 : f32 to vector<256x128xf32>
      %select_n3A_74 = arith.select %broadcast_in_dim3A_72, %select_n3A_45, %broadcast_in_dim3A_73 : vector<256x128xi1>, vector<256x128xf32>
      %reduce_max3A = arith.constant dense<0xFF800000> : vector<128xf32>
      %reduce_max3A_75 = vector.multi_reduction <maximumf>, %select_n3A_74, %reduce_max3A [0] : vector<256x128xf32> to vector<128xf32>
      %broadcast_in_dim3A_76 = vector.shape_cast %reduce_max3A_75 : vector<128xf32> to vector<1x128xf32>
      %get3A_77 = arith.index_cast %while3A_67 : i32 to index
      %get3A_78 = arith.constant 0 : index
      %get3A_79 = vector.load %arg8[%get3A_77, %get3A_78] : memref<512x128xf32, #tpu.memory_space<vmem>>, vector<1x128xf32>
      %max3A = arith.maximumf %get3A_79, %broadcast_in_dim3A_76 : vector<1x128xf32>
      %swap3A_80 = arith.index_cast %while3A_67 : i32 to index
      %swap3A_81 = arith.constant 0 : index
      %swap3A_82 = vector.load %arg8[%swap3A_80, %swap3A_81] : memref<512x128xf32, #tpu.memory_space<vmem>>, vector<1x128xf32>
      tpu.vector_store %arg8[%swap3A_80, %swap3A_81], %max3A {strides = array<i32>} : memref<512x128xf32, #tpu.memory_space<vmem>>, vector<1x128xf32>,
    }
    return
  }
  func.func @transform_0(%arg0: i32) -> (i32, i32) {
    %c0_i32 = arith.constant 0 : i32
    %c0_i32_0 = arith.constant 0 : i32
    return %arg0, %c0_i32 : i32, i32
  }
  func.func @transform_1(%arg0: i32) -> (i32, i32) {
    %c0_i32 = arith.constant 0 : i32
    %c0_i32_0 = arith.constant 0 : i32
    return %arg0, %c0_i32 : i32, i32
  }
  func.func @transform_2(%arg0: i32) -> (i32, i32) {
    %c0_i32 = arith.constant 0 : i32
    %c0_i32_0 = arith.constant 0 : i32
    return %arg0, %c0_i32 : i32, i32
  }
  func.func @transform_3(%arg0: i32) -> (i32, i32) {
    %c0_i32 = arith.constant 0 : i32
    %c0_i32_0 = arith.constant 0 : i32
    return %c0_i32, %arg0 : i32, i32
  }
  func.func @transform_4(%arg0: i32) -> (i32, i32) {
    %c0_i32 = arith.constant 0 : i32
    %c0_i32_0 = arith.constant 0 : i32
    return %arg0, %c0_i32 : i32, i32
  }
  func.func @transform_5(%arg0: i32) -> (i32, i32) {
    %c0_i32 = arith.constant 0 : i32
    %c0_i32_0 = arith.constant 0 : i32
    return %arg0, %c0_i32 : i32, i32
  }
  func.func @transform_6(%arg0: i32) -> (i32, i32) {
    %c0_i32 = arith.constant 0 : i32
    %c0_i32_0 = arith.constant 0 : i32
    %c0_i32_1 = arith.constant 0 : i32
    return %c0_i32, %c0_i32_0 : i32, i32
  }
  func.func @transform_7(%arg0: i32) -> (i32, i32) {
    %c0_i32 = arith.constant 0 : i32
    %c0_i32_0 = arith.constant 0 : i32
    %c0_i32_1 = arith.constant 0 : i32
    return %c0_i32, %c0_i32_0 : i32, i32
  }
  func.func @transform_8(%arg0: i32) -> (i32, i32) {
    %c0_i32 = arith.constant 0 : i32
    %c0_i32_0 = arith.constant 0 : i32
    %c0_i32_1 = arith.constant 0 : i32
    return %c0_i32, %c0_i32_0 : i32, i32
  }
}

module attributes {stable_mosaic.version = 14 : i64} {
  func.func @_mlp_body(%arg0: memref<512x128xf32, #tpu.memory_space<vmem>>, %arg1: memref<512x128xf32, #tpu.memory_space<vmem>>, %arg2: memref<512x1xf32, #tpu.memory_space<vmem>>, %arg3: memref<512x128xf32, #tpu.memory_space<vmem>>, %arg4: memref<512x128xf32, #tpu.memory_space<vmem>>, %arg5: memref<512x1xf32, #tpu.memory_space<vmem>>, %arg6: memref<512x128xf32, #tpu.memory_space<vmem>>, %arg7: memref<512x128xf32, #tpu.memory_space<vmem>>, %arg8: memref<512x1xf32, #tpu.memory_space<vmem>>, %arg9: memref<128x256xf32, #tpu.memory_space<vmem>>, %arg10: memref<1x128xf32, #tpu.memory_space<vmem>>, %arg11: memref<64x128xf32, #tpu.memory_space<vmem>>, %arg12: memref<1x64xf32, #tpu.memory_space<vmem>>, %arg13: memref<1x64xf32, #tpu.memory_space<vmem>>, %arg14: memref<1x1xf32, #tpu.memory_space<vmem>>, %arg15: memref<512x1xf32, #tpu.memory_space<vmem>>) attributes {dimension_semantics = [], scalar_prefetch = 0 : i64, scratch_operands = 0 : i64, tpu.core_type = #tpu.core_type<tc>} {
    %get3A = arith.constant 0 : index
    %get3A_0 = arith.constant 0 : index
    %get3A_1 = vector.load %arg2[%get3A, %get3A_0] : memref<512x1xf32, #tpu.memory_space<vmem>>, vector<512x1xf32>
    %get3A_2 = arith.constant 0 : index
    %get3A_3 = arith.constant 0 : index
    %get3A_4 = vector.load %arg0[%get3A_2, %get3A_3] : memref<512x128xf32, #tpu.memory_space<vmem>>, vector<512x128xf32>
    %jit3A = arith.constant 1.000000e+00 : f32
    %max3A = vector.broadcast %jit3A : f32 to vector<512x1xf32>
    %max3A_5 = arith.maximumf %max3A, %get3A_1 : vector<512x1xf32>
    %div3A = vector.broadcast %max3A_5 : vector<512x1xf32> to vector<512x128xf32>
    %div3A_6 = arith.divf %get3A_4, %div3A : vector<512x128xf32>
    %gt3A = arith.constant 0.000000e+00 : f32
    %gt3A_7 = vector.broadcast %gt3A : f32 to vector<512x1xf32>
    %gt3A_8 = arith.cmpf ogt, %get3A_1, %gt3A_7 : vector<512x1xf32>
    %get3A_9 = arith.constant 0 : index
    %get3A_10 = arith.constant 0 : index
    %get3A_11 = vector.load %arg1[%get3A_9, %get3A_10] : memref<512x128xf32, #tpu.memory_space<vmem>>, vector<512x128xf32>
    %jit3A_12 = arith.constant 0.000000e+00 : f32
    %broadcast_in_dim3A = vector.shape_cast %gt3A_8 : vector<512x1xi1> to vector<512x1xi1>
    %broadcast_in_dim3A_13 = vector.broadcast %broadcast_in_dim3A : vector<512x1xi1> to vector<512x128xi1>
    %broadcast_in_dim3A_14 = vector.broadcast %jit3A_12 : f32 to vector<512x128xf32>
    %select_n3A = arith.select %broadcast_in_dim3A_13, %get3A_11, %broadcast_in_dim3A_14 : vector<512x128xi1>, vector<512x128xf32>
    %concatenate3A = tpu.concatenate %select_n3A, %div3A_6 in 1 : vector<512x128xf32>, vector<512x128xf32> -> vector<512x256xf32>
    %get3A_15 = arith.constant 0 : index
    %get3A_16 = arith.constant 0 : index
    %get3A_17 = vector.load %arg5[%get3A_15, %get3A_16] : memref<512x1xf32, #tpu.memory_space<vmem>>, vector<512x1xf32>
    %get3A_18 = arith.constant 0 : index
    %get3A_19 = arith.constant 0 : index
    %get3A_20 = vector.load %arg3[%get3A_18, %get3A_19] : memref<512x128xf32, #tpu.memory_space<vmem>>, vector<512x128xf32>
    %jit3A_21 = arith.constant 1.000000e+00 : f32
    %max3A_22 = vector.broadcast %jit3A_21 : f32 to vector<512x1xf32>
    %max3A_23 = arith.maximumf %max3A_22, %get3A_17 : vector<512x1xf32>
    %div3A_24 = vector.broadcast %max3A_23 : vector<512x1xf32> to vector<512x128xf32>
    %div3A_25 = arith.divf %get3A_20, %div3A_24 : vector<512x128xf32>
    %gt3A_26 = arith.constant 0.000000e+00 : f32
    %gt3A_27 = vector.broadcast %gt3A_26 : f32 to vector<512x1xf32>
    %gt3A_28 = arith.cmpf ogt, %get3A_17, %gt3A_27 : vector<512x1xf32>
    %get3A_29 = arith.constant 0 : index
    %get3A_30 = arith.constant 0 : index
    %get3A_31 = vector.load %arg4[%get3A_29, %get3A_30] : memref<512x128xf32, #tpu.memory_space<vmem>>, vector<512x128xf32>
    %jit3A_32 = arith.constant 0.000000e+00 : f32
    %broadcast_in_dim3A_33 = vector.shape_cast %gt3A_28 : vector<512x1xi1> to vector<512x1xi1>
    %broadcast_in_dim3A_34 = vector.broadcast %broadcast_in_dim3A_33 : vector<512x1xi1> to vector<512x128xi1>
    %broadcast_in_dim3A_35 = vector.broadcast %jit3A_32 : f32 to vector<512x128xf32>
    %select_n3A_36 = arith.select %broadcast_in_dim3A_34, %get3A_31, %broadcast_in_dim3A_35 : vector<512x128xi1>, vector<512x128xf32>
    %concatenate3A_37 = tpu.concatenate %select_n3A_36, %div3A_25 in 1 : vector<512x128xf32>, vector<512x128xf32> -> vector<512x256xf32>
    %add3A = arith.addf %concatenate3A, %concatenate3A_37 : vector<512x256xf32>
    %get3A_38 = arith.constant 0 : index
    %get3A_39 = arith.constant 0 : index
    %get3A_40 = vector.load %arg8[%get3A_38, %get3A_39] : memref<512x1xf32, #tpu.memory_space<vmem>>, vector<512x1xf32>
    %get3A_41 = arith.constant 0 : index
    %get3A_42 = arith.constant 0 : index
    %get3A_43 = vector.load %arg6[%get3A_41, %get3A_42] : memref<512x128xf32, #tpu.memory_space<vmem>>, vector<512x128xf32>
    %jit3A_44 = arith.constant 1.000000e+00 : f32
    %max3A_45 = vector.broadcast %jit3A_44 : f32 to vector<512x1xf32>
    %max3A_46 = arith.maximumf %max3A_45, %get3A_40 : vector<512x1xf32>
    %div3A_47 = vector.broadcast %max3A_46 : vector<512x1xf32> to vector<512x128xf32>
    %div3A_48 = arith.divf %get3A_43, %div3A_47 : vector<512x128xf32>
    %gt3A_49 = arith.constant 0.000000e+00 : f32
    %gt3A_50 = vector.broadcast %gt3A_49 : f32 to vector<512x1xf32>
    %gt3A_51 = arith.cmpf ogt, %get3A_40, %gt3A_50 : vector<512x1xf32>
    %get3A_52 = arith.constant 0 : index
    %get3A_53 = arith.constant 0 : index
    %get3A_54 = vector.load %arg7[%get3A_52, %get3A_53] : memref<512x128xf32, #tpu.memory_space<vmem>>, vector<512x128xf32>
    %jit3A_55 = arith.constant 0.000000e+00 : f32
    %broadcast_in_dim3A_56 = vector.shape_cast %gt3A_51 : vector<512x1xi1> to vector<512x1xi1>
    %broadcast_in_dim3A_57 = vector.broadcast %broadcast_in_dim3A_56 : vector<512x1xi1> to vector<512x128xi1>
    %broadcast_in_dim3A_58 = vector.broadcast %jit3A_55 : f32 to vector<512x128xf32>
    %select_n3A_59 = arith.select %broadcast_in_dim3A_57, %get3A_54, %broadcast_in_dim3A_58 : vector<512x128xi1>, vector<512x128xf32>
    %concatenate3A_60 = tpu.concatenate %select_n3A_59, %div3A_48 in 1 : vector<512x128xf32>, vector<512x128xf32> -> vector<512x256xf32>
    %add3A_61 = arith.addf %add3A, %concatenate3A_60 : vector<512x256xf32>
    %get3A_62 = arith.constant 0 : index
    %get3A_63 = arith.constant 0 : index
    %get3A_64 = vector.load %arg9[%get3A_62, %get3A_63] : memref<128x256xf32, #tpu.memory_space<vmem>>, vector<128x256xf32>
    %dot_general3A = arith.constant dense<0.000000e+00> : vector<512x128xf32>
    %dot_general3A_65 = tpu.matmul %add3A_61, %get3A_64, %dot_general3A {dimension_numbers = #tpu.dot_dimension_numbers<[1], [1], [0], [0], [0, 0, 1, 0], [], []>, transpose_lhs_hint = false} : vector<512x256xf32>, vector<128x256xf32>, vector<512x128xf32> -> vector<512x128xf32>
    %get3A_66 = arith.constant 0 : index
    %get3A_67 = arith.constant 0 : index
    %get3A_68 = vector.load %arg10[%get3A_66, %get3A_67] : memref<1x128xf32, #tpu.memory_space<vmem>>, vector<1x128xf32>
    %add3A_69 = vector.broadcast %get3A_68 : vector<1x128xf32> to vector<512x128xf32>
    %add3A_70 = arith.addf %dot_general3A_65, %add3A_69 : vector<512x128xf32>
    %max3A_71 = arith.constant 0.000000e+00 : f32
    %max3A_72 = vector.broadcast %max3A_71 : f32 to vector<512x128xf32>
    %max3A_73 = arith.maximumf %add3A_70, %max3A_72 : vector<512x128xf32>
    %get3A_74 = arith.constant 0 : index
    %get3A_75 = arith.constant 0 : index
    %get3A_76 = vector.load %arg11[%get3A_74, %get3A_75] : memref<64x128xf32, #tpu.memory_space<vmem>>, vector<64x128xf32>
    %dot_general3A_77 = arith.constant dense<0.000000e+00> : vector<512x64xf32>
    %dot_general3A_78 = tpu.matmul %max3A_73, %get3A_76, %dot_general3A_77 {dimension_numbers = #tpu.dot_dimension_numbers<[1], [1], [0], [0], [0, 0, 1, 0], [], []>, transpose_lhs_hint = false} : vector<512x128xf32>, vector<64x128xf32>, vector<512x64xf32> -> vector<512x64xf32>
    %get3A_79 = arith.constant 0 : index
    %get3A_80 = arith.constant 0 : index
    %get3A_81 = vector.load %arg12[%get3A_79, %get3A_80] : memref<1x64xf32, #tpu.memory_space<vmem>>, vector<1x64xf32>
    %add3A_82 = vector.broadcast %get3A_81 : vector<1x64xf32> to vector<512x64xf32>
    %add3A_83 = arith.addf %dot_general3A_78, %add3A_82 : vector<512x64xf32>
    %max3A_84 = arith.constant 0.000000e+00 : f32
    %max3A_85 = vector.broadcast %max3A_84 : f32 to vector<512x64xf32>
    %max3A_86 = arith.maximumf %add3A_83, %max3A_85 : vector<512x64xf32>
    %get3A_87 = arith.constant 0 : index
    %get3A_88 = arith.constant 0 : index
    %get3A_89 = vector.load %arg13[%get3A_87, %get3A_88] : memref<1x64xf32, #tpu.memory_space<vmem>>, vector<1x64xf32>
    %mul3A = vector.broadcast %get3A_89 : vector<1x64xf32> to vector<512x64xf32>
    %mul3A_90 = arith.mulf %max3A_86, %mul3A : vector<512x64xf32>
    %reduce_sum3A = arith.constant dense<0.000000e+00> : vector<512xf32>
    %reduce_sum3A_91 = vector.multi_reduction <add>, %mul3A_90, %reduce_sum3A [1] : vector<512x64xf32> to vector<512xf32>
    %broadcast_in_dim3A_92 = vector.shape_cast %reduce_sum3A_91 : vector<512xf32> to vector<512x1xf32>
    %get3A_93 = arith.constant 0 : index
    %get3A_94 = arith.constant 0 : index
    %get3A_95 = vector.load %arg14[%get3A_93, %get3A_94] : memref<1x1xf32, #tpu.memory_space<vmem>>, vector<1x1xf32>
    %get3A_96 = vector.extract %get3A_95[0, 0] : f32 from vector<1x1xf32>
    %add3A_97 = vector.broadcast %get3A_96 : f32 to vector<512x1xf32>
    %add3A_98 = arith.addf %broadcast_in_dim3A_92, %add3A_97 : vector<512x1xf32>
    %neg3A = arith.constant 0.000000e+00 : f32
    %neg3A_99 = vector.broadcast %neg3A : f32 to vector<512x1xf32>
    %neg3A_100 = arith.subf %neg3A_99, %add3A_98 : vector<512x1xf32>
    %exp3A = math.exp %neg3A_100 : vector<512x1xf32>
    %add3A_101 = arith.constant 1.000000e+00 : f32
    %add3A_102 = vector.broadcast %add3A_101 : f32 to vector<512x1xf32>
    %add3A_103 = arith.addf %add3A_102, %exp3A : vector<512x1xf32>
    %div3A_104 = arith.constant 1.000000e+00 : f32
    %div3A_105 = vector.broadcast %div3A_104 : f32 to vector<512x1xf32>
    %div3A_106 = arith.divf %div3A_105, %add3A_103 : vector<512x1xf32>
    %swap3A = arith.constant 0 : index
    %swap3A_107 = arith.constant 0 : index
    %swap3A_108 = vector.load %arg15[%swap3A, %swap3A_107] : memref<512x1xf32, #tpu.memory_space<vmem>>, vector<512x1xf32>
    tpu.vector_store %arg15[%swap3A, %swap3A_107], %div3A_106 {strides = array<i32>} : memref<512x1xf32, #tpu.memory_space<vmem>>, vector<512x1xf32>,
    return
  }
}

</mosaic_0001>

<sc_bundles>
// kernel: kernel.19.cloned.1.call-start
scs
__scs_entry_jumppad:
0x0: {  	(pc) =	sbr.rel $0x88, $3  }
0x1: {  	(tag) =	ssettag $0x0;
	lr =	simm.s32 $0x1  }
0x2: {  	[smem:$0x3F8B] =	sst lr;
	_ =	strace $0xD0000000  }
0x3: {  	_ = 	snop  }
0x4: {  	_ = 	snop  }
0x5: {  	_ = 	snop  }
0x6: {  	_ = 	snop  }
0x7: {  	_ = 	snop  }
__scs_overlays_trampoline_lowered:
0x8: {  	[smem:$0x3F9A] =	sst s0  }
0x9: {  	[smem:$0x3F9B] =	sst s1  }
0xa: {  	[smem:$0x3F9C] =	sst s2  }
0xb: {  	[smem:$0x3F9D] =	sst s3  }
0xc: {  	[smem:$0x3F9E] =	sst s4  }
0xd: {  	[smem:$0x3F9F] =	sst s5  }
0xe: {  	[smem:$0x3FA0] =	sst s6  }
0xf: {  	[smem:$0x3FA1] =	sst s7  }
0x10: {  	[smem:$0x3FA2] =	sst s8  }
0x11: {  	[smem:$0x3FA3] =	sst s9;
	s0 =	simm.s32 @!p0 $0x0  }
0x12: {  	s1 =	sld [smem:$0x3F89];
	s0 =	simm.s32 @p0 $0x1  }
0x13: {  	[smem:$0x3FA4] =	sst s0;
	s0 =	simm.s32 @!p1 $0x0  }
0x14: {  	s2 =	sld [smem:$0x3F88];
	s0 =	simm.s32 @p1 $0x1  }
0x15: {  	[smem:$0x3FA5] =	sst s0;
	s0 =	simm.s32 @!p2 $0x0  }
0x16: {  	s3 =	sld [smem:$0x3FDB];
	s0 =	simm.s32 @p2 $0x1  }
0x17: {  	s4 =	simm.s32 $0x1BF5;
	[smem:$0x3FA7] =	sst s0  }
0x18: {  	s0 =	sld [smem:$0x3F8A];
	_ =	swait.ge [sflag:s4], $0x0  }
0x19: {  	s7 =	sld [smem:$0x3F8B]  }
0x1a: {  	s8 =	sadd.s32 $0xFFFFE003, lr  }
0x1b: {  	s9 =	sadd.s32 $0xFFFFFEF7, lr;
	s5 =	simm.s32 $0xFFFFFFFF;
	p2 =	slt.u32 s8, $0xFFFFF086  }
0x1c: {  	p1 =	slt.u32 s9, $0xF7A;
	s5 =	simm.s32 @!p2 $0x0  }
0x1d: {  	s5 =	simm.s32 @p1 $0x1;
	p0 =	seq.s32 s7, s2  }
0x1e: {  	s7 =	smul.u32 @!p0 $0xF7A, s2;
	p2 =	seq.s32 @!p0 s5, $0x0  }
0x1f: {  	s9 =	smul.u32 $0xF7A, s1;
	s8 =	simm.s32 @!p0 $0x1BF5;
	p2 =	por !p2, p0  }
0x20: {  	[sflag:s8] =	ssyncset.s32 @!p0 $0xFFFFF086;
	s6 =	sadd.s32 @!p0 s3, s7;
	s7 =	simm.s32 @!p0 $0x108  }
0x21: {  	s3 =	sadd.s32 s3, s9;
	s6 =	sadd.s32 @!p0 $0x88, s6;
	s7 =	simm.s32 @p2 $0x1082  }
0x22: {  	[simem:s7], [sflag:s8] =	dma.local @!p0 [hbm:s6], $0xF7A  }
0x23: {  	s9 =	sor.u32 $0xD0000000, s2;
	s6 =	simm.s32 $0x108;
	_ =	swait.ge @!p0 [sflag:s8], $0x0  }
0x24: {  	s3 =	sadd.s32 $0x88, s3;
	s6 =	simm.s32 @!p1 $0x1082;
	[sflag:s4] =	ssyncset.s32 $0xFFFFF086  }
0x25: {  	[simem:s6], [sflag:s4] =	dma.local [hbm:s3], $0xF7A  }
0x26: {  	[smem:$0x3F8B] =	sst s1;
	(tag) =	ssettag s2;
	_ =	strace s9  }
0x27: {  	s1 =	sld [smem:$0x3F9B]  }
0x28: {  	s2 =	sld [smem:$0x3F9C]  }
0x29: {  	s4 =	sld [smem:$0x3F9E]  }
0x2a: {  	p0 =	seq.s32 s5, $0x0;
	s5 =	sld [smem:$0x3F9F]  }
0x2b: {  	s6 =	sld [smem:$0x3FA0]  }
0x2c: {  	s7 =	sld [smem:$0x3FA1]  }
0x2d: {  	s3 =	simm.s32 $0x108;
	s8 =	sld [smem:$0x3FA2]  }
0x2e: {  	s3 =	simm.s32 @!p0 $0x1082;
	s9 =	sld [smem:$0x3FA3]  }
0x2f: {  	lr =	sadd.s32 s0, s3;
	s0 =	sld [smem:$0x3F9A]  }
0x30: {  	s3 =	sld [smem:$0x3F9D]  }
0x31: {  	[smem:$0x3FA6] =	sst s10  }
0x32: {  	s10 =	sld [smem:$0x3FA4];
	_ =	sdelay $0x3  }
0x33: {  	p0 =	seq.s32 s10, $0x1;
	s10 =	sld [smem:$0x3FA6];
	_ =	sdelay $0x3  }
0x34: {  	[smem:$0x3FA6] =	sst s10  }
0x35: {  	s10 =	sld [smem:$0x3FA5];
	_ =	sdelay $0x3  }
0x36: {  	p1 =	seq.s32 s10, $0x1;
	s10 =	sld [smem:$0x3FA6];
	_ =	sdelay $0x3  }
0x37: {  	[smem:$0x3FA6] =	sst s10  }
0x38: {  	s10 =	sld [smem:$0x3FA7]  }
0x39: {  	_ = 	snop;
	(pc) =	sbr.ind lr, $3  }
0x3a: {  	_ = 	snop  }
0x3b: {  	_ = 	snop  }
0x3c: {  	p2 =	seq.s32 s10, $0x1;
	s10 =	sld [smem:$0x3FA6]  }
0x3d: {  	_ =	shalt  }
0x3e: {  	_ =	shalt  }
0x3f: {  	_ =	shalt  }
0x40: {  	_ =	shalt  }
0x41: {  	_ =	shalt  }
0x42: {  	_ =	shalt  }
0x43: {  	_ =	shalt  }
0x44: {  	_ =	shalt  }
0x45: {  	_ =	shalt  }
0x46: {  	_ =	shalt  }
0x47: {  	_ =	shalt  }
0x48: {  	_ =	shalt  }
0x49: {  	_ =	shalt  }
0x4a: {  	_ =	shalt  }
0x4b: {  	_ =	shalt  }
0x4c: {  	_ =	shalt  }
0x4d: {  	_ =	shalt  }
0x4e: {  	_ =	shalt  }
0x4f: {  	_ =	shalt  }
0x50: {  	_ =	shalt  }
0x51: {  	_ =	shalt  }
0x52: {  	_ =	shalt  }
0x53: {  	_ =	shalt  }
0x54: {  	_ =	shalt  }
0x55: {  	_ =	shalt  }
0x56: {  	_ =	shalt  }
0x57: {  	_ =	shalt  }
0x58: {  	_ =	shalt  }
0x59: {  	_ =	shalt  }
0x5a: {  	_ =	shalt  }
0x5b: {  	_ =	shalt  }
0x5c: {  	_ =	shalt  }
0x5d: {  	_ =	shalt  }
0x5e: {  	_ =	shalt  }
0x5f: {  	_ =	shalt  }
0x60: {  	_ =	shalt  }
0x61: {  	_ =	shalt  }
0x62: {  	_ =	shalt  }
0x63: {  	_ =	shalt  }
0x64: {  	_ =	shalt  }
0x65: {  	_ =	shalt  }
0x66: {  	_ =	shalt  }
0x67: {  	_ =	shalt  }
0x68: {  	_ =	shalt  }
0x69: {  	_ =	shalt  }
0x6a: {  	_ =	shalt  }
0x6b: {  	_ =	shalt  }
0x6c: {  	_ =	shalt  }
0x6d: {  	_ =	shalt  }
0x6e: {  	_ =	shalt  }
0x6f: {  	_ =	shalt  }
0x70: {  	_ =	shalt  }
0x71: {  	_ =	shalt  }
0x72: {  	_ =	shalt  }
0x73: {  	_ =	shalt  }
0x74: {  	_ =	shalt  }
0x75: {  	_ =	shalt  }
0x76: {  	_ =	shalt  }
0x77: {  	_ =	shalt  }
0x78: {  	_ =	shalt  }
0x79: {  	_ =	shalt  }
0x7a: {  	_ =	shalt  }
0x7b: {  	_ =	shalt  }
0x7c: {  	_ =	shalt  }
0x7d: {  	_ =	shalt  }
0x7e: {  	_ =	shalt  }
0x7f: {  	_ =	shalt  }
0x80: {  	_ =	shalt  }
0x81: {  	_ =	shalt  }
0x82: {  	_ =	shalt  }
0x83: {  	_ =	shalt  }
0x84: {  	_ =	shalt  }
0x85: {  	_ =	shalt  }
0x86: {  	_ =	shalt  }
0x87: {  	_ =	shalt  }
.Lfunc_end0:
.L_simem_size_0:
called_computation_lowered:
.L_overlay_start_0:
0x88: {  	s2 =	sld [smem:$0x3FD9]  }
0x89: {  	s3 =	sld [smem:$0x3FFE];
	_ =	sdelay $0x1  }
0x8a: {  	s1 =	srdreg.scid  }
0x8b: {  	s0 =	sand.u32 $0x1, s1  }
0x8c: {  	s17 =	sshll.u32 s0, $0xA;
	s2 =	sadd.s32 s3, s2  }
0x8d: {  	s2 =	sadd.s32 s2, s17  }
0x8e: {  	[smem:$0x3FB2] =	sst s2  }
0x8f: {  	_ = 	snop  }
0x90: {  	s2 =	sld [smem:$0x3FC6];
	(tm) =	ssettm $0x1  }
0x91: {  	s18 =	sld [smem:$0x3FFB];
	_ =	sdelay $0x3  }
0x92: {  	_ =	strace s18  }
0x93: {  	s3 =	sld [smem:$0x3FFC];
	_ =	sdelay $0x3  }
0x94: {  	_ =	strace s3  }
0x95: {  	s3 =	sld [smem:$0x3FFD];
	_ =	sdelay $0x3  }
0x96: {  	_ =	strace s3  }
0x97: {  	_ =	strace $0x8FFFFFFF  }
0x98: {  	s19 =	sld [smem:$0x3FDB];
	_ =	sdelay $0x1  }
0x99: {  	s4 =	simm.s32 $_scs_section_size  }
0x9a: {  	s5 =	simm.s32 $_size__tile_overlayer_lowered;
	s6 =	simm.s32 $_tile_overlayer_lowered  }
0x9b: {  	s22 =	simm.s32 $0x1BFF;
	s21 =	sshll.u32 s6, $0x1;
	s3 =	sadd.s32 s4, s19  }
0x9c: {  	s7 =	simm.s32 $0x0;
	s20 =	sshll.u32 s5, $0x1;
	s5 =	sadd.s32 s21, s3  }
0x9d: {  	[timem:s7], [sflag:s22] =	dma.local [hbm:s5], s20  }
0x9e: {  	_ =	swait.ge [sflag:s22], s20  }
0x9f: {  	s4 =	ssub.s32 $0x0, s20;
	[sflag:s22] =	ssyncset.done $0x0  }
0xa0: {  	[sflag:s22] =	ssyncadd.s32 s4;
	_ =	sdelay $0x1  }
0xa1: {  	s23 =	simm.s32 $0x1B8B  }
0xa2: {  	_ =	swait.ge [sflag:s23], $0x1  }
0xa3: {  	[sflag:s23] =	ssyncset.done $0x0  }
0xa4: {  	s25 =	simm.s32 $0x1B8E;
	s24 =	sld [smem:$0x3FFE];
	[sflag:s23] =	ssyncadd.s32 $0xFFFFFFFF  }
0xa5: {  	s26 =	simm.s32 $execute0_lowered;
	[smem:$0x3FD2] =	sst s25  }
0xa6: {  	s5 =	sshll.u32 s26, $0x1;
	_ =	strace $0x80000046;
	[dreg:$0x1] =	wrdreg $0xFFFFFFFF  }
0xa7: {  	s28 =	simm.s32 $_size_execute0_lowered;
	s3 =	sadd.s32 s3, s5;
	[dreg:$0x0] =	wrdreg $0x0  }
0xa8: {  	s5 =	sshll.u32 s28, $0x1;
	[dreg:$0x2] =	wrdreg s3  }
0xa9: {  	[dreg:$0x3] =	wrdreg s5  }
0xaa: {  	[dreg:$0x4] =	wrdreg $0xC0  }
0xab: {  	_ =	task [dreg:s7], $0x5FFFF  }
0xac: {  	[dreg:$0x1] =	wrdreg $0xFFFFFFFF  }
0xad: {  	[dreg:$0x0] =	wrdreg $0x60  }
0xae: {  	[dreg:$0x2] =	wrdreg s2  }
0xaf: {  	[dreg:$0x3] =	wrdreg s24  }
0xb0: {  	[dreg:$0x4] =	wrdreg $0x9  }
0xb1: {  	_ =	task.clear_ibuf [dreg:s7], $0x5FFFF;
	_ =	strace $0x90000046  }
0xb2: {  	s29 =	simm.s32 $0x9;
	_ =	strace $0x80000048  }
0xb3: {  	_ =	swait.ge [sflag:s29], $0x1  }
0xb4: {  	[sflag:s29] =	ssyncadd.s32 $0xFFFFFFFF  }
0xb5: {  	_ =	strace $0x90000048  }
0xb6: {  	_ =	sfence  }
0xb7: {  	s30 =	sld [smem:$0x0];
	_ =	sdelay $0x2  }
0xb8: {  	s31 =	sshll.u32 s1, $0xD;
	s1 =	sshrl.u32 s1, $0x2  }
0xb9: {  	s3 =	sand.u32 $0x4000, s31;
	s1 =	sadd.s32 s1, s30  }
0xba: {  	s0 =	sor.u32 s3, s0;
	s1 =	sshll.u32 s1, $0x11  }
0xbb: {  	s0 =	sor.u32 s1, s0  }
0xbc: {  	s0 =	sadd.s32 $0x8F2B, s0  }
0xbd: {  	[sflag:s0] =	ssyncadd.remote.s32 $0x1  }
0xbe: {  	_ =	sfence.sel $0xFFFF  }
0xbf: {  	[dreg:$0x0] =	wrdreg $0xFFFFFFFF;
	(pc) =	sbr.abs _section_cstart, $3  }
0xc0: {  	[dreg:$0x1] =	wrdreg $0xFFFFFFFF  }
0xc1: {  	_ =	task.clear_ibuf [dreg:s7], $0x2FFFF;
	_ =	strace $0x9FFFFFFF  }
0xc2: {  	(tm) =	ssettm $0x7FFFFFFF  }
0xc3: {  	_ =	shalt  }
tec
execute0_lowered:
.L_overlay_start_1:
0x0: {  	(tag) =	ssettag $0x1  }
0x1: {  	s1 =	srdreg.scid;
	s0 =	stileid.u32  }
0x2: {  	s2 =	rddreg [dreg:$0x0];
	s15 =	sand.u32 $0x1, s1;
	s30 =	sshll.u32 s0, $0x1  }
0x3: {  	s17 =	rddreg [dreg:$0x1];
	s16 =	sor.u32 s15, s30  }
0x4: {  	s3 =	simm.s32 $0x0;
	s1 =	rddreg [dreg:$0x2];
	s4 =	sshll.u32 s16, $0x7  }
0x5: {  	[smem:$0x7FF] =	sst s3;
	s4 =	sadd.s32 s4, s17  }
0x6: {  	_ =	strace $0x80000047;
	s5 =	sadd.s32 $0x8600, s4;
	s4 =	simm.s32 $0x2  }
0x7: {  	[tilespmem:s3], [sflag:$0x2] =	stream.linear.gather [hbm4b:s5+s3], $0x280, $0x38;
	[tilespmem:$0xA400] =	vst v63  }
0x8: {  	_ =	swait.ge [sflag:s4], $0x280  }
0x9: {  	s6 =	simm.s32 $0x40;
	[sflag:s4] =	ssyncset.done $0x0  }
0xa: {  	s7 =	simm.s32 $0x400;
	s8 =	simm.s32 $0x1;
	[sflag:s4] =	ssyncadd.s32 $0xFFFFFD80  }
0xb: {  	[tilespmem:s7], [sflag:$0x1] =	stream.indirect.gather [hbm4b:s2+s6], $0x80, s3, s6, $0xb8;
	[tilespmem:$0xA400] =	vst v63  }
0xc: {  	_ =	swait.ge [sflag:s8], $0x2000  }
0xd: {  	[sflag:s8] =	ssyncset.done $0x0  }
0xe: {  	s9 =	simm.s32 $0x80;
	s10 =	simm.s32 $0x2400;
	[sflag:s8] =	ssyncadd.s32 $0xFFFFE000  }
0xf: {  	[tilespmem:s10], [sflag:$0x1] =	stream.indirect.gather [hbm4b:s2+s6], $0x80, s9, s6, $0xb8;
	[tilespmem:$0xA400] =	vst v63  }
0x10: {  	_ =	swait.ge [sflag:s8], $0x2000  }
0x11: {  	[sflag:s8] =	ssyncset.done $0x0  }
0x12: {  	s11 =	simm.s32 $0x100;
	s12 =	simm.s32 $0x4400;
	[sflag:s8] =	ssyncadd.s32 $0xFFFFE000  }
0x13: {  	[tilespmem:s12], [sflag:$0x1] =	stream.indirect.gather [hbm4b:s2+s6], $0x80, s11, s6, $0xb8;
	[tilespmem:$0xA400] =	vst v63  }
0x14: {  	_ =	swait.ge [sflag:s8], $0x2000  }
0x15: {  	s13 =	simm.s32 $0x180;
	s14 =	simm.s32 $0x6400;
	[sflag:s8] =	ssyncset.done $0x0  }
0x16: {  	s19 =	ssub.s32 $0x2, s15;
	s15 =	simm.s32 $0x200;
	[sflag:s8] =	ssyncadd.s32 $0xFFFFE000  }
0x17: {  	[tilespmem:s14], [sflag:$0x1] =	stream.indirect.gather [hbm4b:s2+s6], $0x80, s13, s6, $0xb8;
	[tilespmem:$0xA400] =	vst v63  }
0x18: {  	s18 =	smul.u32 $0x1400, s16;
	s20 =	sshrl.u32 s19, $0x1;
	_ =	swait.ge [sflag:s8], $0x2000  }
0x19: {  	s16 =	simm.s32 $0x8400;
	s31 =	ssub.s32 s19, s20;
	[sflag:s8] =	ssyncset.done $0x0  }
0x1a: {  	s17 =	sadd.s32 s18, s17;
	s18 =	smax.u32 s31, $0x1;
	[sflag:s8] =	ssyncadd.s32 $0xFFFFE000  }
0x1b: {  	[tilespmem:s16], [sflag:$0x1] =	stream.indirect.gather [hbm4b:s2+s6], $0x80, s15, s6, $0xb8;
	[tilespmem:$0xA400] =	vst v63  }
0x1c: {  	p0 =	sne.s32 s18, $0x1;
	_ =	swait.ge [sflag:s8], $0x2000  }
.Ltmp0:
0x1d: {  	[sflag:s8] =	ssyncset.done $0x0;
	(pc) =	sbr.rel @!p0 .LBB2_2-.Ltmp0, $4  }
0x1e: {  	s17 =	sadd.s32 $0x9600, s17;
	[sflag:s8] =	ssyncadd.s32 $0xFFFFE000  }
0x1f: {  	[hbm4b:s17+s3] =	stream.linear.scatter [tilespmem:s7], [sflag:$0x2], $0xA000, $0x38;
	[tilespmem:$0xA400] =	vst v63  }
0x20: {  	_ =	swait.ge [sflag:s4], $0xA000  }
0x21: {  	s18 =	sadd.s32 $0xFFFFFFFF, s18;
	[sflag:s4] =	ssyncset.done $0x0  }
.LBB2_1:
0x22: {  	p0 =	sne.s32 s18, $0x1;
	s18 =	sadd.s32 $0xFFFFFFFF, s18;
	[sflag:s4] =	ssyncadd.s32 $0xFFFF6000  }
0x23: {  	[tilespmem:s3], [sflag:$0x2] =	stream.linear.gather [hbm4b:s5+s3], $0x280, $0x38;
	[tilespmem:$0xA400] =	vst v63  }
0x24: {  	_ =	swait.ge [sflag:s4], $0x280  }
0x25: {  	[sflag:s4] =	ssyncset.done $0x0  }
0x26: {  	[sflag:s4] =	ssyncadd.s32 $0xFFFFFD80  }
0x27: {  	[tilespmem:s7], [sflag:$0x1] =	stream.indirect.gather [hbm4b:s2+s6], $0x80, s3, s6, $0xb8;
	[tilespmem:$0xA400] =	vst v63  }
0x28: {  	_ =	swait.ge [sflag:s8], $0x2000  }
0x29: {  	[sflag:s8] =	ssyncset.done $0x0  }
0x2a: {  	[sflag:s8] =	ssyncadd.s32 $0xFFFFE000  }
0x2b: {  	[tilespmem:s10], [sflag:$0x1] =	stream.indirect.gather [hbm4b:s2+s6], $0x80, s9, s6, $0xb8;
	[tilespmem:$0xA400] =	vst v63  }
0x2c: {  	_ =	swait.ge [sflag:s8], $0x2000  }
0x2d: {  	[sflag:s8] =	ssyncset.done $0x0  }
0x2e: {  	[sflag:s8] =	ssyncadd.s32 $0xFFFFE000  }
0x2f: {  	[tilespmem:s12], [sflag:$0x1] =	stream.indirect.gather [hbm4b:s2+s6], $0x80, s11, s6, $0xb8;
	[tilespmem:$0xA400] =	vst v63  }
0x30: {  	_ =	swait.ge [sflag:s8], $0x2000  }
0x31: {  	[sflag:s8] =	ssyncset.done $0x0  }
0x32: {  	[sflag:s8] =	ssyncadd.s32 $0xFFFFE000  }
0x33: {  	[tilespmem:s14], [sflag:$0x1] =	stream.indirect.gather [hbm4b:s2+s6], $0x80, s13, s6, $0xb8;
	[tilespmem:$0xA400] =	vst v63  }
0x34: {  	_ =	swait.ge [sflag:s8], $0x2000  }
0x35: {  	[sflag:s8] =	ssyncset.done $0x0  }
0x36: {  	[sflag:s8] =	ssyncadd.s32 $0xFFFFE000  }
0x37: {  	[tilespmem:s16], [sflag:$0x1] =	stream.indirect.gather [hbm4b:s2+s6], $0x80, s15, s6, $0xb8;
	[tilespmem:$0xA400] =	vst v63  }
0x38: {  	_ =	swait.ge [sflag:s8], $0x2000  }
.Ltmp1:
0x39: {  	[sflag:s8] =	ssyncset.done $0x0;
	(pc) =	sbr.rel @p0 .LBB2_1-.Ltmp1, $4  }
0x3a: {  	[sflag:s8] =	ssyncadd.s32 $0xFFFFE000  }
0x3b: {  	[hbm4b:s17+s3] =	stream.linear.scatter [tilespmem:s7], [sflag:$0x2], $0xA000, $0x38;
	[tilespmem:$0xA400] =	vst v63  }
0x3c: {  	_ =	swait.ge [sflag:s4], $0xA000  }
0x3d: {  	[sflag:s4] =	ssyncset.done $0x0  }
.LBB2_2:
0x3e: {  	[sflag:s4] =	ssyncadd.s32 $0xFFFF6000  }
0x3f: {  	_ =	sfence.sel $0x180000  }
0x40: {  	[bflag:$0x0] =	sbarrier.arrive $0xFFFF  }
0x41: {  	p0 =	sne.s32 s0, $0x0;
	_ =	strace $0x90000047  }
0x42: {  	s0 =	sadd.s32 @!p0 $0x100000, s1;
	[bflag:$0x2] =	sbarrier.arrive $0xFFFF  }
0x43: {  	[sflag:s0] =	ssyncadd.tile.s32 @!p0 $0x1;
	_ =	shalt  }
.Lfunc_end2:
_tile_overlayer_lowered:
.L_overlay_start_2:
0x44: {  	(tag) =	ssettag $0x2  }
0x45: {  	s0 =	rddreg [dreg:$0x0];
	s2 =	stileid.u32  }
0x46: {  	s1 =	rddreg [dreg:$0x1];
	p0 =	sne.s32 s2, $0x0  }
0x47: {  	s3 =	rddreg [dreg:$0x2];
	[bflag:$0x3] =	sbarrier.arrive $0xFFFF;
	s2 =	simm.s32 @!p0 $0x1C02  }
0x48: {  	[timem:s3], [sflag:s2] =	dma.local @!p0 [hbm:s0], s1  }
0x49: {  	s0 =	simm.s32 @!p0 $0x2  }
0x4a: {  	_ =	swait.ge @!p0 [sflag:s0], s1  }
0x4b: {  	s1 =	ssub.s32 @!p0 $0x0, s1;
	[sflag:s0] =	ssyncset.done @!p0 $0x0  }
0x4c: {  	[sflag:s0] =	ssyncadd.s32 @!p0 s1  }
0x4d: {  	[bflag:$0x3] =	sbarrier.arrive $0xFFFF  }
0x4e: {  	_ =	shalt  }

// kernel: kernel.22.cloned.1.call-start
scs
__scs_entry_jumppad:
0x0: {  	(pc) =	sbr.rel $0x88, $3  }
0x1: {  	(tag) =	ssettag $0x0;
	lr =	simm.s32 $0x1  }
0x2: {  	[smem:$0x3F8B] =	sst lr;
	_ =	strace $0xD0000000  }
0x3: {  	_ = 	snop  }
0x4: {  	_ = 	snop  }
0x5: {  	_ = 	snop  }
0x6: {  	_ = 	snop  }
0x7: {  	_ = 	snop  }
__scs_overlays_trampoline_lowered:
0x8: {  	[smem:$0x3F9A] =	sst s0  }
0x9: {  	[smem:$0x3F9B] =	sst s1  }
0xa: {  	[smem:$0x3F9C] =	sst s2  }
0xb: {  	[smem:$0x3F9D] =	sst s3  }
0xc: {  	[smem:$0x3F9E] =	sst s4  }
0xd: {  	[smem:$0x3F9F] =	sst s5  }
0xe: {  	[smem:$0x3FA0] =	sst s6  }
0xf: {  	[smem:$0x3FA1] =	sst s7  }
0x10: {  	[smem:$0x3FA2] =	sst s8  }
0x11: {  	[smem:$0x3FA3] =	sst s9;
	s0 =	simm.s32 @!p0 $0x0  }
0x12: {  	s1 =	sld [smem:$0x3F89];
	s0 =	simm.s32 @p0 $0x1  }
0x13: {  	[smem:$0x3FA4] =	sst s0;
	s0 =	simm.s32 @!p1 $0x0  }
0x14: {  	s2 =	sld [smem:$0x3F88];
	s0 =	simm.s32 @p1 $0x1  }
0x15: {  	[smem:$0x3FA5] =	sst s0;
	s0 =	simm.s32 @!p2 $0x0  }
0x16: {  	s3 =	sld [smem:$0x3FDB];
	s0 =	simm.s32 @p2 $0x1  }
0x17: {  	s4 =	simm.s32 $0x1BF5;
	[smem:$0x3FA7] =	sst s0  }
0x18: {  	s0 =	sld [smem:$0x3F8A];
	_ =	swait.ge [sflag:s4], $0x0  }
0x19: {  	s7 =	sld [smem:$0x3F8B]  }
0x1a: {  	s8 =	sadd.s32 $0xFFFFE003, lr  }
0x1b: {  	s9 =	sadd.s32 $0xFFFFFEF7, lr;
	s5 =	simm.s32 $0xFFFFFFFF;
	p2 =	slt.u32 s8, $0xFFFFF086  }
0x1c: {  	p1 =	slt.u32 s9, $0xF7A;
	s5 =	simm.s32 @!p2 $0x0  }
0x1d: {  	s5 =	simm.s32 @p1 $0x1;
	p0 =	seq.s32 s7, s2  }
0x1e: {  	s7 =	smul.u32 @!p0 $0xF7A, s2;
	p2 =	seq.s32 @!p0 s5, $0x0  }
0x1f: {  	s9 =	smul.u32 $0xF7A, s1;
	s8 =	simm.s32 @!p0 $0x1BF5;
	p2 =	por !p2, p0  }
0x20: {  	[sflag:s8] =	ssyncset.s32 @!p0 $0xFFFFF086;
	s6 =	sadd.s32 @!p0 s3, s7;
	s7 =	simm.s32 @!p0 $0x108  }
0x21: {  	s3 =	sadd.s32 s3, s9;
	s6 =	sadd.s32 @!p0 $0x88, s6;
	s7 =	simm.s32 @p2 $0x1082  }
0x22: {  	[simem:s7], [sflag:s8] =	dma.local @!p0 [hbm:s6], $0xF7A  }
0x23: {  	s9 =	sor.u32 $0xD0000000, s2;
	s6 =	simm.s32 $0x108;
	_ =	swait.ge @!p0 [sflag:s8], $0x0  }
0x24: {  	s3 =	sadd.s32 $0x88, s3;
	s6 =	simm.s32 @!p1 $0x1082;
	[sflag:s4] =	ssyncset.s32 $0xFFFFF086  }
0x25: {  	[simem:s6], [sflag:s4] =	dma.local [hbm:s3], $0xF7A  }
0x26: {  	[smem:$0x3F8B] =	sst s1;
	(tag) =	ssettag s2;
	_ =	strace s9  }
0x27: {  	s1 =	sld [smem:$0x3F9B]  }
0x28: {  	s2 =	sld [smem:$0x3F9C]  }
0x29: {  	s4 =	sld [smem:$0x3F9E]  }
0x2a: {  	p0 =	seq.s32 s5, $0x0;
	s5 =	sld [smem:$0x3F9F]  }
0x2b: {  	s6 =	sld [smem:$0x3FA0]  }
0x2c: {  	s7 =	sld [smem:$0x3FA1]  }
0x2d: {  	s3 =	simm.s32 $0x108;
	s8 =	sld [smem:$0x3FA2]  }
0x2e: {  	s3 =	simm.s32 @!p0 $0x1082;
	s9 =	sld [smem:$0x3FA3]  }
0x2f: {  	lr =	sadd.s32 s0, s3;
	s0 =	sld [smem:$0x3F9A]  }
0x30: {  	s3 =	sld [smem:$0x3F9D]  }
0x31: {  	[smem:$0x3FA6] =	sst s10  }
0x32: {  	s10 =	sld [smem:$0x3FA4];
	_ =	sdelay $0x3  }
0x33: {  	p0 =	seq.s32 s10, $0x1;
	s10 =	sld [smem:$0x3FA6];
	_ =	sdelay $0x3  }
0x34: {  	[smem:$0x3FA6] =	sst s10  }
0x35: {  	s10 =	sld [smem:$0x3FA5];
	_ =	sdelay $0x3  }
0x36: {  	p1 =	seq.s32 s10, $0x1;
	s10 =	sld [smem:$0x3FA6];
	_ =	sdelay $0x3  }
0x37: {  	[smem:$0x3FA6] =	sst s10  }
0x38: {  	s10 =	sld [smem:$0x3FA7]  }
0x39: {  	_ = 	snop;
	(pc) =	sbr.ind lr, $3  }
0x3a: {  	_ = 	snop  }
0x3b: {  	_ = 	snop  }
0x3c: {  	p2 =	seq.s32 s10, $0x1;
	s10 =	sld [smem:$0x3FA6]  }
0x3d: {  	_ =	shalt  }
0x3e: {  	_ =	shalt  }
0x3f: {  	_ =	shalt  }
0x40: {  	_ =	shalt  }
0x41: {  	_ =	shalt  }
0x42: {  	_ =	shalt  }
0x43: {  	_ =	shalt  }
0x44: {  	_ =	shalt  }
0x45: {  	_ =	shalt  }
0x46: {  	_ =	shalt  }
0x47: {  	_ =	shalt  }
0x48: {  	_ =	shalt  }
0x49: {  	_ =	shalt  }
0x4a: {  	_ =	shalt  }
0x4b: {  	_ =	shalt  }
0x4c: {  	_ =	shalt  }
0x4d: {  	_ =	shalt  }
0x4e: {  	_ =	shalt  }
0x4f: {  	_ =	shalt  }
0x50: {  	_ =	shalt  }
0x51: {  	_ =	shalt  }
0x52: {  	_ =	shalt  }
0x53: {  	_ =	shalt  }
0x54: {  	_ =	shalt  }
0x55: {  	_ =	shalt  }
0x56: {  	_ =	shalt  }
0x57: {  	_ =	shalt  }
0x58: {  	_ =	shalt  }
0x59: {  	_ =	shalt  }
0x5a: {  	_ =	shalt  }
0x5b: {  	_ =	shalt  }
0x5c: {  	_ =	shalt  }
0x5d: {  	_ =	shalt  }
0x5e: {  	_ =	shalt  }
0x5f: {  	_ =	shalt  }
0x60: {  	_ =	shalt  }
0x61: {  	_ =	shalt  }
0x62: {  	_ =	shalt  }
0x63: {  	_ =	shalt  }
0x64: {  	_ =	shalt  }
0x65: {  	_ =	shalt  }
0x66: {  	_ =	shalt  }
0x67: {  	_ =	shalt  }
0x68: {  	_ =	shalt  }
0x69: {  	_ =	shalt  }
0x6a: {  	_ =	shalt  }
0x6b: {  	_ =	shalt  }
0x6c: {  	_ =	shalt  }
0x6d: {  	_ =	shalt  }
0x6e: {  	_ =	shalt  }
0x6f: {  	_ =	shalt  }
0x70: {  	_ =	shalt  }
0x71: {  	_ =	shalt  }
0x72: {  	_ =	shalt  }
0x73: {  	_ =	shalt  }
0x74: {  	_ =	shalt  }
0x75: {  	_ =	shalt  }
0x76: {  	_ =	shalt  }
0x77: {  	_ =	shalt  }
0x78: {  	_ =	shalt  }
0x79: {  	_ =	shalt  }
0x7a: {  	_ =	shalt  }
0x7b: {  	_ =	shalt  }
0x7c: {  	_ =	shalt  }
0x7d: {  	_ =	shalt  }
0x7e: {  	_ =	shalt  }
0x7f: {  	_ =	shalt  }
0x80: {  	_ =	shalt  }
0x81: {  	_ =	shalt  }
0x82: {  	_ =	shalt  }
0x83: {  	_ =	shalt  }
0x84: {  	_ =	shalt  }
0x85: {  	_ =	shalt  }
0x86: {  	_ =	shalt  }
0x87: {  	_ =	shalt  }
.Lfunc_end0:
.L_simem_size_0:
called_computation.1_lowered:
.L_overlay_start_0:
0x88: {  	s2 =	sld [smem:$0x3FD9]  }
0x89: {  	s3 =	sld [smem:$0x3FFE];
	_ =	sdelay $0x1  }
0x8a: {  	s1 =	srdreg.scid  }
0x8b: {  	s0 =	sand.u32 $0x1, s1  }
0x8c: {  	s16 =	sshll.u32 s0, $0xA;
	s2 =	sadd.s32 s3, s2  }
0x8d: {  	s2 =	sadd.s32 s2, s16  }
0x8e: {  	[smem:$0x3FB2] =	sst s2  }
0x8f: {  	_ = 	snop  }
0x90: {  	(tm) =	ssettm $0x1  }
0x91: {  	s17 =	sld [smem:$0x3FFB];
	_ =	sdelay $0x3  }
0x92: {  	_ =	strace s17  }
0x93: {  	s2 =	sld [smem:$0x3FFC];
	_ =	sdelay $0x3  }
0x94: {  	_ =	strace s2  }
0x95: {  	s2 =	sld [smem:$0x3FFD];
	_ =	sdelay $0x3  }
0x96: {  	_ =	strace s2  }
0x97: {  	_ =	strace $0x8FFFFFFF  }
0x98: {  	s18 =	sld [smem:$0x3FDB];
	_ =	sdelay $0x1  }
0x99: {  	s19 =	simm.s32 $_scs_section_size  }
0x9a: {  	s4 =	simm.s32 $_size__tile_overlayer_lowered;
	s5 =	simm.s32 $_tile_overlayer_lowered  }
0x9b: {  	s22 =	simm.s32 $0x1BFF;
	s21 =	sshll.u32 s5, $0x1;
	s2 =	sadd.s32 s19, s18  }
0x9c: {  	s6 =	simm.s32 $0x0;
	s20 =	sshll.u32 s4, $0x1;
	s4 =	sadd.s32 s21, s2  }
0x9d: {  	[timem:s6], [sflag:s22] =	dma.local [hbm:s4], s20  }
0x9e: {  	_ =	swait.ge [sflag:s22], s20  }
0x9f: {  	s3 =	ssub.s32 $0x0, s20;
	[sflag:s22] =	ssyncset.done $0x0  }
0xa0: {  	[sflag:s22] =	ssyncadd.s32 s3;
	_ =	sdelay $0x1  }
0xa1: {  	s23 =	simm.s32 $0x1B8B  }
0xa2: {  	_ =	swait.ge [sflag:s23], $0x1  }
0xa3: {  	[sflag:s23] =	ssyncset.done $0x0  }
0xa4: {  	s25 =	simm.s32 $0x1B8E;
	s24 =	sld [smem:$0x3FFE];
	[sflag:s23] =	ssyncadd.s32 $0xFFFFFFFF  }
0xa5: {  	s26 =	simm.s32 $execute0_lowered;
	[smem:$0x3FD2] =	sst s25  }
0xa6: {  	s4 =	sshll.u32 s26, $0x1;
	_ =	strace $0x80000049;
	[dreg:$0x1] =	wrdreg $0xFFFFFFFF  }
0xa7: {  	s28 =	simm.s32 $_size_execute0_lowered;
	s2 =	sadd.s32 s2, s4;
	[dreg:$0x0] =	wrdreg $0x0  }
0xa8: {  	s4 =	sshll.u32 s28, $0x1;
	[dreg:$0x2] =	wrdreg s2  }
0xa9: {  	[dreg:$0x3] =	wrdreg s4  }
0xaa: {  	[dreg:$0x4] =	wrdreg $0xC0  }
0xab: {  	_ =	task [dreg:s6], $0x5FFFF  }
0xac: {  	[dreg:$0x1] =	wrdreg $0xFFFFFFFF  }
0xad: {  	[dreg:$0x0] =	wrdreg $0x60  }
0xae: {  	[dreg:$0x2] =	wrdreg s24  }
0xaf: {  	[dreg:$0x3] =	wrdreg $0x90000  }
0xb0: {  	[dreg:$0x4] =	wrdreg $0x9  }
0xb1: {  	_ =	task.clear_ibuf [dreg:s6], $0x5FFFF;
	_ =	strace $0x90000049  }
0xb2: {  	s29 =	simm.s32 $0x9;
	_ =	strace $0x8000004B  }
0xb3: {  	_ =	swait.ge [sflag:s29], $0x1  }
0xb4: {  	[sflag:s29] =	ssyncadd.s32 $0xFFFFFFFF  }
0xb5: {  	_ =	strace $0x9000004B  }
0xb6: {  	_ =	sfence  }
0xb7: {  	s30 =	sld [smem:$0x0];
	_ =	sdelay $0x2  }
0xb8: {  	s31 =	sshll.u32 s1, $0xD;
	s1 =	sshrl.u32 s1, $0x2  }
0xb9: {  	s3 =	sand.u32 $0x4000, s31;
	s1 =	sadd.s32 s1, s30  }
0xba: {  	s0 =	sor.u32 s3, s0;
	s1 =	sshll.u32 s1, $0x11  }
0xbb: {  	s0 =	sor.u32 s1, s0  }
0xbc: {  	s0 =	sadd.s32 $0x8F2B, s0  }
0xbd: {  	[sflag:s0] =	ssyncadd.remote.s32 $0x1  }
0xbe: {  	_ =	sfence.sel $0xFFFF  }
0xbf: {  	[dreg:$0x0] =	wrdreg $0xFFFFFFFF;
	(pc) =	sbr.abs _section_cstart, $3  }
0xc0: {  	[dreg:$0x1] =	wrdreg $0xFFFFFFFF  }
0xc1: {  	_ =	task.clear_ibuf [dreg:s6], $0x2FFFF;
	_ =	strace $0x9FFFFFFF  }
0xc2: {  	(tm) =	ssettm $0x7FFFFFFF  }
0xc3: {  	_ =	shalt  }
tec
execute0_lowered:
.L_overlay_start_1:
0x0: {  	(tag) =	ssettag $0x1  }
0x1: {  	s0 =	srdreg.scid;
	s1 =	rddreg [dreg:$0x0]  }
0x2: {  	s9 =	stileid.u32;
	s2 =	rddreg [dreg:$0x1]  }
0x3: {  	s3 =	simm.s32 $0x0;
	s12 =	simm.s32 $0x100;
	s14 =	simm.s32 $0x880  }
0x4: {  	s28 =	simm.s32 $0x2;
	s29 =	simm.s32 $0x400;
	s30 =	simm.s32 $0xB80  }
0x5: {  	s31 =	simm.s32 $0x480;
	s0 =	sand.u32 $0x1, s0;
	s4 =	smul.u32 $0x5000, s9  }
0x6: {  	[smem:$0x7FF] =	sst s3;
	s6 =	smul.u32 $0x50000, s9;
	s7 =	sadd.s32 $0x8600, s1  }
0x7: {  	s5 =	smul.u32 $0x2800, s0;
	_ =	strace $0x8000004A;
	[dreg:$0x11] =	wrdreg s7  }
0x8: {  	s15 =	ssub.s32 $0x2, s0;
	s0 =	smul.u32 $0x140000, s0;
	[dreg:$0x5] =	wrdreg s12  }
0x9: {  	[dreg:$0x6] =	wrdreg s14;
	s12 =	simm.s32 $0xE00;
	s14 =	simm.s32 $0xE80  }
0xa: {  	s8 =	sshrl.u32 s15, $0x1;
	s6 =	sshrl.u32 s6, $0x2;
	s4 =	sadd.s32 s5, s4  }
0xb: {  	s7 =	ssub.s32 s15, s8;
	s18 =	sadd.s32 s6, s2;
	s15 =	simm.s32 $0x180  }
0xc: {  	s6 =	smul.u32 $0x14000, s9;
	s5 =	sshrl.u32 s4, $0x3;
	[dreg:$0x7] =	wrdreg s15  }
0xd: {  	s4 =	sadd.s32 $0x9600, s1;
	s7 =	smax.u32 s7, $0x1;
	[dreg:$0x12] =	wrdreg s18  }
0xe: {  	s16 =	sadd.s32 $0x4000, s18;
	s17 =	sadd.s32 $0x8000, s18;
	[dreg:$0x13] =	wrdreg s7  }
0xf: {  	s19 =	sadd.s32 $0xC000, s18;
	s22 =	sadd.s32 $0x10000, s18;
	[dreg:$0x14] =	wrdreg s16  }
0x10: {  	s15 =	simm.s32 $0x780;
	s5 =	sadd.s32 s5, s1;
	[dreg:$0x15] =	wrdreg s17  }
0x11: {  	s1 =	sadd.s32 $0x45600, s1;
	[dreg:$0x16] =	wrdreg s19;
	s20 =	sadd.s32 s0, s6  }
0x12: {  	s21 =	sadd.s32 $0x4000, s6;
	[dreg:$0x17] =	wrdreg s22;
	s25 =	sadd.s32 $0x8000, s6  }
0x13: {  	s11 =	sadd.s32 $0xC000, s6;
	s16 =	simm.s32 $0x900;
	s17 =	simm.s32 $0x200  }
0x14: {  	s6 =	sadd.s32 $0x10000, s6;
	s19 =	simm.s32 $0x980;
	[dreg:$0x8] =	wrdreg s16  }
0x15: {  	s22 =	simm.s32 $0xA00;
	s7 =	sshrl.u32 s20, $0x3;
	[dreg:$0x9] =	wrdreg s17  }
0x16: {  	s23 =	sadd.s32 s0, s21;
	s8 =	sadd.s32 s21, s2;
	[dreg:$0xa] =	wrdreg s19  }
0x17: {  	s26 =	sadd.s32 s0, s25;
	s9 =	sadd.s32 s25, s2;
	[dreg:$0xc] =	wrdreg s22  }
0x18: {  	s10 =	sadd.s32 $0x3B600, s5;
	s5 =	sadd.s32 $0x31600, s5;
	[dreg:$0x19] =	wrdreg s8  }
0x19: {  	s13 =	sadd.s32 s11, s2;
	s20 =	sadd.s32 s6, s2;
	[dreg:$0x1b] =	wrdreg s9  }
0x1a: {  	s21 =	simm.s32 $0x280;
	s25 =	simm.s32 $0x380;
	[dreg:$0x3] =	wrdreg s10  }
0x1b: {  	s22 =	simm.s32 $0x3;
	s16 =	simm.s32 $0xF00;
	[dreg:$0x4] =	wrdreg s5  }
0x1c: {  	s17 =	simm.s32 $0xF80;
	s19 =	simm.s32 $0x0;
	[dreg:$0x1d] =	wrdreg s13  }
0x1d: {  	s7 =	sadd.s32 s1, s7;
	s24 =	sshrl.u32 s23, $0x3;
	[dreg:$0x1f] =	wrdreg s20  }
0x1e: {  	[dreg:$0xb] =	wrdreg s21;
	s23 =	simm.s32 $0x300;
	s21 =	simm.s32 $0x1000  }
0x1f: {  	[dreg:$0xf] =	wrdreg s25;
	s25 =	simm.s32 $0x1;
	s5 =	simm.s32 $0xC80  }
0x20: {  	s8 =	simm.s32 $0xD00;
	s9 =	simm.s32 $0x600;
	[dreg:$0x18] =	wrdreg s7  }
0x21: {  	s10 =	simm.s32 $0xD80;
	s7 =	sadd.s32 s1, s24;
	[dreg:$0xd] =	wrdreg s23  }
0x22: {  	s13 =	simm.s32 $0x700;
	s24 =	simm.s32 $0xA80;
	[dreg:$0x1a] =	wrdreg s7  }
0x23: {  	s7 =	sshrl.u32 s26, $0x3;
	[dreg:$0xe] =	wrdreg s24;
	s26 =	simm.s32 $0xB00  }
0x24: {  	s23 =	simm.s32 $0x800;
	s7 =	sadd.s32 s1, s7;
	[dreg:$0x10] =	wrdreg s26  }
0x25: {  	s24 =	simm.s32 $0x80;
	[dreg:$0x1c] =	wrdreg s7;
	s7 =	sadd.s32 s0, s11  }
0x26: {  	s26 =	simm.s32 $0x5000;
	s0 =	sadd.s32 s0, s6;
	s7 =	sshrl.u32 s7, $0x3  }
0x27: {  	s11 =	simm.s32 $0x680;
	s0 =	sshrl.u32 s0, $0x3;
	s7 =	sadd.s32 s1, s7  }
0x28: {  	s0 =	sadd.s32 s1, s0;
	s1 =	simm.s32 $0xC00;
	[dreg:$0x1e] =	wrdreg s7  }
0x29: {  	[smem:$0x7FD] =	sst s0;
	s0 =	simm.s32 $0x500;
	s7 =	simm.s32 $0x580  }
.LBB2_1:
0x2a: {  	[smem:$0x7FC] =	sst s19  }
0x2b: {  	s6 =	rddreg [dreg:$0x11]  }
0x2c: {  	[tilespmem:s21], [sflag:$0x3] =	stream.linear.gather [hbm4b:s6+s3], $0x4000, $0x38;
	[tilespmem:$0x1D000] =	vst v63  }
0x2d: {  	_ =	swait.ge [sflag:s22], $0x4000  }
0x2e: {  	[sflag:s22] =	ssyncset.done $0x0  }
0x2f: {  	[sflag:s22] =	ssyncadd.s32 $0xFFFFC000  }
0x30: {  	[spmem:s18] =	stream.linear.scatter [tilespmem:s21], [sflag:$0x3], $0x4000, $0x38;
	[tilespmem:$0x1D000] =	vst v63  }
0x31: {  	_ =	swait.ge [sflag:s22], $0x4000  }
0x32: {  	[sflag:s22] =	ssyncset.done $0x0  }
0x33: {  	s20 =	rddreg [dreg:$0x14];
	[sflag:s22] =	ssyncadd.s32 $0xFFFFC000  }
0x34: {  	[spmem:s20] =	stream.linear.scatter [tilespmem:s21], [sflag:$0x3], $0x4000, $0x38;
	[tilespmem:$0x1D000] =	vst v63  }
0x35: {  	_ =	swait.ge [sflag:s22], $0x4000  }
0x36: {  	[sflag:s22] =	ssyncset.done $0x0  }
0x37: {  	s18 =	rddreg [dreg:$0x15];
	[sflag:s22] =	ssyncadd.s32 $0xFFFFC000  }
0x38: {  	[spmem:s18] =	stream.linear.scatter [tilespmem:s21], [sflag:$0x3], $0x4000, $0x38;
	[tilespmem:$0x1D000] =	vst v63  }
0x39: {  	_ =	swait.ge [sflag:s22], $0x4000  }
0x3a: {  	[sflag:s22] =	ssyncset.done $0x0  }
0x3b: {  	s19 =	rddreg [dreg:$0x16];
	[sflag:s22] =	ssyncadd.s32 $0xFFFFC000  }
0x3c: {  	[spmem:s19] =	stream.linear.scatter [tilespmem:s21], [sflag:$0x3], $0x4000, $0x38;
	[tilespmem:$0x1D000] =	vst v63  }
0x3d: {  	_ =	swait.ge [sflag:s22], $0x4000  }
0x3e: {  	[sflag:s22] =	ssyncset.done $0x0  }
0x3f: {  	s20 =	rddreg [dreg:$0x17];
	[sflag:s22] =	ssyncadd.s32 $0xFFFFC000  }
0x40: {  	[spmem:s20] =	stream.linear.scatter [tilespmem:s21], [sflag:$0x3], $0x4000, $0x38;
	[tilespmem:$0x1D000] =	vst v63  }
0x41: {  	_ =	swait.ge [sflag:s22], $0x4000  }
0x42: {  	[sflag:s22] =	ssyncset.done $0x0  }
0x43: {  	[sflag:s22] =	ssyncadd.s32 $0xFFFFC000  }
0x44: {  	[bflag:$0x0] =	sbarrier.arrive $0xFFFF  }
0x45: {  	s18 =	rddreg [dreg:$0x4]  }
0x46: {  	s6 =	sadd.s32 $0x0, s18  }
0x47: {  	[tilespmem:s3], [sflag:$0x3] =	stream.linear.gather [hbm4b:s6+s3], $0x800, $0x38;
	[tilespmem:$0x1D000] =	vst v63  }
0x48: {  	_ =	swait.ge [sflag:s22], $0x800  }
0x49: {  	s19 =	rddreg [dreg:$0x3];
	[sflag:s22] =	ssyncset.done $0x0  }
0x4a: {  	[sflag:s22] =	ssyncadd.s32 $0xFFFFF800;
	s6 =	sadd.s32 $0x0, s19  }
0x4b: {  	[tilespmem:s23], [sflag:$0x3] =	stream.linear.gather [hbm4b:s6+s3], $0x800, $0x38;
	[tilespmem:$0x1D000] =	vst v63  }
0x4c: {  	_ =	swait.ge [sflag:s22], $0x800  }
0x4d: {  	[sflag:s22] =	ssyncset.done $0x0  }
0x4e: {  	[sflag:s22] =	ssyncadd.s32 $0xFFFFF800  }
0x4f: {  	[tilespmem:s21], [sflag:$0x1] =	stream.indirect.gather [hbm4b:s4+s24], $0x80, s3, s24, $0xb8;
	[tilespmem:$0x1D000] =	vst v63  }
0x50: {  	_ =	swait.ge [sflag:s25], $0x4000  }
0x51: {  	[sflag:s25] =	ssyncset.done $0x0  }
0x52: {  	[sflag:s25] =	ssyncadd.s32 $0xFFFFC000  }
0x53: {  	[tilespmem:s26], [sflag:$0x2] =	stream.indirect.gather [hbm4b:s4+s24], $0x80, s24, s24, $0xb8;
	[tilespmem:$0x1D000] =	vst v63  }
0x54: {  	_ = 	snop  }
0x55: {  	[spmem:s2] =	stream.indirect.scatter.add.f32 [tilespmem:s21], [sflag:$0x3], $0x80, s23, s24, $0xb8;
	[tilespmem:$0x1D000] =	vst v63  }
0x56: {  	_ =	swait.ge [sflag:s22], $0x4000  }
0x57: {  	[sflag:s22] =	ssyncset.done $0x0  }
0x58: {  	[sflag:s22] =	ssyncadd.s32 $0xFFFFC000  }
0x59: {  	_ =	swait.ge [sflag:s28], $0x4000  }
0x5a: {  	[sflag:s28] =	ssyncset.done $0x0  }
0x5b: {  	s20 =	rddreg [dreg:$0x5];
	[sflag:s28] =	ssyncadd.s32 $0xFFFFC000  }
0x5c: {  	[tilespmem:s21], [sflag:$0x1] =	stream.indirect.gather [hbm4b:s4+s24], $0x80, s20, s24, $0xb8;
	[tilespmem:$0x1D000] =	vst v63  }
0x5d: {  	s18 =	rddreg [dreg:$0x6]  }
0x5e: {  	[spmem:s2] =	stream.indirect.scatter.add.f32 [tilespmem:s26], [sflag:$0x3], $0x80, s18, s24, $0xb8;
	[tilespmem:$0x1D000] =	vst v63  }
0x5f: {  	_ =	swait.ge [sflag:s22], $0x4000  }
0x60: {  	[sflag:s22] =	ssyncset.done $0x0  }
0x61: {  	[sflag:s22] =	ssyncadd.s32 $0xFFFFC000  }
0x62: {  	_ =	swait.ge [sflag:s25], $0x4000  }
0x63: {  	[sflag:s25] =	ssyncset.done $0x0  }
0x64: {  	s20 =	rddreg [dreg:$0x7];
	[sflag:s25] =	ssyncadd.s32 $0xFFFFC000  }
0x65: {  	[tilespmem:s26], [sflag:$0x2] =	stream.indirect.gather [hbm4b:s4+s24], $0x80, s20, s24, $0xb8;
	[tilespmem:$0x1D000] =	vst v63  }
0x66: {  	s18 =	rddreg [dreg:$0x8]  }
0x67: {  	[spmem:s2] =	stream.indirect.scatter.add.f32 [tilespmem:s21], [sflag:$0x3], $0x80, s18, s24, $0xb8;
	[tilespmem:$0x1D000] =	vst v63  }
0x68: {  	_ =	swait.ge [sflag:s22], $0x4000  }
0x69: {  	[sflag:s22] =	ssyncset.done $0x0  }
0x6a: {  	[sflag:s22] =	ssyncadd.s32 $0xFFFFC000  }
0x6b: {  	_ =	swait.ge [sflag:s28], $0x4000  }
0x6c: {  	[sflag:s28] =	ssyncset.done $0x0  }
0x6d: {  	s20 =	rddreg [dreg:$0x9];
	[sflag:s28] =	ssyncadd.s32 $0xFFFFC000  }
0x6e: {  	[tilespmem:s21], [sflag:$0x1] =	stream.indirect.gather [hbm4b:s4+s24], $0x80, s20, s24, $0xb8;
	[tilespmem:$0x1D000] =	vst v63  }
0x6f: {  	s18 =	rddreg [dreg:$0xa]  }
0x70: {  	[spmem:s2] =	stream.indirect.scatter.add.f32 [tilespmem:s26], [sflag:$0x3], $0x80, s18, s24, $0xb8;
	[tilespmem:$0x1D000] =	vst v63  }
0x71: {  	_ =	swait.ge [sflag:s22], $0x4000  }
0x72: {  	[sflag:s22] =	ssyncset.done $0x0  }
0x73: {  	[sflag:s22] =	ssyncadd.s32 $0xFFFFC000  }
0x74: {  	_ =	swait.ge [sflag:s25], $0x4000  }
0x75: {  	[sflag:s25] =	ssyncset.done $0x0  }
0x76: {  	s20 =	rddreg [dreg:$0xb];
	[sflag:s25] =	ssyncadd.s32 $0xFFFFC000  }
0x77: {  	[tilespmem:s26], [sflag:$0x2] =	stream.indirect.gather [hbm4b:s4+s24], $0x80, s20, s24, $0xb8;
	[tilespmem:$0x1D000] =	vst v63  }
0x78: {  	s18 =	rddreg [dreg:$0xc]  }
0x79: {  	[spmem:s2] =	stream.indirect.scatter.add.f32 [tilespmem:s21], [sflag:$0x3], $0x80, s18, s24, $0xb8;
	[tilespmem:$0x1D000] =	vst v63  }
0x7a: {  	_ =	swait.ge [sflag:s22], $0x4000  }
0x7b: {  	[sflag:s22] =	ssyncset.done $0x0  }
0x7c: {  	[sflag:s22] =	ssyncadd.s32 $0xFFFFC000  }
0x7d: {  	_ =	swait.ge [sflag:s28], $0x4000  }
0x7e: {  	[sflag:s28] =	ssyncset.done $0x0  }
0x7f: {  	s20 =	rddreg [dreg:$0xd];
	[sflag:s28] =	ssyncadd.s32 $0xFFFFC000  }
0x80: {  	[tilespmem:s21], [sflag:$0x1] =	stream.indirect.gather [hbm4b:s4+s24], $0x80, s20, s24, $0xb8;
	[tilespmem:$0x1D000] =	vst v63  }
0x81: {  	s18 =	rddreg [dreg:$0xe]  }
0x82: {  	[spmem:s2] =	stream.indirect.scatter.add.f32 [tilespmem:s26], [sflag:$0x3], $0x80, s18, s24, $0xb8;
	[tilespmem:$0x1D000] =	vst v63  }
0x83: {  	_ =	swait.ge [sflag:s22], $0x4000  }
0x84: {  	[sflag:s22] =	ssyncset.done $0x0  }
0x85: {  	[sflag:s22] =	ssyncadd.s32 $0xFFFFC000  }
0x86: {  	_ =	swait.ge [sflag:s25], $0x4000  }
0x87: {  	[sflag:s25] =	ssyncset.done $0x0  }
0x88: {  	s19 =	rddreg [dreg:$0xf];
	[sflag:s25] =	ssyncadd.s32 $0xFFFFC000  }
0x89: {  	[tilespmem:s26], [sflag:$0x2] =	stream.indirect.gather [hbm4b:s4+s24], $0x80, s19, s24, $0xb8;
	[tilespmem:$0x1D000] =	vst v63  }
0x8a: {  	s20 =	rddreg [dreg:$0x10]  }
0x8b: {  	[spmem:s2] =	stream.indirect.scatter.add.f32 [tilespmem:s21], [sflag:$0x3], $0x80, s20, s24, $0xb8;
	[tilespmem:$0x1D000] =	vst v63  }
0x8c: {  	_ =	swait.ge [sflag:s22], $0x4000  }
0x8d: {  	[sflag:s22] =	ssyncset.done $0x0  }
0x8e: {  	[sflag:s22] =	ssyncadd.s32 $0xFFFFC000  }
0x8f: {  	_ =	swait.ge [sflag:s28], $0x4000  }
0x90: {  	[sflag:s28] =	ssyncset.done $0x0  }
0x91: {  	[sflag:s28] =	ssyncadd.s32 $0xFFFFC000  }
0x92: {  	[tilespmem:s21], [sflag:$0x1] =	stream.indirect.gather [hbm4b:s4+s24], $0x80, s29, s24, $0xb8;
	[tilespmem:$0x1D000] =	vst v63  }
0x93: {  	_ = 	snop  }
0x94: {  	[spmem:s2] =	stream.indirect.scatter.add.f32 [tilespmem:s26], [sflag:$0x3], $0x80, s30, s24, $0xb8;
	[tilespmem:$0x1D000] =	vst v63  }
0x95: {  	_ =	swait.ge [sflag:s22], $0x4000  }
0x96: {  	[sflag:s22] =	ssyncset.done $0x0  }
0x97: {  	[sflag:s22] =	ssyncadd.s32 $0xFFFFC000  }
0x98: {  	_ =	swait.ge [sflag:s25], $0x4000  }
0x99: {  	[sflag:s25] =	ssyncset.done $0x0  }
0x9a: {  	[sflag:s25] =	ssyncadd.s32 $0xFFFFC000  }
0x9b: {  	[tilespmem:s26], [sflag:$0x2] =	stream.indirect.gather [hbm4b:s4+s24], $0x80, s31, s24, $0xb8;
	[tilespmem:$0x1D000] =	vst v63  }
0x9c: {  	_ = 	snop  }
0x9d: {  	[spmem:s2] =	stream.indirect.scatter.add.f32 [tilespmem:s21], [sflag:$0x3], $0x80, s1, s24, $0xb8;
	[tilespmem:$0x1D000] =	vst v63  }
0x9e: {  	_ =	swait.ge [sflag:s22], $0x4000  }
0x9f: {  	[sflag:s22] =	ssyncset.done $0x0  }
0xa0: {  	[sflag:s22] =	ssyncadd.s32 $0xFFFFC000  }
0xa1: {  	_ =	swait.ge [sflag:s28], $0x4000  }
0xa2: {  	[sflag:s28] =	ssyncset.done $0x0  }
0xa3: {  	[sflag:s28] =	ssyncadd.s32 $0xFFFFC000  }
0xa4: {  	[tilespmem:s21], [sflag:$0x1] =	stream.indirect.gather [hbm4b:s4+s24], $0x80, s0, s24, $0xb8;
	[tilespmem:$0x1D000] =	vst v63  }
0xa5: {  	_ = 	snop  }
0xa6: {  	[spmem:s2] =	stream.indirect.scatter.add.f32 [tilespmem:s26], [sflag:$0x3], $0x80, s5, s24, $0xb8;
	[tilespmem:$0x1D000] =	vst v63  }
0xa7: {  	_ =	swait.ge [sflag:s22], $0x4000  }
0xa8: {  	[sflag:s22] =	ssyncset.done $0x0  }
0xa9: {  	[sflag:s22] =	ssyncadd.s32 $0xFFFFC000  }
0xaa: {  	_ =	swait.ge [sflag:s25], $0x4000  }
0xab: {  	[sflag:s25] =	ssyncset.done $0x0  }
0xac: {  	[sflag:s25] =	ssyncadd.s32 $0xFFFFC000  }
0xad: {  	[tilespmem:s26], [sflag:$0x2] =	stream.indirect.gather [hbm4b:s4+s24], $0x80, s7, s24, $0xb8;
	[tilespmem:$0x1D000] =	vst v63  }
0xae: {  	_ = 	snop  }
0xaf: {  	[spmem:s2] =	stream.indirect.scatter.add.f32 [tilespmem:s21], [sflag:$0x3], $0x80, s8, s24, $0xb8;
	[tilespmem:$0x1D000] =	vst v63  }
0xb0: {  	_ =	swait.ge [sflag:s22], $0x4000  }
0xb1: {  	[sflag:s22] =	ssyncset.done $0x0  }
0xb2: {  	[sflag:s22] =	ssyncadd.s32 $0xFFFFC000  }
0xb3: {  	_ =	swait.ge [sflag:s28], $0x4000  }
0xb4: {  	[sflag:s28] =	ssyncset.done $0x0  }
0xb5: {  	[sflag:s28] =	ssyncadd.s32 $0xFFFFC000  }
0xb6: {  	[tilespmem:s21], [sflag:$0x1] =	stream.indirect.gather [hbm4b:s4+s24], $0x80, s9, s24, $0xb8;
	[tilespmem:$0x1D000] =	vst v63  }
0xb7: {  	_ = 	snop  }
0xb8: {  	[spmem:s2] =	stream.indirect.scatter.add.f32 [tilespmem:s26], [sflag:$0x3], $0x80, s10, s24, $0xb8;
	[tilespmem:$0x1D000] =	vst v63  }
0xb9: {  	_ =	swait.ge [sflag:s22], $0x4000  }
0xba: {  	[sflag:s22] =	ssyncset.done $0x0  }
0xbb: {  	[sflag:s22] =	ssyncadd.s32 $0xFFFFC000  }
0xbc: {  	_ =	swait.ge [sflag:s25], $0x4000  }
0xbd: {  	[sflag:s25] =	ssyncset.done $0x0  }
0xbe: {  	[sflag:s25] =	ssyncadd.s32 $0xFFFFC000  }
0xbf: {  	[tilespmem:s26], [sflag:$0x2] =	stream.indirect.gather [hbm4b:s4+s24], $0x80, s11, s24, $0xb8;
	[tilespmem:$0x1D000] =	vst v63  }
0xc0: {  	_ = 	snop  }
0xc1: {  	[spmem:s2] =	stream.indirect.scatter.add.f32 [tilespmem:s21], [sflag:$0x3], $0x80, s12, s24, $0xb8;
	[tilespmem:$0x1D000] =	vst v63  }
0xc2: {  	_ =	swait.ge [sflag:s22], $0x4000  }
0xc3: {  	[sflag:s22] =	ssyncset.done $0x0  }
0xc4: {  	[sflag:s22] =	ssyncadd.s32 $0xFFFFC000  }
0xc5: {  	_ =	swait.ge [sflag:s28], $0x4000  }
0xc6: {  	[sflag:s28] =	ssyncset.done $0x0  }
0xc7: {  	[sflag:s28] =	ssyncadd.s32 $0xFFFFC000  }
0xc8: {  	[tilespmem:s21], [sflag:$0x1] =	stream.indirect.gather [hbm4b:s4+s24], $0x80, s13, s24, $0xb8;
	[tilespmem:$0x1D000] =	vst v63  }
0xc9: {  	_ = 	snop  }
0xca: {  	[spmem:s2] =	stream.indirect.scatter.add.f32 [tilespmem:s26], [sflag:$0x3], $0x80, s14, s24, $0xb8;
	[tilespmem:$0x1D000] =	vst v63  }
0xcb: {  	_ =	swait.ge [sflag:s22], $0x4000  }
0xcc: {  	[sflag:s22] =	ssyncset.done $0x0  }
0xcd: {  	[sflag:s22] =	ssyncadd.s32 $0xFFFFC000  }
0xce: {  	_ =	swait.ge [sflag:s25], $0x4000  }
0xcf: {  	[sflag:s25] =	ssyncset.done $0x0  }
0xd0: {  	[sflag:s25] =	ssyncadd.s32 $0xFFFFC000  }
0xd1: {  	[tilespmem:s26], [sflag:$0x2] =	stream.indirect.gather [hbm4b:s4+s24], $0x80, s15, s24, $0xb8;
	[tilespmem:$0x1D000] =	vst v63  }
0xd2: {  	_ = 	snop  }
0xd3: {  	[spmem:s2] =	stream.indirect.scatter.add.f32 [tilespmem:s21], [sflag:$0x3], $0x80, s16, s24, $0xb8;
	[tilespmem:$0x1D000] =	vst v63  }
0xd4: {  	_ =	swait.ge [sflag:s22], $0x4000  }
0xd5: {  	[sflag:s22] =	ssyncset.done $0x0  }
0xd6: {  	[sflag:s22] =	ssyncadd.s32 $0xFFFFC000  }
0xd7: {  	_ =	swait.ge [sflag:s28], $0x4000  }
0xd8: {  	[sflag:s28] =	ssyncset.done $0x0  }
0xd9: {  	[sflag:s28] =	ssyncadd.s32 $0xFFFFC000  }
0xda: {  	[tilespmem:s21], [sflag:$0x1] =	stream.indirect.gather [hbm4b:s4+s24], $0x80, s15, s24, $0xb8;
	[tilespmem:$0x1D000] =	vst v63  }
0xdb: {  	_ = 	snop  }
0xdc: {  	[spmem:s2] =	stream.indirect.scatter.add.f32 [tilespmem:s26], [sflag:$0x3], $0x80, s17, s24, $0xb8;
	[tilespmem:$0x1D000] =	vst v63  }
0xdd: {  	_ =	swait.ge [sflag:s22], $0x4000  }
0xde: {  	[sflag:s22] =	ssyncset.done $0x0  }
0xdf: {  	[sflag:s22] =	ssyncadd.s32 $0xFFFFC000  }
0xe0: {  	s19 =	simm.s32 $0x100;
	_ =	swait.ge [sflag:s25], $0x4000  }
0xe1: {  	s20 =	simm.s32 $0x200;
	s6 =	rddreg [dreg:$0x4];
	[sflag:s25] =	ssyncset.done $0x0  }
.LBB2_2:
0xe2: {  	[sflag:s25] =	ssyncadd.s32 $0xFFFFC000;
	s6 =	sadd.s32 s19, s6  }
0xe3: {  	[tilespmem:s3], [sflag:$0x3] =	stream.linear.gather [hbm4b:s6+s3], $0x800, $0x38;
	[tilespmem:$0x1D000] =	vst v63  }
0xe4: {  	_ =	swait.ge [sflag:s22], $0x800  }
0xe5: {  	s6 =	rddreg [dreg:$0x3];
	[sflag:s22] =	ssyncset.done $0x0  }
0xe6: {  	[sflag:s22] =	ssyncadd.s32 $0xFFFFF800;
	s6 =	sadd.s32 s19, s6  }
0xe7: {  	[tilespmem:s23], [sflag:$0x3] =	stream.linear.gather [hbm4b:s6+s3], $0x800, $0x38;
	[tilespmem:$0x1D000] =	vst v63  }
0xe8: {  	_ =	swait.ge [sflag:s22], $0x800  }
0xe9: {  	[sflag:s22] =	ssyncset.done $0x0  }
0xea: {  	[sflag:s22] =	ssyncadd.s32 $0xFFFFF800  }
0xeb: {  	[tilespmem:s21], [sflag:$0x1] =	stream.indirect.gather [hbm4b:s4+s24], $0x80, s3, s24, $0xb8;
	[tilespmem:$0x1D000] =	vst v63  }
0xec: {  	_ =	swait.ge [sflag:s25], $0x4000  }
0xed: {  	[sflag:s25] =	ssyncset.done $0x0  }
0xee: {  	[sflag:s25] =	ssyncadd.s32 $0xFFFFC000  }
0xef: {  	[tilespmem:s26], [sflag:$0x2] =	stream.indirect.gather [hbm4b:s4+s24], $0x80, s24, s24, $0xb8;
	[tilespmem:$0x1D000] =	vst v63  }
0xf0: {  	_ = 	snop  }
0xf1: {  	[spmem:s2] =	stream.indirect.scatter.add.f32 [tilespmem:s21], [sflag:$0x3], $0x80, s23, s24, $0xb8;
	[tilespmem:$0x1D000] =	vst v63  }
0xf2: {  	_ =	swait.ge [sflag:s22], $0x4000  }
0xf3: {  	[sflag:s22] =	ssyncset.done $0x0  }
0xf4: {  	[sflag:s22] =	ssyncadd.s32 $0xFFFFC000  }
0xf5: {  	_ =	swait.ge [sflag:s28], $0x4000  }
0xf6: {  	[sflag:s28] =	ssyncset.done $0x0  }
0xf7: {  	s18 =	smov.u32 s20;
	s6 =	rddreg [dreg:$0x5];
	[sflag:s28] =	ssyncadd.s32 $0xFFFFC000  }
0xf8: {  	[tilespmem:s21], [sflag:$0x1] =	stream.indirect.gather [hbm4b:s4+s24], $0x80, s6, s24, $0xb8;
	[tilespmem:$0x1D000] =	vst v63  }
0xf9: {  	s19 =	smov.u32 s18;
	s18 =	rddreg [dreg:$0x6]  }
0xfa: {  	[spmem:s2] =	stream.indirect.scatter.add.f32 [tilespmem:s26], [sflag:$0x3], $0x80, s18, s24, $0xb8;
	[tilespmem:$0x1D000] =	vst v63  }
0xfb: {  	_ =	swait.ge [sflag:s22], $0x4000  }
0xfc: {  	[sflag:s22] =	ssyncset.done $0x0  }
0xfd: {  	[sflag:s22] =	ssyncadd.s32 $0xFFFFC000  }
0xfe: {  	_ =	swait.ge [sflag:s25], $0x4000  }
0xff: {  	[sflag:s25] =	ssyncset.done $0x0  }
0x100: {  	s6 =	rddreg [dreg:$0x7];
	[sflag:s25] =	ssyncadd.s32 $0xFFFFC000  }
0x101: {  	[tilespmem:s26], [sflag:$0x2] =	stream.indirect.gather [hbm4b:s4+s24], $0x80, s6, s24, $0xb8;
	[tilespmem:$0x1D000] =	vst v63  }
0x102: {  	s18 =	rddreg [dreg:$0x8]  }
0x103: {  	[spmem:s2] =	stream.indirect.scatter.add.f32 [tilespmem:s21], [sflag:$0x3], $0x80, s18, s24, $0xb8;
	[tilespmem:$0x1D000] =	vst v63  }
0x104: {  	_ =	swait.ge [sflag:s22], $0x4000  }
0x105: {  	[sflag:s22] =	ssyncset.done $0x0  }
0x106: {  	[sflag:s22] =	ssyncadd.s32 $0xFFFFC000  }
0x107: {  	_ =	swait.ge [sflag:s28], $0x4000  }
0x108: {  	[sflag:s28] =	ssyncset.done $0x0  }
0x109: {  	s6 =	rddreg [dreg:$0x9];
	[sflag:s28] =	ssyncadd.s32 $0xFFFFC000  }
0x10a: {  	[tilespmem:s21], [sflag:$0x1] =	stream.indirect.gather [hbm4b:s4+s24], $0x80, s6, s24, $0xb8;
	[tilespmem:$0x1D000] =	vst v63  }
0x10b: {  	s18 =	rddreg [dreg:$0xa]  }
0x10c: {  	[spmem:s2] =	stream.indirect.scatter.add.f32 [tilespmem:s26], [sflag:$0x3], $0x80, s18, s24, $0xb8;
	[tilespmem:$0x1D000] =	vst v63  }
0x10d: {  	_ =	swait.ge [sflag:s22], $0x4000  }
0x10e: {  	[sflag:s22] =	ssyncset.done $0x0  }
0x10f: {  	[sflag:s22] =	ssyncadd.s32 $0xFFFFC000  }
0x110: {  	_ =	swait.ge [sflag:s25], $0x4000  }
0x111: {  	[sflag:s25] =	ssyncset.done $0x0  }
0x112: {  	s6 =	rddreg [dreg:$0xb];
	[sflag:s25] =	ssyncadd.s32 $0xFFFFC000  }
0x113: {  	[tilespmem:s26], [sflag:$0x2] =	stream.indirect.gather [hbm4b:s4+s24], $0x80, s6, s24, $0xb8;
	[tilespmem:$0x1D000] =	vst v63  }
0x114: {  	s18 =	rddreg [dreg:$0xc]  }
0x115: {  	[spmem:s2] =	stream.indirect.scatter.add.f32 [tilespmem:s21], [sflag:$0x3], $0x80, s18, s24, $0xb8;
	[tilespmem:$0x1D000] =	vst v63  }
0x116: {  	_ =	swait.ge [sflag:s22], $0x4000  }
0x117: {  	[sflag:s22] =	ssyncset.done $0x0  }
0x118: {  	[sflag:s22] =	ssyncadd.s32 $0xFFFFC000  }
0x119: {  	_ =	swait.ge [sflag:s28], $0x4000  }
0x11a: {  	[sflag:s28] =	ssyncset.done $0x0  }
0x11b: {  	s6 =	rddreg [dreg:$0xd];
	[sflag:s28] =	ssyncadd.s32 $0xFFFFC000  }
0x11c: {  	[tilespmem:s21], [sflag:$0x1] =	stream.indirect.gather [hbm4b:s4+s24], $0x80, s6, s24, $0xb8;
	[tilespmem:$0x1D000] =	vst v63  }
0x11d: {  	s18 =	rddreg [dreg:$0xe]  }
0x11e: {  	[spmem:s2] =	stream.indirect.scatter.add.f32 [tilespmem:s26], [sflag:$0x3], $0x80, s18, s24, $0xb8;
	[tilespmem:$0x1D000] =	vst v63  }
0x11f: {  	_ =	swait.ge [sflag:s22], $0x4000  }
0x120: {  	[sflag:s22] =	ssyncset.done $0x0  }
0x121: {  	[sflag:s22] =	ssyncadd.s32 $0xFFFFC000  }
0x122: {  	_ =	swait.ge [sflag:s25], $0x4000  }
0x123: {  	[sflag:s25] =	ssyncset.done $0x0  }
0x124: {  	s6 =	rddreg [dreg:$0xf];
	[sflag:s25] =	ssyncadd.s32 $0xFFFFC000  }
0x125: {  	[tilespmem:s26], [sflag:$0x2] =	stream.indirect.gather [hbm4b:s4+s24], $0x80, s6, s24, $0xb8;
	[tilespmem:$0x1D000] =	vst v63  }
0x126: {  	s18 =	rddreg [dreg:$0x10]  }
0x127: {  	[spmem:s2] =	stream.indirect.scatter.add.f32 [tilespmem:s21], [sflag:$0x3], $0x80, s18, s24, $0xb8;
	[tilespmem:$0x1D000] =	vst v63  }
0x128: {  	_ =	swait.ge [sflag:s22], $0x4000  }
0x129: {  	[sflag:s22] =	ssyncset.done $0x0  }
0x12a: {  	[sflag:s22] =	ssyncadd.s32 $0xFFFFC000  }
0x12b: {  	_ =	swait.ge [sflag:s28], $0x4000  }
0x12c: {  	[sflag:s28] =	ssyncset.done $0x0  }
0x12d: {  	[sflag:s28] =	ssyncadd.s32 $0xFFFFC000  }
0x12e: {  	[tilespmem:s21], [sflag:$0x1] =	stream.indirect.gather [hbm4b:s4+s24], $0x80, s29, s24, $0xb8;
	[tilespmem:$0x1D000] =	vst v63  }
0x12f: {  	_ = 	snop  }
0x130: {  	[spmem:s2] =	stream.indirect.scatter.add.f32 [tilespmem:s26], [sflag:$0x3], $0x80, s30, s24, $0xb8;
	[tilespmem:$0x1D000] =	vst v63  }
0x131: {  	_ =	swait.ge [sflag:s22], $0x4000  }
0x132: {  	[sflag:s22] =	ssyncset.done $0x0  }
0x133: {  	[sflag:s22] =	ssyncadd.s32 $0xFFFFC000  }
0x134: {  	_ =	swait.ge [sflag:s25], $0x4000  }
0x135: {  	[sflag:s25] =	ssyncset.done $0x0  }
0x136: {  	[sflag:s25] =	ssyncadd.s32 $0xFFFFC000  }
0x137: {  	[tilespmem:s26], [sflag:$0x2] =	stream.indirect.gather [hbm4b:s4+s24], $0x80, s31, s24, $0xb8;
	[tilespmem:$0x1D000] =	vst v63  }
0x138: {  	_ = 	snop  }
0x139: {  	[spmem:s2] =	stream.indirect.scatter.add.f32 [tilespmem:s21], [sflag:$0x3], $0x80, s1, s24, $0xb8;
	[tilespmem:$0x1D000] =	vst v63  }
0x13a: {  	_ =	swait.ge [sflag:s22], $0x4000  }
0x13b: {  	[sflag:s22] =	ssyncset.done $0x0  }
0x13c: {  	[sflag:s22] =	ssyncadd.s32 $0xFFFFC000  }
0x13d: {  	_ =	swait.ge [sflag:s28], $0x4000  }
0x13e: {  	[sflag:s28] =	ssyncset.done $0x0  }
0x13f: {  	[sflag:s28] =	ssyncadd.s32 $0xFFFFC000  }
0x140: {  	[tilespmem:s21], [sflag:$0x1] =	stream.indirect.gather [hbm4b:s4+s24], $0x80, s0, s24, $0xb8;
	[tilespmem:$0x1D000] =	vst v63  }
0x141: {  	_ = 	snop  }
0x142: {  	[spmem:s2] =	stream.indirect.scatter.add.f32 [tilespmem:s26], [sflag:$0x3], $0x80, s5, s24, $0xb8;
	[tilespmem:$0x1D000] =	vst v63  }
0x143: {  	_ =	swait.ge [sflag:s22], $0x4000  }
0x144: {  	[sflag:s22] =	ssyncset.done $0x0  }
0x145: {  	[sflag:s22] =	ssyncadd.s32 $0xFFFFC000  }
0x146: {  	_ =	swait.ge [sflag:s25], $0x4000  }
0x147: {  	[sflag:s25] =	ssyncset.done $0x0  }
0x148: {  	[sflag:s25] =	ssyncadd.s32 $0xFFFFC000  }
0x149: {  	[tilespmem:s26], [sflag:$0x2] =	stream.indirect.gather [hbm4b:s4+s24], $0x80, s7, s24, $0xb8;
	[tilespmem:$0x1D000] =	vst v63  }
0x14a: {  	_ = 	snop  }
0x14b: {  	[spmem:s2] =	stream.indirect.scatter.add.f32 [tilespmem:s21], [sflag:$0x3], $0x80, s8, s24, $0xb8;
	[tilespmem:$0x1D000] =	vst v63  }
0x14c: {  	_ =	swait.ge [sflag:s22], $0x4000  }
0x14d: {  	[sflag:s22] =	ssyncset.done $0x0  }
0x14e: {  	[sflag:s22] =	ssyncadd.s32 $0xFFFFC000  }
0x14f: {  	_ =	swait.ge [sflag:s28], $0x4000  }
0x150: {  	[sflag:s28] =	ssyncset.done $0x0  }
0x151: {  	[sflag:s28] =	ssyncadd.s32 $0xFFFFC000  }
0x152: {  	[tilespmem:s21], [sflag:$0x1] =	stream.indirect.gather [hbm4b:s4+s24], $0x80, s9, s24, $0xb8;
	[tilespmem:$0x1D000] =	vst v63  }
0x153: {  	_ = 	snop  }
0x154: {  	[spmem:s2] =	stream.indirect.scatter.add.f32 [tilespmem:s26], [sflag:$0x3], $0x80, s10, s24, $0xb8;
	[tilespmem:$0x1D000] =	vst v63  }
0x155: {  	_ =	swait.ge [sflag:s22], $0x4000  }
0x156: {  	[sflag:s22] =	ssyncset.done $0x0  }
0x157: {  	[sflag:s22] =	ssyncadd.s32 $0xFFFFC000  }
0x158: {  	_ =	swait.ge [sflag:s25], $0x4000  }
0x159: {  	[sflag:s25] =	ssyncset.done $0x0  }
0x15a: {  	[sflag:s25] =	ssyncadd.s32 $0xFFFFC000  }
0x15b: {  	[tilespmem:s26], [sflag:$0x2] =	stream.indirect.gather [hbm4b:s4+s24], $0x80, s11, s24, $0xb8;
	[tilespmem:$0x1D000] =	vst v63  }
0x15c: {  	_ = 	snop  }
0x15d: {  	[spmem:s2] =	stream.indirect.scatter.add.f32 [tilespmem:s21], [sflag:$0x3], $0x80, s12, s24, $0xb8;
	[tilespmem:$0x1D000] =	vst v63  }
0x15e: {  	_ =	swait.ge [sflag:s22], $0x4000  }
0x15f: {  	[sflag:s22] =	ssyncset.done $0x0  }
0x160: {  	[sflag:s22] =	ssyncadd.s32 $0xFFFFC000  }
0x161: {  	_ =	swait.ge [sflag:s28], $0x4000  }
0x162: {  	[sflag:s28] =	ssyncset.done $0x0  }
0x163: {  	[sflag:s28] =	ssyncadd.s32 $0xFFFFC000  }
0x164: {  	[tilespmem:s21], [sflag:$0x1] =	stream.indirect.gather [hbm4b:s4+s24], $0x80, s13, s24, $0xb8;
	[tilespmem:$0x1D000] =	vst v63  }
0x165: {  	_ = 	snop  }
0x166: {  	[spmem:s2] =	stream.indirect.scatter.add.f32 [tilespmem:s26], [sflag:$0x3], $0x80, s14, s24, $0xb8;
	[tilespmem:$0x1D000] =	vst v63  }
0x167: {  	_ =	swait.ge [sflag:s22], $0x4000  }
0x168: {  	[sflag:s22] =	ssyncset.done $0x0  }
0x169: {  	[sflag:s22] =	ssyncadd.s32 $0xFFFFC000  }
0x16a: {  	_ =	swait.ge [sflag:s25], $0x4000  }
0x16b: {  	[sflag:s25] =	ssyncset.done $0x0  }
0x16c: {  	[sflag:s25] =	ssyncadd.s32 $0xFFFFC000  }
0x16d: {  	[tilespmem:s26], [sflag:$0x2] =	stream.indirect.gather [hbm4b:s4+s24], $0x80, s15, s24, $0xb8;
	[tilespmem:$0x1D000] =	vst v63  }
0x16e: {  	_ = 	snop  }
0x16f: {  	[spmem:s2] =	stream.indirect.scatter.add.f32 [tilespmem:s21], [sflag:$0x3], $0x80, s16, s24, $0xb8;
	[tilespmem:$0x1D000] =	vst v63  }
0x170: {  	_ =	swait.ge [sflag:s22], $0x4000  }
0x171: {  	[sflag:s22] =	ssyncset.done $0x0  }
0x172: {  	[sflag:s22] =	ssyncadd.s32 $0xFFFFC000  }
0x173: {  	_ =	swait.ge [sflag:s28], $0x4000  }
0x174: {  	[sflag:s28] =	ssyncset.done $0x0  }
0x175: {  	[sflag:s28] =	ssyncadd.s32 $0xFFFFC000  }
0x176: {  	[tilespmem:s21], [sflag:$0x1] =	stream.indirect.gather [hbm4b:s4+s24], $0x80, s15, s24, $0xb8;
	[tilespmem:$0x1D000] =	vst v63  }
0x177: {  	p0 =	sne.s32 s20, $0x400  }
0x178: {  	[spmem:s2] =	stream.indirect.scatter.add.f32 [tilespmem:s26], [sflag:$0x3], $0x80, s17, s24, $0xb8;
	[tilespmem:$0x1D000] =	vst v63  }
.Ltmp0:
0x179: {  	_ =	swait.ge [sflag:s22], $0x4000;
	(pc) =	sbr.rel @p0 .LBB2_2-.Ltmp0, $4  }
0x17a: {  	[sflag:s22] =	ssyncset.done $0x0  }
0x17b: {  	[sflag:s22] =	ssyncadd.s32 $0xFFFFC000  }
0x17c: {  	_ =	swait.ge [sflag:s25], $0x4000  }
0x17d: {  	s20 =	sadd.s32 $0x100, s20;
	s6 =	rddreg [dreg:$0x4];
	[sflag:s25] =	ssyncset.done $0x0  }
0x17e: {  	[sflag:s25] =	ssyncadd.s32 $0xFFFFC000;
	s6 =	sadd.s32 s19, s6  }
0x17f: {  	[tilespmem:s3], [sflag:$0x3] =	stream.linear.gather [hbm4b:s6+s3], $0x800, $0x38;
	[tilespmem:$0x1D000] =	vst v63  }
0x180: {  	_ =	swait.ge [sflag:s22], $0x800  }
0x181: {  	s18 =	rddreg [dreg:$0x3];
	[sflag:s22] =	ssyncset.done $0x0  }
0x182: {  	[sflag:s22] =	ssyncadd.s32 $0xFFFFF800;
	s6 =	sadd.s32 s19, s18  }
0x183: {  	[tilespmem:s23], [sflag:$0x3] =	stream.linear.gather [hbm4b:s6+s3], $0x800, $0x38;
	[tilespmem:$0x1D000] =	vst v63  }
0x184: {  	_ =	swait.ge [sflag:s22], $0x800  }
0x185: {  	[sflag:s22] =	ssyncset.done $0x0  }
0x186: {  	[sflag:s22] =	ssyncadd.s32 $0xFFFFF800  }
0x187: {  	[tilespmem:s21], [sflag:$0x1] =	stream.indirect.gather [hbm4b:s4+s24], $0x80, s3, s24, $0xb8;
	[tilespmem:$0x1D000] =	vst v63  }
0x188: {  	_ =	swait.ge [sflag:s25], $0x4000  }
0x189: {  	[sflag:s25] =	ssyncset.done $0x0  }
0x18a: {  	[sflag:s25] =	ssyncadd.s32 $0xFFFFC000  }
0x18b: {  	[tilespmem:s26], [sflag:$0x2] =	stream.indirect.gather [hbm4b:s4+s24], $0x80, s24, s24, $0xb8;
	[tilespmem:$0x1D000] =	vst v63  }
0x18c: {  	_ = 	snop  }
0x18d: {  	[spmem:s2] =	stream.indirect.scatter.add.f32 [tilespmem:s21], [sflag:$0x3], $0x80, s23, s24, $0xb8;
	[tilespmem:$0x1D000] =	vst v63  }
0x18e: {  	_ =	swait.ge [sflag:s22], $0x4000  }
0x18f: {  	[sflag:s22] =	ssyncset.done $0x0  }
0x190: {  	[sflag:s22] =	ssyncadd.s32 $0xFFFFC000  }
0x191: {  	_ =	swait.ge [sflag:s28], $0x4000  }
0x192: {  	[sflag:s28] =	ssyncset.done $0x0  }
0x193: {  	s20 =	rddreg [dreg:$0x5];
	[sflag:s28] =	ssyncadd.s32 $0xFFFFC000  }
0x194: {  	[tilespmem:s21], [sflag:$0x1] =	stream.indirect.gather [hbm4b:s4+s24], $0x80, s20, s24, $0xb8;
	[tilespmem:$0x1D000] =	vst v63  }
0x195: {  	s18 =	rddreg [dreg:$0x6]  }
0x196: {  	[spmem:s2] =	stream.indirect.scatter.add.f32 [tilespmem:s26], [sflag:$0x3], $0x80, s18, s24, $0xb8;
	[tilespmem:$0x1D000] =	vst v63  }
0x197: {  	_ =	swait.ge [sflag:s22], $0x4000  }
0x198: {  	[sflag:s22] =	ssyncset.done $0x0  }
0x199: {  	[sflag:s22] =	ssyncadd.s32 $0xFFFFC000  }
0x19a: {  	_ =	swait.ge [sflag:s25], $0x4000  }
0x19b: {  	[sflag:s25] =	ssyncset.done $0x0  }
0x19c: {  	s19 =	rddreg [dreg:$0x7];
	[sflag:s25] =	ssyncadd.s32 $0xFFFFC000  }
0x19d: {  	[tilespmem:s26], [sflag:$0x2] =	stream.indirect.gather [hbm4b:s4+s24], $0x80, s19, s24, $0xb8;
	[tilespmem:$0x1D000] =	vst v63  }
0x19e: {  	s20 =	rddreg [dreg:$0x8]  }
0x19f: {  	[spmem:s2] =	stream.indirect.scatter.add.f32 [tilespmem:s21], [sflag:$0x3], $0x80, s20, s24, $0xb8;
	[tilespmem:$0x1D000] =	vst v63  }
0x1a0: {  	_ =	swait.ge [sflag:s22], $0x4000  }
0x1a1: {  	[sflag:s22] =	ssyncset.done $0x0  }
0x1a2: {  	[sflag:s22] =	ssyncadd.s32 $0xFFFFC000  }
0x1a3: {  	_ =	swait.ge [sflag:s28], $0x4000  }
0x1a4: {  	[sflag:s28] =	ssyncset.done $0x0  }
0x1a5: {  	s19 =	rddreg [dreg:$0x9];
	[sflag:s28] =	ssyncadd.s32 $0xFFFFC000  }
0x1a6: {  	[tilespmem:s21], [sflag:$0x1] =	stream.indirect.gather [hbm4b:s4+s24], $0x80, s19, s24, $0xb8;
	[tilespmem:$0x1D000] =	vst v63  }
0x1a7: {  	s20 =	rddreg [dreg:$0xa]  }
0x1a8: {  	[spmem:s2] =	stream.indirect.scatter.add.f32 [tilespmem:s26], [sflag:$0x3], $0x80, s20, s24, $0xb8;
	[tilespmem:$0x1D000] =	vst v63  }
0x1a9: {  	_ =	swait.ge [sflag:s22], $0x4000  }
0x1aa: {  	[sflag:s22] =	ssyncset.done $0x0  }
0x1ab: {  	[sflag:s22] =	ssyncadd.s32 $0xFFFFC000  }
0x1ac: {  	_ =	swait.ge [sflag:s25], $0x4000  }
0x1ad: {  	[sflag:s25] =	ssyncset.done $0x0  }
0x1ae: {  	s19 =	rddreg [dreg:$0xb];
	[sflag:s25] =	ssyncadd.s32 $0xFFFFC000  }
0x1af: {  	[tilespmem:s26], [sflag:$0x2] =	stream.indirect.gather [hbm4b:s4+s24], $0x80, s19, s24, $0xb8;
	[tilespmem:$0x1D000] =	vst v63  }
0x1b0: {  	s20 =	rddreg [dreg:$0xc]  }
0x1b1: {  	[spmem:s2] =	stream.indirect.scatter.add.f32 [tilespmem:s21], [sflag:$0x3], $0x80, s20, s24, $0xb8;
	[tilespmem:$0x1D000] =	vst v63  }
0x1b2: {  	_ =	swait.ge [sflag:s22], $0x4000  }
0x1b3: {  	[sflag:s22] =	ssyncset.done $0x0  }
0x1b4: {  	[sflag:s22] =	ssyncadd.s32 $0xFFFFC000  }
0x1b5: {  	_ =	swait.ge [sflag:s28], $0x4000  }
0x1b6: {  	[sflag:s28] =	ssyncset.done $0x0  }
0x1b7: {  	s19 =	rddreg [dreg:$0xd];
	[sflag:s28] =	ssyncadd.s32 $0xFFFFC000  }
0x1b8: {  	[tilespmem:s21], [sflag:$0x1] =	stream.indirect.gather [hbm4b:s4+s24], $0x80, s19, s24, $0xb8;
	[tilespmem:$0x1D000] =	vst v63  }
0x1b9: {  	s20 =	rddreg [dreg:$0xe]  }
0x1ba: {  	[spmem:s2] =	stream.indirect.scatter.add.f32 [tilespmem:s26], [sflag:$0x3], $0x80, s20, s24, $0xb8;
	[tilespmem:$0x1D000] =	vst v63  }
0x1bb: {  	_ =	swait.ge [sflag:s22], $0x4000  }
0x1bc: {  	[sflag:s22] =	ssyncset.done $0x0  }
0x1bd: {  	[sflag:s22] =	ssyncadd.s32 $0xFFFFC000  }
0x1be: {  	_ =	swait.ge [sflag:s25], $0x4000  }
0x1bf: {  	[sflag:s25] =	ssyncset.done $0x0  }
0x1c0: {  	s18 =	rddreg [dreg:$0xf];
	[sflag:s25] =	ssyncadd.s32 $0xFFFFC000  }
0x1c1: {  	[tilespmem:s26], [sflag:$0x2] =	stream.indirect.gather [hbm4b:s4+s24], $0x80, s18, s24, $0xb8;
	[tilespmem:$0x1D000] =	vst v63  }
0x1c2: {  	s19 =	rddreg [dreg:$0x10]  }
0x1c3: {  	[spmem:s2] =	stream.indirect.scatter.add.f32 [tilespmem:s21], [sflag:$0x3], $0x80, s19, s24, $0xb8;
	[tilespmem:$0x1D000] =	vst v63  }
0x1c4: {  	_ =	swait.ge [sflag:s22], $0x4000  }
0x1c5: {  	[sflag:s22] =	ssyncset.done $0x0  }
0x1c6: {  	[sflag:s22] =	ssyncadd.s32 $0xFFFFC000  }
0x1c7: {  	_ =	swait.ge [sflag:s28], $0x4000  }
0x1c8: {  	[sflag:s28] =	ssyncset.done $0x0  }
0x1c9: {  	[sflag:s28] =	ssyncadd.s32 $0xFFFFC000  }
0x1ca: {  	[tilespmem:s21], [sflag:$0x1] =	stream.indirect.gather [hbm4b:s4+s24], $0x80, s29, s24, $0xb8;
	[tilespmem:$0x1D000] =	vst v63  }
0x1cb: {  	_ = 	snop  }
0x1cc: {  	[spmem:s2] =	stream.indirect.scatter.add.f32 [tilespmem:s26], [sflag:$0x3], $0x80, s30, s24, $0xb8;
	[tilespmem:$0x1D000] =	vst v63  }
0x1cd: {  	_ =	swait.ge [sflag:s22], $0x4000  }
0x1ce: {  	[sflag:s22] =	ssyncset.done $0x0  }
0x1cf: {  	[sflag:s22] =	ssyncadd.s32 $0xFFFFC000  }
0x1d0: {  	_ =	swait.ge [sflag:s25], $0x4000  }
0x1d1: {  	[sflag:s25] =	ssyncset.done $0x0  }
0x1d2: {  	[sflag:s25] =	ssyncadd.s32 $0xFFFFC000  }
0x1d3: {  	[tilespmem:s26], [sflag:$0x2] =	stream.indirect.gather [hbm4b:s4+s24], $0x80, s31, s24, $0xb8;
	[tilespmem:$0x1D000] =	vst v63  }
0x1d4: {  	_ = 	snop  }
0x1d5: {  	[spmem:s2] =	stream.indirect.scatter.add.f32 [tilespmem:s21], [sflag:$0x3], $0x80, s1, s24, $0xb8;
	[tilespmem:$0x1D000] =	vst v63  }
0x1d6: {  	_ =	swait.ge [sflag:s22], $0x4000  }
0x1d7: {  	[sflag:s22] =	ssyncset.done $0x0  }
0x1d8: {  	[sflag:s22] =	ssyncadd.s32 $0xFFFFC000  }
0x1d9: {  	_ =	swait.ge [sflag:s28], $0x4000  }
0x1da: {  	[sflag:s28] =	ssyncset.done $0x0  }
0x1db: {  	[sflag:s28] =	ssyncadd.s32 $0xFFFFC000  }
0x1dc: {  	[tilespmem:s21], [sflag:$0x1] =	stream.indirect.gather [hbm4b:s4+s24], $0x80, s0, s24, $0xb8;
	[tilespmem:$0x1D000] =	vst v63  }
0x1dd: {  	_ = 	snop  }
0x1de: {  	[spmem:s2] =	stream.indirect.scatter.add.f32 [tilespmem:s26], [sflag:$0x3], $0x80, s5, s24, $0xb8;
	[tilespmem:$0x1D000] =	vst v63  }
0x1df: {  	_ =	swait.ge [sflag:s22], $0x4000  }
0x1e0: {  	[sflag:s22] =	ssyncset.done $0x0  }
0x1e1: {  	[sflag:s22] =	ssyncadd.s32 $0xFFFFC000  }
0x1e2: {  	_ =	swait.ge [sflag:s25], $0x4000  }
0x1e3: {  	[sflag:s25] =	ssyncset.done $0x0  }
0x1e4: {  	[sflag:s25] =	ssyncadd.s32 $0xFFFFC000  }
0x1e5: {  	[tilespmem:s26], [sflag:$0x2] =	stream.indirect.gather [hbm4b:s4+s24], $0x80, s7, s24, $0xb8;
	[tilespmem:$0x1D000] =	vst v63  }
0x1e6: {  	_ = 	snop  }
0x1e7: {  	[spmem:s2] =	stream.indirect.scatter.add.f32 [tilespmem:s21], [sflag:$0x3], $0x80, s8, s24, $0xb8;
	[tilespmem:$0x1D000] =	vst v63  }
0x1e8: {  	_ =	swait.ge [sflag:s22], $0x4000  }
0x1e9: {  	[sflag:s22] =	ssyncset.done $0x0  }
0x1ea: {  	[sflag:s22] =	ssyncadd.s32 $0xFFFFC000  }
0x1eb: {  	_ =	swait.ge [sflag:s28], $0x4000  }
0x1ec: {  	[sflag:s28] =	ssyncset.done $0x0  }
0x1ed: {  	[sflag:s28] =	ssyncadd.s32 $0xFFFFC000  }
0x1ee: {  	[tilespmem:s21], [sflag:$0x1] =	stream.indirect.gather [hbm4b:s4+s24], $0x80, s9, s24, $0xb8;
	[tilespmem:$0x1D000] =	vst v63  }
0x1ef: {  	_ = 	snop  }
0x1f0: {  	[spmem:s2] =	stream.indirect.scatter.add.f32 [tilespmem:s26], [sflag:$0x3], $0x80, s10, s24, $0xb8;
	[tilespmem:$0x1D000] =	vst v63  }
0x1f1: {  	_ =	swait.ge [sflag:s22], $0x4000  }
0x1f2: {  	[sflag:s22] =	ssyncset.done $0x0  }
0x1f3: {  	[sflag:s22] =	ssyncadd.s32 $0xFFFFC000  }
0x1f4: {  	_ =	swait.ge [sflag:s25], $0x4000  }
0x1f5: {  	[sflag:s25] =	ssyncset.done $0x0  }
0x1f6: {  	[sflag:s25] =	ssyncadd.s32 $0xFFFFC000  }
0x1f7: {  	[tilespmem:s26], [sflag:$0x2] =	stream.indirect.gather [hbm4b:s4+s24], $0x80, s11, s24, $0xb8;
	[tilespmem:$0x1D000] =	vst v63  }
0x1f8: {  	_ = 	snop  }
0x1f9: {  	[spmem:s2] =	stream.indirect.scatter.add.f32 [tilespmem:s21], [sflag:$0x3], $0x80, s12, s24, $0xb8;
	[tilespmem:$0x1D000] =	vst v63  }
0x1fa: {  	_ =	swait.ge [sflag:s22], $0x4000  }
0x1fb: {  	[sflag:s22] =	ssyncset.done $0x0  }
0x1fc: {  	[sflag:s22] =	ssyncadd.s32 $0xFFFFC000  }
0x1fd: {  	_ =	swait.ge [sflag:s28], $0x4000  }
0x1fe: {  	[sflag:s28] =	ssyncset.done $0x0  }
0x1ff: {  	[sflag:s28] =	ssyncadd.s32 $0xFFFFC000  }
0x200: {  	[tilespmem:s21], [sflag:$0x1] =	stream.indirect.gather [hbm4b:s4+s24], $0x80, s13, s24, $0xb8;
	[tilespmem:$0x1D000] =	vst v63  }
0x201: {  	_ = 	snop  }
0x202: {  	[spmem:s2] =	stream.indirect.scatter.add.f32 [tilespmem:s26], [sflag:$0x3], $0x80, s14, s24, $0xb8;
	[tilespmem:$0x1D000] =	vst v63  }
0x203: {  	_ =	swait.ge [sflag:s22], $0x4000  }
0x204: {  	[sflag:s22] =	ssyncset.done $0x0  }
0x205: {  	[sflag:s22] =	ssyncadd.s32 $0xFFFFC000  }
0x206: {  	_ =	swait.ge [sflag:s25], $0x4000  }
0x207: {  	[sflag:s25] =	ssyncset.done $0x0  }
0x208: {  	[sflag:s25] =	ssyncadd.s32 $0xFFFFC000  }
0x209: {  	[tilespmem:s26], [sflag:$0x2] =	stream.indirect.gather [hbm4b:s4+s24], $0x80, s15, s24, $0xb8;
	[tilespmem:$0x1D000] =	vst v63  }
0x20a: {  	_ = 	snop  }
0x20b: {  	[spmem:s2] =	stream.indirect.scatter.add.f32 [tilespmem:s21], [sflag:$0x3], $0x80, s16, s24, $0xb8;
	[tilespmem:$0x1D000] =	vst v63  }
0x20c: {  	_ =	swait.ge [sflag:s22], $0x4000  }
0x20d: {  	[sflag:s22] =	ssyncset.done $0x0  }
0x20e: {  	[sflag:s22] =	ssyncadd.s32 $0xFFFFC000  }
0x20f: {  	_ =	swait.ge [sflag:s28], $0x4000  }
0x210: {  	[sflag:s28] =	ssyncset.done $0x0  }
0x211: {  	[sflag:s28] =	ssyncadd.s32 $0xFFFFC000  }
0x212: {  	[tilespmem:s21], [sflag:$0x1] =	stream.indirect.gather [hbm4b:s4+s24], $0x80, s15, s24, $0xb8;
	[tilespmem:$0x1D000] =	vst v63  }
0x213: {  	_ = 	snop  }
0x214: {  	[spmem:s2] =	stream.indirect.scatter.add.f32 [tilespmem:s26], [sflag:$0x3], $0x80, s17, s24, $0xb8;
	[tilespmem:$0x1D000] =	vst v63  }
0x215: {  	_ =	swait.ge [sflag:s22], $0x4000  }
0x216: {  	[sflag:s22] =	ssyncset.done $0x0  }
0x217: {  	[sflag:s22] =	ssyncadd.s32 $0xFFFFC000  }
0x218: {  	_ =	swait.ge [sflag:s25], $0x4000  }
0x219: {  	[sflag:s25] =	ssyncset.done $0x0  }
0x21a: {  	[sflag:s25] =	ssyncadd.s32 $0xFFFFC000  }
0x21b: {  	[bflag:$0x0] =	sbarrier.arrive $0xFFFF  }
0x21c: {  	s18 =	rddreg [dreg:$0x12]  }
0x21d: {  	[tilespmem:s21], [sflag:$0x3] =	stream.linear.gather [spmem:s18], $0x4000, $0x38;
	[tilespmem:$0x1D000] =	vst v63  }
0x21e: {  	_ =	swait.ge [sflag:s22], $0x4000  }
0x21f: {  	[sflag:s22] =	ssyncset.done $0x0  }
0x220: {  	s20 =	rddreg [dreg:$0x18];
	[sflag:s22] =	ssyncadd.s32 $0xFFFFC000  }
0x221: {  	[hbm4b:s20+s3] =	stream.linear.scatter [tilespmem:s21], [sflag:$0x3], $0x4000, $0x38;
	[tilespmem:$0x1D000] =	vst v63  }
0x222: {  	_ =	swait.ge [sflag:s22], $0x4000  }
0x223: {  	[sflag:s22] =	ssyncset.done $0x0  }
0x224: {  	s19 =	rddreg [dreg:$0x19];
	[sflag:s22] =	ssyncadd.s32 $0xFFFFC000  }
0x225: {  	[tilespmem:s21], [sflag:$0x3] =	stream.linear.gather [spmem:s19], $0x4000, $0x38;
	[tilespmem:$0x1D000] =	vst v63  }
0x226: {  	_ =	swait.ge [sflag:s22], $0x4000  }
0x227: {  	[sflag:s22] =	ssyncset.done $0x0  }
0x228: {  	s20 =	rddreg [dreg:$0x1a];
	[sflag:s22] =	ssyncadd.s32 $0xFFFFC000  }
0x229: {  	[hbm4b:s20+s3] =	stream.linear.scatter [tilespmem:s21], [sflag:$0x3], $0x4000, $0x38;
	[tilespmem:$0x1D000] =	vst v63  }
0x22a: {  	_ =	swait.ge [sflag:s22], $0x4000  }
0x22b: {  	[sflag:s22] =	ssyncset.done $0x0  }
0x22c: {  	s19 =	rddreg [dreg:$0x1b];
	[sflag:s22] =	ssyncadd.s32 $0xFFFFC000  }
0x22d: {  	[tilespmem:s21], [sflag:$0x3] =	stream.linear.gather [spmem:s19], $0x4000, $0x38;
	[tilespmem:$0x1D000] =	vst v63  }
0x22e: {  	_ =	swait.ge [sflag:s22], $0x4000  }
0x22f: {  	[sflag:s22] =	ssyncset.done $0x0  }
0x230: {  	s20 =	rddreg [dreg:$0x1c];
	[sflag:s22] =	ssyncadd.s32 $0xFFFFC000  }
0x231: {  	[hbm4b:s20+s3] =	stream.linear.scatter [tilespmem:s21], [sflag:$0x3], $0x4000, $0x38;
	[tilespmem:$0x1D000] =	vst v63  }
0x232: {  	_ =	swait.ge [sflag:s22], $0x4000  }
0x233: {  	[sflag:s22] =	ssyncset.done $0x0  }
0x234: {  	s19 =	rddreg [dreg:$0x1d];
	[sflag:s22] =	ssyncadd.s32 $0xFFFFC000  }
0x235: {  	[tilespmem:s21], [sflag:$0x3] =	stream.linear.gather [spmem:s19], $0x4000, $0x38;
	[tilespmem:$0x1D000] =	vst v63  }
0x236: {  	_ =	swait.ge [sflag:s22], $0x4000  }
0x237: {  	[sflag:s22] =	ssyncset.done $0x0  }
0x238: {  	s20 =	rddreg [dreg:$0x1e];
	[sflag:s22] =	ssyncadd.s32 $0xFFFFC000  }
0x239: {  	[hbm4b:s20+s3] =	stream.linear.scatter [tilespmem:s21], [sflag:$0x3], $0x4000, $0x38;
	[tilespmem:$0x1D000] =	vst v63  }
0x23a: {  	_ =	swait.ge [sflag:s22], $0x4000  }
0x23b: {  	[sflag:s22] =	ssyncset.done $0x0  }
0x23c: {  	s19 =	rddreg [dreg:$0x1f];
	[sflag:s22] =	ssyncadd.s32 $0xFFFFC000  }
0x23d: {  	[tilespmem:s21], [sflag:$0x3] =	stream.linear.gather [spmem:s19], $0x4000, $0x38;
	[tilespmem:$0x1D000] =	vst v63  }
0x23e: {  	_ =	swait.ge [sflag:s22], $0x4000  }
0x23f: {  	s20 =	sld [smem:$0x7FD]  }
0x240: {  	[sflag:s22] =	ssyncset.done $0x0  }
0x241: {  	[sflag:s22] =	ssyncadd.s32 $0xFFFFC000  }
0x242: {  	[hbm4b:s20+s3] =	stream.linear.scatter [tilespmem:s21], [sflag:$0x3], $0x4000, $0x38;
	[tilespmem:$0x1D000] =	vst v63  }
0x243: {  	_ =	swait.ge [sflag:s22], $0x4000  }
0x244: {  	s6 =	sld [smem:$0x7FC];
	_ =	sdelay $0x2  }
0x245: {  	s20 =	rddreg [dreg:$0x13];
	s19 =	sadd.s32 $0x1, s6  }
0x246: {  	p0 =	sne.s32 s19, s20  }
.Ltmp1:
0x247: {  	_ = 	snop;
	(pc) =	sbr.rel @p0 .LBB2_1-.Ltmp1, $3  }
0x248: {  	_ =	sdelay $0x1  }
0x249: {  	[sflag:s22] =	ssyncset.done $0x0  }
0x24a: {  	[sflag:s22] =	ssyncadd.s32 $0xFFFFC000  }
0x24b: {  	_ =	sfence.sel $0x180000  }
0x24c: {  	[bflag:$0x0] =	sbarrier.arrive $0xFFFF  }
0x24d: {  	_ =	strace $0x9000004A  }
0x24e: {  	s0 =	stileid.u32;
	[bflag:$0x2] =	sbarrier.arrive $0xFFFF  }
0x24f: {  	p0 =	sne.s32 s0, $0x0;
	s0 =	rddreg [dreg:$0x2]  }
0x250: {  	s0 =	sadd.s32 @!p0 $0x100000, s0  }
0x251: {  	[sflag:s0] =	ssyncadd.tile.s32 @!p0 $0x1;
	_ =	shalt  }
.Lfunc_end2:
_tile_overlayer_lowered:
.L_overlay_start_2:
0x252: {  	(tag) =	ssettag $0x2  }
0x253: {  	s0 =	rddreg [dreg:$0x0];
	s2 =	stileid.u32  }
0x254: {  	s1 =	rddreg [dreg:$0x1];
	p0 =	sne.s32 s2, $0x0  }
0x255: {  	s3 =	rddreg [dreg:$0x2];
	[bflag:$0x3] =	sbarrier.arrive $0xFFFF;
	s2 =	simm.s32 @!p0 $0x1C03  }
0x256: {  	[timem:s3], [sflag:s2] =	dma.local @!p0 [hbm:s0], s1  }
0x257: {  	s0 =	simm.s32 @!p0 $0x3  }
0x258: {  	_ =	swait.ge @!p0 [sflag:s0], s1  }
0x259: {  	s1 =	ssub.s32 @!p0 $0x0, s1;
	[sflag:s0] =	ssyncset.done @!p0 $0x0  }
0x25a: {  	[sflag:s0] =	ssyncadd.s32 @!p0 s1  }
0x25b: {  	[bflag:$0x3] =	sbarrier.arrive $0xFFFF  }
0x25c: {  	_ =	shalt  }

// kernel: kernel.25.cloned.1.call-start
scs
__scs_entry_jumppad:
0x0: {  	(pc) =	sbr.rel $0x88, $3  }
0x1: {  	(tag) =	ssettag $0x0;
	lr =	simm.s32 $0x1  }
0x2: {  	[smem:$0x3F8B] =	sst lr;
	_ =	strace $0xD0000000  }
0x3: {  	_ = 	snop  }
0x4: {  	_ = 	snop  }
0x5: {  	_ = 	snop  }
0x6: {  	_ = 	snop  }
0x7: {  	_ = 	snop  }
__scs_overlays_trampoline_lowered:
0x8: {  	[smem:$0x3F9A] =	sst s0  }
0x9: {  	[smem:$0x3F9B] =	sst s1  }
0xa: {  	[smem:$0x3F9C] =	sst s2  }
0xb: {  	[smem:$0x3F9D] =	sst s3  }
0xc: {  	[smem:$0x3F9E] =	sst s4  }
0xd: {  	[smem:$0x3F9F] =	sst s5  }
0xe: {  	[smem:$0x3FA0] =	sst s6  }
0xf: {  	[smem:$0x3FA1] =	sst s7  }
0x10: {  	[smem:$0x3FA2] =	sst s8  }
0x11: {  	[smem:$0x3FA3] =	sst s9;
	s0 =	simm.s32 @!p0 $0x0  }
0x12: {  	s1 =	sld [smem:$0x3F89];
	s0 =	simm.s32 @p0 $0x1  }
0x13: {  	[smem:$0x3FA4] =	sst s0;
	s0 =	simm.s32 @!p1 $0x0  }
0x14: {  	s2 =	sld [smem:$0x3F88];
	s0 =	simm.s32 @p1 $0x1  }
0x15: {  	[smem:$0x3FA5] =	sst s0;
	s0 =	simm.s32 @!p2 $0x0  }
0x16: {  	s3 =	sld [smem:$0x3FDB];
	s0 =	simm.s32 @p2 $0x1  }
0x17: {  	s4 =	simm.s32 $0x1BF5;
	[smem:$0x3FA7] =	sst s0  }
0x18: {  	s0 =	sld [smem:$0x3F8A];
	_ =	swait.ge [sflag:s4], $0x0  }
0x19: {  	s7 =	sld [smem:$0x3F8B]  }
0x1a: {  	s8 =	sadd.s32 $0xFFFFE003, lr  }
0x1b: {  	s9 =	sadd.s32 $0xFFFFFEF7, lr;
	s5 =	simm.s32 $0xFFFFFFFF;
	p2 =	slt.u32 s8, $0xFFFFF086  }
0x1c: {  	p1 =	slt.u32 s9, $0xF7A;
	s5 =	simm.s32 @!p2 $0x0  }
0x1d: {  	s5 =	simm.s32 @p1 $0x1;
	p0 =	seq.s32 s7, s2  }
0x1e: {  	s7 =	smul.u32 @!p0 $0xF7A, s2;
	p2 =	seq.s32 @!p0 s5, $0x0  }
0x1f: {  	s9 =	smul.u32 $0xF7A, s1;
	s8 =	simm.s32 @!p0 $0x1BF5;
	p2 =	por !p2, p0  }
0x20: {  	[sflag:s8] =	ssyncset.s32 @!p0 $0xFFFFF086;
	s6 =	sadd.s32 @!p0 s3, s7;
	s7 =	simm.s32 @!p0 $0x108  }
0x21: {  	s3 =	sadd.s32 s3, s9;
	s6 =	sadd.s32 @!p0 $0x88, s6;
	s7 =	simm.s32 @p2 $0x1082  }
0x22: {  	[simem:s7], [sflag:s8] =	dma.local @!p0 [hbm:s6], $0xF7A  }
0x23: {  	s9 =	sor.u32 $0xD0000000, s2;
	s6 =	simm.s32 $0x108;
	_ =	swait.ge @!p0 [sflag:s8], $0x0  }
0x24: {  	s3 =	sadd.s32 $0x88, s3;
	s6 =	simm.s32 @!p1 $0x1082;
	[sflag:s4] =	ssyncset.s32 $0xFFFFF086  }
0x25: {  	[simem:s6], [sflag:s4] =	dma.local [hbm:s3], $0xF7A  }
0x26: {  	[smem:$0x3F8B] =	sst s1;
	(tag) =	ssettag s2;
	_ =	strace s9  }
0x27: {  	s1 =	sld [smem:$0x3F9B]  }
0x28: {  	s2 =	sld [smem:$0x3F9C]  }
0x29: {  	s4 =	sld [smem:$0x3F9E]  }
0x2a: {  	p0 =	seq.s32 s5, $0x0;
	s5 =	sld [smem:$0x3F9F]  }
0x2b: {  	s6 =	sld [smem:$0x3FA0]  }
0x2c: {  	s7 =	sld [smem:$0x3FA1]  }
0x2d: {  	s3 =	simm.s32 $0x108;
	s8 =	sld [smem:$0x3FA2]  }
0x2e: {  	s3 =	simm.s32 @!p0 $0x1082;
	s9 =	sld [smem:$0x3FA3]  }
0x2f: {  	lr =	sadd.s32 s0, s3;
	s0 =	sld [smem:$0x3F9A]  }
0x30: {  	s3 =	sld [smem:$0x3F9D]  }
0x31: {  	[smem:$0x3FA6] =	sst s10  }
0x32: {  	s10 =	sld [smem:$0x3FA4];
	_ =	sdelay $0x3  }
0x33: {  	p0 =	seq.s32 s10, $0x1;
	s10 =	sld [smem:$0x3FA6];
	_ =	sdelay $0x3  }
0x34: {  	[smem:$0x3FA6] =	sst s10  }
0x35: {  	s10 =	sld [smem:$0x3FA5];
	_ =	sdelay $0x3  }
0x36: {  	p1 =	seq.s32 s10, $0x1;
	s10 =	sld [smem:$0x3FA6];
	_ =	sdelay $0x3  }
0x37: {  	[smem:$0x3FA6] =	sst s10  }
0x38: {  	s10 =	sld [smem:$0x3FA7]  }
0x39: {  	_ = 	snop;
	(pc) =	sbr.ind lr, $3  }
0x3a: {  	_ = 	snop  }
0x3b: {  	_ = 	snop  }
0x3c: {  	p2 =	seq.s32 s10, $0x1;
	s10 =	sld [smem:$0x3FA6]  }
0x3d: {  	_ =	shalt  }
0x3e: {  	_ =	shalt  }
0x3f: {  	_ =	shalt  }
0x40: {  	_ =	shalt  }
0x41: {  	_ =	shalt  }
0x42: {  	_ =	shalt  }
0x43: {  	_ =	shalt  }
0x44: {  	_ =	shalt  }
0x45: {  	_ =	shalt  }
0x46: {  	_ =	shalt  }
0x47: {  	_ =	shalt  }
0x48: {  	_ =	shalt  }
0x49: {  	_ =	shalt  }
0x4a: {  	_ =	shalt  }
0x4b: {  	_ =	shalt  }
0x4c: {  	_ =	shalt  }
0x4d: {  	_ =	shalt  }
0x4e: {  	_ =	shalt  }
0x4f: {  	_ =	shalt  }
0x50: {  	_ =	shalt  }
0x51: {  	_ =	shalt  }
0x52: {  	_ =	shalt  }
0x53: {  	_ =	shalt  }
0x54: {  	_ =	shalt  }
0x55: {  	_ =	shalt  }
0x56: {  	_ =	shalt  }
0x57: {  	_ =	shalt  }
0x58: {  	_ =	shalt  }
0x59: {  	_ =	shalt  }
0x5a: {  	_ =	shalt  }
0x5b: {  	_ =	shalt  }
0x5c: {  	_ =	shalt  }
0x5d: {  	_ =	shalt  }
0x5e: {  	_ =	shalt  }
0x5f: {  	_ =	shalt  }
0x60: {  	_ =	shalt  }
0x61: {  	_ =	shalt  }
0x62: {  	_ =	shalt  }
0x63: {  	_ =	shalt  }
0x64: {  	_ =	shalt  }
0x65: {  	_ =	shalt  }
0x66: {  	_ =	shalt  }
0x67: {  	_ =	shalt  }
0x68: {  	_ =	shalt  }
0x69: {  	_ =	shalt  }
0x6a: {  	_ =	shalt  }
0x6b: {  	_ =	shalt  }
0x6c: {  	_ =	shalt  }
0x6d: {  	_ =	shalt  }
0x6e: {  	_ =	shalt  }
0x6f: {  	_ =	shalt  }
0x70: {  	_ =	shalt  }
0x71: {  	_ =	shalt  }
0x72: {  	_ =	shalt  }
0x73: {  	_ =	shalt  }
0x74: {  	_ =	shalt  }
0x75: {  	_ =	shalt  }
0x76: {  	_ =	shalt  }
0x77: {  	_ =	shalt  }
0x78: {  	_ =	shalt  }
0x79: {  	_ =	shalt  }
0x7a: {  	_ =	shalt  }
0x7b: {  	_ =	shalt  }
0x7c: {  	_ =	shalt  }
0x7d: {  	_ =	shalt  }
0x7e: {  	_ =	shalt  }
0x7f: {  	_ =	shalt  }
0x80: {  	_ =	shalt  }
0x81: {  	_ =	shalt  }
0x82: {  	_ =	shalt  }
0x83: {  	_ =	shalt  }
0x84: {  	_ =	shalt  }
0x85: {  	_ =	shalt  }
0x86: {  	_ =	shalt  }
0x87: {  	_ =	shalt  }
.Lfunc_end0:
.L_simem_size_0:
called_computation.2_lowered:
.L_overlay_start_0:
0x88: {  	s2 =	sld [smem:$0x3FD9]  }
0x89: {  	s3 =	sld [smem:$0x3FFE];
	_ =	sdelay $0x1  }
0x8a: {  	s1 =	srdreg.scid  }
0x8b: {  	s0 =	sand.u32 $0x1, s1  }
0x8c: {  	s17 =	sshll.u32 s0, $0xA;
	s2 =	sadd.s32 s3, s2  }
0x8d: {  	s2 =	sadd.s32 s2, s17  }
0x8e: {  	[smem:$0x3FB2] =	sst s2  }
0x8f: {  	_ = 	snop  }
0x90: {  	(tm) =	ssettm $0x1  }
0x91: {  	s18 =	sld [smem:$0x3FFB];
	_ =	sdelay $0x3  }
0x92: {  	_ =	strace s18  }
0x93: {  	s2 =	sld [smem:$0x3FFC];
	_ =	sdelay $0x3  }
0x94: {  	_ =	strace s2  }
0x95: {  	s2 =	sld [smem:$0x3FFD];
	_ =	sdelay $0x3  }
0x96: {  	_ =	strace s2  }
0x97: {  	_ =	strace $0x8FFFFFFF  }
0x98: {  	s19 =	sld [smem:$0x3FDB];
	_ =	sdelay $0x1  }
0x99: {  	s20 =	simm.s32 $_scs_section_size  }
0x9a: {  	s4 =	simm.s32 $_size__tile_overlayer_lowered;
	s5 =	simm.s32 $_tile_overlayer_lowered  }
0x9b: {  	s6 =	simm.s32 $0x1BFF;
	s21 =	sshll.u32 s5, $0x1;
	s3 =	sadd.s32 s20, s19  }
0x9c: {  	s22 =	simm.s32 $0x0;
	s4 =	sshll.u32 s4, $0x1;
	s5 =	sadd.s32 s21, s3  }
0x9d: {  	[timem:s22], [sflag:s6] =	dma.local [hbm:s5], s4  }
0x9e: {  	_ =	swait.ge [sflag:s6], s4  }
0x9f: {  	s4 =	ssub.s32 $0x0, s4;
	[sflag:s6] =	ssyncset.done $0x0  }
0xa0: {  	[sflag:s6] =	ssyncadd.s32 s4;
	_ =	sdelay $0x1  }
0xa1: {  	s23 =	simm.s32 $0x1B8B  }
0xa2: {  	_ =	swait.ge [sflag:s23], $0x1  }
0xa3: {  	[sflag:s23] =	ssyncset.done $0x0  }
0xa4: {  	[sflag:s23] =	ssyncadd.s32 $0xFFFFFFFF  }
0xa5: {  	s4 =	sld [smem:$0x0]  }
0xa6: {  	s5 =	sand.u32 $0xFFFFFFFE, s1  }
0xa7: {  	p0 =	sne.s32 s1, s5  }
0xa8: {  	s5 =	sshll.u32 @p0 s5, $0xE  }
0xa9: {  	s5 =	sadd.s32 @p0 $0x11B8D, s5;
	s6 =	sshll.u32 @p0 s4, $0x11  }
0xaa: {  	s5 =	sor.u32 @p0 s6, s5  }
0xab: {  	[sflag:s5] =	ssyncadd.remote.s32 @p0 $0x1;
	_ =	sdelay $0x1  }
0xac: {  	s5 =	simm.s32 @p0 $0x1B8D  }
0xad: {  	_ =	swait.eq @p0 [sflag:s5], $0x1  }
0xae: {  	[sflag:s5] =	ssyncadd.s32 @p0 $0xFFFFFFFF  }
0xaf: {  	s6 =	sshll.u32 @!p0 s1, $0xE  }
0xb0: {  	s6 =	sor.u32 @!p0 $0x4000, s6;
	s5 =	simm.s32 @!p0 $0x1B8D  }
0xb1: {  	s4 =	sshll.u32 @!p0 s4, $0x11;
	s6 =	sadd.s32 @!p0 $0x11B8D, s6;
	_ =	swait.eq @!p0 [sflag:s5], $0x1  }
0xb2: {  	s4 =	sor.u32 @!p0 s4, s6;
	[sflag:s5] =	ssyncadd.s32 @!p0 $0xFFFFFFFF  }
0xb3: {  	s25 =	simm.s32 $0x1B8E;
	s24 =	sld [smem:$0x3FFE];
	[sflag:s4] =	ssyncadd.remote.s32 @!p0 $0x1  }
0xb4: {  	s26 =	simm.s32 $execute0_lowered;
	[smem:$0x3FD2] =	sst s25  }
0xb5: {  	s5 =	sshll.u32 s26, $0x1;
	_ =	strace $0x8000004C;
	[dreg:$0x1] =	wrdreg $0xFFFFFFFF  }
0xb6: {  	s28 =	simm.s32 $_size_execute0_lowered;
	s3 =	sadd.s32 s3, s5;
	[dreg:$0x0] =	wrdreg $0x0  }
0xb7: {  	s5 =	sshll.u32 s28, $0x1;
	[dreg:$0x2] =	wrdreg s3  }
0xb8: {  	[dreg:$0x3] =	wrdreg s5  }
0xb9: {  	[dreg:$0x4] =	wrdreg $0xC0  }
0xba: {  	_ =	task [dreg:s22], $0x5FFFF  }
0xbb: {  	[dreg:$0x1] =	wrdreg $0xFFFFFFFF  }
0xbc: {  	[dreg:$0x0] =	wrdreg $0x60  }
0xbd: {  	[dreg:$0x2] =	wrdreg s24  }
0xbe: {  	[dreg:$0x3] =	wrdreg $0xA  }
0xbf: {  	_ =	task.clear_ibuf [dreg:s22], $0x4FFFF;
	_ =	strace $0x9000004C  }
0xc0: {  	s29 =	simm.s32 $0xA;
	_ =	strace $0x8000004E  }
0xc1: {  	_ =	swait.ge [sflag:s29], $0x1  }
0xc2: {  	[sflag:s29] =	ssyncadd.s32 $0xFFFFFFFF  }
0xc3: {  	_ =	strace $0x9000004E  }
0xc4: {  	_ =	sfence  }
0xc5: {  	s30 =	sld [smem:$0x0];
	_ =	sdelay $0x2  }
0xc6: {  	s31 =	sshll.u32 s1, $0xD;
	s1 =	sshrl.u32 s1, $0x2  }
0xc7: {  	s4 =	sand.u32 $0x4000, s31;
	s1 =	sadd.s32 s1, s30  }
0xc8: {  	s0 =	sor.u32 s4, s0;
	s1 =	sshll.u32 s1, $0x11  }
0xc9: {  	s0 =	sor.u32 s1, s0  }
0xca: {  	s0 =	sadd.s32 $0x8F2B, s0  }
0xcb: {  	[sflag:s0] =	ssyncadd.remote.s32 $0x1  }
0xcc: {  	_ =	sfence.sel $0xFFFF  }
0xcd: {  	[dreg:$0x0] =	wrdreg $0xFFFFFFFF;
	(pc) =	sbr.abs _section_cstart, $3  }
0xce: {  	[dreg:$0x1] =	wrdreg $0xFFFFFFFF  }
0xcf: {  	_ =	task.clear_ibuf [dreg:s22], $0x2FFFF;
	_ =	strace $0x9FFFFFFF  }
0xd0: {  	(tm) =	ssettm $0x7FFFFFFF  }
0xd1: {  	_ =	shalt  }
tec
execute0_lowered:
.L_overlay_start_1:
0x0: {  	(tag) =	ssettag $0x1  }
0x1: {  	s4 =	rddreg [dreg:$0x0];
	s1 =	srdreg.scid  }
0x2: {  	s0 =	stileid.u32;
	s9 =	simm.s32 $0x400;
	s10 =	simm.s32 $0x1  }
0x3: {  	s11 =	simm.s32 $0x2800;
	s12 =	simm.s32 $0x5000;
	s13 =	simm.s32 $0x7800  }
0x4: {  	s14 =	simm.s32 $0x0;
	s3 =	sand.u32 $0x1, s1;
	s28 =	sshrl.u32 s0, $0x2  }
0x5: {  	s2 =	sshll.u32 s0, $0x8;
	s1 =	rddreg [dreg:$0x1];
	s5 =	smul.u32 $0x14000, s28  }
0x6: {  	s6 =	sshll.u32 s3, $0x7;
	s7 =	sand.u32 $0x300, s2;
	s2 =	simm.s32 $0x0  }
0x7: {  	s29 =	ssub.s32 $0x2, s3;
	s3 =	sadd.s32 $0x8E00, s4;
	s6 =	sor.u32 s6, s7  }
0x8: {  	[smem:$0x7FF] =	sst s2;
	s31 =	sshrl.u32 s29, $0x1;
	s5 =	sor.u32 s5, s6  }
0x9: {  	_ =	strace $0x8000004D;
	s8 =	ssub.s32 s29, s31;
	s5 =	sshrl.u32 s5, $0x3  }
0xa: {  	s7 =	smax.u32 s8, $0x1;
	s8 =	simm.s32 $0x80;
	s30 =	sadd.s32 s5, s4  }
0xb: {  	v0 =	vimm.f32 $0.0e+00;
	s4 =	sadd.s32 $0x95600, s30;
	s5 =	sadd.s32 $0x9F600, s30;
	s6 =	sadd.s32 $0xA9600, s30  }
.LBB2_1:
0xc: {  	[tilespmem:s2], [sflag:$0x1] =	stream.strided.gather [hbm4b:s4+s8], $0x2800, s9, s8, $0x38;
	[tilespmem:$0xA000] =	vst v63  }
0xd: {  	_ =	swait.ge [sflag:s10], $0x2800  }
0xe: {  	[sflag:s10] =	ssyncset.done $0x0  }
0xf: {  	[sflag:s10] =	ssyncadd.s32 $0xFFFFD800  }
0x10: {  	[tilespmem:s11], [sflag:$0x1] =	stream.strided.gather [hbm4b:s5+s8], $0x2800, s9, s8, $0x38;
	[tilespmem:$0xA000] =	vst v63  }
0x11: {  	_ =	swait.ge [sflag:s10], $0x2800  }
0x12: {  	[sflag:s10] =	ssyncset.done $0x0  }
0x13: {  	[sflag:s10] =	ssyncadd.s32 $0xFFFFD800  }
0x14: {  	[tilespmem:s12], [sflag:$0x1] =	stream.linear.gather [hbm4b:s3+s2], $0x2800, $0x38;
	[tilespmem:$0xA000] =	vst v63  }
0x15: {  	_ =	swait.ge [sflag:s10], $0x2800  }
0x16: {  	[sflag:s10] =	ssyncset.done $0x0  }
0x17: {  	s15 =	simm.s32 $0x0;
	[sflag:s10] =	ssyncadd.s32 $0xFFFFD800  }
.LBB2_2:
0x18: {  	p0 =	sne.s32 s15, $0x9FC0  }
.Ltmp0:
0x19: {  	_ = 	snop;
	(pc) =	sbr.rel @p0 .LBB2_2-.Ltmp0, $3  }
0x1a: {  	_ =	sdelay $0x1  }
0x1b: {  	s16 =	sshra.s32 s15, $0x2  }
0x1c: {  	s15 =	sadd.s32 $0x40, s15;
	[tilespmem:s16+$0x7800] =	vst v0  }
0x1d: {  	s16 =	simm.s32 $0x0;
	s15 =	simm.s32 $0x40  }
.LBB2_4:
0x1e: {  	p0 =	sne.s32 s15, $0x9FC0;
	v1 =	vld [tilespmem:s16+$0x0];
	_ =	sdelay $0x5  }
0x1f: {  	v2 =	vld [tilespmem:s16+$0x2800];
	_ =	sdelay $0x1  }
0x20: {  	v1 =	vld.idx.msk [tilespmem:v1+s12+$0x0], $0xffff;
	_ =	sdelay $0x1  }
.Ltmp1:
0x21: {  	(pc) =	sbr.rel @p0 .LBB2_4-.Ltmp1, $2  }
0x22: {  	_ =	sdelay $0x2  }
0x23: {  	s16 =	sshra.s32 s15, $0x2;
	s15 =	sadd.s32 $0x40, s15;
	[tilespmem:v2+s13+$0x0] =	vst.idx.add.f32.msk $0xffff, v1  }
0x24: {  	v1 =	vld [tilespmem:s16+$0x0];
	_ =	sdelay $0x4  }
0x25: {  	v2 =	vld [tilespmem:s16+$0x2800];
	_ =	sdelay $0x2  }
0x26: {  	v1 =	vld.idx.msk [tilespmem:v1+s12+$0x0], $0xffff;
	_ =	sdelay $0x2  }
0x27: {  	s14 =	sadd.s32 $0x1, s14  }
0x28: {  	p0 =	sne.s32 s14, s7  }
.Ltmp2:
0x29: {  	[tilespmem:v2+s13+$0x0] =	vst.idx.add.f32.msk $0xffff, v1;
	(pc) =	sbr.rel @p0 .LBB2_1-.Ltmp2, $4  }
0x2a: {  	[hbm4b:s6+s8] =	stream.strided.scatter [tilespmem:s13], [sflag:$0x1], $0x2800, s9, s8, $0x38;
	[tilespmem:$0xA000] =	vst v63  }
0x2b: {  	_ =	swait.ge [sflag:s10], $0x2800  }
0x2c: {  	[sflag:s10] =	ssyncset.done $0x0  }
0x2d: {  	[sflag:s10] =	ssyncadd.s32 $0xFFFFD800  }
0x2e: {  	_ =	sfence.sel $0x180000  }
0x2f: {  	[bflag:$0x0] =	sbarrier.arrive $0xFFFF  }
0x30: {  	p0 =	sne.s32 s0, $0x0;
	_ =	strace $0x9000004D  }
0x31: {  	s0 =	sadd.s32 @!p0 $0x100000, s1;
	[bflag:$0x2] =	sbarrier.arrive $0xFFFF  }
0x32: {  	[sflag:s0] =	ssyncadd.tile.s32 @!p0 $0x1;
	_ =	shalt  }
.Lfunc_end2:
_tile_overlayer_lowered:
.L_overlay_start_2:
0x33: {  	(tag) =	ssettag $0x2  }
0x34: {  	s0 =	rddreg [dreg:$0x0];
	s2 =	stileid.u32  }
0x35: {  	s1 =	rddreg [dreg:$0x1];
	p0 =	sne.s32 s2, $0x0  }
0x36: {  	s3 =	rddreg [dreg:$0x2];
	[bflag:$0x3] =	sbarrier.arrive $0xFFFF;
	s2 =	simm.s32 @!p0 $0x1C01  }
0x37: {  	[timem:s3], [sflag:s2] =	dma.local @!p0 [hbm:s0], s1  }
0x38: {  	s0 =	simm.s32 @!p0 $0x1  }
0x39: {  	_ =	swait.ge @!p0 [sflag:s0], s1  }
0x3a: {  	s1 =	ssub.s32 @!p0 $0x0, s1;
	[sflag:s0] =	ssyncset.done @!p0 $0x0  }
0x3b: {  	[sflag:s0] =	ssyncadd.s32 @!p0 s1  }
0x3c: {  	[bflag:$0x3] =	sbarrier.arrive $0xFFFF  }
0x3d: {  	_ =	shalt  }

// kernel: kernel.28.cloned.1.call-start
scs
__scs_entry_jumppad:
0x0: {  	(pc) =	sbr.rel $0x88, $3  }
0x1: {  	(tag) =	ssettag $0x0;
	lr =	simm.s32 $0x1  }
0x2: {  	[smem:$0x3F8B] =	sst lr;
	_ =	strace $0xD0000000  }
0x3: {  	_ = 	snop  }
0x4: {  	_ = 	snop  }
0x5: {  	_ = 	snop  }
0x6: {  	_ = 	snop  }
0x7: {  	_ = 	snop  }
__scs_overlays_trampoline_lowered:
0x8: {  	[smem:$0x3F9A] =	sst s0  }
0x9: {  	[smem:$0x3F9B] =	sst s1  }
0xa: {  	[smem:$0x3F9C] =	sst s2  }
0xb: {  	[smem:$0x3F9D] =	sst s3  }
0xc: {  	[smem:$0x3F9E] =	sst s4  }
0xd: {  	[smem:$0x3F9F] =	sst s5  }
0xe: {  	[smem:$0x3FA0] =	sst s6  }
0xf: {  	[smem:$0x3FA1] =	sst s7  }
0x10: {  	[smem:$0x3FA2] =	sst s8  }
0x11: {  	[smem:$0x3FA3] =	sst s9;
	s0 =	simm.s32 @!p0 $0x0  }
0x12: {  	s1 =	sld [smem:$0x3F89];
	s0 =	simm.s32 @p0 $0x1  }
0x13: {  	[smem:$0x3FA4] =	sst s0;
	s0 =	simm.s32 @!p1 $0x0  }
0x14: {  	s2 =	sld [smem:$0x3F88];
	s0 =	simm.s32 @p1 $0x1  }
0x15: {  	[smem:$0x3FA5] =	sst s0;
	s0 =	simm.s32 @!p2 $0x0  }
0x16: {  	s3 =	sld [smem:$0x3FDB];
	s0 =	simm.s32 @p2 $0x1  }
0x17: {  	s4 =	simm.s32 $0x1BF5;
	[smem:$0x3FA7] =	sst s0  }
0x18: {  	s0 =	sld [smem:$0x3F8A];
	_ =	swait.ge [sflag:s4], $0x0  }
0x19: {  	s7 =	sld [smem:$0x3F8B]  }
0x1a: {  	s8 =	sadd.s32 $0xFFFFE003, lr  }
0x1b: {  	s9 =	sadd.s32 $0xFFFFFEF7, lr;
	s5 =	simm.s32 $0xFFFFFFFF;
	p2 =	slt.u32 s8, $0xFFFFF086  }
0x1c: {  	p1 =	slt.u32 s9, $0xF7A;
	s5 =	simm.s32 @!p2 $0x0  }
0x1d: {  	s5 =	simm.s32 @p1 $0x1;
	p0 =	seq.s32 s7, s2  }
0x1e: {  	s7 =	smul.u32 @!p0 $0xF7A, s2;
	p2 =	seq.s32 @!p0 s5, $0x0  }
0x1f: {  	s9 =	smul.u32 $0xF7A, s1;
	s8 =	simm.s32 @!p0 $0x1BF5;
	p2 =	por !p2, p0  }
0x20: {  	[sflag:s8] =	ssyncset.s32 @!p0 $0xFFFFF086;
	s6 =	sadd.s32 @!p0 s3, s7;
	s7 =	simm.s32 @!p0 $0x108  }
0x21: {  	s3 =	sadd.s32 s3, s9;
	s6 =	sadd.s32 @!p0 $0x88, s6;
	s7 =	simm.s32 @p2 $0x1082  }
0x22: {  	[simem:s7], [sflag:s8] =	dma.local @!p0 [hbm:s6], $0xF7A  }
0x23: {  	s9 =	sor.u32 $0xD0000000, s2;
	s6 =	simm.s32 $0x108;
	_ =	swait.ge @!p0 [sflag:s8], $0x0  }
0x24: {  	s3 =	sadd.s32 $0x88, s3;
	s6 =	simm.s32 @!p1 $0x1082;
	[sflag:s4] =	ssyncset.s32 $0xFFFFF086  }
0x25: {  	[simem:s6], [sflag:s4] =	dma.local [hbm:s3], $0xF7A  }
0x26: {  	[smem:$0x3F8B] =	sst s1;
	(tag) =	ssettag s2;
	_ =	strace s9  }
0x27: {  	s1 =	sld [smem:$0x3F9B]  }
0x28: {  	s2 =	sld [smem:$0x3F9C]  }
0x29: {  	s4 =	sld [smem:$0x3F9E]  }
0x2a: {  	p0 =	seq.s32 s5, $0x0;
	s5 =	sld [smem:$0x3F9F]  }
0x2b: {  	s6 =	sld [smem:$0x3FA0]  }
0x2c: {  	s7 =	sld [smem:$0x3FA1]  }
0x2d: {  	s3 =	simm.s32 $0x108;
	s8 =	sld [smem:$0x3FA2]  }
0x2e: {  	s3 =	simm.s32 @!p0 $0x1082;
	s9 =	sld [smem:$0x3FA3]  }
0x2f: {  	lr =	sadd.s32 s0, s3;
	s0 =	sld [smem:$0x3F9A]  }
0x30: {  	s3 =	sld [smem:$0x3F9D]  }
0x31: {  	[smem:$0x3FA6] =	sst s10  }
0x32: {  	s10 =	sld [smem:$0x3FA4];
	_ =	sdelay $0x3  }
0x33: {  	p0 =	seq.s32 s10, $0x1;
	s10 =	sld [smem:$0x3FA6];
	_ =	sdelay $0x3  }
0x34: {  	[smem:$0x3FA6] =	sst s10  }
0x35: {  	s10 =	sld [smem:$0x3FA5];
	_ =	sdelay $0x3  }
0x36: {  	p1 =	seq.s32 s10, $0x1;
	s10 =	sld [smem:$0x3FA6];
	_ =	sdelay $0x3  }
0x37: {  	[smem:$0x3FA6] =	sst s10  }
0x38: {  	s10 =	sld [smem:$0x3FA7]  }
0x39: {  	_ = 	snop;
	(pc) =	sbr.ind lr, $3  }
0x3a: {  	_ = 	snop  }
0x3b: {  	_ = 	snop  }
0x3c: {  	p2 =	seq.s32 s10, $0x1;
	s10 =	sld [smem:$0x3FA6]  }
0x3d: {  	_ =	shalt  }
0x3e: {  	_ =	shalt  }
0x3f: {  	_ =	shalt  }
0x40: {  	_ =	shalt  }
0x41: {  	_ =	shalt  }
0x42: {  	_ =	shalt  }
0x43: {  	_ =	shalt  }
0x44: {  	_ =	shalt  }
0x45: {  	_ =	shalt  }
0x46: {  	_ =	shalt  }
0x47: {  	_ =	shalt  }
0x48: {  	_ =	shalt  }
0x49: {  	_ =	shalt  }
0x4a: {  	_ =	shalt  }
0x4b: {  	_ =	shalt  }
0x4c: {  	_ =	shalt  }
0x4d: {  	_ =	shalt  }
0x4e: {  	_ =	shalt  }
0x4f: {  	_ =	shalt  }
0x50: {  	_ =	shalt  }
0x51: {  	_ =	shalt  }
0x52: {  	_ =	shalt  }
0x53: {  	_ =	shalt  }
0x54: {  	_ =	shalt  }
0x55: {  	_ =	shalt  }
0x56: {  	_ =	shalt  }
0x57: {  	_ =	shalt  }
0x58: {  	_ =	shalt  }
0x59: {  	_ =	shalt  }
0x5a: {  	_ =	shalt  }
0x5b: {  	_ =	shalt  }
0x5c: {  	_ =	shalt  }
0x5d: {  	_ =	shalt  }
0x5e: {  	_ =	shalt  }
0x5f: {  	_ =	shalt  }
0x60: {  	_ =	shalt  }
0x61: {  	_ =	shalt  }
0x62: {  	_ =	shalt  }
0x63: {  	_ =	shalt  }
0x64: {  	_ =	shalt  }
0x65: {  	_ =	shalt  }
0x66: {  	_ =	shalt  }
0x67: {  	_ =	shalt  }
0x68: {  	_ =	shalt  }
0x69: {  	_ =	shalt  }
0x6a: {  	_ =	shalt  }
0x6b: {  	_ =	shalt  }
0x6c: {  	_ =	shalt  }
0x6d: {  	_ =	shalt  }
0x6e: {  	_ =	shalt  }
0x6f: {  	_ =	shalt  }
0x70: {  	_ =	shalt  }
0x71: {  	_ =	shalt  }
0x72: {  	_ =	shalt  }
0x73: {  	_ =	shalt  }
0x74: {  	_ =	shalt  }
0x75: {  	_ =	shalt  }
0x76: {  	_ =	shalt  }
0x77: {  	_ =	shalt  }
0x78: {  	_ =	shalt  }
0x79: {  	_ =	shalt  }
0x7a: {  	_ =	shalt  }
0x7b: {  	_ =	shalt  }
0x7c: {  	_ =	shalt  }
0x7d: {  	_ =	shalt  }
0x7e: {  	_ =	shalt  }
0x7f: {  	_ =	shalt  }
0x80: {  	_ =	shalt  }
0x81: {  	_ =	shalt  }
0x82: {  	_ =	shalt  }
0x83: {  	_ =	shalt  }
0x84: {  	_ =	shalt  }
0x85: {  	_ =	shalt  }
0x86: {  	_ =	shalt  }
0x87: {  	_ =	shalt  }
.Lfunc_end0:
.L_simem_size_0:
called_computation.3_lowered:
.L_overlay_start_0:
0x88: {  	s2 =	sld [smem:$0x3FD9]  }
0x89: {  	s3 =	sld [smem:$0x3FFE];
	_ =	sdelay $0x1  }
0x8a: {  	s1 =	srdreg.scid  }
0x8b: {  	s0 =	sand.u32 $0x1, s1  }
0x8c: {  	s16 =	sshll.u32 s0, $0xA;
	s2 =	sadd.s32 s3, s2  }
0x8d: {  	s2 =	sadd.s32 s2, s16  }
0x8e: {  	[smem:$0x3FB2] =	sst s2  }
0x8f: {  	_ = 	snop  }
0x90: {  	(tm) =	ssettm $0x1  }
0x91: {  	s17 =	sld [smem:$0x3FFB];
	_ =	sdelay $0x3  }
0x92: {  	_ =	strace s17  }
0x93: {  	s2 =	sld [smem:$0x3FFC];
	_ =	sdelay $0x3  }
0x94: {  	_ =	strace s2  }
0x95: {  	s2 =	sld [smem:$0x3FFD];
	_ =	sdelay $0x3  }
0x96: {  	_ =	strace s2  }
0x97: {  	_ =	strace $0x8FFFFFFF  }
0x98: {  	s18 =	sld [smem:$0x3FDB];
	_ =	sdelay $0x1  }
0x99: {  	s19 =	simm.s32 $_scs_section_size  }
0x9a: {  	s4 =	simm.s32 $_size__tile_overlayer_lowered;
	s5 =	simm.s32 $_tile_overlayer_lowered  }
0x9b: {  	s22 =	simm.s32 $0x1BFF;
	s21 =	sshll.u32 s5, $0x1;
	s2 =	sadd.s32 s19, s18  }
0x9c: {  	s6 =	simm.s32 $0x0;
	s20 =	sshll.u32 s4, $0x1;
	s4 =	sadd.s32 s21, s2  }
0x9d: {  	[timem:s6], [sflag:s22] =	dma.local [hbm:s4], s20  }
0x9e: {  	_ =	swait.ge [sflag:s22], s20  }
0x9f: {  	s3 =	ssub.s32 $0x0, s20;
	[sflag:s22] =	ssyncset.done $0x0  }
0xa0: {  	[sflag:s22] =	ssyncadd.s32 s3;
	_ =	sdelay $0x1  }
0xa1: {  	s23 =	simm.s32 $0x1B8B  }
0xa2: {  	_ =	swait.ge [sflag:s23], $0x1  }
0xa3: {  	[sflag:s23] =	ssyncset.done $0x0  }
0xa4: {  	s25 =	simm.s32 $0x1B8E;
	s24 =	sld [smem:$0x3FFE];
	[sflag:s23] =	ssyncadd.s32 $0xFFFFFFFF  }
0xa5: {  	s26 =	simm.s32 $execute0_lowered;
	[smem:$0x3FD2] =	sst s25  }
0xa6: {  	s4 =	sshll.u32 s26, $0x1;
	_ =	strace $0x8000004F;
	[dreg:$0x1] =	wrdreg $0xFFFFFFFF  }
0xa7: {  	s28 =	simm.s32 $_size_execute0_lowered;
	s2 =	sadd.s32 s2, s4;
	[dreg:$0x0] =	wrdreg $0x0  }
0xa8: {  	s4 =	sshll.u32 s28, $0x1;
	[dreg:$0x2] =	wrdreg s2  }
0xa9: {  	[dreg:$0x3] =	wrdreg s4  }
0xaa: {  	[dreg:$0x4] =	wrdreg $0xC0  }
0xab: {  	_ =	task [dreg:s6], $0x5FFFF  }
0xac: {  	[dreg:$0x1] =	wrdreg $0xFFFFFFFF  }
0xad: {  	[dreg:$0x0] =	wrdreg $0x60  }
0xae: {  	[dreg:$0x2] =	wrdreg s24  }
0xaf: {  	[dreg:$0x3] =	wrdreg $0x90000  }
0xb0: {  	[dreg:$0x4] =	wrdreg $0x9  }
0xb1: {  	_ =	task.clear_ibuf [dreg:s6], $0x5FFFF;
	_ =	strace $0x9000004F  }
0xb2: {  	s29 =	simm.s32 $0x9;
	_ =	strace $0x80000051  }
0xb3: {  	_ =	swait.ge [sflag:s29], $0x1  }
0xb4: {  	[sflag:s29] =	ssyncadd.s32 $0xFFFFFFFF  }
0xb5: {  	_ =	strace $0x90000051  }
0xb6: {  	_ =	sfence  }
0xb7: {  	s30 =	sld [smem:$0x0];
	_ =	sdelay $0x2  }
0xb8: {  	s31 =	sshll.u32 s1, $0xD;
	s1 =	sshrl.u32 s1, $0x2  }
0xb9: {  	s3 =	sand.u32 $0x4000, s31;
	s1 =	sadd.s32 s1, s30  }
0xba: {  	s0 =	sor.u32 s3, s0;
	s1 =	sshll.u32 s1, $0x11  }
0xbb: {  	s0 =	sor.u32 s1, s0  }
0xbc: {  	s0 =	sadd.s32 $0x8F2B, s0  }
0xbd: {  	[sflag:s0] =	ssyncadd.remote.s32 $0x1  }
0xbe: {  	_ =	sfence.sel $0xFFFF  }
0xbf: {  	[dreg:$0x0] =	wrdreg $0xFFFFFFFF;
	(pc) =	sbr.abs _section_cstart, $3  }
0xc0: {  	[dreg:$0x1] =	wrdreg $0xFFFFFFFF  }
0xc1: {  	_ =	task.clear_ibuf [dreg:s6], $0x2FFFF;
	_ =	strace $0x9FFFFFFF  }
0xc2: {  	(tm) =	ssettm $0x7FFFFFFF  }
0xc3: {  	_ =	shalt  }
tec
execute0_lowered:
.L_overlay_start_1:
0x0: {  	(tag) =	ssettag $0x1  }
0x1: {  	s0 =	srdreg.scid;
	s1 =	rddreg [dreg:$0x0]  }
0x2: {  	s9 =	stileid.u32;
	s2 =	rddreg [dreg:$0x1]  }
0x3: {  	s3 =	simm.s32 $0x0;
	s12 =	simm.s32 $0x100;
	s14 =	simm.s32 $0x880  }
0x4: {  	s28 =	simm.s32 $0x2;
	s29 =	simm.s32 $0x400;
	s30 =	simm.s32 $0xB80  }
0x5: {  	s31 =	simm.s32 $0x480;
	s0 =	sand.u32 $0x1, s0;
	s4 =	smul.u32 $0x5000, s9  }
0x6: {  	[smem:$0x7FF] =	sst s3;
	s6 =	smul.u32 $0x50000, s9;
	s7 =	sadd.s32 $0x8600, s1  }
0x7: {  	s5 =	smul.u32 $0x2800, s0;
	_ =	strace $0x80000050;
	[dreg:$0x11] =	wrdreg s7  }
0x8: {  	s15 =	ssub.s32 $0x2, s0;
	s0 =	smul.u32 $0x140000, s0;
	[dreg:$0x5] =	wrdreg s12  }
0x9: {  	[dreg:$0x6] =	wrdreg s14;
	s12 =	simm.s32 $0xE00;
	s14 =	simm.s32 $0xE80  }
0xa: {  	s8 =	sshrl.u32 s15, $0x1;
	s6 =	sshrl.u32 s6, $0x2;
	s4 =	sadd.s32 s5, s4  }
0xb: {  	s7 =	ssub.s32 s15, s8;
	s18 =	sadd.s32 s6, s2;
	s15 =	simm.s32 $0x180  }
0xc: {  	s6 =	smul.u32 $0x14000, s9;
	s5 =	sshrl.u32 s4, $0x3;
	[dreg:$0x7] =	wrdreg s15  }
0xd: {  	s4 =	sadd.s32 $0x45600, s1;
	s7 =	smax.u32 s7, $0x1;
	[dreg:$0x12] =	wrdreg s18  }
0xe: {  	s16 =	sadd.s32 $0x4000, s18;
	s17 =	sadd.s32 $0x8000, s18;
	[dreg:$0x13] =	wrdreg s7  }
0xf: {  	s19 =	sadd.s32 $0xC000, s18;
	s22 =	sadd.s32 $0x10000, s18;
	[dreg:$0x14] =	wrdreg s16  }
0x10: {  	s15 =	simm.s32 $0x780;
	s5 =	sadd.s32 s5, s1;
	[dreg:$0x15] =	wrdreg s17  }
0x11: {  	s1 =	sadd.s32 $0x103600, s1;
	[dreg:$0x16] =	wrdreg s19;
	s20 =	sadd.s32 s0, s6  }
0x12: {  	s21 =	sadd.s32 $0x4000, s6;
	[dreg:$0x17] =	wrdreg s22;
	s25 =	sadd.s32 $0x8000, s6  }
0x13: {  	s11 =	sadd.s32 $0xC000, s6;
	s16 =	simm.s32 $0x900;
	s17 =	simm.s32 $0x200  }
0x14: {  	s6 =	sadd.s32 $0x10000, s6;
	s19 =	simm.s32 $0x980;
	[dreg:$0x8] =	wrdreg s16  }
0x15: {  	s22 =	simm.s32 $0xA00;
	s7 =	sshrl.u32 s20, $0x3;
	[dreg:$0x9] =	wrdreg s17  }
0x16: {  	s23 =	sadd.s32 s0, s21;
	s8 =	sadd.s32 s21, s2;
	[dreg:$0xa] =	wrdreg s19  }
0x17: {  	s26 =	sadd.s32 s0, s25;
	s9 =	sadd.s32 s25, s2;
	[dreg:$0xc] =	wrdreg s22  }
0x18: {  	s10 =	sadd.s32 $0x3B600, s5;
	s5 =	sadd.s32 $0x31600, s5;
	[dreg:$0x19] =	wrdreg s8  }
0x19: {  	s13 =	sadd.s32 s11, s2;
	s20 =	sadd.s32 s6, s2;
	[dreg:$0x1b] =	wrdreg s9  }
0x1a: {  	s21 =	simm.s32 $0x280;
	s25 =	simm.s32 $0x380;
	[dreg:$0x3] =	wrdreg s10  }
0x1b: {  	s22 =	simm.s32 $0x3;
	s16 =	simm.s32 $0xF00;
	[dreg:$0x4] =	wrdreg s5  }
0x1c: {  	s17 =	simm.s32 $0xF80;
	s19 =	simm.s32 $0x0;
	[dreg:$0x1d] =	wrdreg s13  }
0x1d: {  	s7 =	sadd.s32 s1, s7;
	s24 =	sshrl.u32 s23, $0x3;
	[dreg:$0x1f] =	wrdreg s20  }
0x1e: {  	[dreg:$0xb] =	wrdreg s21;
	s23 =	simm.s32 $0x300;
	s21 =	simm.s32 $0x1000  }
0x1f: {  	[dreg:$0xf] =	wrdreg s25;
	s25 =	simm.s32 $0x1;
	s5 =	simm.s32 $0xC80  }
0x20: {  	s8 =	simm.s32 $0xD00;
	s9 =	simm.s32 $0x600;
	[dreg:$0x18] =	wrdreg s7  }
0x21: {  	s10 =	simm.s32 $0xD80;
	s7 =	sadd.s32 s1, s24;
	[dreg:$0xd] =	wrdreg s23  }
0x22: {  	s13 =	simm.s32 $0x700;
	s24 =	simm.s32 $0xA80;
	[dreg:$0x1a] =	wrdreg s7  }
0x23: {  	s7 =	sshrl.u32 s26, $0x3;
	[dreg:$0xe] =	wrdreg s24;
	s26 =	simm.s32 $0xB00  }
0x24: {  	s23 =	simm.s32 $0x800;
	s7 =	sadd.s32 s1, s7;
	[dreg:$0x10] =	wrdreg s26  }
0x25: {  	s24 =	simm.s32 $0x80;
	[dreg:$0x1c] =	wrdreg s7;
	s7 =	sadd.s32 s0, s11  }
0x26: {  	s26 =	simm.s32 $0x5000;
	s0 =	sadd.s32 s0, s6;
	s7 =	sshrl.u32 s7, $0x3  }
0x27: {  	s11 =	simm.s32 $0x680;
	s0 =	sshrl.u32 s0, $0x3;
	s7 =	sadd.s32 s1, s7  }
0x28: {  	s0 =	sadd.s32 s1, s0;
	s1 =	simm.s32 $0xC00;
	[dreg:$0x1e] =	wrdreg s7  }
0x29: {  	[smem:$0x7FD] =	sst s0;
	s0 =	simm.s32 $0x500;
	s7 =	simm.s32 $0x580  }
.LBB2_1:
0x2a: {  	[smem:$0x7FC] =	sst s19  }
0x2b: {  	s6 =	rddreg [dreg:$0x11]  }
0x2c: {  	[tilespmem:s21], [sflag:$0x3] =	stream.linear.gather [hbm4b:s6+s3], $0x4000, $0x38;
	[tilespmem:$0x1D000] =	vst v63  }
0x2d: {  	_ =	swait.ge [sflag:s22], $0x4000  }
0x2e: {  	[sflag:s22] =	ssyncset.done $0x0  }
0x2f: {  	[sflag:s22] =	ssyncadd.s32 $0xFFFFC000  }
0x30: {  	[spmem:s18] =	stream.linear.scatter [tilespmem:s21], [sflag:$0x3], $0x4000, $0x38;
	[tilespmem:$0x1D000] =	vst v63  }
0x31: {  	_ =	swait.ge [sflag:s22], $0x4000  }
0x32: {  	[sflag:s22] =	ssyncset.done $0x0  }
0x33: {  	s20 =	rddreg [dreg:$0x14];
	[sflag:s22] =	ssyncadd.s32 $0xFFFFC000  }
0x34: {  	[spmem:s20] =	stream.linear.scatter [tilespmem:s21], [sflag:$0x3], $0x4000, $0x38;
	[tilespmem:$0x1D000] =	vst v63  }
0x35: {  	_ =	swait.ge [sflag:s22], $0x4000  }
0x36: {  	[sflag:s22] =	ssyncset.done $0x0  }
0x37: {  	s18 =	rddreg [dreg:$0x15];
	[sflag:s22] =	ssyncadd.s32 $0xFFFFC000  }
0x38: {  	[spmem:s18] =	stream.linear.scatter [tilespmem:s21], [sflag:$0x3], $0x4000, $0x38;
	[tilespmem:$0x1D000] =	vst v63  }
0x39: {  	_ =	swait.ge [sflag:s22], $0x4000  }
0x3a: {  	[sflag:s22] =	ssyncset.done $0x0  }
0x3b: {  	s19 =	rddreg [dreg:$0x16];
	[sflag:s22] =	ssyncadd.s32 $0xFFFFC000  }
0x3c: {  	[spmem:s19] =	stream.linear.scatter [tilespmem:s21], [sflag:$0x3], $0x4000, $0x38;
	[tilespmem:$0x1D000] =	vst v63  }
0x3d: {  	_ =	swait.ge [sflag:s22], $0x4000  }
0x3e: {  	[sflag:s22] =	ssyncset.done $0x0  }
0x3f: {  	s20 =	rddreg [dreg:$0x17];
	[sflag:s22] =	ssyncadd.s32 $0xFFFFC000  }
0x40: {  	[spmem:s20] =	stream.linear.scatter [tilespmem:s21], [sflag:$0x3], $0x4000, $0x38;
	[tilespmem:$0x1D000] =	vst v63  }
0x41: {  	_ =	swait.ge [sflag:s22], $0x4000  }
0x42: {  	[sflag:s22] =	ssyncset.done $0x0  }
0x43: {  	[sflag:s22] =	ssyncadd.s32 $0xFFFFC000  }
0x44: {  	[bflag:$0x0] =	sbarrier.arrive $0xFFFF  }
0x45: {  	s18 =	rddreg [dreg:$0x4]  }
0x46: {  	s6 =	sadd.s32 $0x0, s18  }
0x47: {  	[tilespmem:s3], [sflag:$0x3] =	stream.linear.gather [hbm4b:s6+s3], $0x800, $0x38;
	[tilespmem:$0x1D000] =	vst v63  }
0x48: {  	_ =	swait.ge [sflag:s22], $0x800  }
0x49: {  	s19 =	rddreg [dreg:$0x3];
	[sflag:s22] =	ssyncset.done $0x0  }
0x4a: {  	[sflag:s22] =	ssyncadd.s32 $0xFFFFF800;
	s6 =	sadd.s32 $0x0, s19  }
0x4b: {  	[tilespmem:s23], [sflag:$0x3] =	stream.linear.gather [hbm4b:s6+s3], $0x800, $0x38;
	[tilespmem:$0x1D000] =	vst v63  }
0x4c: {  	_ =	swait.ge [sflag:s22], $0x800  }
0x4d: {  	[sflag:s22] =	ssyncset.done $0x0  }
0x4e: {  	[sflag:s22] =	ssyncadd.s32 $0xFFFFF800  }
0x4f: {  	[tilespmem:s21], [sflag:$0x1] =	stream.indirect.gather [hbm4b:s4+s24], $0x80, s3, s24, $0xb8;
	[tilespmem:$0x1D000] =	vst v63  }
0x50: {  	_ =	swait.ge [sflag:s25], $0x4000  }
0x51: {  	[sflag:s25] =	ssyncset.done $0x0  }
0x52: {  	[sflag:s25] =	ssyncadd.s32 $0xFFFFC000  }
0x53: {  	[tilespmem:s26], [sflag:$0x2] =	stream.indirect.gather [hbm4b:s4+s24], $0x80, s24, s24, $0xb8;
	[tilespmem:$0x1D000] =	vst v63  }
0x54: {  	_ = 	snop  }
0x55: {  	[spmem:s2] =	stream.indirect.scatter.add.f32 [tilespmem:s21], [sflag:$0x3], $0x80, s23, s24, $0xb8;
	[tilespmem:$0x1D000] =	vst v63  }
0x56: {  	_ =	swait.ge [sflag:s22], $0x4000  }
0x57: {  	[sflag:s22] =	ssyncset.done $0x0  }
0x58: {  	[sflag:s22] =	ssyncadd.s32 $0xFFFFC000  }
0x59: {  	_ =	swait.ge [sflag:s28], $0x4000  }
0x5a: {  	[sflag:s28] =	ssyncset.done $0x0  }
0x5b: {  	s20 =	rddreg [dreg:$0x5];
	[sflag:s28] =	ssyncadd.s32 $0xFFFFC000  }
0x5c: {  	[tilespmem:s21], [sflag:$0x1] =	stream.indirect.gather [hbm4b:s4+s24], $0x80, s20, s24, $0xb8;
	[tilespmem:$0x1D000] =	vst v63  }
0x5d: {  	s18 =	rddreg [dreg:$0x6]  }
0x5e: {  	[spmem:s2] =	stream.indirect.scatter.add.f32 [tilespmem:s26], [sflag:$0x3], $0x80, s18, s24, $0xb8;
	[tilespmem:$0x1D000] =	vst v63  }
0x5f: {  	_ =	swait.ge [sflag:s22], $0x4000  }
0x60: {  	[sflag:s22] =	ssyncset.done $0x0  }
0x61: {  	[sflag:s22] =	ssyncadd.s32 $0xFFFFC000  }
0x62: {  	_ =	swait.ge [sflag:s25], $0x4000  }
0x63: {  	[sflag:s25] =	ssyncset.done $0x0  }
0x64: {  	s20 =	rddreg [dreg:$0x7];
	[sflag:s25] =	ssyncadd.s32 $0xFFFFC000  }
0x65: {  	[tilespmem:s26], [sflag:$0x2] =	stream.indirect.gather [hbm4b:s4+s24], $0x80, s20, s24, $0xb8;
	[tilespmem:$0x1D000] =	vst v63  }
0x66: {  	s18 =	rddreg [dreg:$0x8]  }
0x67: {  	[spmem:s2] =	stream.indirect.scatter.add.f32 [tilespmem:s21], [sflag:$0x3], $0x80, s18, s24, $0xb8;
	[tilespmem:$0x1D000] =	vst v63  }
0x68: {  	_ =	swait.ge [sflag:s22], $0x4000  }
0x69: {  	[sflag:s22] =	ssyncset.done $0x0  }
0x6a: {  	[sflag:s22] =	ssyncadd.s32 $0xFFFFC000  }
0x6b: {  	_ =	swait.ge [sflag:s28], $0x4000  }
0x6c: {  	[sflag:s28] =	ssyncset.done $0x0  }
0x6d: {  	s20 =	rddreg [dreg:$0x9];
	[sflag:s28] =	ssyncadd.s32 $0xFFFFC000  }
0x6e: {  	[tilespmem:s21], [sflag:$0x1] =	stream.indirect.gather [hbm4b:s4+s24], $0x80, s20, s24, $0xb8;
	[tilespmem:$0x1D000] =	vst v63  }
0x6f: {  	s18 =	rddreg [dreg:$0xa]  }
0x70: {  	[spmem:s2] =	stream.indirect.scatter.add.f32 [tilespmem:s26], [sflag:$0x3], $0x80, s18, s24, $0xb8;
	[tilespmem:$0x1D000] =	vst v63  }
0x71: {  	_ =	swait.ge [sflag:s22], $0x4000  }
0x72: {  	[sflag:s22] =	ssyncset.done $0x0  }
0x73: {  	[sflag:s22] =	ssyncadd.s32 $0xFFFFC000  }
0x74: {  	_ =	swait.ge [sflag:s25], $0x4000  }
0x75: {  	[sflag:s25] =	ssyncset.done $0x0  }
0x76: {  	s20 =	rddreg [dreg:$0xb];
	[sflag:s25] =	ssyncadd.s32 $0xFFFFC000  }
0x77: {  	[tilespmem:s26], [sflag:$0x2] =	stream.indirect.gather [hbm4b:s4+s24], $0x80, s20, s24, $0xb8;
	[tilespmem:$0x1D000] =	vst v63  }
0x78: {  	s18 =	rddreg [dreg:$0xc]  }
0x79: {  	[spmem:s2] =	stream.indirect.scatter.add.f32 [tilespmem:s21], [sflag:$0x3], $0x80, s18, s24, $0xb8;
	[tilespmem:$0x1D000] =	vst v63  }
0x7a: {  	_ =	swait.ge [sflag:s22], $0x4000  }
0x7b: {  	[sflag:s22] =	ssyncset.done $0x0  }
0x7c: {  	[sflag:s22] =	ssyncadd.s32 $0xFFFFC000  }
0x7d: {  	_ =	swait.ge [sflag:s28], $0x4000  }
0x7e: {  	[sflag:s28] =	ssyncset.done $0x0  }
0x7f: {  	s20 =	rddreg [dreg:$0xd];
	[sflag:s28] =	ssyncadd.s32 $0xFFFFC000  }
0x80: {  	[tilespmem:s21], [sflag:$0x1] =	stream.indirect.gather [hbm4b:s4+s24], $0x80, s20, s24, $0xb8;
	[tilespmem:$0x1D000] =	vst v63  }
0x81: {  	s18 =	rddreg [dreg:$0xe]  }
0x82: {  	[spmem:s2] =	stream.indirect.scatter.add.f32 [tilespmem:s26], [sflag:$0x3], $0x80, s18, s24, $0xb8;
	[tilespmem:$0x1D000] =	vst v63  }
0x83: {  	_ =	swait.ge [sflag:s22], $0x4000  }
0x84: {  	[sflag:s22] =	ssyncset.done $0x0  }
0x85: {  	[sflag:s22] =	ssyncadd.s32 $0xFFFFC000  }
0x86: {  	_ =	swait.ge [sflag:s25], $0x4000  }
0x87: {  	[sflag:s25] =	ssyncset.done $0x0  }
0x88: {  	s19 =	rddreg [dreg:$0xf];
	[sflag:s25] =	ssyncadd.s32 $0xFFFFC000  }
0x89: {  	[tilespmem:s26], [sflag:$0x2] =	stream.indirect.gather [hbm4b:s4+s24], $0x80, s19, s24, $0xb8;
	[tilespmem:$0x1D000] =	vst v63  }
0x8a: {  	s20 =	rddreg [dreg:$0x10]  }
0x8b: {  	[spmem:s2] =	stream.indirect.scatter.add.f32 [tilespmem:s21], [sflag:$0x3], $0x80, s20, s24, $0xb8;
	[tilespmem:$0x1D000] =	vst v63  }
0x8c: {  	_ =	swait.ge [sflag:s22], $0x4000  }
0x8d: {  	[sflag:s22] =	ssyncset.done $0x0  }
0x8e: {  	[sflag:s22] =	ssyncadd.s32 $0xFFFFC000  }
0x8f: {  	_ =	swait.ge [sflag:s28], $0x4000  }
0x90: {  	[sflag:s28] =	ssyncset.done $0x0  }
0x91: {  	[sflag:s28] =	ssyncadd.s32 $0xFFFFC000  }
0x92: {  	[tilespmem:s21], [sflag:$0x1] =	stream.indirect.gather [hbm4b:s4+s24], $0x80, s29, s24, $0xb8;
	[tilespmem:$0x1D000] =	vst v63  }
0x93: {  	_ = 	snop  }
0x94: {  	[spmem:s2] =	stream.indirect.scatter.add.f32 [tilespmem:s26], [sflag:$0x3], $0x80, s30, s24, $0xb8;
	[tilespmem:$0x1D000] =	vst v63  }
0x95: {  	_ =	swait.ge [sflag:s22], $0x4000  }
0x96: {  	[sflag:s22] =	ssyncset.done $0x0  }
0x97: {  	[sflag:s22] =	ssyncadd.s32 $0xFFFFC000  }
0x98: {  	_ =	swait.ge [sflag:s25], $0x4000  }
0x99: {  	[sflag:s25] =	ssyncset.done $0x0  }
0x9a: {  	[sflag:s25] =	ssyncadd.s32 $0xFFFFC000  }
0x9b: {  	[tilespmem:s26], [sflag:$0x2] =	stream.indirect.gather [hbm4b:s4+s24], $0x80, s31, s24, $0xb8;
	[tilespmem:$0x1D000] =	vst v63  }
0x9c: {  	_ = 	snop  }
0x9d: {  	[spmem:s2] =	stream.indirect.scatter.add.f32 [tilespmem:s21], [sflag:$0x3], $0x80, s1, s24, $0xb8;
	[tilespmem:$0x1D000] =	vst v63  }
0x9e: {  	_ =	swait.ge [sflag:s22], $0x4000  }
0x9f: {  	[sflag:s22] =	ssyncset.done $0x0  }
0xa0: {  	[sflag:s22] =	ssyncadd.s32 $0xFFFFC000  }
0xa1: {  	_ =	swait.ge [sflag:s28], $0x4000  }
0xa2: {  	[sflag:s28] =	ssyncset.done $0x0  }
0xa3: {  	[sflag:s28] =	ssyncadd.s32 $0xFFFFC000  }
0xa4: {  	[tilespmem:s21], [sflag:$0x1] =	stream.indirect.gather [hbm4b:s4+s24], $0x80, s0, s24, $0xb8;
	[tilespmem:$0x1D000] =	vst v63  }
0xa5: {  	_ = 	snop  }
0xa6: {  	[spmem:s2] =	stream.indirect.scatter.add.f32 [tilespmem:s26], [sflag:$0x3], $0x80, s5, s24, $0xb8;
	[tilespmem:$0x1D000] =	vst v63  }
0xa7: {  	_ =	swait.ge [sflag:s22], $0x4000  }
0xa8: {  	[sflag:s22] =	ssyncset.done $0x0  }
0xa9: {  	[sflag:s22] =	ssyncadd.s32 $0xFFFFC000  }
0xaa: {  	_ =	swait.ge [sflag:s25], $0x4000  }
0xab: {  	[sflag:s25] =	ssyncset.done $0x0  }
0xac: {  	[sflag:s25] =	ssyncadd.s32 $0xFFFFC000  }
0xad: {  	[tilespmem:s26], [sflag:$0x2] =	stream.indirect.gather [hbm4b:s4+s24], $0x80, s7, s24, $0xb8;
	[tilespmem:$0x1D000] =	vst v63  }
0xae: {  	_ = 	snop  }
0xaf: {  	[spmem:s2] =	stream.indirect.scatter.add.f32 [tilespmem:s21], [sflag:$0x3], $0x80, s8, s24, $0xb8;
	[tilespmem:$0x1D000] =	vst v63  }
0xb0: {  	_ =	swait.ge [sflag:s22], $0x4000  }
0xb1: {  	[sflag:s22] =	ssyncset.done $0x0  }
0xb2: {  	[sflag:s22] =	ssyncadd.s32 $0xFFFFC000  }
0xb3: {  	_ =	swait.ge [sflag:s28], $0x4000  }
0xb4: {  	[sflag:s28] =	ssyncset.done $0x0  }
0xb5: {  	[sflag:s28] =	ssyncadd.s32 $0xFFFFC000  }
0xb6: {  	[tilespmem:s21], [sflag:$0x1] =	stream.indirect.gather [hbm4b:s4+s24], $0x80, s9, s24, $0xb8;
	[tilespmem:$0x1D000] =	vst v63  }
0xb7: {  	_ = 	snop  }
0xb8: {  	[spmem:s2] =	stream.indirect.scatter.add.f32 [tilespmem:s26], [sflag:$0x3], $0x80, s10, s24, $0xb8;
	[tilespmem:$0x1D000] =	vst v63  }
0xb9: {  	_ =	swait.ge [sflag:s22], $0x4000  }
0xba: {  	[sflag:s22] =	ssyncset.done $0x0  }
0xbb: {  	[sflag:s22] =	ssyncadd.s32 $0xFFFFC000  }
0xbc: {  	_ =	swait.ge [sflag:s25], $0x4000  }
0xbd: {  	[sflag:s25] =	ssyncset.done $0x0  }
0xbe: {  	[sflag:s25] =	ssyncadd.s32 $0xFFFFC000  }
0xbf: {  	[tilespmem:s26], [sflag:$0x2] =	stream.indirect.gather [hbm4b:s4+s24], $0x80, s11, s24, $0xb8;
	[tilespmem:$0x1D000] =	vst v63  }
0xc0: {  	_ = 	snop  }
0xc1: {  	[spmem:s2] =	stream.indirect.scatter.add.f32 [tilespmem:s21], [sflag:$0x3], $0x80, s12, s24, $0xb8;
	[tilespmem:$0x1D000] =	vst v63  }
0xc2: {  	_ =	swait.ge [sflag:s22], $0x4000  }
0xc3: {  	[sflag:s22] =	ssyncset.done $0x0  }
0xc4: {  	[sflag:s22] =	ssyncadd.s32 $0xFFFFC000  }
0xc5: {  	_ =	swait.ge [sflag:s28], $0x4000  }
0xc6: {  	[sflag:s28] =	ssyncset.done $0x0  }
0xc7: {  	[sflag:s28] =	ssyncadd.s32 $0xFFFFC000  }
0xc8: {  	[tilespmem:s21], [sflag:$0x1] =	stream.indirect.gather [hbm4b:s4+s24], $0x80, s13, s24, $0xb8;
	[tilespmem:$0x1D000] =	vst v63  }
0xc9: {  	_ = 	snop  }
0xca: {  	[spmem:s2] =	stream.indirect.scatter.add.f32 [tilespmem:s26], [sflag:$0x3], $0x80, s14, s24, $0xb8;
	[tilespmem:$0x1D000] =	vst v63  }
0xcb: {  	_ =	swait.ge [sflag:s22], $0x4000  }
0xcc: {  	[sflag:s22] =	ssyncset.done $0x0  }
0xcd: {  	[sflag:s22] =	ssyncadd.s32 $0xFFFFC000  }
0xce: {  	_ =	swait.ge [sflag:s25], $0x4000  }
0xcf: {  	[sflag:s25] =	ssyncset.done $0x0  }
0xd0: {  	[sflag:s25] =	ssyncadd.s32 $0xFFFFC000  }
0xd1: {  	[tilespmem:s26], [sflag:$0x2] =	stream.indirect.gather [hbm4b:s4+s24], $0x80, s15, s24, $0xb8;
	[tilespmem:$0x1D000] =	vst v63  }
0xd2: {  	_ = 	snop  }
0xd3: {  	[spmem:s2] =	stream.indirect.scatter.add.f32 [tilespmem:s21], [sflag:$0x3], $0x80, s16, s24, $0xb8;
	[tilespmem:$0x1D000] =	vst v63  }
0xd4: {  	_ =	swait.ge [sflag:s22], $0x4000  }
0xd5: {  	[sflag:s22] =	ssyncset.done $0x0  }
0xd6: {  	[sflag:s22] =	ssyncadd.s32 $0xFFFFC000  }
0xd7: {  	_ =	swait.ge [sflag:s28], $0x4000  }
0xd8: {  	[sflag:s28] =	ssyncset.done $0x0  }
0xd9: {  	[sflag:s28] =	ssyncadd.s32 $0xFFFFC000  }
0xda: {  	[tilespmem:s21], [sflag:$0x1] =	stream.indirect.gather [hbm4b:s4+s24], $0x80, s15, s24, $0xb8;
	[tilespmem:$0x1D000] =	vst v63  }
0xdb: {  	_ = 	snop  }
0xdc: {  	[spmem:s2] =	stream.indirect.scatter.add.f32 [tilespmem:s26], [sflag:$0x3], $0x80, s17, s24, $0xb8;
	[tilespmem:$0x1D000] =	vst v63  }
0xdd: {  	_ =	swait.ge [sflag:s22], $0x4000  }
0xde: {  	[sflag:s22] =	ssyncset.done $0x0  }
0xdf: {  	[sflag:s22] =	ssyncadd.s32 $0xFFFFC000  }
0xe0: {  	s19 =	simm.s32 $0x100;
	_ =	swait.ge [sflag:s25], $0x4000  }
0xe1: {  	s20 =	simm.s32 $0x200;
	s6 =	rddreg [dreg:$0x4];
	[sflag:s25] =	ssyncset.done $0x0  }
.LBB2_2:
0xe2: {  	[sflag:s25] =	ssyncadd.s32 $0xFFFFC000;
	s6 =	sadd.s32 s19, s6  }
0xe3: {  	[tilespmem:s3], [sflag:$0x3] =	stream.linear.gather [hbm4b:s6+s3], $0x800, $0x38;
	[tilespmem:$0x1D000] =	vst v63  }
0xe4: {  	_ =	swait.ge [sflag:s22], $0x800  }
0xe5: {  	s6 =	rddreg [dreg:$0x3];
	[sflag:s22] =	ssyncset.done $0x0  }
0xe6: {  	[sflag:s22] =	ssyncadd.s32 $0xFFFFF800;
	s6 =	sadd.s32 s19, s6  }
0xe7: {  	[tilespmem:s23], [sflag:$0x3] =	stream.linear.gather [hbm4b:s6+s3], $0x800, $0x38;
	[tilespmem:$0x1D000] =	vst v63  }
0xe8: {  	_ =	swait.ge [sflag:s22], $0x800  }
0xe9: {  	[sflag:s22] =	ssyncset.done $0x0  }
0xea: {  	[sflag:s22] =	ssyncadd.s32 $0xFFFFF800  }
0xeb: {  	[tilespmem:s21], [sflag:$0x1] =	stream.indirect.gather [hbm4b:s4+s24], $0x80, s3, s24, $0xb8;
	[tilespmem:$0x1D000] =	vst v63  }
0xec: {  	_ =	swait.ge [sflag:s25], $0x4000  }
0xed: {  	[sflag:s25] =	ssyncset.done $0x0  }
0xee: {  	[sflag:s25] =	ssyncadd.s32 $0xFFFFC000  }
0xef: {  	[tilespmem:s26], [sflag:$0x2] =	stream.indirect.gather [hbm4b:s4+s24], $0x80, s24, s24, $0xb8;
	[tilespmem:$0x1D000] =	vst v63  }
0xf0: {  	_ = 	snop  }
0xf1: {  	[spmem:s2] =	stream.indirect.scatter.add.f32 [tilespmem:s21], [sflag:$0x3], $0x80, s23, s24, $0xb8;
	[tilespmem:$0x1D000] =	vst v63  }
0xf2: {  	_ =	swait.ge [sflag:s22], $0x4000  }
0xf3: {  	[sflag:s22] =	ssyncset.done $0x0  }
0xf4: {  	[sflag:s22] =	ssyncadd.s32 $0xFFFFC000  }
0xf5: {  	_ =	swait.ge [sflag:s28], $0x4000  }
0xf6: {  	[sflag:s28] =	ssyncset.done $0x0  }
0xf7: {  	s18 =	smov.u32 s20;
	s6 =	rddreg [dreg:$0x5];
	[sflag:s28] =	ssyncadd.s32 $0xFFFFC000  }
0xf8: {  	[tilespmem:s21], [sflag:$0x1] =	stream.indirect.gather [hbm4b:s4+s24], $0x80, s6, s24, $0xb8;
	[tilespmem:$0x1D000] =	vst v63  }
0xf9: {  	s19 =	smov.u32 s18;
	s18 =	rddreg [dreg:$0x6]  }
0xfa: {  	[spmem:s2] =	stream.indirect.scatter.add.f32 [tilespmem:s26], [sflag:$0x3], $0x80, s18, s24, $0xb8;
	[tilespmem:$0x1D000] =	vst v63  }
0xfb: {  	_ =	swait.ge [sflag:s22], $0x4000  }
0xfc: {  	[sflag:s22] =	ssyncset.done $0x0  }
0xfd: {  	[sflag:s22] =	ssyncadd.s32 $0xFFFFC000  }
0xfe: {  	_ =	swait.ge [sflag:s25], $0x4000  }
0xff: {  	[sflag:s25] =	ssyncset.done $0x0  }
0x100: {  	s6 =	rddreg [dreg:$0x7];
	[sflag:s25] =	ssyncadd.s32 $0xFFFFC000  }
0x101: {  	[tilespmem:s26], [sflag:$0x2] =	stream.indirect.gather [hbm4b:s4+s24], $0x80, s6, s24, $0xb8;
	[tilespmem:$0x1D000] =	vst v63  }
0x102: {  	s18 =	rddreg [dreg:$0x8]  }
0x103: {  	[spmem:s2] =	stream.indirect.scatter.add.f32 [tilespmem:s21], [sflag:$0x3], $0x80, s18, s24, $0xb8;
	[tilespmem:$0x1D000] =	vst v63  }
0x104: {  	_ =	swait.ge [sflag:s22], $0x4000  }
0x105: {  	[sflag:s22] =	ssyncset.done $0x0  }
0x106: {  	[sflag:s22] =	ssyncadd.s32 $0xFFFFC000  }
0x107: {  	_ =	swait.ge [sflag:s28], $0x4000  }
0x108: {  	[sflag:s28] =	ssyncset.done $0x0  }
0x109: {  	s6 =	rddreg [dreg:$0x9];
	[sflag:s28] =	ssyncadd.s32 $0xFFFFC000  }
0x10a: {  	[tilespmem:s21], [sflag:$0x1] =	stream.indirect.gather [hbm4b:s4+s24], $0x80, s6, s24, $0xb8;
	[tilespmem:$0x1D000] =	vst v63  }
0x10b: {  	s18 =	rddreg [dreg:$0xa]  }
0x10c: {  	[spmem:s2] =	stream.indirect.scatter.add.f32 [tilespmem:s26], [sflag:$0x3], $0x80, s18, s24, $0xb8;
	[tilespmem:$0x1D000] =	vst v63  }
0x10d: {  	_ =	swait.ge [sflag:s22], $0x4000  }
0x10e: {  	[sflag:s22] =	ssyncset.done $0x0  }
0x10f: {  	[sflag:s22] =	ssyncadd.s32 $0xFFFFC000  }
0x110: {  	_ =	swait.ge [sflag:s25], $0x4000  }
0x111: {  	[sflag:s25] =	ssyncset.done $0x0  }
0x112: {  	s6 =	rddreg [dreg:$0xb];
	[sflag:s25] =	ssyncadd.s32 $0xFFFFC000  }
0x113: {  	[tilespmem:s26], [sflag:$0x2] =	stream.indirect.gather [hbm4b:s4+s24], $0x80, s6, s24, $0xb8;
	[tilespmem:$0x1D000] =	vst v63  }
0x114: {  	s18 =	rddreg [dreg:$0xc]  }
0x115: {  	[spmem:s2] =	stream.indirect.scatter.add.f32 [tilespmem:s21], [sflag:$0x3], $0x80, s18, s24, $0xb8;
	[tilespmem:$0x1D000] =	vst v63  }
0x116: {  	_ =	swait.ge [sflag:s22], $0x4000  }
0x117: {  	[sflag:s22] =	ssyncset.done $0x0  }
0x118: {  	[sflag:s22] =	ssyncadd.s32 $0xFFFFC000  }
0x119: {  	_ =	swait.ge [sflag:s28], $0x4000  }
0x11a: {  	[sflag:s28] =	ssyncset.done $0x0  }
0x11b: {  	s6 =	rddreg [dreg:$0xd];
	[sflag:s28] =	ssyncadd.s32 $0xFFFFC000  }
0x11c: {  	[tilespmem:s21], [sflag:$0x1] =	stream.indirect.gather [hbm4b:s4+s24], $0x80, s6, s24, $0xb8;
	[tilespmem:$0x1D000] =	vst v63  }
0x11d: {  	s18 =	rddreg [dreg:$0xe]  }
0x11e: {  	[spmem:s2] =	stream.indirect.scatter.add.f32 [tilespmem:s26], [sflag:$0x3], $0x80, s18, s24, $0xb8;
	[tilespmem:$0x1D000] =	vst v63  }
0x11f: {  	_ =	swait.ge [sflag:s22], $0x4000  }
0x120: {  	[sflag:s22] =	ssyncset.done $0x0  }
0x121: {  	[sflag:s22] =	ssyncadd.s32 $0xFFFFC000  }
0x122: {  	_ =	swait.ge [sflag:s25], $0x4000  }
0x123: {  	[sflag:s25] =	ssyncset.done $0x0  }
0x124: {  	s6 =	rddreg [dreg:$0xf];
	[sflag:s25] =	ssyncadd.s32 $0xFFFFC000  }
0x125: {  	[tilespmem:s26], [sflag:$0x2] =	stream.indirect.gather [hbm4b:s4+s24], $0x80, s6, s24, $0xb8;
	[tilespmem:$0x1D000] =	vst v63  }
0x126: {  	s18 =	rddreg [dreg:$0x10]  }
0x127: {  	[spmem:s2] =	stream.indirect.scatter.add.f32 [tilespmem:s21], [sflag:$0x3], $0x80, s18, s24, $0xb8;
	[tilespmem:$0x1D000] =	vst v63  }
0x128: {  	_ =	swait.ge [sflag:s22], $0x4000  }
0x129: {  	[sflag:s22] =	ssyncset.done $0x0  }
0x12a: {  	[sflag:s22] =	ssyncadd.s32 $0xFFFFC000  }
0x12b: {  	_ =	swait.ge [sflag:s28], $0x4000  }
0x12c: {  	[sflag:s28] =	ssyncset.done $0x0  }
0x12d: {  	[sflag:s28] =	ssyncadd.s32 $0xFFFFC000  }
0x12e: {  	[tilespmem:s21], [sflag:$0x1] =	stream.indirect.gather [hbm4b:s4+s24], $0x80, s29, s24, $0xb8;
	[tilespmem:$0x1D000] =	vst v63  }
0x12f: {  	_ = 	snop  }
0x130: {  	[spmem:s2] =	stream.indirect.scatter.add.f32 [tilespmem:s26], [sflag:$0x3], $0x80, s30, s24, $0xb8;
	[tilespmem:$0x1D000] =	vst v63  }
0x131: {  	_ =	swait.ge [sflag:s22], $0x4000  }
0x132: {  	[sflag:s22] =	ssyncset.done $0x0  }
0x133: {  	[sflag:s22] =	ssyncadd.s32 $0xFFFFC000  }
0x134: {  	_ =	swait.ge [sflag:s25], $0x4000  }
0x135: {  	[sflag:s25] =	ssyncset.done $0x0  }
0x136: {  	[sflag:s25] =	ssyncadd.s32 $0xFFFFC000  }
0x137: {  	[tilespmem:s26], [sflag:$0x2] =	stream.indirect.gather [hbm4b:s4+s24], $0x80, s31, s24, $0xb8;
	[tilespmem:$0x1D000] =	vst v63  }
0x138: {  	_ = 	snop  }
0x139: {  	[spmem:s2] =	stream.indirect.scatter.add.f32 [tilespmem:s21], [sflag:$0x3], $0x80, s1, s24, $0xb8;
	[tilespmem:$0x1D000] =	vst v63  }
0x13a: {  	_ =	swait.ge [sflag:s22], $0x4000  }
0x13b: {  	[sflag:s22] =	ssyncset.done $0x0  }
0x13c: {  	[sflag:s22] =	ssyncadd.s32 $0xFFFFC000  }
0x13d: {  	_ =	swait.ge [sflag:s28], $0x4000  }
0x13e: {  	[sflag:s28] =	ssyncset.done $0x0  }
0x13f: {  	[sflag:s28] =	ssyncadd.s32 $0xFFFFC000  }
0x140: {  	[tilespmem:s21], [sflag:$0x1] =	stream.indirect.gather [hbm4b:s4+s24], $0x80, s0, s24, $0xb8;
	[tilespmem:$0x1D000] =	vst v63  }
0x141: {  	_ = 	snop  }
0x142: {  	[spmem:s2] =	stream.indirect.scatter.add.f32 [tilespmem:s26], [sflag:$0x3], $0x80, s5, s24, $0xb8;
	[tilespmem:$0x1D000] =	vst v63  }
0x143: {  	_ =	swait.ge [sflag:s22], $0x4000  }
0x144: {  	[sflag:s22] =	ssyncset.done $0x0  }
0x145: {  	[sflag:s22] =	ssyncadd.s32 $0xFFFFC000  }
0x146: {  	_ =	swait.ge [sflag:s25], $0x4000  }
0x147: {  	[sflag:s25] =	ssyncset.done $0x0  }
0x148: {  	[sflag:s25] =	ssyncadd.s32 $0xFFFFC000  }
0x149: {  	[tilespmem:s26], [sflag:$0x2] =	stream.indirect.gather [hbm4b:s4+s24], $0x80, s7, s24, $0xb8;
	[tilespmem:$0x1D000] =	vst v63  }
0x14a: {  	_ = 	snop  }
0x14b: {  	[spmem:s2] =	stream.indirect.scatter.add.f32 [tilespmem:s21], [sflag:$0x3], $0x80, s8, s24, $0xb8;
	[tilespmem:$0x1D000] =	vst v63  }
0x14c: {  	_ =	swait.ge [sflag:s22], $0x4000  }
0x14d: {  	[sflag:s22] =	ssyncset.done $0x0  }
0x14e: {  	[sflag:s22] =	ssyncadd.s32 $0xFFFFC000  }
0x14f: {  	_ =	swait.ge [sflag:s28], $0x4000  }
0x150: {  	[sflag:s28] =	ssyncset.done $0x0  }
0x151: {  	[sflag:s28] =	ssyncadd.s32 $0xFFFFC000  }
0x152: {  	[tilespmem:s21], [sflag:$0x1] =	stream.indirect.gather [hbm4b:s4+s24], $0x80, s9, s24, $0xb8;
	[tilespmem:$0x1D000] =	vst v63  }
0x153: {  	_ = 	snop  }
0x154: {  	[spmem:s2] =	stream.indirect.scatter.add.f32 [tilespmem:s26], [sflag:$0x3], $0x80, s10, s24, $0xb8;
	[tilespmem:$0x1D000] =	vst v63  }
0x155: {  	_ =	swait.ge [sflag:s22], $0x4000  }
0x156: {  	[sflag:s22] =	ssyncset.done $0x0  }
0x157: {  	[sflag:s22] =	ssyncadd.s32 $0xFFFFC000  }
0x158: {  	_ =	swait.ge [sflag:s25], $0x4000  }
0x159: {  	[sflag:s25] =	ssyncset.done $0x0  }
0x15a: {  	[sflag:s25] =	ssyncadd.s32 $0xFFFFC000  }
0x15b: {  	[tilespmem:s26], [sflag:$0x2] =	stream.indirect.gather [hbm4b:s4+s24], $0x80, s11, s24, $0xb8;
	[tilespmem:$0x1D000] =	vst v63  }
0x15c: {  	_ = 	snop  }
0x15d: {  	[spmem:s2] =	stream.indirect.scatter.add.f32 [tilespmem:s21], [sflag:$0x3], $0x80, s12, s24, $0xb8;
	[tilespmem:$0x1D000] =	vst v63  }
0x15e: {  	_ =	swait.ge [sflag:s22], $0x4000  }
0x15f: {  	[sflag:s22] =	ssyncset.done $0x0  }
0x160: {  	[sflag:s22] =	ssyncadd.s32 $0xFFFFC000  }
0x161: {  	_ =	swait.ge [sflag:s28], $0x4000  }
0x162: {  	[sflag:s28] =	ssyncset.done $0x0  }
0x163: {  	[sflag:s28] =	ssyncadd.s32 $0xFFFFC000  }
0x164: {  	[tilespmem:s21], [sflag:$0x1] =	stream.indirect.gather [hbm4b:s4+s24], $0x80, s13, s24, $0xb8;
	[tilespmem:$0x1D000] =	vst v63  }
0x165: {  	_ = 	snop  }
0x166: {  	[spmem:s2] =	stream.indirect.scatter.add.f32 [tilespmem:s26], [sflag:$0x3], $0x80, s14, s24, $0xb8;
	[tilespmem:$0x1D000] =	vst v63  }
0x167: {  	_ =	swait.ge [sflag:s22], $0x4000  }
0x168: {  	[sflag:s22] =	ssyncset.done $0x0  }
0x169: {  	[sflag:s22] =	ssyncadd.s32 $0xFFFFC000  }
0x16a: {  	_ =	swait.ge [sflag:s25], $0x4000  }
0x16b: {  	[sflag:s25] =	ssyncset.done $0x0  }
0x16c: {  	[sflag:s25] =	ssyncadd.s32 $0xFFFFC000  }
0x16d: {  	[tilespmem:s26], [sflag:$0x2] =	stream.indirect.gather [hbm4b:s4+s24], $0x80, s15, s24, $0xb8;
	[tilespmem:$0x1D000] =	vst v63  }
0x16e: {  	_ = 	snop  }
0x16f: {  	[spmem:s2] =	stream.indirect.scatter.add.f32 [tilespmem:s21], [sflag:$0x3], $0x80, s16, s24, $0xb8;
	[tilespmem:$0x1D000] =	vst v63  }
0x170: {  	_ =	swait.ge [sflag:s22], $0x4000  }
0x171: {  	[sflag:s22] =	ssyncset.done $0x0  }
0x172: {  	[sflag:s22] =	ssyncadd.s32 $0xFFFFC000  }
0x173: {  	_ =	swait.ge [sflag:s28], $0x4000  }
0x174: {  	[sflag:s28] =	ssyncset.done $0x0  }
0x175: {  	[sflag:s28] =	ssyncadd.s32 $0xFFFFC000  }
0x176: {  	[tilespmem:s21], [sflag:$0x1] =	stream.indirect.gather [hbm4b:s4+s24], $0x80, s15, s24, $0xb8;
	[tilespmem:$0x1D000] =	vst v63  }
0x177: {  	p0 =	sne.s32 s20, $0x400  }
0x178: {  	[spmem:s2] =	stream.indirect.scatter.add.f32 [tilespmem:s26], [sflag:$0x3], $0x80, s17, s24, $0xb8;
	[tilespmem:$0x1D000] =	vst v63  }
.Ltmp0:
0x179: {  	_ =	swait.ge [sflag:s22], $0x4000;
	(pc) =	sbr.rel @p0 .LBB2_2-.Ltmp0, $4  }
0x17a: {  	[sflag:s22] =	ssyncset.done $0x0  }
0x17b: {  	[sflag:s22] =	ssyncadd.s32 $0xFFFFC000  }
0x17c: {  	_ =	swait.ge [sflag:s25], $0x4000  }
0x17d: {  	s20 =	sadd.s32 $0x100, s20;
	s6 =	rddreg [dreg:$0x4];
	[sflag:s25] =	ssyncset.done $0x0  }
0x17e: {  	[sflag:s25] =	ssyncadd.s32 $0xFFFFC000;
	s6 =	sadd.s32 s19, s6  }
0x17f: {  	[tilespmem:s3], [sflag:$0x3] =	stream.linear.gather [hbm4b:s6+s3], $0x800, $0x38;
	[tilespmem:$0x1D000] =	vst v63  }
0x180: {  	_ =	swait.ge [sflag:s22], $0x800  }
0x181: {  	s18 =	rddreg [dreg:$0x3];
	[sflag:s22] =	ssyncset.done $0x0  }
0x182: {  	[sflag:s22] =	ssyncadd.s32 $0xFFFFF800;
	s6 =	sadd.s32 s19, s18  }
0x183: {  	[tilespmem:s23], [sflag:$0x3] =	stream.linear.gather [hbm4b:s6+s3], $0x800, $0x38;
	[tilespmem:$0x1D000] =	vst v63  }
0x184: {  	_ =	swait.ge [sflag:s22], $0x800  }
0x185: {  	[sflag:s22] =	ssyncset.done $0x0  }
0x186: {  	[sflag:s22] =	ssyncadd.s32 $0xFFFFF800  }
0x187: {  	[tilespmem:s21], [sflag:$0x1] =	stream.indirect.gather [hbm4b:s4+s24], $0x80, s3, s24, $0xb8;
	[tilespmem:$0x1D000] =	vst v63  }
0x188: {  	_ =	swait.ge [sflag:s25], $0x4000  }
0x189: {  	[sflag:s25] =	ssyncset.done $0x0  }
0x18a: {  	[sflag:s25] =	ssyncadd.s32 $0xFFFFC000  }
0x18b: {  	[tilespmem:s26], [sflag:$0x2] =	stream.indirect.gather [hbm4b:s4+s24], $0x80, s24, s24, $0xb8;
	[tilespmem:$0x1D000] =	vst v63  }
0x18c: {  	_ = 	snop  }
0x18d: {  	[spmem:s2] =	stream.indirect.scatter.add.f32 [tilespmem:s21], [sflag:$0x3], $0x80, s23, s24, $0xb8;
	[tilespmem:$0x1D000] =	vst v63  }
0x18e: {  	_ =	swait.ge [sflag:s22], $0x4000  }
0x18f: {  	[sflag:s22] =	ssyncset.done $0x0  }
0x190: {  	[sflag:s22] =	ssyncadd.s32 $0xFFFFC000  }
0x191: {  	_ =	swait.ge [sflag:s28], $0x4000  }
0x192: {  	[sflag:s28] =	ssyncset.done $0x0  }
0x193: {  	s20 =	rddreg [dreg:$0x5];
	[sflag:s28] =	ssyncadd.s32 $0xFFFFC000  }
0x194: {  	[tilespmem:s21], [sflag:$0x1] =	stream.indirect.gather [hbm4b:s4+s24], $0x80, s20, s24, $0xb8;
	[tilespmem:$0x1D000] =	vst v63  }
0x195: {  	s18 =	rddreg [dreg:$0x6]  }
0x196: {  	[spmem:s2] =	stream.indirect.scatter.add.f32 [tilespmem:s26], [sflag:$0x3], $0x80, s18, s24, $0xb8;
	[tilespmem:$0x1D000] =	vst v63  }
0x197: {  	_ =	swait.ge [sflag:s22], $0x4000  }
0x198: {  	[sflag:s22] =	ssyncset.done $0x0  }
0x199: {  	[sflag:s22] =	ssyncadd.s32 $0xFFFFC000  }
0x19a: {  	_ =	swait.ge [sflag:s25], $0x4000  }
0x19b: {  	[sflag:s25] =	ssyncset.done $0x0  }
0x19c: {  	s19 =	rddreg [dreg:$0x7];
	[sflag:s25] =	ssyncadd.s32 $0xFFFFC000  }
0x19d: {  	[tilespmem:s26], [sflag:$0x2] =	stream.indirect.gather [hbm4b:s4+s24], $0x80, s19, s24, $0xb8;
	[tilespmem:$0x1D000] =	vst v63  }
0x19e: {  	s20 =	rddreg [dreg:$0x8]  }
0x19f: {  	[spmem:s2] =	stream.indirect.scatter.add.f32 [tilespmem:s21], [sflag:$0x3], $0x80, s20, s24, $0xb8;
	[tilespmem:$0x1D000] =	vst v63  }
0x1a0: {  	_ =	swait.ge [sflag:s22], $0x4000  }
0x1a1: {  	[sflag:s22] =	ssyncset.done $0x0  }
0x1a2: {  	[sflag:s22] =	ssyncadd.s32 $0xFFFFC000  }
0x1a3: {  	_ =	swait.ge [sflag:s28], $0x4000  }
0x1a4: {  	[sflag:s28] =	ssyncset.done $0x0  }
0x1a5: {  	s19 =	rddreg [dreg:$0x9];
	[sflag:s28] =	ssyncadd.s32 $0xFFFFC000  }
0x1a6: {  	[tilespmem:s21], [sflag:$0x1] =	stream.indirect.gather [hbm4b:s4+s24], $0x80, s19, s24, $0xb8;
	[tilespmem:$0x1D000] =	vst v63  }
0x1a7: {  	s20 =	rddreg [dreg:$0xa]  }
0x1a8: {  	[spmem:s2] =	stream.indirect.scatter.add.f32 [tilespmem:s26], [sflag:$0x3], $0x80, s20, s24, $0xb8;
	[tilespmem:$0x1D000] =	vst v63  }
0x1a9: {  	_ =	swait.ge [sflag:s22], $0x4000  }
0x1aa: {  	[sflag:s22] =	ssyncset.done $0x0  }
0x1ab: {  	[sflag:s22] =	ssyncadd.s32 $0xFFFFC000  }
0x1ac: {  	_ =	swait.ge [sflag:s25], $0x4000  }
0x1ad: {  	[sflag:s25] =	ssyncset.done $0x0  }
0x1ae: {  	s19 =	rddreg [dreg:$0xb];
	[sflag:s25] =	ssyncadd.s32 $0xFFFFC000  }
0x1af: {  	[tilespmem:s26], [sflag:$0x2] =	stream.indirect.gather [hbm4b:s4+s24], $0x80, s19, s24, $0xb8;
	[tilespmem:$0x1D000] =	vst v63  }
0x1b0: {  	s20 =	rddreg [dreg:$0xc]  }
0x1b1: {  	[spmem:s2] =	stream.indirect.scatter.add.f32 [tilespmem:s21], [sflag:$0x3], $0x80, s20, s24, $0xb8;
	[tilespmem:$0x1D000] =	vst v63  }
0x1b2: {  	_ =	swait.ge [sflag:s22], $0x4000  }
0x1b3: {  	[sflag:s22] =	ssyncset.done $0x0  }
0x1b4: {  	[sflag:s22] =	ssyncadd.s32 $0xFFFFC000  }
0x1b5: {  	_ =	swait.ge [sflag:s28], $0x4000  }
0x1b6: {  	[sflag:s28] =	ssyncset.done $0x0  }
0x1b7: {  	s19 =	rddreg [dreg:$0xd];
	[sflag:s28] =	ssyncadd.s32 $0xFFFFC000  }
0x1b8: {  	[tilespmem:s21], [sflag:$0x1] =	stream.indirect.gather [hbm4b:s4+s24], $0x80, s19, s24, $0xb8;
	[tilespmem:$0x1D000] =	vst v63  }
0x1b9: {  	s20 =	rddreg [dreg:$0xe]  }
0x1ba: {  	[spmem:s2] =	stream.indirect.scatter.add.f32 [tilespmem:s26], [sflag:$0x3], $0x80, s20, s24, $0xb8;
	[tilespmem:$0x1D000] =	vst v63  }
0x1bb: {  	_ =	swait.ge [sflag:s22], $0x4000  }
0x1bc: {  	[sflag:s22] =	ssyncset.done $0x0  }
0x1bd: {  	[sflag:s22] =	ssyncadd.s32 $0xFFFFC000  }
0x1be: {  	_ =	swait.ge [sflag:s25], $0x4000  }
0x1bf: {  	[sflag:s25] =	ssyncset.done $0x0  }
0x1c0: {  	s18 =	rddreg [dreg:$0xf];
	[sflag:s25] =	ssyncadd.s32 $0xFFFFC000  }
0x1c1: {  	[tilespmem:s26], [sflag:$0x2] =	stream.indirect.gather [hbm4b:s4+s24], $0x80, s18, s24, $0xb8;
	[tilespmem:$0x1D000] =	vst v63  }
0x1c2: {  	s19 =	rddreg [dreg:$0x10]  }
0x1c3: {  	[spmem:s2] =	stream.indirect.scatter.add.f32 [tilespmem:s21], [sflag:$0x3], $0x80, s19, s24, $0xb8;
	[tilespmem:$0x1D000] =	vst v63  }
0x1c4: {  	_ =	swait.ge [sflag:s22], $0x4000  }
0x1c5: {  	[sflag:s22] =	ssyncset.done $0x0  }
0x1c6: {  	[sflag:s22] =	ssyncadd.s32 $0xFFFFC000  }
0x1c7: {  	_ =	swait.ge [sflag:s28], $0x4000  }
0x1c8: {  	[sflag:s28] =	ssyncset.done $0x0  }
0x1c9: {  	[sflag:s28] =	ssyncadd.s32 $0xFFFFC000  }
0x1ca: {  	[tilespmem:s21], [sflag:$0x1] =	stream.indirect.gather [hbm4b:s4+s24], $0x80, s29, s24, $0xb8;
	[tilespmem:$0x1D000] =	vst v63  }
0x1cb: {  	_ = 	snop  }
0x1cc: {  	[spmem:s2] =	stream.indirect.scatter.add.f32 [tilespmem:s26], [sflag:$0x3], $0x80, s30, s24, $0xb8;
	[tilespmem:$0x1D000] =	vst v63  }
0x1cd: {  	_ =	swait.ge [sflag:s22], $0x4000  }
0x1ce: {  	[sflag:s22] =	ssyncset.done $0x0  }
0x1cf: {  	[sflag:s22] =	ssyncadd.s32 $0xFFFFC000  }
0x1d0: {  	_ =	swait.ge [sflag:s25], $0x4000  }
0x1d1: {  	[sflag:s25] =	ssyncset.done $0x0  }
0x1d2: {  	[sflag:s25] =	ssyncadd.s32 $0xFFFFC000  }
0x1d3: {  	[tilespmem:s26], [sflag:$0x2] =	stream.indirect.gather [hbm4b:s4+s24], $0x80, s31, s24, $0xb8;
	[tilespmem:$0x1D000] =	vst v63  }
0x1d4: {  	_ = 	snop  }
0x1d5: {  	[spmem:s2] =	stream.indirect.scatter.add.f32 [tilespmem:s21], [sflag:$0x3], $0x80, s1, s24, $0xb8;
	[tilespmem:$0x1D000] =	vst v63  }
0x1d6: {  	_ =	swait.ge [sflag:s22], $0x4000  }
0x1d7: {  	[sflag:s22] =	ssyncset.done $0x0  }
0x1d8: {  	[sflag:s22] =	ssyncadd.s32 $0xFFFFC000  }
0x1d9: {  	_ =	swait.ge [sflag:s28], $0x4000  }
0x1da: {  	[sflag:s28] =	ssyncset.done $0x0  }
0x1db: {  	[sflag:s28] =	ssyncadd.s32 $0xFFFFC000  }
0x1dc: {  	[tilespmem:s21], [sflag:$0x1] =	stream.indirect.gather [hbm4b:s4+s24], $0x80, s0, s24, $0xb8;
	[tilespmem:$0x1D000] =	vst v63  }
0x1dd: {  	_ = 	snop  }
0x1de: {  	[spmem:s2] =	stream.indirect.scatter.add.f32 [tilespmem:s26], [sflag:$0x3], $0x80, s5, s24, $0xb8;
	[tilespmem:$0x1D000] =	vst v63  }
0x1df: {  	_ =	swait.ge [sflag:s22], $0x4000  }
0x1e0: {  	[sflag:s22] =	ssyncset.done $0x0  }
0x1e1: {  	[sflag:s22] =	ssyncadd.s32 $0xFFFFC000  }
0x1e2: {  	_ =	swait.ge [sflag:s25], $0x4000  }
0x1e3: {  	[sflag:s25] =	ssyncset.done $0x0  }
0x1e4: {  	[sflag:s25] =	ssyncadd.s32 $0xFFFFC000  }
0x1e5: {  	[tilespmem:s26], [sflag:$0x2] =	stream.indirect.gather [hbm4b:s4+s24], $0x80, s7, s24, $0xb8;
	[tilespmem:$0x1D000] =	vst v63  }
0x1e6: {  	_ = 	snop  }
0x1e7: {  	[spmem:s2] =	stream.indirect.scatter.add.f32 [tilespmem:s21], [sflag:$0x3], $0x80, s8, s24, $0xb8;
	[tilespmem:$0x1D000] =	vst v63  }
0x1e8: {  	_ =	swait.ge [sflag:s22], $0x4000  }
0x1e9: {  	[sflag:s22] =	ssyncset.done $0x0  }
0x1ea: {  	[sflag:s22] =	ssyncadd.s32 $0xFFFFC000  }
0x1eb: {  	_ =	swait.ge [sflag:s28], $0x4000  }
0x1ec: {  	[sflag:s28] =	ssyncset.done $0x0  }
0x1ed: {  	[sflag:s28] =	ssyncadd.s32 $0xFFFFC000  }
0x1ee: {  	[tilespmem:s21], [sflag:$0x1] =	stream.indirect.gather [hbm4b:s4+s24], $0x80, s9, s24, $0xb8;
	[tilespmem:$0x1D000] =	vst v63  }
0x1ef: {  	_ = 	snop  }
0x1f0: {  	[spmem:s2] =	stream.indirect.scatter.add.f32 [tilespmem:s26], [sflag:$0x3], $0x80, s10, s24, $0xb8;
	[tilespmem:$0x1D000] =	vst v63  }
0x1f1: {  	_ =	swait.ge [sflag:s22], $0x4000  }
0x1f2: {  	[sflag:s22] =	ssyncset.done $0x0  }
0x1f3: {  	[sflag:s22] =	ssyncadd.s32 $0xFFFFC000  }
0x1f4: {  	_ =	swait.ge [sflag:s25], $0x4000  }
0x1f5: {  	[sflag:s25] =	ssyncset.done $0x0  }
0x1f6: {  	[sflag:s25] =	ssyncadd.s32 $0xFFFFC000  }
0x1f7: {  	[tilespmem:s26], [sflag:$0x2] =	stream.indirect.gather [hbm4b:s4+s24], $0x80, s11, s24, $0xb8;
	[tilespmem:$0x1D000] =	vst v63  }
0x1f8: {  	_ = 	snop  }
0x1f9: {  	[spmem:s2] =	stream.indirect.scatter.add.f32 [tilespmem:s21], [sflag:$0x3], $0x80, s12, s24, $0xb8;
	[tilespmem:$0x1D000] =	vst v63  }
0x1fa: {  	_ =	swait.ge [sflag:s22], $0x4000  }
0x1fb: {  	[sflag:s22] =	ssyncset.done $0x0  }
0x1fc: {  	[sflag:s22] =	ssyncadd.s32 $0xFFFFC000  }
0x1fd: {  	_ =	swait.ge [sflag:s28], $0x4000  }
0x1fe: {  	[sflag:s28] =	ssyncset.done $0x0  }
0x1ff: {  	[sflag:s28] =	ssyncadd.s32 $0xFFFFC000  }
0x200: {  	[tilespmem:s21], [sflag:$0x1] =	stream.indirect.gather [hbm4b:s4+s24], $0x80, s13, s24, $0xb8;
	[tilespmem:$0x1D000] =	vst v63  }
0x201: {  	_ = 	snop  }
0x202: {  	[spmem:s2] =	stream.indirect.scatter.add.f32 [tilespmem:s26], [sflag:$0x3], $0x80, s14, s24, $0xb8;
	[tilespmem:$0x1D000] =	vst v63  }
0x203: {  	_ =	swait.ge [sflag:s22], $0x4000  }
0x204: {  	[sflag:s22] =	ssyncset.done $0x0  }
0x205: {  	[sflag:s22] =	ssyncadd.s32 $0xFFFFC000  }
0x206: {  	_ =	swait.ge [sflag:s25], $0x4000  }
0x207: {  	[sflag:s25] =	ssyncset.done $0x0  }
0x208: {  	[sflag:s25] =	ssyncadd.s32 $0xFFFFC000  }
0x209: {  	[tilespmem:s26], [sflag:$0x2] =	stream.indirect.gather [hbm4b:s4+s24], $0x80, s15, s24, $0xb8;
	[tilespmem:$0x1D000] =	vst v63  }
0x20a: {  	_ = 	snop  }
0x20b: {  	[spmem:s2] =	stream.indirect.scatter.add.f32 [tilespmem:s21], [sflag:$0x3], $0x80, s16, s24, $0xb8;
	[tilespmem:$0x1D000] =	vst v63  }
0x20c: {  	_ =	swait.ge [sflag:s22], $0x4000  }
0x20d: {  	[sflag:s22] =	ssyncset.done $0x0  }
0x20e: {  	[sflag:s22] =	ssyncadd.s32 $0xFFFFC000  }
0x20f: {  	_ =	swait.ge [sflag:s28], $0x4000  }
0x210: {  	[sflag:s28] =	ssyncset.done $0x0  }
0x211: {  	[sflag:s28] =	ssyncadd.s32 $0xFFFFC000  }
0x212: {  	[tilespmem:s21], [sflag:$0x1] =	stream.indirect.gather [hbm4b:s4+s24], $0x80, s15, s24, $0xb8;
	[tilespmem:$0x1D000] =	vst v63  }
0x213: {  	_ = 	snop  }
0x214: {  	[spmem:s2] =	stream.indirect.scatter.add.f32 [tilespmem:s26], [sflag:$0x3], $0x80, s17, s24, $0xb8;
	[tilespmem:$0x1D000] =	vst v63  }
0x215: {  	_ =	swait.ge [sflag:s22], $0x4000  }
0x216: {  	[sflag:s22] =	ssyncset.done $0x0  }
0x217: {  	[sflag:s22] =	ssyncadd.s32 $0xFFFFC000  }
0x218: {  	_ =	swait.ge [sflag:s25], $0x4000  }
0x219: {  	[sflag:s25] =	ssyncset.done $0x0  }
0x21a: {  	[sflag:s25] =	ssyncadd.s32 $0xFFFFC000  }
0x21b: {  	[bflag:$0x0] =	sbarrier.arrive $0xFFFF  }
0x21c: {  	s18 =	rddreg [dreg:$0x12]  }
0x21d: {  	[tilespmem:s21], [sflag:$0x3] =	stream.linear.gather [spmem:s18], $0x4000, $0x38;
	[tilespmem:$0x1D000] =	vst v63  }
0x21e: {  	_ =	swait.ge [sflag:s22], $0x4000  }
0x21f: {  	[sflag:s22] =	ssyncset.done $0x0  }
0x220: {  	s20 =	rddreg [dreg:$0x18];
	[sflag:s22] =	ssyncadd.s32 $0xFFFFC000  }
0x221: {  	[hbm4b:s20+s3] =	stream.linear.scatter [tilespmem:s21], [sflag:$0x3], $0x4000, $0x38;
	[tilespmem:$0x1D000] =	vst v63  }
0x222: {  	_ =	swait.ge [sflag:s22], $0x4000  }
0x223: {  	[sflag:s22] =	ssyncset.done $0x0  }
0x224: {  	s19 =	rddreg [dreg:$0x19];
	[sflag:s22] =	ssyncadd.s32 $0xFFFFC000  }
0x225: {  	[tilespmem:s21], [sflag:$0x3] =	stream.linear.gather [spmem:s19], $0x4000, $0x38;
	[tilespmem:$0x1D000] =	vst v63  }
0x226: {  	_ =	swait.ge [sflag:s22], $0x4000  }
0x227: {  	[sflag:s22] =	ssyncset.done $0x0  }
0x228: {  	s20 =	rddreg [dreg:$0x1a];
	[sflag:s22] =	ssyncadd.s32 $0xFFFFC000  }
0x229: {  	[hbm4b:s20+s3] =	stream.linear.scatter [tilespmem:s21], [sflag:$0x3], $0x4000, $0x38;
	[tilespmem:$0x1D000] =	vst v63  }
0x22a: {  	_ =	swait.ge [sflag:s22], $0x4000  }
0x22b: {  	[sflag:s22] =	ssyncset.done $0x0  }
0x22c: {  	s19 =	rddreg [dreg:$0x1b];
	[sflag:s22] =	ssyncadd.s32 $0xFFFFC000  }
0x22d: {  	[tilespmem:s21], [sflag:$0x3] =	stream.linear.gather [spmem:s19], $0x4000, $0x38;
	[tilespmem:$0x1D000] =	vst v63  }
0x22e: {  	_ =	swait.ge [sflag:s22], $0x4000  }
0x22f: {  	[sflag:s22] =	ssyncset.done $0x0  }
0x230: {  	s20 =	rddreg [dreg:$0x1c];
	[sflag:s22] =	ssyncadd.s32 $0xFFFFC000  }
0x231: {  	[hbm4b:s20+s3] =	stream.linear.scatter [tilespmem:s21], [sflag:$0x3], $0x4000, $0x38;
	[tilespmem:$0x1D000] =	vst v63  }
0x232: {  	_ =	swait.ge [sflag:s22], $0x4000  }
0x233: {  	[sflag:s22] =	ssyncset.done $0x0  }
0x234: {  	s19 =	rddreg [dreg:$0x1d];
	[sflag:s22] =	ssyncadd.s32 $0xFFFFC000  }
0x235: {  	[tilespmem:s21], [sflag:$0x3] =	stream.linear.gather [spmem:s19], $0x4000, $0x38;
	[tilespmem:$0x1D000] =	vst v63  }
0x236: {  	_ =	swait.ge [sflag:s22], $0x4000  }
0x237: {  	[sflag:s22] =	ssyncset.done $0x0  }
0x238: {  	s20 =	rddreg [dreg:$0x1e];
	[sflag:s22] =	ssyncadd.s32 $0xFFFFC000  }
0x239: {  	[hbm4b:s20+s3] =	stream.linear.scatter [tilespmem:s21], [sflag:$0x3], $0x4000, $0x38;
	[tilespmem:$0x1D000] =	vst v63  }
0x23a: {  	_ =	swait.ge [sflag:s22], $0x4000  }
0x23b: {  	[sflag:s22] =	ssyncset.done $0x0  }
0x23c: {  	s19 =	rddreg [dreg:$0x1f];
	[sflag:s22] =	ssyncadd.s32 $0xFFFFC000  }
0x23d: {  	[tilespmem:s21], [sflag:$0x3] =	stream.linear.gather [spmem:s19], $0x4000, $0x38;
	[tilespmem:$0x1D000] =	vst v63  }
0x23e: {  	_ =	swait.ge [sflag:s22], $0x4000  }
0x23f: {  	s20 =	sld [smem:$0x7FD]  }
0x240: {  	[sflag:s22] =	ssyncset.done $0x0  }
0x241: {  	[sflag:s22] =	ssyncadd.s32 $0xFFFFC000  }
0x242: {  	[hbm4b:s20+s3] =	stream.linear.scatter [tilespmem:s21], [sflag:$0x3], $0x4000, $0x38;
	[tilespmem:$0x1D000] =	vst v63  }
0x243: {  	_ =	swait.ge [sflag:s22], $0x4000  }
0x244: {  	s6 =	sld [smem:$0x7FC];
	_ =	sdelay $0x2  }
0x245: {  	s20 =	rddreg [dreg:$0x13];
	s19 =	sadd.s32 $0x1, s6  }
0x246: {  	p0 =	sne.s32 s19, s20  }
.Ltmp1:
0x247: {  	_ = 	snop;
	(pc) =	sbr.rel @p0 .LBB2_1-.Ltmp1, $3  }
0x248: {  	_ =	sdelay $0x1  }
0x249: {  	[sflag:s22] =	ssyncset.done $0x0  }
0x24a: {  	[sflag:s22] =	ssyncadd.s32 $0xFFFFC000  }
0x24b: {  	_ =	sfence.sel $0x180000  }
0x24c: {  	[bflag:$0x0] =	sbarrier.arrive $0xFFFF  }
0x24d: {  	_ =	strace $0x90000050  }
0x24e: {  	s0 =	stileid.u32;
	[bflag:$0x2] =	sbarrier.arrive $0xFFFF  }
0x24f: {  	p0 =	sne.s32 s0, $0x0;
	s0 =	rddreg [dreg:$0x2]  }
0x250: {  	s0 =	sadd.s32 @!p0 $0x100000, s0  }
0x251: {  	[sflag:s0] =	ssyncadd.tile.s32 @!p0 $0x1;
	_ =	shalt  }
.Lfunc_end2:
_tile_overlayer_lowered:
.L_overlay_start_2:
0x252: {  	(tag) =	ssettag $0x2  }
0x253: {  	s0 =	rddreg [dreg:$0x0];
	s2 =	stileid.u32  }
0x254: {  	s1 =	rddreg [dreg:$0x1];
	p0 =	sne.s32 s2, $0x0  }
0x255: {  	s3 =	rddreg [dreg:$0x2];
	[bflag:$0x3] =	sbarrier.arrive $0xFFFF;
	s2 =	simm.s32 @!p0 $0x1C03  }
0x256: {  	[timem:s3], [sflag:s2] =	dma.local @!p0 [hbm:s0], s1  }
0x257: {  	s0 =	simm.s32 @!p0 $0x3  }
0x258: {  	_ =	swait.ge @!p0 [sflag:s0], s1  }
0x259: {  	s1 =	ssub.s32 @!p0 $0x0, s1;
	[sflag:s0] =	ssyncset.done @!p0 $0x0  }
0x25a: {  	[sflag:s0] =	ssyncadd.s32 @!p0 s1  }
0x25b: {  	[bflag:$0x3] =	sbarrier.arrive $0xFFFF  }
0x25c: {  	_ =	shalt  }

// kernel: kernel.31.cloned.1.call-start
scs
__scs_entry_jumppad:
0x0: {  	(pc) =	sbr.rel $0x88, $3  }
0x1: {  	(tag) =	ssettag $0x0;
	lr =	simm.s32 $0x1  }
0x2: {  	[smem:$0x3F8B] =	sst lr;
	_ =	strace $0xD0000000  }
0x3: {  	_ = 	snop  }
0x4: {  	_ = 	snop  }
0x5: {  	_ = 	snop  }
0x6: {  	_ = 	snop  }
0x7: {  	_ = 	snop  }
__scs_overlays_trampoline_lowered:
0x8: {  	[smem:$0x3F9A] =	sst s0  }
0x9: {  	[smem:$0x3F9B] =	sst s1  }
0xa: {  	[smem:$0x3F9C] =	sst s2  }
0xb: {  	[smem:$0x3F9D] =	sst s3  }
0xc: {  	[smem:$0x3F9E] =	sst s4  }
0xd: {  	[smem:$0x3F9F] =	sst s5  }
0xe: {  	[smem:$0x3FA0] =	sst s6  }
0xf: {  	[smem:$0x3FA1] =	sst s7  }
0x10: {  	[smem:$0x3FA2] =	sst s8  }
0x11: {  	[smem:$0x3FA3] =	sst s9;
	s0 =	simm.s32 @!p0 $0x0  }
0x12: {  	s1 =	sld [smem:$0x3F89];
	s0 =	simm.s32 @p0 $0x1  }
0x13: {  	[smem:$0x3FA4] =	sst s0;
	s0 =	simm.s32 @!p1 $0x0  }
0x14: {  	s2 =	sld [smem:$0x3F88];
	s0 =	simm.s32 @p1 $0x1  }
0x15: {  	[smem:$0x3FA5] =	sst s0;
	s0 =	simm.s32 @!p2 $0x0  }
0x16: {  	s3 =	sld [smem:$0x3FDB];
	s0 =	simm.s32 @p2 $0x1  }
0x17: {  	s4 =	simm.s32 $0x1BF5;
	[smem:$0x3FA7] =	sst s0  }
0x18: {  	s0 =	sld [smem:$0x3F8A];
	_ =	swait.ge [sflag:s4], $0x0  }
0x19: {  	s7 =	sld [smem:$0x3F8B]  }
0x1a: {  	s8 =	sadd.s32 $0xFFFFE003, lr  }
0x1b: {  	s9 =	sadd.s32 $0xFFFFFEF7, lr;
	s5 =	simm.s32 $0xFFFFFFFF;
	p2 =	slt.u32 s8, $0xFFFFF086  }
0x1c: {  	p1 =	slt.u32 s9, $0xF7A;
	s5 =	simm.s32 @!p2 $0x0  }
0x1d: {  	s5 =	simm.s32 @p1 $0x1;
	p0 =	seq.s32 s7, s2  }
0x1e: {  	s7 =	smul.u32 @!p0 $0xF7A, s2;
	p2 =	seq.s32 @!p0 s5, $0x0  }
0x1f: {  	s9 =	smul.u32 $0xF7A, s1;
	s8 =	simm.s32 @!p0 $0x1BF5;
	p2 =	por !p2, p0  }
0x20: {  	[sflag:s8] =	ssyncset.s32 @!p0 $0xFFFFF086;
	s6 =	sadd.s32 @!p0 s3, s7;
	s7 =	simm.s32 @!p0 $0x108  }
0x21: {  	s3 =	sadd.s32 s3, s9;
	s6 =	sadd.s32 @!p0 $0x88, s6;
	s7 =	simm.s32 @p2 $0x1082  }
0x22: {  	[simem:s7], [sflag:s8] =	dma.local @!p0 [hbm:s6], $0xF7A  }
0x23: {  	s9 =	sor.u32 $0xD0000000, s2;
	s6 =	simm.s32 $0x108;
	_ =	swait.ge @!p0 [sflag:s8], $0x0  }
0x24: {  	s3 =	sadd.s32 $0x88, s3;
	s6 =	simm.s32 @!p1 $0x1082;
	[sflag:s4] =	ssyncset.s32 $0xFFFFF086  }
0x25: {  	[simem:s6], [sflag:s4] =	dma.local [hbm:s3], $0xF7A  }
0x26: {  	[smem:$0x3F8B] =	sst s1;
	(tag) =	ssettag s2;
	_ =	strace s9  }
0x27: {  	s1 =	sld [smem:$0x3F9B]  }
0x28: {  	s2 =	sld [smem:$0x3F9C]  }
0x29: {  	s4 =	sld [smem:$0x3F9E]  }
0x2a: {  	p0 =	seq.s32 s5, $0x0;
	s5 =	sld [smem:$0x3F9F]  }
0x2b: {  	s6 =	sld [smem:$0x3FA0]  }
0x2c: {  	s7 =	sld [smem:$0x3FA1]  }
0x2d: {  	s3 =	simm.s32 $0x108;
	s8 =	sld [smem:$0x3FA2]  }
0x2e: {  	s3 =	simm.s32 @!p0 $0x1082;
	s9 =	sld [smem:$0x3FA3]  }
0x2f: {  	lr =	sadd.s32 s0, s3;
	s0 =	sld [smem:$0x3F9A]  }
0x30: {  	s3 =	sld [smem:$0x3F9D]  }
0x31: {  	[smem:$0x3FA6] =	sst s10  }
0x32: {  	s10 =	sld [smem:$0x3FA4];
	_ =	sdelay $0x3  }
0x33: {  	p0 =	seq.s32 s10, $0x1;
	s10 =	sld [smem:$0x3FA6];
	_ =	sdelay $0x3  }
0x34: {  	[smem:$0x3FA6] =	sst s10  }
0x35: {  	s10 =	sld [smem:$0x3FA5];
	_ =	sdelay $0x3  }
0x36: {  	p1 =	seq.s32 s10, $0x1;
	s10 =	sld [smem:$0x3FA6];
	_ =	sdelay $0x3  }
0x37: {  	[smem:$0x3FA6] =	sst s10  }
0x38: {  	s10 =	sld [smem:$0x3FA7]  }
0x39: {  	_ = 	snop;
	(pc) =	sbr.ind lr, $3  }
0x3a: {  	_ = 	snop  }
0x3b: {  	_ = 	snop  }
0x3c: {  	p2 =	seq.s32 s10, $0x1;
	s10 =	sld [smem:$0x3FA6]  }
0x3d: {  	_ =	shalt  }
0x3e: {  	_ =	shalt  }
0x3f: {  	_ =	shalt  }
0x40: {  	_ =	shalt  }
0x41: {  	_ =	shalt  }
0x42: {  	_ =	shalt  }
0x43: {  	_ =	shalt  }
0x44: {  	_ =	shalt  }
0x45: {  	_ =	shalt  }
0x46: {  	_ =	shalt  }
0x47: {  	_ =	shalt  }
0x48: {  	_ =	shalt  }
0x49: {  	_ =	shalt  }
0x4a: {  	_ =	shalt  }
0x4b: {  	_ =	shalt  }
0x4c: {  	_ =	shalt  }
0x4d: {  	_ =	shalt  }
0x4e: {  	_ =	shalt  }
0x4f: {  	_ =	shalt  }
0x50: {  	_ =	shalt  }
0x51: {  	_ =	shalt  }
0x52: {  	_ =	shalt  }
0x53: {  	_ =	shalt  }
0x54: {  	_ =	shalt  }
0x55: {  	_ =	shalt  }
0x56: {  	_ =	shalt  }
0x57: {  	_ =	shalt  }
0x58: {  	_ =	shalt  }
0x59: {  	_ =	shalt  }
0x5a: {  	_ =	shalt  }
0x5b: {  	_ =	shalt  }
0x5c: {  	_ =	shalt  }
0x5d: {  	_ =	shalt  }
0x5e: {  	_ =	shalt  }
0x5f: {  	_ =	shalt  }
0x60: {  	_ =	shalt  }
0x61: {  	_ =	shalt  }
0x62: {  	_ =	shalt  }
0x63: {  	_ =	shalt  }
0x64: {  	_ =	shalt  }
0x65: {  	_ =	shalt  }
0x66: {  	_ =	shalt  }
0x67: {  	_ =	shalt  }
0x68: {  	_ =	shalt  }
0x69: {  	_ =	shalt  }
0x6a: {  	_ =	shalt  }
0x6b: {  	_ =	shalt  }
0x6c: {  	_ =	shalt  }
0x6d: {  	_ =	shalt  }
0x6e: {  	_ =	shalt  }
0x6f: {  	_ =	shalt  }
0x70: {  	_ =	shalt  }
0x71: {  	_ =	shalt  }
0x72: {  	_ =	shalt  }
0x73: {  	_ =	shalt  }
0x74: {  	_ =	shalt  }
0x75: {  	_ =	shalt  }
0x76: {  	_ =	shalt  }
0x77: {  	_ =	shalt  }
0x78: {  	_ =	shalt  }
0x79: {  	_ =	shalt  }
0x7a: {  	_ =	shalt  }
0x7b: {  	_ =	shalt  }
0x7c: {  	_ =	shalt  }
0x7d: {  	_ =	shalt  }
0x7e: {  	_ =	shalt  }
0x7f: {  	_ =	shalt  }
0x80: {  	_ =	shalt  }
0x81: {  	_ =	shalt  }
0x82: {  	_ =	shalt  }
0x83: {  	_ =	shalt  }
0x84: {  	_ =	shalt  }
0x85: {  	_ =	shalt  }
0x86: {  	_ =	shalt  }
0x87: {  	_ =	shalt  }
.Lfunc_end0:
.L_simem_size_0:
called_computation.4_lowered:
.L_overlay_start_0:
0x88: {  	s2 =	sld [smem:$0x3FD9]  }
0x89: {  	s3 =	sld [smem:$0x3FFE];
	_ =	sdelay $0x1  }
0x8a: {  	s1 =	srdreg.scid  }
0x8b: {  	s0 =	sand.u32 $0x1, s1  }
0x8c: {  	s17 =	sshll.u32 s0, $0xA;
	s2 =	sadd.s32 s3, s2  }
0x8d: {  	s2 =	sadd.s32 s2, s17  }
0x8e: {  	[smem:$0x3FB2] =	sst s2  }
0x8f: {  	_ = 	snop  }
0x90: {  	(tm) =	ssettm $0x1  }
0x91: {  	s18 =	sld [smem:$0x3FFB];
	_ =	sdelay $0x3  }
0x92: {  	_ =	strace s18  }
0x93: {  	s2 =	sld [smem:$0x3FFC];
	_ =	sdelay $0x3  }
0x94: {  	_ =	strace s2  }
0x95: {  	s2 =	sld [smem:$0x3FFD];
	_ =	sdelay $0x3  }
0x96: {  	_ =	strace s2  }
0x97: {  	_ =	strace $0x8FFFFFFF  }
0x98: {  	s19 =	sld [smem:$0x3FDB];
	_ =	sdelay $0x1  }
0x99: {  	s20 =	simm.s32 $_scs_section_size  }
0x9a: {  	s4 =	simm.s32 $_size__tile_overlayer_lowered;
	s5 =	simm.s32 $_tile_overlayer_lowered  }
0x9b: {  	s6 =	simm.s32 $0x1BFF;
	s21 =	sshll.u32 s5, $0x1;
	s3 =	sadd.s32 s20, s19  }
0x9c: {  	s22 =	simm.s32 $0x0;
	s4 =	sshll.u32 s4, $0x1;
	s5 =	sadd.s32 s21, s3  }
0x9d: {  	[timem:s22], [sflag:s6] =	dma.local [hbm:s5], s4  }
0x9e: {  	_ =	swait.ge [sflag:s6], s4  }
0x9f: {  	s4 =	ssub.s32 $0x0, s4;
	[sflag:s6] =	ssyncset.done $0x0  }
0xa0: {  	[sflag:s6] =	ssyncadd.s32 s4;
	_ =	sdelay $0x1  }
0xa1: {  	s23 =	simm.s32 $0x1B8B  }
0xa2: {  	_ =	swait.ge [sflag:s23], $0x1  }
0xa3: {  	[sflag:s23] =	ssyncset.done $0x0  }
0xa4: {  	[sflag:s23] =	ssyncadd.s32 $0xFFFFFFFF  }
0xa5: {  	s4 =	sld [smem:$0x0]  }
0xa6: {  	s5 =	sand.u32 $0xFFFFFFFE, s1  }
0xa7: {  	p0 =	sne.s32 s1, s5  }
0xa8: {  	s5 =	sshll.u32 @p0 s5, $0xE  }
0xa9: {  	s5 =	sadd.s32 @p0 $0x11B8D, s5;
	s6 =	sshll.u32 @p0 s4, $0x11  }
0xaa: {  	s5 =	sor.u32 @p0 s6, s5  }
0xab: {  	[sflag:s5] =	ssyncadd.remote.s32 @p0 $0x1;
	_ =	sdelay $0x1  }
0xac: {  	s5 =	simm.s32 @p0 $0x1B8D  }
0xad: {  	_ =	swait.eq @p0 [sflag:s5], $0x1  }
0xae: {  	[sflag:s5] =	ssyncadd.s32 @p0 $0xFFFFFFFF  }
0xaf: {  	s6 =	sshll.u32 @!p0 s1, $0xE  }
0xb0: {  	s6 =	sor.u32 @!p0 $0x4000, s6;
	s5 =	simm.s32 @!p0 $0x1B8D  }
0xb1: {  	s4 =	sshll.u32 @!p0 s4, $0x11;
	s6 =	sadd.s32 @!p0 $0x11B8D, s6;
	_ =	swait.eq @!p0 [sflag:s5], $0x1  }
0xb2: {  	s4 =	sor.u32 @!p0 s4, s6;
	[sflag:s5] =	ssyncadd.s32 @!p0 $0xFFFFFFFF  }
0xb3: {  	s25 =	simm.s32 $0x1B8E;
	s24 =	sld [smem:$0x3FFE];
	[sflag:s4] =	ssyncadd.remote.s32 @!p0 $0x1  }
0xb4: {  	s26 =	simm.s32 $execute0_lowered;
	[smem:$0x3FD2] =	sst s25  }
0xb5: {  	s5 =	sshll.u32 s26, $0x1;
	_ =	strace $0x80000052;
	[dreg:$0x1] =	wrdreg $0xFFFFFFFF  }
0xb6: {  	s28 =	simm.s32 $_size_execute0_lowered;
	s3 =	sadd.s32 s3, s5;
	[dreg:$0x0] =	wrdreg $0x0  }
0xb7: {  	s5 =	sshll.u32 s28, $0x1;
	[dreg:$0x2] =	wrdreg s3  }
0xb8: {  	[dreg:$0x3] =	wrdreg s5  }
0xb9: {  	[dreg:$0x4] =	wrdreg $0xC0  }
0xba: {  	_ =	task [dreg:s22], $0x5FFFF  }
0xbb: {  	[dreg:$0x1] =	wrdreg $0xFFFFFFFF  }
0xbc: {  	[dreg:$0x0] =	wrdreg $0x60  }
0xbd: {  	[dreg:$0x2] =	wrdreg s24  }
0xbe: {  	[dreg:$0x3] =	wrdreg $0xA  }
0xbf: {  	_ =	task.clear_ibuf [dreg:s22], $0x4FFFF;
	_ =	strace $0x90000052  }
0xc0: {  	s29 =	simm.s32 $0xA;
	_ =	strace $0x80000054  }
0xc1: {  	_ =	swait.ge [sflag:s29], $0x1  }
0xc2: {  	[sflag:s29] =	ssyncadd.s32 $0xFFFFFFFF  }
0xc3: {  	_ =	strace $0x90000054  }
0xc4: {  	_ =	sfence  }
0xc5: {  	s30 =	sld [smem:$0x0];
	_ =	sdelay $0x2  }
0xc6: {  	s31 =	sshll.u32 s1, $0xD;
	s1 =	sshrl.u32 s1, $0x2  }
0xc7: {  	s4 =	sand.u32 $0x4000, s31;
	s1 =	sadd.s32 s1, s30  }
0xc8: {  	s0 =	sor.u32 s4, s0;
	s1 =	sshll.u32 s1, $0x11  }
0xc9: {  	s0 =	sor.u32 s1, s0  }
0xca: {  	s0 =	sadd.s32 $0x8F2B, s0  }
0xcb: {  	[sflag:s0] =	ssyncadd.remote.s32 $0x1  }
0xcc: {  	_ =	sfence.sel $0xFFFF  }
0xcd: {  	[dreg:$0x0] =	wrdreg $0xFFFFFFFF;
	(pc) =	sbr.abs _section_cstart, $3  }
0xce: {  	[dreg:$0x1] =	wrdreg $0xFFFFFFFF  }
0xcf: {  	_ =	task.clear_ibuf [dreg:s22], $0x2FFFF;
	_ =	strace $0x9FFFFFFF  }
0xd0: {  	(tm) =	ssettm $0x7FFFFFFF  }
0xd1: {  	_ =	shalt  }
tec
execute0_lowered:
.L_overlay_start_1:
0x0: {  	(tag) =	ssettag $0x1  }
0x1: {  	s4 =	rddreg [dreg:$0x0];
	s1 =	srdreg.scid  }
0x2: {  	s0 =	stileid.u32;
	s9 =	simm.s32 $0x400;
	s10 =	simm.s32 $0x1  }
0x3: {  	s11 =	simm.s32 $0x2800;
	s12 =	simm.s32 $0x5000;
	s13 =	simm.s32 $0x7800  }
0x4: {  	s14 =	simm.s32 $0x0;
	s3 =	sand.u32 $0x1, s1;
	s28 =	sshrl.u32 s0, $0x2  }
0x5: {  	s2 =	sshll.u32 s0, $0x8;
	s1 =	rddreg [dreg:$0x1];
	s5 =	smul.u32 $0x14000, s28  }
0x6: {  	s6 =	sshll.u32 s3, $0x7;
	s7 =	sand.u32 $0x300, s2;
	s2 =	simm.s32 $0x0  }
0x7: {  	s29 =	ssub.s32 $0x2, s3;
	s3 =	sadd.s32 $0xCE00, s4;
	s6 =	sor.u32 s6, s7  }
0x8: {  	[smem:$0x7FF] =	sst s2;
	s31 =	sshrl.u32 s29, $0x1;
	s5 =	sor.u32 s5, s6  }
0x9: {  	_ =	strace $0x80000053;
	s8 =	ssub.s32 s29, s31;
	s5 =	sshrl.u32 s5, $0x3  }
0xa: {  	s7 =	smax.u32 s8, $0x1;
	s8 =	simm.s32 $0x80;
	s30 =	sadd.s32 s5, s4  }
0xb: {  	v0 =	vimm.f32 $0.0e+00;
	s4 =	sadd.s32 $0x95600, s30;
	s5 =	sadd.s32 $0x9F600, s30;
	s6 =	sadd.s32 $0xD400, s30  }
.LBB2_1:
0xc: {  	[tilespmem:s2], [sflag:$0x1] =	stream.strided.gather [hbm4b:s4+s8], $0x2800, s9, s8, $0x38;
	[tilespmem:$0xA000] =	vst v63  }
0xd: {  	_ =	swait.ge [sflag:s10], $0x2800  }
0xe: {  	[sflag:s10] =	ssyncset.done $0x0  }
0xf: {  	[sflag:s10] =	ssyncadd.s32 $0xFFFFD800  }
0x10: {  	[tilespmem:s11], [sflag:$0x1] =	stream.strided.gather [hbm4b:s5+s8], $0x2800, s9, s8, $0x38;
	[tilespmem:$0xA000] =	vst v63  }
0x11: {  	_ =	swait.ge [sflag:s10], $0x2800  }
0x12: {  	[sflag:s10] =	ssyncset.done $0x0  }
0x13: {  	[sflag:s10] =	ssyncadd.s32 $0xFFFFD800  }
0x14: {  	[tilespmem:s12], [sflag:$0x1] =	stream.linear.gather [hbm4b:s3+s2], $0x2800, $0x38;
	[tilespmem:$0xA000] =	vst v63  }
0x15: {  	_ =	swait.ge [sflag:s10], $0x2800  }
0x16: {  	[sflag:s10] =	ssyncset.done $0x0  }
0x17: {  	s15 =	simm.s32 $0x0;
	[sflag:s10] =	ssyncadd.s32 $0xFFFFD800  }
.LBB2_2:
0x18: {  	p0 =	sne.s32 s15, $0x9FC0  }
.Ltmp0:
0x19: {  	_ = 	snop;
	(pc) =	sbr.rel @p0 .LBB2_2-.Ltmp0, $3  }
0x1a: {  	_ =	sdelay $0x1  }
0x1b: {  	s16 =	sshra.s32 s15, $0x2  }
0x1c: {  	s15 =	sadd.s32 $0x40, s15;
	[tilespmem:s16+$0x7800] =	vst v0  }
0x1d: {  	s16 =	simm.s32 $0x0;
	s15 =	simm.s32 $0x40  }
.LBB2_4:
0x1e: {  	p0 =	sne.s32 s15, $0x9FC0;
	v1 =	vld [tilespmem:s16+$0x0];
	_ =	sdelay $0x5  }
0x1f: {  	v2 =	vld [tilespmem:s16+$0x2800];
	_ =	sdelay $0x1  }
0x20: {  	v1 =	vld.idx.msk [tilespmem:v1+s12+$0x0], $0xffff;
	_ =	sdelay $0x1  }
.Ltmp1:
0x21: {  	(pc) =	sbr.rel @p0 .LBB2_4-.Ltmp1, $2  }
0x22: {  	_ =	sdelay $0x2  }
0x23: {  	s16 =	sshra.s32 s15, $0x2;
	s15 =	sadd.s32 $0x40, s15;
	[tilespmem:v2+s13+$0x0] =	vst.idx.add.f32.msk $0xffff, v1  }
0x24: {  	v1 =	vld [tilespmem:s16+$0x0];
	_ =	sdelay $0x4  }
0x25: {  	v2 =	vld [tilespmem:s16+$0x2800];
	_ =	sdelay $0x2  }
0x26: {  	v1 =	vld.idx.msk [tilespmem:v1+s12+$0x0], $0xffff;
	_ =	sdelay $0x2  }
0x27: {  	s14 =	sadd.s32 $0x1, s14  }
0x28: {  	p0 =	sne.s32 s14, s7  }
.Ltmp2:
0x29: {  	[tilespmem:v2+s13+$0x0] =	vst.idx.add.f32.msk $0xffff, v1;
	(pc) =	sbr.rel @p0 .LBB2_1-.Ltmp2, $4  }
0x2a: {  	[hbm4b:s6+s8] =	stream.strided.scatter [tilespmem:s13], [sflag:$0x1], $0x2800, s9, s8, $0x38;
	[tilespmem:$0xA000] =	vst v63  }
0x2b: {  	_ =	swait.ge [sflag:s10], $0x2800  }
0x2c: {  	[sflag:s10] =	ssyncset.done $0x0  }
0x2d: {  	[sflag:s10] =	ssyncadd.s32 $0xFFFFD800  }
0x2e: {  	_ =	sfence.sel $0x180000  }
0x2f: {  	[bflag:$0x0] =	sbarrier.arrive $0xFFFF  }
0x30: {  	p0 =	sne.s32 s0, $0x0;
	_ =	strace $0x90000053  }
0x31: {  	s0 =	sadd.s32 @!p0 $0x100000, s1;
	[bflag:$0x2] =	sbarrier.arrive $0xFFFF  }
0x32: {  	[sflag:s0] =	ssyncadd.tile.s32 @!p0 $0x1;
	_ =	shalt  }
.Lfunc_end2:
_tile_overlayer_lowered:
.L_overlay_start_2:
0x33: {  	(tag) =	ssettag $0x2  }
0x34: {  	s0 =	rddreg [dreg:$0x0];
	s2 =	stileid.u32  }
0x35: {  	s1 =	rddreg [dreg:$0x1];
	p0 =	sne.s32 s2, $0x0  }
0x36: {  	s3 =	rddreg [dreg:$0x2];
	[bflag:$0x3] =	sbarrier.arrive $0xFFFF;
	s2 =	simm.s32 @!p0 $0x1C01  }
0x37: {  	[timem:s3], [sflag:s2] =	dma.local @!p0 [hbm:s0], s1  }
0x38: {  	s0 =	simm.s32 @!p0 $0x1  }
0x39: {  	_ =	swait.ge @!p0 [sflag:s0], s1  }
0x3a: {  	s1 =	ssub.s32 @!p0 $0x0, s1;
	[sflag:s0] =	ssyncset.done @!p0 $0x0  }
0x3b: {  	[sflag:s0] =	ssyncadd.s32 @!p0 s1  }
0x3c: {  	[bflag:$0x3] =	sbarrier.arrive $0xFFFF  }
0x3d: {  	_ =	shalt  }

// kernel: kernel.34.cloned.1.call-start
scs
__scs_entry_jumppad:
0x0: {  	(pc) =	sbr.rel $0x88, $3  }
0x1: {  	(tag) =	ssettag $0x0;
	lr =	simm.s32 $0x1  }
0x2: {  	[smem:$0x3F8B] =	sst lr;
	_ =	strace $0xD0000000  }
0x3: {  	_ = 	snop  }
0x4: {  	_ = 	snop  }
0x5: {  	_ = 	snop  }
0x6: {  	_ = 	snop  }
0x7: {  	_ = 	snop  }
__scs_overlays_trampoline_lowered:
0x8: {  	[smem:$0x3F9A] =	sst s0  }
0x9: {  	[smem:$0x3F9B] =	sst s1  }
0xa: {  	[smem:$0x3F9C] =	sst s2  }
0xb: {  	[smem:$0x3F9D] =	sst s3  }
0xc: {  	[smem:$0x3F9E] =	sst s4  }
0xd: {  	[smem:$0x3F9F] =	sst s5  }
0xe: {  	[smem:$0x3FA0] =	sst s6  }
0xf: {  	[smem:$0x3FA1] =	sst s7  }
0x10: {  	[smem:$0x3FA2] =	sst s8  }
0x11: {  	[smem:$0x3FA3] =	sst s9;
	s0 =	simm.s32 @!p0 $0x0  }
0x12: {  	s1 =	sld [smem:$0x3F89];
	s0 =	simm.s32 @p0 $0x1  }
0x13: {  	[smem:$0x3FA4] =	sst s0;
	s0 =	simm.s32 @!p1 $0x0  }
0x14: {  	s2 =	sld [smem:$0x3F88];
	s0 =	simm.s32 @p1 $0x1  }
0x15: {  	[smem:$0x3FA5] =	sst s0;
	s0 =	simm.s32 @!p2 $0x0  }
0x16: {  	s3 =	sld [smem:$0x3FDB];
	s0 =	simm.s32 @p2 $0x1  }
0x17: {  	s4 =	simm.s32 $0x1BF5;
	[smem:$0x3FA7] =	sst s0  }
0x18: {  	s0 =	sld [smem:$0x3F8A];
	_ =	swait.ge [sflag:s4], $0x0  }
0x19: {  	s7 =	sld [smem:$0x3F8B]  }
0x1a: {  	s8 =	sadd.s32 $0xFFFFE003, lr  }
0x1b: {  	s9 =	sadd.s32 $0xFFFFFEF7, lr;
	s5 =	simm.s32 $0xFFFFFFFF;
	p2 =	slt.u32 s8, $0xFFFFF086  }
0x1c: {  	p1 =	slt.u32 s9, $0xF7A;
	s5 =	simm.s32 @!p2 $0x0  }
0x1d: {  	s5 =	simm.s32 @p1 $0x1;
	p0 =	seq.s32 s7, s2  }
0x1e: {  	s7 =	smul.u32 @!p0 $0xF7A, s2;
	p2 =	seq.s32 @!p0 s5, $0x0  }
0x1f: {  	s9 =	smul.u32 $0xF7A, s1;
	s8 =	simm.s32 @!p0 $0x1BF5;
	p2 =	por !p2, p0  }
0x20: {  	[sflag:s8] =	ssyncset.s32 @!p0 $0xFFFFF086;
	s6 =	sadd.s32 @!p0 s3, s7;
	s7 =	simm.s32 @!p0 $0x108  }
0x21: {  	s3 =	sadd.s32 s3, s9;
	s6 =	sadd.s32 @!p0 $0x88, s6;
	s7 =	simm.s32 @p2 $0x1082  }
0x22: {  	[simem:s7], [sflag:s8] =	dma.local @!p0 [hbm:s6], $0xF7A  }
0x23: {  	s9 =	sor.u32 $0xD0000000, s2;
	s6 =	simm.s32 $0x108;
	_ =	swait.ge @!p0 [sflag:s8], $0x0  }
0x24: {  	s3 =	sadd.s32 $0x88, s3;
	s6 =	simm.s32 @!p1 $0x1082;
	[sflag:s4] =	ssyncset.s32 $0xFFFFF086  }
0x25: {  	[simem:s6], [sflag:s4] =	dma.local [hbm:s3], $0xF7A  }
0x26: {  	[smem:$0x3F8B] =	sst s1;
	(tag) =	ssettag s2;
	_ =	strace s9  }
0x27: {  	s1 =	sld [smem:$0x3F9B]  }
0x28: {  	s2 =	sld [smem:$0x3F9C]  }
0x29: {  	s4 =	sld [smem:$0x3F9E]  }
0x2a: {  	p0 =	seq.s32 s5, $0x0;
	s5 =	sld [smem:$0x3F9F]  }
0x2b: {  	s6 =	sld [smem:$0x3FA0]  }
0x2c: {  	s7 =	sld [smem:$0x3FA1]  }
0x2d: {  	s3 =	simm.s32 $0x108;
	s8 =	sld [smem:$0x3FA2]  }
0x2e: {  	s3 =	simm.s32 @!p0 $0x1082;
	s9 =	sld [smem:$0x3FA3]  }
0x2f: {  	lr =	sadd.s32 s0, s3;
	s0 =	sld [smem:$0x3F9A]  }
0x30: {  	s3 =	sld [smem:$0x3F9D]  }
0x31: {  	[smem:$0x3FA6] =	sst s10  }
0x32: {  	s10 =	sld [smem:$0x3FA4];
	_ =	sdelay $0x3  }
0x33: {  	p0 =	seq.s32 s10, $0x1;
	s10 =	sld [smem:$0x3FA6];
	_ =	sdelay $0x3  }
0x34: {  	[smem:$0x3FA6] =	sst s10  }
0x35: {  	s10 =	sld [smem:$0x3FA5];
	_ =	sdelay $0x3  }
0x36: {  	p1 =	seq.s32 s10, $0x1;
	s10 =	sld [smem:$0x3FA6];
	_ =	sdelay $0x3  }
0x37: {  	[smem:$0x3FA6] =	sst s10  }
0x38: {  	s10 =	sld [smem:$0x3FA7]  }
0x39: {  	_ = 	snop;
	(pc) =	sbr.ind lr, $3  }
0x3a: {  	_ = 	snop  }
0x3b: {  	_ = 	snop  }
0x3c: {  	p2 =	seq.s32 s10, $0x1;
	s10 =	sld [smem:$0x3FA6]  }
0x3d: {  	_ =	shalt  }
0x3e: {  	_ =	shalt  }
0x3f: {  	_ =	shalt  }
0x40: {  	_ =	shalt  }
0x41: {  	_ =	shalt  }
0x42: {  	_ =	shalt  }
0x43: {  	_ =	shalt  }
0x44: {  	_ =	shalt  }
0x45: {  	_ =	shalt  }
0x46: {  	_ =	shalt  }
0x47: {  	_ =	shalt  }
0x48: {  	_ =	shalt  }
0x49: {  	_ =	shalt  }
0x4a: {  	_ =	shalt  }
0x4b: {  	_ =	shalt  }
0x4c: {  	_ =	shalt  }
0x4d: {  	_ =	shalt  }
0x4e: {  	_ =	shalt  }
0x4f: {  	_ =	shalt  }
0x50: {  	_ =	shalt  }
0x51: {  	_ =	shalt  }
0x52: {  	_ =	shalt  }
0x53: {  	_ =	shalt  }
0x54: {  	_ =	shalt  }
0x55: {  	_ =	shalt  }
0x56: {  	_ =	shalt  }
0x57: {  	_ =	shalt  }
0x58: {  	_ =	shalt  }
0x59: {  	_ =	shalt  }
0x5a: {  	_ =	shalt  }
0x5b: {  	_ =	shalt  }
0x5c: {  	_ =	shalt  }
0x5d: {  	_ =	shalt  }
0x5e: {  	_ =	shalt  }
0x5f: {  	_ =	shalt  }
0x60: {  	_ =	shalt  }
0x61: {  	_ =	shalt  }
0x62: {  	_ =	shalt  }
0x63: {  	_ =	shalt  }
0x64: {  	_ =	shalt  }
0x65: {  	_ =	shalt  }
0x66: {  	_ =	shalt  }
0x67: {  	_ =	shalt  }
0x68: {  	_ =	shalt  }
0x69: {  	_ =	shalt  }
0x6a: {  	_ =	shalt  }
0x6b: {  	_ =	shalt  }
0x6c: {  	_ =	shalt  }
0x6d: {  	_ =	shalt  }
0x6e: {  	_ =	shalt  }
0x6f: {  	_ =	shalt  }
0x70: {  	_ =	shalt  }
0x71: {  	_ =	shalt  }
0x72: {  	_ =	shalt  }
0x73: {  	_ =	shalt  }
0x74: {  	_ =	shalt  }
0x75: {  	_ =	shalt  }
0x76: {  	_ =	shalt  }
0x77: {  	_ =	shalt  }
0x78: {  	_ =	shalt  }
0x79: {  	_ =	shalt  }
0x7a: {  	_ =	shalt  }
0x7b: {  	_ =	shalt  }
0x7c: {  	_ =	shalt  }
0x7d: {  	_ =	shalt  }
0x7e: {  	_ =	shalt  }
0x7f: {  	_ =	shalt  }
0x80: {  	_ =	shalt  }
0x81: {  	_ =	shalt  }
0x82: {  	_ =	shalt  }
0x83: {  	_ =	shalt  }
0x84: {  	_ =	shalt  }
0x85: {  	_ =	shalt  }
0x86: {  	_ =	shalt  }
0x87: {  	_ =	shalt  }
.Lfunc_end0:
.L_simem_size_0:
called_computation.5_lowered:
.L_overlay_start_0:
0x88: {  	s2 =	sld [smem:$0x3FD9]  }
0x89: {  	s3 =	sld [smem:$0x3FFE];
	_ =	sdelay $0x1  }
0x8a: {  	s1 =	srdreg.scid  }
0x8b: {  	s0 =	sand.u32 $0x1, s1  }
0x8c: {  	s16 =	sshll.u32 s0, $0xA;
	s2 =	sadd.s32 s3, s2  }
0x8d: {  	s2 =	sadd.s32 s2, s16  }
0x8e: {  	[smem:$0x3FB2] =	sst s2  }
0x8f: {  	_ = 	snop  }
0x90: {  	(tm) =	ssettm $0x1  }
0x91: {  	s17 =	sld [smem:$0x3FFB];
	_ =	sdelay $0x3  }
0x92: {  	_ =	strace s17  }
0x93: {  	s2 =	sld [smem:$0x3FFC];
	_ =	sdelay $0x3  }
0x94: {  	_ =	strace s2  }
0x95: {  	s2 =	sld [smem:$0x3FFD];
	_ =	sdelay $0x3  }
0x96: {  	_ =	strace s2  }
0x97: {  	_ =	strace $0x8FFFFFFF  }
0x98: {  	s18 =	sld [smem:$0x3FDB];
	_ =	sdelay $0x1  }
0x99: {  	s19 =	simm.s32 $_scs_section_size  }
0x9a: {  	s4 =	simm.s32 $_size__tile_overlayer_lowered;
	s5 =	simm.s32 $_tile_overlayer_lowered  }
0x9b: {  	s22 =	simm.s32 $0x1BFF;
	s21 =	sshll.u32 s5, $0x1;
	s2 =	sadd.s32 s19, s18  }
0x9c: {  	s6 =	simm.s32 $0x0;
	s20 =	sshll.u32 s4, $0x1;
	s4 =	sadd.s32 s21, s2  }
0x9d: {  	[timem:s6], [sflag:s22] =	dma.local [hbm:s4], s20  }
0x9e: {  	_ =	swait.ge [sflag:s22], s20  }
0x9f: {  	s3 =	ssub.s32 $0x0, s20;
	[sflag:s22] =	ssyncset.done $0x0  }
0xa0: {  	[sflag:s22] =	ssyncadd.s32 s3;
	_ =	sdelay $0x1  }
0xa1: {  	s23 =	simm.s32 $0x1B8B  }
0xa2: {  	_ =	swait.ge [sflag:s23], $0x1  }
0xa3: {  	[sflag:s23] =	ssyncset.done $0x0  }
0xa4: {  	s25 =	simm.s32 $0x1B8E;
	s24 =	sld [smem:$0x3FFE];
	[sflag:s23] =	ssyncadd.s32 $0xFFFFFFFF  }
0xa5: {  	s26 =	simm.s32 $execute0_lowered;
	[smem:$0x3FD2] =	sst s25  }
0xa6: {  	s4 =	sshll.u32 s26, $0x1;
	_ =	strace $0x80000055;
	[dreg:$0x1] =	wrdreg $0xFFFFFFFF  }
0xa7: {  	s28 =	simm.s32 $_size_execute0_lowered;
	s2 =	sadd.s32 s2, s4;
	[dreg:$0x0] =	wrdreg $0x0  }
0xa8: {  	s4 =	sshll.u32 s28, $0x1;
	[dreg:$0x2] =	wrdreg s2  }
0xa9: {  	[dreg:$0x3] =	wrdreg s4  }
0xaa: {  	[dreg:$0x4] =	wrdreg $0xC0  }
0xab: {  	_ =	task [dreg:s6], $0x5FFFF  }
0xac: {  	[dreg:$0x1] =	wrdreg $0xFFFFFFFF  }
0xad: {  	[dreg:$0x0] =	wrdreg $0x60  }
0xae: {  	[dreg:$0x2] =	wrdreg s24  }
0xaf: {  	[dreg:$0x3] =	wrdreg $0x90000  }
0xb0: {  	[dreg:$0x4] =	wrdreg $0x9  }
0xb1: {  	_ =	task.clear_ibuf [dreg:s6], $0x5FFFF;
	_ =	strace $0x90000055  }
0xb2: {  	s29 =	simm.s32 $0x9;
	_ =	strace $0x80000057  }
0xb3: {  	_ =	swait.ge [sflag:s29], $0x1  }
0xb4: {  	[sflag:s29] =	ssyncadd.s32 $0xFFFFFFFF  }
0xb5: {  	_ =	strace $0x90000057  }
0xb6: {  	_ =	sfence  }
0xb7: {  	s30 =	sld [smem:$0x0];
	_ =	sdelay $0x2  }
0xb8: {  	s31 =	sshll.u32 s1, $0xD;
	s1 =	sshrl.u32 s1, $0x2  }
0xb9: {  	s3 =	sand.u32 $0x4000, s31;
	s1 =	sadd.s32 s1, s30  }
0xba: {  	s0 =	sor.u32 s3, s0;
	s1 =	sshll.u32 s1, $0x11  }
0xbb: {  	s0 =	sor.u32 s1, s0  }
0xbc: {  	s0 =	sadd.s32 $0x8F2B, s0  }
0xbd: {  	[sflag:s0] =	ssyncadd.remote.s32 $0x1  }
0xbe: {  	_ =	sfence.sel $0xFFFF  }
0xbf: {  	[dreg:$0x0] =	wrdreg $0xFFFFFFFF;
	(pc) =	sbr.abs _section_cstart, $3  }
0xc0: {  	[dreg:$0x1] =	wrdreg $0xFFFFFFFF  }
0xc1: {  	_ =	task.clear_ibuf [dreg:s6], $0x2FFFF;
	_ =	strace $0x9FFFFFFF  }
0xc2: {  	(tm) =	ssettm $0x7FFFFFFF  }
0xc3: {  	_ =	shalt  }
tec
execute0_lowered:
.L_overlay_start_1:
0x0: {  	(tag) =	ssettag $0x1  }
0x1: {  	s0 =	srdreg.scid;
	s1 =	rddreg [dreg:$0x0]  }
0x2: {  	s9 =	stileid.u32;
	s2 =	rddreg [dreg:$0x1]  }
0x3: {  	s3 =	simm.s32 $0x0;
	s12 =	simm.s32 $0x100;
	s14 =	simm.s32 $0x880  }
0x4: {  	s28 =	simm.s32 $0x2;
	s29 =	simm.s32 $0x400;
	s30 =	simm.s32 $0xB80  }
0x5: {  	s31 =	simm.s32 $0x480;
	s0 =	sand.u32 $0x1, s0;
	s4 =	smul.u32 $0x5000, s9  }
0x6: {  	[smem:$0x7FF] =	sst s3;
	s6 =	smul.u32 $0x50000, s9;
	s7 =	sadd.s32 $0x8600, s1  }
0x7: {  	s5 =	smul.u32 $0x2800, s0;
	_ =	strace $0x80000056;
	[dreg:$0x11] =	wrdreg s7  }
0x8: {  	s15 =	ssub.s32 $0x2, s0;
	s0 =	smul.u32 $0x140000, s0;
	[dreg:$0x5] =	wrdreg s12  }
0x9: {  	[dreg:$0x6] =	wrdreg s14;
	s12 =	simm.s32 $0xE00;
	s14 =	simm.s32 $0xE80  }
0xa: {  	s8 =	sshrl.u32 s15, $0x1;
	s6 =	sshrl.u32 s6, $0x2;
	s4 =	sadd.s32 s5, s4  }
0xb: {  	s7 =	ssub.s32 s15, s8;
	s18 =	sadd.s32 s6, s2;
	s15 =	simm.s32 $0x180  }
0xc: {  	s6 =	smul.u32 $0x14000, s9;
	s5 =	sshrl.u32 s4, $0x3;
	[dreg:$0x7] =	wrdreg s15  }
0xd: {  	s4 =	sadd.s32 $0x45600, s1;
	s7 =	smax.u32 s7, $0x1;
	[dreg:$0x12] =	wrdreg s18  }
0xe: {  	s16 =	sadd.s32 $0x4000, s18;
	s17 =	sadd.s32 $0x8000, s18;
	[dreg:$0x13] =	wrdreg s7  }
0xf: {  	s19 =	sadd.s32 $0xC000, s18;
	s22 =	sadd.s32 $0x10000, s18;
	[dreg:$0x14] =	wrdreg s16  }
0x10: {  	s15 =	simm.s32 $0x780;
	s5 =	sadd.s32 s5, s1;
	[dreg:$0x15] =	wrdreg s17  }
0x11: {  	s1 =	sadd.s32 $0x103600, s1;
	[dreg:$0x16] =	wrdreg s19;
	s20 =	sadd.s32 s0, s6  }
0x12: {  	s21 =	sadd.s32 $0x4000, s6;
	[dreg:$0x17] =	wrdreg s22;
	s25 =	sadd.s32 $0x8000, s6  }
0x13: {  	s11 =	sadd.s32 $0xC000, s6;
	s16 =	simm.s32 $0x900;
	s17 =	simm.s32 $0x200  }
0x14: {  	s6 =	sadd.s32 $0x10000, s6;
	s19 =	simm.s32 $0x980;
	[dreg:$0x8] =	wrdreg s16  }
0x15: {  	s22 =	simm.s32 $0xA00;
	s7 =	sshrl.u32 s20, $0x3;
	[dreg:$0x9] =	wrdreg s17  }
0x16: {  	s23 =	sadd.s32 s0, s21;
	s8 =	sadd.s32 s21, s2;
	[dreg:$0xa] =	wrdreg s19  }
0x17: {  	s26 =	sadd.s32 s0, s25;
	s9 =	sadd.s32 s25, s2;
	[dreg:$0xc] =	wrdreg s22  }
0x18: {  	s10 =	sadd.s32 $0x3B600, s5;
	s5 =	sadd.s32 $0x31600, s5;
	[dreg:$0x19] =	wrdreg s8  }
0x19: {  	s13 =	sadd.s32 s11, s2;
	s20 =	sadd.s32 s6, s2;
	[dreg:$0x1b] =	wrdreg s9  }
0x1a: {  	s21 =	simm.s32 $0x280;
	s25 =	simm.s32 $0x380;
	[dreg:$0x3] =	wrdreg s10  }
0x1b: {  	s22 =	simm.s32 $0x3;
	s16 =	simm.s32 $0xF00;
	[dreg:$0x4] =	wrdreg s5  }
0x1c: {  	s17 =	simm.s32 $0xF80;
	s19 =	simm.s32 $0x0;
	[dreg:$0x1d] =	wrdreg s13  }
0x1d: {  	s7 =	sadd.s32 s1, s7;
	s24 =	sshrl.u32 s23, $0x3;
	[dreg:$0x1f] =	wrdreg s20  }
0x1e: {  	[dreg:$0xb] =	wrdreg s21;
	s23 =	simm.s32 $0x300;
	s21 =	simm.s32 $0x1000  }
0x1f: {  	[dreg:$0xf] =	wrdreg s25;
	s25 =	simm.s32 $0x1;
	s5 =	simm.s32 $0xC80  }
0x20: {  	s8 =	simm.s32 $0xD00;
	s9 =	simm.s32 $0x600;
	[dreg:$0x18] =	wrdreg s7  }
0x21: {  	s10 =	simm.s32 $0xD80;
	s7 =	sadd.s32 s1, s24;
	[dreg:$0xd] =	wrdreg s23  }
0x22: {  	s13 =	simm.s32 $0x700;
	s24 =	simm.s32 $0xA80;
	[dreg:$0x1a] =	wrdreg s7  }
0x23: {  	s7 =	sshrl.u32 s26, $0x3;
	[dreg:$0xe] =	wrdreg s24;
	s26 =	simm.s32 $0xB00  }
0x24: {  	s23 =	simm.s32 $0x800;
	s7 =	sadd.s32 s1, s7;
	[dreg:$0x10] =	wrdreg s26  }
0x25: {  	s24 =	simm.s32 $0x80;
	[dreg:$0x1c] =	wrdreg s7;
	s7 =	sadd.s32 s0, s11  }
0x26: {  	s26 =	simm.s32 $0x5000;
	s0 =	sadd.s32 s0, s6;
	s7 =	sshrl.u32 s7, $0x3  }
0x27: {  	s11 =	simm.s32 $0x680;
	s0 =	sshrl.u32 s0, $0x3;
	s7 =	sadd.s32 s1, s7  }
0x28: {  	s0 =	sadd.s32 s1, s0;
	s1 =	simm.s32 $0xC00;
	[dreg:$0x1e] =	wrdreg s7  }
0x29: {  	[smem:$0x7FD] =	sst s0;
	s0 =	simm.s32 $0x500;
	s7 =	simm.s32 $0x580  }
.LBB2_1:
0x2a: {  	[smem:$0x7FC] =	sst s19  }
0x2b: {  	s6 =	rddreg [dreg:$0x11]  }
0x2c: {  	[tilespmem:s21], [sflag:$0x3] =	stream.linear.gather [hbm4b:s6+s3], $0x4000, $0x38;
	[tilespmem:$0x1D000] =	vst v63  }
0x2d: {  	_ =	swait.ge [sflag:s22], $0x4000  }
0x2e: {  	[sflag:s22] =	ssyncset.done $0x0  }
0x2f: {  	[sflag:s22] =	ssyncadd.s32 $0xFFFFC000  }
0x30: {  	[spmem:s18] =	stream.linear.scatter [tilespmem:s21], [sflag:$0x3], $0x4000, $0x38;
	[tilespmem:$0x1D000] =	vst v63  }
0x31: {  	_ =	swait.ge [sflag:s22], $0x4000  }
0x32: {  	[sflag:s22] =	ssyncset.done $0x0  }
0x33: {  	s20 =	rddreg [dreg:$0x14];
	[sflag:s22] =	ssyncadd.s32 $0xFFFFC000  }
0x34: {  	[spmem:s20] =	stream.linear.scatter [tilespmem:s21], [sflag:$0x3], $0x4000, $0x38;
	[tilespmem:$0x1D000] =	vst v63  }
0x35: {  	_ =	swait.ge [sflag:s22], $0x4000  }
0x36: {  	[sflag:s22] =	ssyncset.done $0x0  }
0x37: {  	s18 =	rddreg [dreg:$0x15];
	[sflag:s22] =	ssyncadd.s32 $0xFFFFC000  }
0x38: {  	[spmem:s18] =	stream.linear.scatter [tilespmem:s21], [sflag:$0x3], $0x4000, $0x38;
	[tilespmem:$0x1D000] =	vst v63  }
0x39: {  	_ =	swait.ge [sflag:s22], $0x4000  }
0x3a: {  	[sflag:s22] =	ssyncset.done $0x0  }
0x3b: {  	s19 =	rddreg [dreg:$0x16];
	[sflag:s22] =	ssyncadd.s32 $0xFFFFC000  }
0x3c: {  	[spmem:s19] =	stream.linear.scatter [tilespmem:s21], [sflag:$0x3], $0x4000, $0x38;
	[tilespmem:$0x1D000] =	vst v63  }
0x3d: {  	_ =	swait.ge [sflag:s22], $0x4000  }
0x3e: {  	[sflag:s22] =	ssyncset.done $0x0  }
0x3f: {  	s20 =	rddreg [dreg:$0x17];
	[sflag:s22] =	ssyncadd.s32 $0xFFFFC000  }
0x40: {  	[spmem:s20] =	stream.linear.scatter [tilespmem:s21], [sflag:$0x3], $0x4000, $0x38;
	[tilespmem:$0x1D000] =	vst v63  }
0x41: {  	_ =	swait.ge [sflag:s22], $0x4000  }
0x42: {  	[sflag:s22] =	ssyncset.done $0x0  }
0x43: {  	[sflag:s22] =	ssyncadd.s32 $0xFFFFC000  }
0x44: {  	[bflag:$0x0] =	sbarrier.arrive $0xFFFF  }
0x45: {  	s18 =	rddreg [dreg:$0x4]  }
0x46: {  	s6 =	sadd.s32 $0x0, s18  }
0x47: {  	[tilespmem:s3], [sflag:$0x3] =	stream.linear.gather [hbm4b:s6+s3], $0x800, $0x38;
	[tilespmem:$0x1D000] =	vst v63  }
0x48: {  	_ =	swait.ge [sflag:s22], $0x800  }
0x49: {  	s19 =	rddreg [dreg:$0x3];
	[sflag:s22] =	ssyncset.done $0x0  }
0x4a: {  	[sflag:s22] =	ssyncadd.s32 $0xFFFFF800;
	s6 =	sadd.s32 $0x0, s19  }
0x4b: {  	[tilespmem:s23], [sflag:$0x3] =	stream.linear.gather [hbm4b:s6+s3], $0x800, $0x38;
	[tilespmem:$0x1D000] =	vst v63  }
0x4c: {  	_ =	swait.ge [sflag:s22], $0x800  }
0x4d: {  	[sflag:s22] =	ssyncset.done $0x0  }
0x4e: {  	[sflag:s22] =	ssyncadd.s32 $0xFFFFF800  }
0x4f: {  	[tilespmem:s21], [sflag:$0x1] =	stream.indirect.gather [hbm4b:s4+s24], $0x80, s3, s24, $0xb8;
	[tilespmem:$0x1D000] =	vst v63  }
0x50: {  	_ =	swait.ge [sflag:s25], $0x4000  }
0x51: {  	[sflag:s25] =	ssyncset.done $0x0  }
0x52: {  	[sflag:s25] =	ssyncadd.s32 $0xFFFFC000  }
0x53: {  	[tilespmem:s26], [sflag:$0x2] =	stream.indirect.gather [hbm4b:s4+s24], $0x80, s24, s24, $0xb8;
	[tilespmem:$0x1D000] =	vst v63  }
0x54: {  	_ = 	snop  }
0x55: {  	[spmem:s2] =	stream.indirect.scatter.add.f32 [tilespmem:s21], [sflag:$0x3], $0x80, s23, s24, $0xb8;
	[tilespmem:$0x1D000] =	vst v63  }
0x56: {  	_ =	swait.ge [sflag:s22], $0x4000  }
0x57: {  	[sflag:s22] =	ssyncset.done $0x0  }
0x58: {  	[sflag:s22] =	ssyncadd.s32 $0xFFFFC000  }
0x59: {  	_ =	swait.ge [sflag:s28], $0x4000  }
0x5a: {  	[sflag:s28] =	ssyncset.done $0x0  }
0x5b: {  	s20 =	rddreg [dreg:$0x5];
	[sflag:s28] =	ssyncadd.s32 $0xFFFFC000  }
0x5c: {  	[tilespmem:s21], [sflag:$0x1] =	stream.indirect.gather [hbm4b:s4+s24], $0x80, s20, s24, $0xb8;
	[tilespmem:$0x1D000] =	vst v63  }
0x5d: {  	s18 =	rddreg [dreg:$0x6]  }
0x5e: {  	[spmem:s2] =	stream.indirect.scatter.add.f32 [tilespmem:s26], [sflag:$0x3], $0x80, s18, s24, $0xb8;
	[tilespmem:$0x1D000] =	vst v63  }
0x5f: {  	_ =	swait.ge [sflag:s22], $0x4000  }
0x60: {  	[sflag:s22] =	ssyncset.done $0x0  }
0x61: {  	[sflag:s22] =	ssyncadd.s32 $0xFFFFC000  }
0x62: {  	_ =	swait.ge [sflag:s25], $0x4000  }
0x63: {  	[sflag:s25] =	ssyncset.done $0x0  }
0x64: {  	s20 =	rddreg [dreg:$0x7];
	[sflag:s25] =	ssyncadd.s32 $0xFFFFC000  }
0x65: {  	[tilespmem:s26], [sflag:$0x2] =	stream.indirect.gather [hbm4b:s4+s24], $0x80, s20, s24, $0xb8;
	[tilespmem:$0x1D000] =	vst v63  }
0x66: {  	s18 =	rddreg [dreg:$0x8]  }
0x67: {  	[spmem:s2] =	stream.indirect.scatter.add.f32 [tilespmem:s21], [sflag:$0x3], $0x80, s18, s24, $0xb8;
	[tilespmem:$0x1D000] =	vst v63  }
0x68: {  	_ =	swait.ge [sflag:s22], $0x4000  }
0x69: {  	[sflag:s22] =	ssyncset.done $0x0  }
0x6a: {  	[sflag:s22] =	ssyncadd.s32 $0xFFFFC000  }
0x6b: {  	_ =	swait.ge [sflag:s28], $0x4000  }
0x6c: {  	[sflag:s28] =	ssyncset.done $0x0  }
0x6d: {  	s20 =	rddreg [dreg:$0x9];
	[sflag:s28] =	ssyncadd.s32 $0xFFFFC000  }
0x6e: {  	[tilespmem:s21], [sflag:$0x1] =	stream.indirect.gather [hbm4b:s4+s24], $0x80, s20, s24, $0xb8;
	[tilespmem:$0x1D000] =	vst v63  }
0x6f: {  	s18 =	rddreg [dreg:$0xa]  }
0x70: {  	[spmem:s2] =	stream.indirect.scatter.add.f32 [tilespmem:s26], [sflag:$0x3], $0x80, s18, s24, $0xb8;
	[tilespmem:$0x1D000] =	vst v63  }
0x71: {  	_ =	swait.ge [sflag:s22], $0x4000  }
0x72: {  	[sflag:s22] =	ssyncset.done $0x0  }
0x73: {  	[sflag:s22] =	ssyncadd.s32 $0xFFFFC000  }
0x74: {  	_ =	swait.ge [sflag:s25], $0x4000  }
0x75: {  	[sflag:s25] =	ssyncset.done $0x0  }
0x76: {  	s20 =	rddreg [dreg:$0xb];
	[sflag:s25] =	ssyncadd.s32 $0xFFFFC000  }
0x77: {  	[tilespmem:s26], [sflag:$0x2] =	stream.indirect.gather [hbm4b:s4+s24], $0x80, s20, s24, $0xb8;
	[tilespmem:$0x1D000] =	vst v63  }
0x78: {  	s18 =	rddreg [dreg:$0xc]  }
0x79: {  	[spmem:s2] =	stream.indirect.scatter.add.f32 [tilespmem:s21], [sflag:$0x3], $0x80, s18, s24, $0xb8;
	[tilespmem:$0x1D000] =	vst v63  }
0x7a: {  	_ =	swait.ge [sflag:s22], $0x4000  }
0x7b: {  	[sflag:s22] =	ssyncset.done $0x0  }
0x7c: {  	[sflag:s22] =	ssyncadd.s32 $0xFFFFC000  }
0x7d: {  	_ =	swait.ge [sflag:s28], $0x4000  }
0x7e: {  	[sflag:s28] =	ssyncset.done $0x0  }
0x7f: {  	s20 =	rddreg [dreg:$0xd];
	[sflag:s28] =	ssyncadd.s32 $0xFFFFC000  }
0x80: {  	[tilespmem:s21], [sflag:$0x1] =	stream.indirect.gather [hbm4b:s4+s24], $0x80, s20, s24, $0xb8;
	[tilespmem:$0x1D000] =	vst v63  }
0x81: {  	s18 =	rddreg [dreg:$0xe]  }
0x82: {  	[spmem:s2] =	stream.indirect.scatter.add.f32 [tilespmem:s26], [sflag:$0x3], $0x80, s18, s24, $0xb8;
	[tilespmem:$0x1D000] =	vst v63  }
0x83: {  	_ =	swait.ge [sflag:s22], $0x4000  }
0x84: {  	[sflag:s22] =	ssyncset.done $0x0  }
0x85: {  	[sflag:s22] =	ssyncadd.s32 $0xFFFFC000  }
0x86: {  	_ =	swait.ge [sflag:s25], $0x4000  }
0x87: {  	[sflag:s25] =	ssyncset.done $0x0  }
0x88: {  	s19 =	rddreg [dreg:$0xf];
	[sflag:s25] =	ssyncadd.s32 $0xFFFFC000  }
0x89: {  	[tilespmem:s26], [sflag:$0x2] =	stream.indirect.gather [hbm4b:s4+s24], $0x80, s19, s24, $0xb8;
	[tilespmem:$0x1D000] =	vst v63  }
0x8a: {  	s20 =	rddreg [dreg:$0x10]  }
0x8b: {  	[spmem:s2] =	stream.indirect.scatter.add.f32 [tilespmem:s21], [sflag:$0x3], $0x80, s20, s24, $0xb8;
	[tilespmem:$0x1D000] =	vst v63  }
0x8c: {  	_ =	swait.ge [sflag:s22], $0x4000  }
0x8d: {  	[sflag:s22] =	ssyncset.done $0x0  }
0x8e: {  	[sflag:s22] =	ssyncadd.s32 $0xFFFFC000  }
0x8f: {  	_ =	swait.ge [sflag:s28], $0x4000  }
0x90: {  	[sflag:s28] =	ssyncset.done $0x0  }
0x91: {  	[sflag:s28] =	ssyncadd.s32 $0xFFFFC000  }
0x92: {  	[tilespmem:s21], [sflag:$0x1] =	stream.indirect.gather [hbm4b:s4+s24], $0x80, s29, s24, $0xb8;
	[tilespmem:$0x1D000] =	vst v63  }
0x93: {  	_ = 	snop  }
0x94: {  	[spmem:s2] =	stream.indirect.scatter.add.f32 [tilespmem:s26], [sflag:$0x3], $0x80, s30, s24, $0xb8;
	[tilespmem:$0x1D000] =	vst v63  }
0x95: {  	_ =	swait.ge [sflag:s22], $0x4000  }
0x96: {  	[sflag:s22] =	ssyncset.done $0x0  }
0x97: {  	[sflag:s22] =	ssyncadd.s32 $0xFFFFC000  }
0x98: {  	_ =	swait.ge [sflag:s25], $0x4000  }
0x99: {  	[sflag:s25] =	ssyncset.done $0x0  }
0x9a: {  	[sflag:s25] =	ssyncadd.s32 $0xFFFFC000  }
0x9b: {  	[tilespmem:s26], [sflag:$0x2] =	stream.indirect.gather [hbm4b:s4+s24], $0x80, s31, s24, $0xb8;
	[tilespmem:$0x1D000] =	vst v63  }
0x9c: {  	_ = 	snop  }
0x9d: {  	[spmem:s2] =	stream.indirect.scatter.add.f32 [tilespmem:s21], [sflag:$0x3], $0x80, s1, s24, $0xb8;
	[tilespmem:$0x1D000] =	vst v63  }
0x9e: {  	_ =	swait.ge [sflag:s22], $0x4000  }
0x9f: {  	[sflag:s22] =	ssyncset.done $0x0  }
0xa0: {  	[sflag:s22] =	ssyncadd.s32 $0xFFFFC000  }
0xa1: {  	_ =	swait.ge [sflag:s28], $0x4000  }
0xa2: {  	[sflag:s28] =	ssyncset.done $0x0  }
0xa3: {  	[sflag:s28] =	ssyncadd.s32 $0xFFFFC000  }
0xa4: {  	[tilespmem:s21], [sflag:$0x1] =	stream.indirect.gather [hbm4b:s4+s24], $0x80, s0, s24, $0xb8;
	[tilespmem:$0x1D000] =	vst v63  }
0xa5: {  	_ = 	snop  }
0xa6: {  	[spmem:s2] =	stream.indirect.scatter.add.f32 [tilespmem:s26], [sflag:$0x3], $0x80, s5, s24, $0xb8;
	[tilespmem:$0x1D000] =	vst v63  }
0xa7: {  	_ =	swait.ge [sflag:s22], $0x4000  }
0xa8: {  	[sflag:s22] =	ssyncset.done $0x0  }
0xa9: {  	[sflag:s22] =	ssyncadd.s32 $0xFFFFC000  }
0xaa: {  	_ =	swait.ge [sflag:s25], $0x4000  }
0xab: {  	[sflag:s25] =	ssyncset.done $0x0  }
0xac: {  	[sflag:s25] =	ssyncadd.s32 $0xFFFFC000  }
0xad: {  	[tilespmem:s26], [sflag:$0x2] =	stream.indirect.gather [hbm4b:s4+s24], $0x80, s7, s24, $0xb8;
	[tilespmem:$0x1D000] =	vst v63  }
0xae: {  	_ = 	snop  }
0xaf: {  	[spmem:s2] =	stream.indirect.scatter.add.f32 [tilespmem:s21], [sflag:$0x3], $0x80, s8, s24, $0xb8;
	[tilespmem:$0x1D000] =	vst v63  }
0xb0: {  	_ =	swait.ge [sflag:s22], $0x4000  }
0xb1: {  	[sflag:s22] =	ssyncset.done $0x0  }
0xb2: {  	[sflag:s22] =	ssyncadd.s32 $0xFFFFC000  }
0xb3: {  	_ =	swait.ge [sflag:s28], $0x4000  }
0xb4: {  	[sflag:s28] =	ssyncset.done $0x0  }
0xb5: {  	[sflag:s28] =	ssyncadd.s32 $0xFFFFC000  }
0xb6: {  	[tilespmem:s21], [sflag:$0x1] =	stream.indirect.gather [hbm4b:s4+s24], $0x80, s9, s24, $0xb8;
	[tilespmem:$0x1D000] =	vst v63  }
0xb7: {  	_ = 	snop  }
0xb8: {  	[spmem:s2] =	stream.indirect.scatter.add.f32 [tilespmem:s26], [sflag:$0x3], $0x80, s10, s24, $0xb8;
	[tilespmem:$0x1D000] =	vst v63  }
0xb9: {  	_ =	swait.ge [sflag:s22], $0x4000  }
0xba: {  	[sflag:s22] =	ssyncset.done $0x0  }
0xbb: {  	[sflag:s22] =	ssyncadd.s32 $0xFFFFC000  }
0xbc: {  	_ =	swait.ge [sflag:s25], $0x4000  }
0xbd: {  	[sflag:s25] =	ssyncset.done $0x0  }
0xbe: {  	[sflag:s25] =	ssyncadd.s32 $0xFFFFC000  }
0xbf: {  	[tilespmem:s26], [sflag:$0x2] =	stream.indirect.gather [hbm4b:s4+s24], $0x80, s11, s24, $0xb8;
	[tilespmem:$0x1D000] =	vst v63  }
0xc0: {  	_ = 	snop  }
0xc1: {  	[spmem:s2] =	stream.indirect.scatter.add.f32 [tilespmem:s21], [sflag:$0x3], $0x80, s12, s24, $0xb8;
	[tilespmem:$0x1D000] =	vst v63  }
0xc2: {  	_ =	swait.ge [sflag:s22], $0x4000  }
0xc3: {  	[sflag:s22] =	ssyncset.done $0x0  }
0xc4: {  	[sflag:s22] =	ssyncadd.s32 $0xFFFFC000  }
0xc5: {  	_ =	swait.ge [sflag:s28], $0x4000  }
0xc6: {  	[sflag:s28] =	ssyncset.done $0x0  }
0xc7: {  	[sflag:s28] =	ssyncadd.s32 $0xFFFFC000  }
0xc8: {  	[tilespmem:s21], [sflag:$0x1] =	stream.indirect.gather [hbm4b:s4+s24], $0x80, s13, s24, $0xb8;
	[tilespmem:$0x1D000] =	vst v63  }
0xc9: {  	_ = 	snop  }
0xca: {  	[spmem:s2] =	stream.indirect.scatter.add.f32 [tilespmem:s26], [sflag:$0x3], $0x80, s14, s24, $0xb8;
	[tilespmem:$0x1D000] =	vst v63  }
0xcb: {  	_ =	swait.ge [sflag:s22], $0x4000  }
0xcc: {  	[sflag:s22] =	ssyncset.done $0x0  }
0xcd: {  	[sflag:s22] =	ssyncadd.s32 $0xFFFFC000  }
0xce: {  	_ =	swait.ge [sflag:s25], $0x4000  }
0xcf: {  	[sflag:s25] =	ssyncset.done $0x0  }
0xd0: {  	[sflag:s25] =	ssyncadd.s32 $0xFFFFC000  }
0xd1: {  	[tilespmem:s26], [sflag:$0x2] =	stream.indirect.gather [hbm4b:s4+s24], $0x80, s15, s24, $0xb8;
	[tilespmem:$0x1D000] =	vst v63  }
0xd2: {  	_ = 	snop  }
0xd3: {  	[spmem:s2] =	stream.indirect.scatter.add.f32 [tilespmem:s21], [sflag:$0x3], $0x80, s16, s24, $0xb8;
	[tilespmem:$0x1D000] =	vst v63  }
0xd4: {  	_ =	swait.ge [sflag:s22], $0x4000  }
0xd5: {  	[sflag:s22] =	ssyncset.done $0x0  }
0xd6: {  	[sflag:s22] =	ssyncadd.s32 $0xFFFFC000  }
0xd7: {  	_ =	swait.ge [sflag:s28], $0x4000  }
0xd8: {  	[sflag:s28] =	ssyncset.done $0x0  }
0xd9: {  	[sflag:s28] =	ssyncadd.s32 $0xFFFFC000  }
0xda: {  	[tilespmem:s21], [sflag:$0x1] =	stream.indirect.gather [hbm4b:s4+s24], $0x80, s15, s24, $0xb8;
	[tilespmem:$0x1D000] =	vst v63  }
0xdb: {  	_ = 	snop  }
0xdc: {  	[spmem:s2] =	stream.indirect.scatter.add.f32 [tilespmem:s26], [sflag:$0x3], $0x80, s17, s24, $0xb8;
	[tilespmem:$0x1D000] =	vst v63  }
0xdd: {  	_ =	swait.ge [sflag:s22], $0x4000  }
0xde: {  	[sflag:s22] =	ssyncset.done $0x0  }
0xdf: {  	[sflag:s22] =	ssyncadd.s32 $0xFFFFC000  }
0xe0: {  	s19 =	simm.s32 $0x100;
	_ =	swait.ge [sflag:s25], $0x4000  }
0xe1: {  	s20 =	simm.s32 $0x200;
	s6 =	rddreg [dreg:$0x4];
	[sflag:s25] =	ssyncset.done $0x0  }
.LBB2_2:
0xe2: {  	[sflag:s25] =	ssyncadd.s32 $0xFFFFC000;
	s6 =	sadd.s32 s19, s6  }
0xe3: {  	[tilespmem:s3], [sflag:$0x3] =	stream.linear.gather [hbm4b:s6+s3], $0x800, $0x38;
	[tilespmem:$0x1D000] =	vst v63  }
0xe4: {  	_ =	swait.ge [sflag:s22], $0x800  }
0xe5: {  	s6 =	rddreg [dreg:$0x3];
	[sflag:s22] =	ssyncset.done $0x0  }
0xe6: {  	[sflag:s22] =	ssyncadd.s32 $0xFFFFF800;
	s6 =	sadd.s32 s19, s6  }
0xe7: {  	[tilespmem:s23], [sflag:$0x3] =	stream.linear.gather [hbm4b:s6+s3], $0x800, $0x38;
	[tilespmem:$0x1D000] =	vst v63  }
0xe8: {  	_ =	swait.ge [sflag:s22], $0x800  }
0xe9: {  	[sflag:s22] =	ssyncset.done $0x0  }
0xea: {  	[sflag:s22] =	ssyncadd.s32 $0xFFFFF800  }
0xeb: {  	[tilespmem:s21], [sflag:$0x1] =	stream.indirect.gather [hbm4b:s4+s24], $0x80, s3, s24, $0xb8;
	[tilespmem:$0x1D000] =	vst v63  }
0xec: {  	_ =	swait.ge [sflag:s25], $0x4000  }
0xed: {  	[sflag:s25] =	ssyncset.done $0x0  }
0xee: {  	[sflag:s25] =	ssyncadd.s32 $0xFFFFC000  }
0xef: {  	[tilespmem:s26], [sflag:$0x2] =	stream.indirect.gather [hbm4b:s4+s24], $0x80, s24, s24, $0xb8;
	[tilespmem:$0x1D000] =	vst v63  }
0xf0: {  	_ = 	snop  }
0xf1: {  	[spmem:s2] =	stream.indirect.scatter.add.f32 [tilespmem:s21], [sflag:$0x3], $0x80, s23, s24, $0xb8;
	[tilespmem:$0x1D000] =	vst v63  }
0xf2: {  	_ =	swait.ge [sflag:s22], $0x4000  }
0xf3: {  	[sflag:s22] =	ssyncset.done $0x0  }
0xf4: {  	[sflag:s22] =	ssyncadd.s32 $0xFFFFC000  }
0xf5: {  	_ =	swait.ge [sflag:s28], $0x4000  }
0xf6: {  	[sflag:s28] =	ssyncset.done $0x0  }
0xf7: {  	s18 =	smov.u32 s20;
	s6 =	rddreg [dreg:$0x5];
	[sflag:s28] =	ssyncadd.s32 $0xFFFFC000  }
0xf8: {  	[tilespmem:s21], [sflag:$0x1] =	stream.indirect.gather [hbm4b:s4+s24], $0x80, s6, s24, $0xb8;
	[tilespmem:$0x1D000] =	vst v63  }
0xf9: {  	s19 =	smov.u32 s18;
	s18 =	rddreg [dreg:$0x6]  }
0xfa: {  	[spmem:s2] =	stream.indirect.scatter.add.f32 [tilespmem:s26], [sflag:$0x3], $0x80, s18, s24, $0xb8;
	[tilespmem:$0x1D000] =	vst v63  }
0xfb: {  	_ =	swait.ge [sflag:s22], $0x4000  }
0xfc: {  	[sflag:s22] =	ssyncset.done $0x0  }
0xfd: {  	[sflag:s22] =	ssyncadd.s32 $0xFFFFC000  }
0xfe: {  	_ =	swait.ge [sflag:s25], $0x4000  }
0xff: {  	[sflag:s25] =	ssyncset.done $0x0  }
0x100: {  	s6 =	rddreg [dreg:$0x7];
	[sflag:s25] =	ssyncadd.s32 $0xFFFFC000  }
0x101: {  	[tilespmem:s26], [sflag:$0x2] =	stream.indirect.gather [hbm4b:s4+s24], $0x80, s6, s24, $0xb8;
	[tilespmem:$0x1D000] =	vst v63  }
0x102: {  	s18 =	rddreg [dreg:$0x8]  }
0x103: {  	[spmem:s2] =	stream.indirect.scatter.add.f32 [tilespmem:s21], [sflag:$0x3], $0x80, s18, s24, $0xb8;
	[tilespmem:$0x1D000] =	vst v63  }
0x104: {  	_ =	swait.ge [sflag:s22], $0x4000  }
0x105: {  	[sflag:s22] =	ssyncset.done $0x0  }
0x106: {  	[sflag:s22] =	ssyncadd.s32 $0xFFFFC000  }
0x107: {  	_ =	swait.ge [sflag:s28], $0x4000  }
0x108: {  	[sflag:s28] =	ssyncset.done $0x0  }
0x109: {  	s6 =	rddreg [dreg:$0x9];
	[sflag:s28] =	ssyncadd.s32 $0xFFFFC000  }
0x10a: {  	[tilespmem:s21], [sflag:$0x1] =	stream.indirect.gather [hbm4b:s4+s24], $0x80, s6, s24, $0xb8;
	[tilespmem:$0x1D000] =	vst v63  }
0x10b: {  	s18 =	rddreg [dreg:$0xa]  }
0x10c: {  	[spmem:s2] =	stream.indirect.scatter.add.f32 [tilespmem:s26], [sflag:$0x3], $0x80, s18, s24, $0xb8;
	[tilespmem:$0x1D000] =	vst v63  }
0x10d: {  	_ =	swait.ge [sflag:s22], $0x4000  }
0x10e: {  	[sflag:s22] =	ssyncset.done $0x0  }
0x10f: {  	[sflag:s22] =	ssyncadd.s32 $0xFFFFC000  }
0x110: {  	_ =	swait.ge [sflag:s25], $0x4000  }
0x111: {  	[sflag:s25] =	ssyncset.done $0x0  }
0x112: {  	s6 =	rddreg [dreg:$0xb];
	[sflag:s25] =	ssyncadd.s32 $0xFFFFC000  }
0x113: {  	[tilespmem:s26], [sflag:$0x2] =	stream.indirect.gather [hbm4b:s4+s24], $0x80, s6, s24, $0xb8;
	[tilespmem:$0x1D000] =	vst v63  }
0x114: {  	s18 =	rddreg [dreg:$0xc]  }
0x115: {  	[spmem:s2] =	stream.indirect.scatter.add.f32 [tilespmem:s21], [sflag:$0x3], $0x80, s18, s24, $0xb8;
	[tilespmem:$0x1D000] =	vst v63  }
0x116: {  	_ =	swait.ge [sflag:s22], $0x4000  }
0x117: {  	[sflag:s22] =	ssyncset.done $0x0  }
0x118: {  	[sflag:s22] =	ssyncadd.s32 $0xFFFFC000  }
0x119: {  	_ =	swait.ge [sflag:s28], $0x4000  }
0x11a: {  	[sflag:s28] =	ssyncset.done $0x0  }
0x11b: {  	s6 =	rddreg [dreg:$0xd];
	[sflag:s28] =	ssyncadd.s32 $0xFFFFC000  }
0x11c: {  	[tilespmem:s21], [sflag:$0x1] =	stream.indirect.gather [hbm4b:s4+s24], $0x80, s6, s24, $0xb8;
	[tilespmem:$0x1D000] =	vst v63  }
0x11d: {  	s18 =	rddreg [dreg:$0xe]  }
0x11e: {  	[spmem:s2] =	stream.indirect.scatter.add.f32 [tilespmem:s26], [sflag:$0x3], $0x80, s18, s24, $0xb8;
	[tilespmem:$0x1D000] =	vst v63  }
0x11f: {  	_ =	swait.ge [sflag:s22], $0x4000  }
0x120: {  	[sflag:s22] =	ssyncset.done $0x0  }
0x121: {  	[sflag:s22] =	ssyncadd.s32 $0xFFFFC000  }
0x122: {  	_ =	swait.ge [sflag:s25], $0x4000  }
0x123: {  	[sflag:s25] =	ssyncset.done $0x0  }
0x124: {  	s6 =	rddreg [dreg:$0xf];
	[sflag:s25] =	ssyncadd.s32 $0xFFFFC000  }
0x125: {  	[tilespmem:s26], [sflag:$0x2] =	stream.indirect.gather [hbm4b:s4+s24], $0x80, s6, s24, $0xb8;
	[tilespmem:$0x1D000] =	vst v63  }
0x126: {  	s18 =	rddreg [dreg:$0x10]  }
0x127: {  	[spmem:s2] =	stream.indirect.scatter.add.f32 [tilespmem:s21], [sflag:$0x3], $0x80, s18, s24, $0xb8;
	[tilespmem:$0x1D000] =	vst v63  }
0x128: {  	_ =	swait.ge [sflag:s22], $0x4000  }
0x129: {  	[sflag:s22] =	ssyncset.done $0x0  }
0x12a: {  	[sflag:s22] =	ssyncadd.s32 $0xFFFFC000  }
0x12b: {  	_ =	swait.ge [sflag:s28], $0x4000  }
0x12c: {  	[sflag:s28] =	ssyncset.done $0x0  }
0x12d: {  	[sflag:s28] =	ssyncadd.s32 $0xFFFFC000  }
0x12e: {  	[tilespmem:s21], [sflag:$0x1] =	stream.indirect.gather [hbm4b:s4+s24], $0x80, s29, s24, $0xb8;
	[tilespmem:$0x1D000] =	vst v63  }
0x12f: {  	_ = 	snop  }
0x130: {  	[spmem:s2] =	stream.indirect.scatter.add.f32 [tilespmem:s26], [sflag:$0x3], $0x80, s30, s24, $0xb8;
	[tilespmem:$0x1D000] =	vst v63  }
0x131: {  	_ =	swait.ge [sflag:s22], $0x4000  }
0x132: {  	[sflag:s22] =	ssyncset.done $0x0  }
0x133: {  	[sflag:s22] =	ssyncadd.s32 $0xFFFFC000  }
0x134: {  	_ =	swait.ge [sflag:s25], $0x4000  }
0x135: {  	[sflag:s25] =	ssyncset.done $0x0  }
0x136: {  	[sflag:s25] =	ssyncadd.s32 $0xFFFFC000  }
0x137: {  	[tilespmem:s26], [sflag:$0x2] =	stream.indirect.gather [hbm4b:s4+s24], $0x80, s31, s24, $0xb8;
	[tilespmem:$0x1D000] =	vst v63  }
0x138: {  	_ = 	snop  }
0x139: {  	[spmem:s2] =	stream.indirect.scatter.add.f32 [tilespmem:s21], [sflag:$0x3], $0x80, s1, s24, $0xb8;
	[tilespmem:$0x1D000] =	vst v63  }
0x13a: {  	_ =	swait.ge [sflag:s22], $0x4000  }
0x13b: {  	[sflag:s22] =	ssyncset.done $0x0  }
0x13c: {  	[sflag:s22] =	ssyncadd.s32 $0xFFFFC000  }
0x13d: {  	_ =	swait.ge [sflag:s28], $0x4000  }
0x13e: {  	[sflag:s28] =	ssyncset.done $0x0  }
0x13f: {  	[sflag:s28] =	ssyncadd.s32 $0xFFFFC000  }
0x140: {  	[tilespmem:s21], [sflag:$0x1] =	stream.indirect.gather [hbm4b:s4+s24], $0x80, s0, s24, $0xb8;
	[tilespmem:$0x1D000] =	vst v63  }
0x141: {  	_ = 	snop  }
0x142: {  	[spmem:s2] =	stream.indirect.scatter.add.f32 [tilespmem:s26], [sflag:$0x3], $0x80, s5, s24, $0xb8;
	[tilespmem:$0x1D000] =	vst v63  }
0x143: {  	_ =	swait.ge [sflag:s22], $0x4000  }
0x144: {  	[sflag:s22] =	ssyncset.done $0x0  }
0x145: {  	[sflag:s22] =	ssyncadd.s32 $0xFFFFC000  }
0x146: {  	_ =	swait.ge [sflag:s25], $0x4000  }
0x147: {  	[sflag:s25] =	ssyncset.done $0x0  }
0x148: {  	[sflag:s25] =	ssyncadd.s32 $0xFFFFC000  }
0x149: {  	[tilespmem:s26], [sflag:$0x2] =	stream.indirect.gather [hbm4b:s4+s24], $0x80, s7, s24, $0xb8;
	[tilespmem:$0x1D000] =	vst v63  }
0x14a: {  	_ = 	snop  }
0x14b: {  	[spmem:s2] =	stream.indirect.scatter.add.f32 [tilespmem:s21], [sflag:$0x3], $0x80, s8, s24, $0xb8;
	[tilespmem:$0x1D000] =	vst v63  }
0x14c: {  	_ =	swait.ge [sflag:s22], $0x4000  }
0x14d: {  	[sflag:s22] =	ssyncset.done $0x0  }
0x14e: {  	[sflag:s22] =	ssyncadd.s32 $0xFFFFC000  }
0x14f: {  	_ =	swait.ge [sflag:s28], $0x4000  }
0x150: {  	[sflag:s28] =	ssyncset.done $0x0  }
0x151: {  	[sflag:s28] =	ssyncadd.s32 $0xFFFFC000  }
0x152: {  	[tilespmem:s21], [sflag:$0x1] =	stream.indirect.gather [hbm4b:s4+s24], $0x80, s9, s24, $0xb8;
	[tilespmem:$0x1D000] =	vst v63  }
0x153: {  	_ = 	snop  }
0x154: {  	[spmem:s2] =	stream.indirect.scatter.add.f32 [tilespmem:s26], [sflag:$0x3], $0x80, s10, s24, $0xb8;
	[tilespmem:$0x1D000] =	vst v63  }
0x155: {  	_ =	swait.ge [sflag:s22], $0x4000  }
0x156: {  	[sflag:s22] =	ssyncset.done $0x0  }
0x157: {  	[sflag:s22] =	ssyncadd.s32 $0xFFFFC000  }
0x158: {  	_ =	swait.ge [sflag:s25], $0x4000  }
0x159: {  	[sflag:s25] =	ssyncset.done $0x0  }
0x15a: {  	[sflag:s25] =	ssyncadd.s32 $0xFFFFC000  }
0x15b: {  	[tilespmem:s26], [sflag:$0x2] =	stream.indirect.gather [hbm4b:s4+s24], $0x80, s11, s24, $0xb8;
	[tilespmem:$0x1D000] =	vst v63  }
0x15c: {  	_ = 	snop  }
0x15d: {  	[spmem:s2] =	stream.indirect.scatter.add.f32 [tilespmem:s21], [sflag:$0x3], $0x80, s12, s24, $0xb8;
	[tilespmem:$0x1D000] =	vst v63  }
0x15e: {  	_ =	swait.ge [sflag:s22], $0x4000  }
0x15f: {  	[sflag:s22] =	ssyncset.done $0x0  }
0x160: {  	[sflag:s22] =	ssyncadd.s32 $0xFFFFC000  }
0x161: {  	_ =	swait.ge [sflag:s28], $0x4000  }
0x162: {  	[sflag:s28] =	ssyncset.done $0x0  }
0x163: {  	[sflag:s28] =	ssyncadd.s32 $0xFFFFC000  }
0x164: {  	[tilespmem:s21], [sflag:$0x1] =	stream.indirect.gather [hbm4b:s4+s24], $0x80, s13, s24, $0xb8;
	[tilespmem:$0x1D000] =	vst v63  }
0x165: {  	_ = 	snop  }
0x166: {  	[spmem:s2] =	stream.indirect.scatter.add.f32 [tilespmem:s26], [sflag:$0x3], $0x80, s14, s24, $0xb8;
	[tilespmem:$0x1D000] =	vst v63  }
0x167: {  	_ =	swait.ge [sflag:s22], $0x4000  }
0x168: {  	[sflag:s22] =	ssyncset.done $0x0  }
0x169: {  	[sflag:s22] =	ssyncadd.s32 $0xFFFFC000  }
0x16a: {  	_ =	swait.ge [sflag:s25], $0x4000  }
0x16b: {  	[sflag:s25] =	ssyncset.done $0x0  }
0x16c: {  	[sflag:s25] =	ssyncadd.s32 $0xFFFFC000  }
0x16d: {  	[tilespmem:s26], [sflag:$0x2] =	stream.indirect.gather [hbm4b:s4+s24], $0x80, s15, s24, $0xb8;
	[tilespmem:$0x1D000] =	vst v63  }
0x16e: {  	_ = 	snop  }
0x16f: {  	[spmem:s2] =	stream.indirect.scatter.add.f32 [tilespmem:s21], [sflag:$0x3], $0x80, s16, s24, $0xb8;
	[tilespmem:$0x1D000] =	vst v63  }
0x170: {  	_ =	swait.ge [sflag:s22], $0x4000  }
0x171: {  	[sflag:s22] =	ssyncset.done $0x0  }
0x172: {  	[sflag:s22] =	ssyncadd.s32 $0xFFFFC000  }
0x173: {  	_ =	swait.ge [sflag:s28], $0x4000  }
0x174: {  	[sflag:s28] =	ssyncset.done $0x0  }
0x175: {  	[sflag:s28] =	ssyncadd.s32 $0xFFFFC000  }
0x176: {  	[tilespmem:s21], [sflag:$0x1] =	stream.indirect.gather [hbm4b:s4+s24], $0x80, s15, s24, $0xb8;
	[tilespmem:$0x1D000] =	vst v63  }
0x177: {  	p0 =	sne.s32 s20, $0x400  }
0x178: {  	[spmem:s2] =	stream.indirect.scatter.add.f32 [tilespmem:s26], [sflag:$0x3], $0x80, s17, s24, $0xb8;
	[tilespmem:$0x1D000] =	vst v63  }
.Ltmp0:
0x179: {  	_ =	swait.ge [sflag:s22], $0x4000;
	(pc) =	sbr.rel @p0 .LBB2_2-.Ltmp0, $4  }
0x17a: {  	[sflag:s22] =	ssyncset.done $0x0  }
0x17b: {  	[sflag:s22] =	ssyncadd.s32 $0xFFFFC000  }
0x17c: {  	_ =	swait.ge [sflag:s25], $0x4000  }
0x17d: {  	s20 =	sadd.s32 $0x100, s20;
	s6 =	rddreg [dreg:$0x4];
	[sflag:s25] =	ssyncset.done $0x0  }
0x17e: {  	[sflag:s25] =	ssyncadd.s32 $0xFFFFC000;
	s6 =	sadd.s32 s19, s6  }
0x17f: {  	[tilespmem:s3], [sflag:$0x3] =	stream.linear.gather [hbm4b:s6+s3], $0x800, $0x38;
	[tilespmem:$0x1D000] =	vst v63  }
0x180: {  	_ =	swait.ge [sflag:s22], $0x800  }
0x181: {  	s18 =	rddreg [dreg:$0x3];
	[sflag:s22] =	ssyncset.done $0x0  }
0x182: {  	[sflag:s22] =	ssyncadd.s32 $0xFFFFF800;
	s6 =	sadd.s32 s19, s18  }
0x183: {  	[tilespmem:s23], [sflag:$0x3] =	stream.linear.gather [hbm4b:s6+s3], $0x800, $0x38;
	[tilespmem:$0x1D000] =	vst v63  }
0x184: {  	_ =	swait.ge [sflag:s22], $0x800  }
0x185: {  	[sflag:s22] =	ssyncset.done $0x0  }
0x186: {  	[sflag:s22] =	ssyncadd.s32 $0xFFFFF800  }
0x187: {  	[tilespmem:s21], [sflag:$0x1] =	stream.indirect.gather [hbm4b:s4+s24], $0x80, s3, s24, $0xb8;
	[tilespmem:$0x1D000] =	vst v63  }
0x188: {  	_ =	swait.ge [sflag:s25], $0x4000  }
0x189: {  	[sflag:s25] =	ssyncset.done $0x0  }
0x18a: {  	[sflag:s25] =	ssyncadd.s32 $0xFFFFC000  }
0x18b: {  	[tilespmem:s26], [sflag:$0x2] =	stream.indirect.gather [hbm4b:s4+s24], $0x80, s24, s24, $0xb8;
	[tilespmem:$0x1D000] =	vst v63  }
0x18c: {  	_ = 	snop  }
0x18d: {  	[spmem:s2] =	stream.indirect.scatter.add.f32 [tilespmem:s21], [sflag:$0x3], $0x80, s23, s24, $0xb8;
	[tilespmem:$0x1D000] =	vst v63  }
0x18e: {  	_ =	swait.ge [sflag:s22], $0x4000  }
0x18f: {  	[sflag:s22] =	ssyncset.done $0x0  }
0x190: {  	[sflag:s22] =	ssyncadd.s32 $0xFFFFC000  }
0x191: {  	_ =	swait.ge [sflag:s28], $0x4000  }
0x192: {  	[sflag:s28] =	ssyncset.done $0x0  }
0x193: {  	s20 =	rddreg [dreg:$0x5];
	[sflag:s28] =	ssyncadd.s32 $0xFFFFC000  }
0x194: {  	[tilespmem:s21], [sflag:$0x1] =	stream.indirect.gather [hbm4b:s4+s24], $0x80, s20, s24, $0xb8;
	[tilespmem:$0x1D000] =	vst v63  }
0x195: {  	s18 =	rddreg [dreg:$0x6]  }
0x196: {  	[spmem:s2] =	stream.indirect.scatter.add.f32 [tilespmem:s26], [sflag:$0x3], $0x80, s18, s24, $0xb8;
	[tilespmem:$0x1D000] =	vst v63  }
0x197: {  	_ =	swait.ge [sflag:s22], $0x4000  }
0x198: {  	[sflag:s22] =	ssyncset.done $0x0  }
0x199: {  	[sflag:s22] =	ssyncadd.s32 $0xFFFFC000  }
0x19a: {  	_ =	swait.ge [sflag:s25], $0x4000  }
0x19b: {  	[sflag:s25] =	ssyncset.done $0x0  }
0x19c: {  	s19 =	rddreg [dreg:$0x7];
	[sflag:s25] =	ssyncadd.s32 $0xFFFFC000  }
0x19d: {  	[tilespmem:s26], [sflag:$0x2] =	stream.indirect.gather [hbm4b:s4+s24], $0x80, s19, s24, $0xb8;
	[tilespmem:$0x1D000] =	vst v63  }
0x19e: {  	s20 =	rddreg [dreg:$0x8]  }
0x19f: {  	[spmem:s2] =	stream.indirect.scatter.add.f32 [tilespmem:s21], [sflag:$0x3], $0x80, s20, s24, $0xb8;
	[tilespmem:$0x1D000] =	vst v63  }
0x1a0: {  	_ =	swait.ge [sflag:s22], $0x4000  }
0x1a1: {  	[sflag:s22] =	ssyncset.done $0x0  }
0x1a2: {  	[sflag:s22] =	ssyncadd.s32 $0xFFFFC000  }
0x1a3: {  	_ =	swait.ge [sflag:s28], $0x4000  }
0x1a4: {  	[sflag:s28] =	ssyncset.done $0x0  }
0x1a5: {  	s19 =	rddreg [dreg:$0x9];
	[sflag:s28] =	ssyncadd.s32 $0xFFFFC000  }
0x1a6: {  	[tilespmem:s21], [sflag:$0x1] =	stream.indirect.gather [hbm4b:s4+s24], $0x80, s19, s24, $0xb8;
	[tilespmem:$0x1D000] =	vst v63  }
0x1a7: {  	s20 =	rddreg [dreg:$0xa]  }
0x1a8: {  	[spmem:s2] =	stream.indirect.scatter.add.f32 [tilespmem:s26], [sflag:$0x3], $0x80, s20, s24, $0xb8;
	[tilespmem:$0x1D000] =	vst v63  }
0x1a9: {  	_ =	swait.ge [sflag:s22], $0x4000  }
0x1aa: {  	[sflag:s22] =	ssyncset.done $0x0  }
0x1ab: {  	[sflag:s22] =	ssyncadd.s32 $0xFFFFC000  }
0x1ac: {  	_ =	swait.ge [sflag:s25], $0x4000  }
0x1ad: {  	[sflag:s25] =	ssyncset.done $0x0  }
0x1ae: {  	s19 =	rddreg [dreg:$0xb];
	[sflag:s25] =	ssyncadd.s32 $0xFFFFC000  }
0x1af: {  	[tilespmem:s26], [sflag:$0x2] =	stream.indirect.gather [hbm4b:s4+s24], $0x80, s19, s24, $0xb8;
	[tilespmem:$0x1D000] =	vst v63  }
0x1b0: {  	s20 =	rddreg [dreg:$0xc]  }
0x1b1: {  	[spmem:s2] =	stream.indirect.scatter.add.f32 [tilespmem:s21], [sflag:$0x3], $0x80, s20, s24, $0xb8;
	[tilespmem:$0x1D000] =	vst v63  }
0x1b2: {  	_ =	swait.ge [sflag:s22], $0x4000  }
0x1b3: {  	[sflag:s22] =	ssyncset.done $0x0  }
0x1b4: {  	[sflag:s22] =	ssyncadd.s32 $0xFFFFC000  }
0x1b5: {  	_ =	swait.ge [sflag:s28], $0x4000  }
0x1b6: {  	[sflag:s28] =	ssyncset.done $0x0  }
0x1b7: {  	s19 =	rddreg [dreg:$0xd];
	[sflag:s28] =	ssyncadd.s32 $0xFFFFC000  }
0x1b8: {  	[tilespmem:s21], [sflag:$0x1] =	stream.indirect.gather [hbm4b:s4+s24], $0x80, s19, s24, $0xb8;
	[tilespmem:$0x1D000] =	vst v63  }
0x1b9: {  	s20 =	rddreg [dreg:$0xe]  }
0x1ba: {  	[spmem:s2] =	stream.indirect.scatter.add.f32 [tilespmem:s26], [sflag:$0x3], $0x80, s20, s24, $0xb8;
	[tilespmem:$0x1D000] =	vst v63  }
0x1bb: {  	_ =	swait.ge [sflag:s22], $0x4000  }
0x1bc: {  	[sflag:s22] =	ssyncset.done $0x0  }
0x1bd: {  	[sflag:s22] =	ssyncadd.s32 $0xFFFFC000  }
0x1be: {  	_ =	swait.ge [sflag:s25], $0x4000  }
0x1bf: {  	[sflag:s25] =	ssyncset.done $0x0  }
0x1c0: {  	s18 =	rddreg [dreg:$0xf];
	[sflag:s25] =	ssyncadd.s32 $0xFFFFC000  }
0x1c1: {  	[tilespmem:s26], [sflag:$0x2] =	stream.indirect.gather [hbm4b:s4+s24], $0x80, s18, s24, $0xb8;
	[tilespmem:$0x1D000] =	vst v63  }
0x1c2: {  	s19 =	rddreg [dreg:$0x10]  }
0x1c3: {  	[spmem:s2] =	stream.indirect.scatter.add.f32 [tilespmem:s21], [sflag:$0x3], $0x80, s19, s24, $0xb8;
	[tilespmem:$0x1D000] =	vst v63  }
0x1c4: {  	_ =	swait.ge [sflag:s22], $0x4000  }
0x1c5: {  	[sflag:s22] =	ssyncset.done $0x0  }
0x1c6: {  	[sflag:s22] =	ssyncadd.s32 $0xFFFFC000  }
0x1c7: {  	_ =	swait.ge [sflag:s28], $0x4000  }
0x1c8: {  	[sflag:s28] =	ssyncset.done $0x0  }
0x1c9: {  	[sflag:s28] =	ssyncadd.s32 $0xFFFFC000  }
0x1ca: {  	[tilespmem:s21], [sflag:$0x1] =	stream.indirect.gather [hbm4b:s4+s24], $0x80, s29, s24, $0xb8;
	[tilespmem:$0x1D000] =	vst v63  }
0x1cb: {  	_ = 	snop  }
0x1cc: {  	[spmem:s2] =	stream.indirect.scatter.add.f32 [tilespmem:s26], [sflag:$0x3], $0x80, s30, s24, $0xb8;
	[tilespmem:$0x1D000] =	vst v63  }
0x1cd: {  	_ =	swait.ge [sflag:s22], $0x4000  }
0x1ce: {  	[sflag:s22] =	ssyncset.done $0x0  }
0x1cf: {  	[sflag:s22] =	ssyncadd.s32 $0xFFFFC000  }
0x1d0: {  	_ =	swait.ge [sflag:s25], $0x4000  }
0x1d1: {  	[sflag:s25] =	ssyncset.done $0x0  }
0x1d2: {  	[sflag:s25] =	ssyncadd.s32 $0xFFFFC000  }
0x1d3: {  	[tilespmem:s26], [sflag:$0x2] =	stream.indirect.gather [hbm4b:s4+s24], $0x80, s31, s24, $0xb8;
	[tilespmem:$0x1D000] =	vst v63  }
0x1d4: {  	_ = 	snop  }
0x1d5: {  	[spmem:s2] =	stream.indirect.scatter.add.f32 [tilespmem:s21], [sflag:$0x3], $0x80, s1, s24, $0xb8;
	[tilespmem:$0x1D000] =	vst v63  }
0x1d6: {  	_ =	swait.ge [sflag:s22], $0x4000  }
0x1d7: {  	[sflag:s22] =	ssyncset.done $0x0  }
0x1d8: {  	[sflag:s22] =	ssyncadd.s32 $0xFFFFC000  }
0x1d9: {  	_ =	swait.ge [sflag:s28], $0x4000  }
0x1da: {  	[sflag:s28] =	ssyncset.done $0x0  }
0x1db: {  	[sflag:s28] =	ssyncadd.s32 $0xFFFFC000  }
0x1dc: {  	[tilespmem:s21], [sflag:$0x1] =	stream.indirect.gather [hbm4b:s4+s24], $0x80, s0, s24, $0xb8;
	[tilespmem:$0x1D000] =	vst v63  }
0x1dd: {  	_ = 	snop  }
0x1de: {  	[spmem:s2] =	stream.indirect.scatter.add.f32 [tilespmem:s26], [sflag:$0x3], $0x80, s5, s24, $0xb8;
	[tilespmem:$0x1D000] =	vst v63  }
0x1df: {  	_ =	swait.ge [sflag:s22], $0x4000  }
0x1e0: {  	[sflag:s22] =	ssyncset.done $0x0  }
0x1e1: {  	[sflag:s22] =	ssyncadd.s32 $0xFFFFC000  }
0x1e2: {  	_ =	swait.ge [sflag:s25], $0x4000  }
0x1e3: {  	[sflag:s25] =	ssyncset.done $0x0  }
0x1e4: {  	[sflag:s25] =	ssyncadd.s32 $0xFFFFC000  }
0x1e5: {  	[tilespmem:s26], [sflag:$0x2] =	stream.indirect.gather [hbm4b:s4+s24], $0x80, s7, s24, $0xb8;
	[tilespmem:$0x1D000] =	vst v63  }
0x1e6: {  	_ = 	snop  }
0x1e7: {  	[spmem:s2] =	stream.indirect.scatter.add.f32 [tilespmem:s21], [sflag:$0x3], $0x80, s8, s24, $0xb8;
	[tilespmem:$0x1D000] =	vst v63  }
0x1e8: {  	_ =	swait.ge [sflag:s22], $0x4000  }
0x1e9: {  	[sflag:s22] =	ssyncset.done $0x0  }
0x1ea: {  	[sflag:s22] =	ssyncadd.s32 $0xFFFFC000  }
0x1eb: {  	_ =	swait.ge [sflag:s28], $0x4000  }
0x1ec: {  	[sflag:s28] =	ssyncset.done $0x0  }
0x1ed: {  	[sflag:s28] =	ssyncadd.s32 $0xFFFFC000  }
0x1ee: {  	[tilespmem:s21], [sflag:$0x1] =	stream.indirect.gather [hbm4b:s4+s24], $0x80, s9, s24, $0xb8;
	[tilespmem:$0x1D000] =	vst v63  }
0x1ef: {  	_ = 	snop  }
0x1f0: {  	[spmem:s2] =	stream.indirect.scatter.add.f32 [tilespmem:s26], [sflag:$0x3], $0x80, s10, s24, $0xb8;
	[tilespmem:$0x1D000] =	vst v63  }
0x1f1: {  	_ =	swait.ge [sflag:s22], $0x4000  }
0x1f2: {  	[sflag:s22] =	ssyncset.done $0x0  }
0x1f3: {  	[sflag:s22] =	ssyncadd.s32 $0xFFFFC000  }
0x1f4: {  	_ =	swait.ge [sflag:s25], $0x4000  }
0x1f5: {  	[sflag:s25] =	ssyncset.done $0x0  }
0x1f6: {  	[sflag:s25] =	ssyncadd.s32 $0xFFFFC000  }
0x1f7: {  	[tilespmem:s26], [sflag:$0x2] =	stream.indirect.gather [hbm4b:s4+s24], $0x80, s11, s24, $0xb8;
	[tilespmem:$0x1D000] =	vst v63  }
0x1f8: {  	_ = 	snop  }
0x1f9: {  	[spmem:s2] =	stream.indirect.scatter.add.f32 [tilespmem:s21], [sflag:$0x3], $0x80, s12, s24, $0xb8;
	[tilespmem:$0x1D000] =	vst v63  }
0x1fa: {  	_ =	swait.ge [sflag:s22], $0x4000  }
0x1fb: {  	[sflag:s22] =	ssyncset.done $0x0  }
0x1fc: {  	[sflag:s22] =	ssyncadd.s32 $0xFFFFC000  }
0x1fd: {  	_ =	swait.ge [sflag:s28], $0x4000  }
0x1fe: {  	[sflag:s28] =	ssyncset.done $0x0  }
0x1ff: {  	[sflag:s28] =	ssyncadd.s32 $0xFFFFC000  }
0x200: {  	[tilespmem:s21], [sflag:$0x1] =	stream.indirect.gather [hbm4b:s4+s24], $0x80, s13, s24, $0xb8;
	[tilespmem:$0x1D000] =	vst v63  }
0x201: {  	_ = 	snop  }
0x202: {  	[spmem:s2] =	stream.indirect.scatter.add.f32 [tilespmem:s26], [sflag:$0x3], $0x80, s14, s24, $0xb8;
	[tilespmem:$0x1D000] =	vst v63  }
0x203: {  	_ =	swait.ge [sflag:s22], $0x4000  }
0x204: {  	[sflag:s22] =	ssyncset.done $0x0  }
0x205: {  	[sflag:s22] =	ssyncadd.s32 $0xFFFFC000  }
0x206: {  	_ =	swait.ge [sflag:s25], $0x4000  }
0x207: {  	[sflag:s25] =	ssyncset.done $0x0  }
0x208: {  	[sflag:s25] =	ssyncadd.s32 $0xFFFFC000  }
0x209: {  	[tilespmem:s26], [sflag:$0x2] =	stream.indirect.gather [hbm4b:s4+s24], $0x80, s15, s24, $0xb8;
	[tilespmem:$0x1D000] =	vst v63  }
0x20a: {  	_ = 	snop  }
0x20b: {  	[spmem:s2] =	stream.indirect.scatter.add.f32 [tilespmem:s21], [sflag:$0x3], $0x80, s16, s24, $0xb8;
	[tilespmem:$0x1D000] =	vst v63  }
0x20c: {  	_ =	swait.ge [sflag:s22], $0x4000  }
0x20d: {  	[sflag:s22] =	ssyncset.done $0x0  }
0x20e: {  	[sflag:s22] =	ssyncadd.s32 $0xFFFFC000  }
0x20f: {  	_ =	swait.ge [sflag:s28], $0x4000  }
0x210: {  	[sflag:s28] =	ssyncset.done $0x0  }
0x211: {  	[sflag:s28] =	ssyncadd.s32 $0xFFFFC000  }
0x212: {  	[tilespmem:s21], [sflag:$0x1] =	stream.indirect.gather [hbm4b:s4+s24], $0x80, s15, s24, $0xb8;
	[tilespmem:$0x1D000] =	vst v63  }
0x213: {  	_ = 	snop  }
0x214: {  	[spmem:s2] =	stream.indirect.scatter.add.f32 [tilespmem:s26], [sflag:$0x3], $0x80, s17, s24, $0xb8;
	[tilespmem:$0x1D000] =	vst v63  }
0x215: {  	_ =	swait.ge [sflag:s22], $0x4000  }
0x216: {  	[sflag:s22] =	ssyncset.done $0x0  }
0x217: {  	[sflag:s22] =	ssyncadd.s32 $0xFFFFC000  }
0x218: {  	_ =	swait.ge [sflag:s25], $0x4000  }
0x219: {  	[sflag:s25] =	ssyncset.done $0x0  }
0x21a: {  	[sflag:s25] =	ssyncadd.s32 $0xFFFFC000  }
0x21b: {  	[bflag:$0x0] =	sbarrier.arrive $0xFFFF  }
0x21c: {  	s18 =	rddreg [dreg:$0x12]  }
0x21d: {  	[tilespmem:s21], [sflag:$0x3] =	stream.linear.gather [spmem:s18], $0x4000, $0x38;
	[tilespmem:$0x1D000] =	vst v63  }
0x21e: {  	_ =	swait.ge [sflag:s22], $0x4000  }
0x21f: {  	[sflag:s22] =	ssyncset.done $0x0  }
0x220: {  	s20 =	rddreg [dreg:$0x18];
	[sflag:s22] =	ssyncadd.s32 $0xFFFFC000  }
0x221: {  	[hbm4b:s20+s3] =	stream.linear.scatter [tilespmem:s21], [sflag:$0x3], $0x4000, $0x38;
	[tilespmem:$0x1D000] =	vst v63  }
0x222: {  	_ =	swait.ge [sflag:s22], $0x4000  }
0x223: {  	[sflag:s22] =	ssyncset.done $0x0  }
0x224: {  	s19 =	rddreg [dreg:$0x19];
	[sflag:s22] =	ssyncadd.s32 $0xFFFFC000  }
0x225: {  	[tilespmem:s21], [sflag:$0x3] =	stream.linear.gather [spmem:s19], $0x4000, $0x38;
	[tilespmem:$0x1D000] =	vst v63  }
0x226: {  	_ =	swait.ge [sflag:s22], $0x4000  }
0x227: {  	[sflag:s22] =	ssyncset.done $0x0  }
0x228: {  	s20 =	rddreg [dreg:$0x1a];
	[sflag:s22] =	ssyncadd.s32 $0xFFFFC000  }
0x229: {  	[hbm4b:s20+s3] =	stream.linear.scatter [tilespmem:s21], [sflag:$0x3], $0x4000, $0x38;
	[tilespmem:$0x1D000] =	vst v63  }
0x22a: {  	_ =	swait.ge [sflag:s22], $0x4000  }
0x22b: {  	[sflag:s22] =	ssyncset.done $0x0  }
0x22c: {  	s19 =	rddreg [dreg:$0x1b];
	[sflag:s22] =	ssyncadd.s32 $0xFFFFC000  }
0x22d: {  	[tilespmem:s21], [sflag:$0x3] =	stream.linear.gather [spmem:s19], $0x4000, $0x38;
	[tilespmem:$0x1D000] =	vst v63  }
0x22e: {  	_ =	swait.ge [sflag:s22], $0x4000  }
0x22f: {  	[sflag:s22] =	ssyncset.done $0x0  }
0x230: {  	s20 =	rddreg [dreg:$0x1c];
	[sflag:s22] =	ssyncadd.s32 $0xFFFFC000  }
0x231: {  	[hbm4b:s20+s3] =	stream.linear.scatter [tilespmem:s21], [sflag:$0x3], $0x4000, $0x38;
	[tilespmem:$0x1D000] =	vst v63  }
0x232: {  	_ =	swait.ge [sflag:s22], $0x4000  }
0x233: {  	[sflag:s22] =	ssyncset.done $0x0  }
0x234: {  	s19 =	rddreg [dreg:$0x1d];
	[sflag:s22] =	ssyncadd.s32 $0xFFFFC000  }
0x235: {  	[tilespmem:s21], [sflag:$0x3] =	stream.linear.gather [spmem:s19], $0x4000, $0x38;
	[tilespmem:$0x1D000] =	vst v63  }
0x236: {  	_ =	swait.ge [sflag:s22], $0x4000  }
0x237: {  	[sflag:s22] =	ssyncset.done $0x0  }
0x238: {  	s20 =	rddreg [dreg:$0x1e];
	[sflag:s22] =	ssyncadd.s32 $0xFFFFC000  }
0x239: {  	[hbm4b:s20+s3] =	stream.linear.scatter [tilespmem:s21], [sflag:$0x3], $0x4000, $0x38;
	[tilespmem:$0x1D000] =	vst v63  }
0x23a: {  	_ =	swait.ge [sflag:s22], $0x4000  }
0x23b: {  	[sflag:s22] =	ssyncset.done $0x0  }
0x23c: {  	s19 =	rddreg [dreg:$0x1f];
	[sflag:s22] =	ssyncadd.s32 $0xFFFFC000  }
0x23d: {  	[tilespmem:s21], [sflag:$0x3] =	stream.linear.gather [spmem:s19], $0x4000, $0x38;
	[tilespmem:$0x1D000] =	vst v63  }
0x23e: {  	_ =	swait.ge [sflag:s22], $0x4000  }
0x23f: {  	s20 =	sld [smem:$0x7FD]  }
0x240: {  	[sflag:s22] =	ssyncset.done $0x0  }
0x241: {  	[sflag:s22] =	ssyncadd.s32 $0xFFFFC000  }
0x242: {  	[hbm4b:s20+s3] =	stream.linear.scatter [tilespmem:s21], [sflag:$0x3], $0x4000, $0x38;
	[tilespmem:$0x1D000] =	vst v63  }
0x243: {  	_ =	swait.ge [sflag:s22], $0x4000  }
0x244: {  	s6 =	sld [smem:$0x7FC];
	_ =	sdelay $0x2  }
0x245: {  	s20 =	rddreg [dreg:$0x13];
	s19 =	sadd.s32 $0x1, s6  }
0x246: {  	p0 =	sne.s32 s19, s20  }
.Ltmp1:
0x247: {  	_ = 	snop;
	(pc) =	sbr.rel @p0 .LBB2_1-.Ltmp1, $3  }
0x248: {  	_ =	sdelay $0x1  }
0x249: {  	[sflag:s22] =	ssyncset.done $0x0  }
0x24a: {  	[sflag:s22] =	ssyncadd.s32 $0xFFFFC000  }
0x24b: {  	_ =	sfence.sel $0x180000  }
0x24c: {  	[bflag:$0x0] =	sbarrier.arrive $0xFFFF  }
0x24d: {  	_ =	strace $0x90000056  }
0x24e: {  	s0 =	stileid.u32;
	[bflag:$0x2] =	sbarrier.arrive $0xFFFF  }
0x24f: {  	p0 =	sne.s32 s0, $0x0;
	s0 =	rddreg [dreg:$0x2]  }
0x250: {  	s0 =	sadd.s32 @!p0 $0x100000, s0  }
0x251: {  	[sflag:s0] =	ssyncadd.tile.s32 @!p0 $0x1;
	_ =	shalt  }
.Lfunc_end2:
_tile_overlayer_lowered:
.L_overlay_start_2:
0x252: {  	(tag) =	ssettag $0x2  }
0x253: {  	s0 =	rddreg [dreg:$0x0];
	s2 =	stileid.u32  }
0x254: {  	s1 =	rddreg [dreg:$0x1];
	p0 =	sne.s32 s2, $0x0  }
0x255: {  	s3 =	rddreg [dreg:$0x2];
	[bflag:$0x3] =	sbarrier.arrive $0xFFFF;
	s2 =	simm.s32 @!p0 $0x1C03  }
0x256: {  	[timem:s3], [sflag:s2] =	dma.local @!p0 [hbm:s0], s1  }
0x257: {  	s0 =	simm.s32 @!p0 $0x3  }
0x258: {  	_ =	swait.ge @!p0 [sflag:s0], s1  }
0x259: {  	s1 =	ssub.s32 @!p0 $0x0, s1;
	[sflag:s0] =	ssyncset.done @!p0 $0x0  }
0x25a: {  	[sflag:s0] =	ssyncadd.s32 @!p0 s1  }
0x25b: {  	[bflag:$0x3] =	sbarrier.arrive $0xFFFF  }
0x25c: {  	_ =	shalt  }

// kernel: kernel.37.cloned.1.call-start
scs
__scs_entry_jumppad:
0x0: {  	(pc) =	sbr.rel $0x88, $3  }
0x1: {  	(tag) =	ssettag $0x0;
	lr =	simm.s32 $0x1  }
0x2: {  	[smem:$0x3F8B] =	sst lr;
	_ =	strace $0xD0000000  }
0x3: {  	_ = 	snop  }
0x4: {  	_ = 	snop  }
0x5: {  	_ = 	snop  }
0x6: {  	_ = 	snop  }
0x7: {  	_ = 	snop  }
__scs_overlays_trampoline_lowered:
0x8: {  	[smem:$0x3F9A] =	sst s0  }
0x9: {  	[smem:$0x3F9B] =	sst s1  }
0xa: {  	[smem:$0x3F9C] =	sst s2  }
0xb: {  	[smem:$0x3F9D] =	sst s3  }
0xc: {  	[smem:$0x3F9E] =	sst s4  }
0xd: {  	[smem:$0x3F9F] =	sst s5  }
0xe: {  	[smem:$0x3FA0] =	sst s6  }
0xf: {  	[smem:$0x3FA1] =	sst s7  }
0x10: {  	[smem:$0x3FA2] =	sst s8  }
0x11: {  	[smem:$0x3FA3] =	sst s9;
	s0 =	simm.s32 @!p0 $0x0  }
0x12: {  	s1 =	sld [smem:$0x3F89];
	s0 =	simm.s32 @p0 $0x1  }
0x13: {  	[smem:$0x3FA4] =	sst s0;
	s0 =	simm.s32 @!p1 $0x0  }
0x14: {  	s2 =	sld [smem:$0x3F88];
	s0 =	simm.s32 @p1 $0x1  }
0x15: {  	[smem:$0x3FA5] =	sst s0;
	s0 =	simm.s32 @!p2 $0x0  }
0x16: {  	s3 =	sld [smem:$0x3FDB];
	s0 =	simm.s32 @p2 $0x1  }
0x17: {  	s4 =	simm.s32 $0x1BF5;
	[smem:$0x3FA7] =	sst s0  }
0x18: {  	s0 =	sld [smem:$0x3F8A];
	_ =	swait.ge [sflag:s4], $0x0  }
0x19: {  	s7 =	sld [smem:$0x3F8B]  }
0x1a: {  	s8 =	sadd.s32 $0xFFFFE003, lr  }
0x1b: {  	s9 =	sadd.s32 $0xFFFFFEF7, lr;
	s5 =	simm.s32 $0xFFFFFFFF;
	p2 =	slt.u32 s8, $0xFFFFF086  }
0x1c: {  	p1 =	slt.u32 s9, $0xF7A;
	s5 =	simm.s32 @!p2 $0x0  }
0x1d: {  	s5 =	simm.s32 @p1 $0x1;
	p0 =	seq.s32 s7, s2  }
0x1e: {  	s7 =	smul.u32 @!p0 $0xF7A, s2;
	p2 =	seq.s32 @!p0 s5, $0x0  }
0x1f: {  	s9 =	smul.u32 $0xF7A, s1;
	s8 =	simm.s32 @!p0 $0x1BF5;
	p2 =	por !p2, p0  }
0x20: {  	[sflag:s8] =	ssyncset.s32 @!p0 $0xFFFFF086;
	s6 =	sadd.s32 @!p0 s3, s7;
	s7 =	simm.s32 @!p0 $0x108  }
0x21: {  	s3 =	sadd.s32 s3, s9;
	s6 =	sadd.s32 @!p0 $0x88, s6;
	s7 =	simm.s32 @p2 $0x1082  }
0x22: {  	[simem:s7], [sflag:s8] =	dma.local @!p0 [hbm:s6], $0xF7A  }
0x23: {  	s9 =	sor.u32 $0xD0000000, s2;
	s6 =	simm.s32 $0x108;
	_ =	swait.ge @!p0 [sflag:s8], $0x0  }
0x24: {  	s3 =	sadd.s32 $0x88, s3;
	s6 =	simm.s32 @!p1 $0x1082;
	[sflag:s4] =	ssyncset.s32 $0xFFFFF086  }
0x25: {  	[simem:s6], [sflag:s4] =	dma.local [hbm:s3], $0xF7A  }
0x26: {  	[smem:$0x3F8B] =	sst s1;
	(tag) =	ssettag s2;
	_ =	strace s9  }
0x27: {  	s1 =	sld [smem:$0x3F9B]  }
0x28: {  	s2 =	sld [smem:$0x3F9C]  }
0x29: {  	s4 =	sld [smem:$0x3F9E]  }
0x2a: {  	p0 =	seq.s32 s5, $0x0;
	s5 =	sld [smem:$0x3F9F]  }
0x2b: {  	s6 =	sld [smem:$0x3FA0]  }
0x2c: {  	s7 =	sld [smem:$0x3FA1]  }
0x2d: {  	s3 =	simm.s32 $0x108;
	s8 =	sld [smem:$0x3FA2]  }
0x2e: {  	s3 =	simm.s32 @!p0 $0x1082;
	s9 =	sld [smem:$0x3FA3]  }
0x2f: {  	lr =	sadd.s32 s0, s3;
	s0 =	sld [smem:$0x3F9A]  }
0x30: {  	s3 =	sld [smem:$0x3F9D]  }
0x31: {  	[smem:$0x3FA6] =	sst s10  }
0x32: {  	s10 =	sld [smem:$0x3FA4];
	_ =	sdelay $0x3  }
0x33: {  	p0 =	seq.s32 s10, $0x1;
	s10 =	sld [smem:$0x3FA6];
	_ =	sdelay $0x3  }
0x34: {  	[smem:$0x3FA6] =	sst s10  }
0x35: {  	s10 =	sld [smem:$0x3FA5];
	_ =	sdelay $0x3  }
0x36: {  	p1 =	seq.s32 s10, $0x1;
	s10 =	sld [smem:$0x3FA6];
	_ =	sdelay $0x3  }
0x37: {  	[smem:$0x3FA6] =	sst s10  }
0x38: {  	s10 =	sld [smem:$0x3FA7]  }
0x39: {  	_ = 	snop;
	(pc) =	sbr.ind lr, $3  }
0x3a: {  	_ = 	snop  }
0x3b: {  	_ = 	snop  }
0x3c: {  	p2 =	seq.s32 s10, $0x1;
	s10 =	sld [smem:$0x3FA6]  }
0x3d: {  	_ =	shalt  }
0x3e: {  	_ =	shalt  }
0x3f: {  	_ =	shalt  }
0x40: {  	_ =	shalt  }
0x41: {  	_ =	shalt  }
0x42: {  	_ =	shalt  }
0x43: {  	_ =	shalt  }
0x44: {  	_ =	shalt  }
0x45: {  	_ =	shalt  }
0x46: {  	_ =	shalt  }
0x47: {  	_ =	shalt  }
0x48: {  	_ =	shalt  }
0x49: {  	_ =	shalt  }
0x4a: {  	_ =	shalt  }
0x4b: {  	_ =	shalt  }
0x4c: {  	_ =	shalt  }
0x4d: {  	_ =	shalt  }
0x4e: {  	_ =	shalt  }
0x4f: {  	_ =	shalt  }
0x50: {  	_ =	shalt  }
0x51: {  	_ =	shalt  }
0x52: {  	_ =	shalt  }
0x53: {  	_ =	shalt  }
0x54: {  	_ =	shalt  }
0x55: {  	_ =	shalt  }
0x56: {  	_ =	shalt  }
0x57: {  	_ =	shalt  }
0x58: {  	_ =	shalt  }
0x59: {  	_ =	shalt  }
0x5a: {  	_ =	shalt  }
0x5b: {  	_ =	shalt  }
0x5c: {  	_ =	shalt  }
0x5d: {  	_ =	shalt  }
0x5e: {  	_ =	shalt  }
0x5f: {  	_ =	shalt  }
0x60: {  	_ =	shalt  }
0x61: {  	_ =	shalt  }
0x62: {  	_ =	shalt  }
0x63: {  	_ =	shalt  }
0x64: {  	_ =	shalt  }
0x65: {  	_ =	shalt  }
0x66: {  	_ =	shalt  }
0x67: {  	_ =	shalt  }
0x68: {  	_ =	shalt  }
0x69: {  	_ =	shalt  }
0x6a: {  	_ =	shalt  }
0x6b: {  	_ =	shalt  }
0x6c: {  	_ =	shalt  }
0x6d: {  	_ =	shalt  }
0x6e: {  	_ =	shalt  }
0x6f: {  	_ =	shalt  }
0x70: {  	_ =	shalt  }
0x71: {  	_ =	shalt  }
0x72: {  	_ =	shalt  }
0x73: {  	_ =	shalt  }
0x74: {  	_ =	shalt  }
0x75: {  	_ =	shalt  }
0x76: {  	_ =	shalt  }
0x77: {  	_ =	shalt  }
0x78: {  	_ =	shalt  }
0x79: {  	_ =	shalt  }
0x7a: {  	_ =	shalt  }
0x7b: {  	_ =	shalt  }
0x7c: {  	_ =	shalt  }
0x7d: {  	_ =	shalt  }
0x7e: {  	_ =	shalt  }
0x7f: {  	_ =	shalt  }
0x80: {  	_ =	shalt  }
0x81: {  	_ =	shalt  }
0x82: {  	_ =	shalt  }
0x83: {  	_ =	shalt  }
0x84: {  	_ =	shalt  }
0x85: {  	_ =	shalt  }
0x86: {  	_ =	shalt  }
0x87: {  	_ =	shalt  }
.Lfunc_end0:
.L_simem_size_0:
called_computation.6_lowered:
.L_overlay_start_0:
0x88: {  	s2 =	sld [smem:$0x3FD9]  }
0x89: {  	s3 =	sld [smem:$0x3FFE];
	_ =	sdelay $0x1  }
0x8a: {  	s1 =	srdreg.scid  }
0x8b: {  	s0 =	sand.u32 $0x1, s1  }
0x8c: {  	s17 =	sshll.u32 s0, $0xA;
	s2 =	sadd.s32 s3, s2  }
0x8d: {  	s2 =	sadd.s32 s2, s17  }
0x8e: {  	[smem:$0x3FB2] =	sst s2  }
0x8f: {  	_ = 	snop  }
0x90: {  	(tm) =	ssettm $0x1  }
0x91: {  	s18 =	sld [smem:$0x3FFB];
	_ =	sdelay $0x3  }
0x92: {  	_ =	strace s18  }
0x93: {  	s2 =	sld [smem:$0x3FFC];
	_ =	sdelay $0x3  }
0x94: {  	_ =	strace s2  }
0x95: {  	s2 =	sld [smem:$0x3FFD];
	_ =	sdelay $0x3  }
0x96: {  	_ =	strace s2  }
0x97: {  	_ =	strace $0x8FFFFFFF  }
0x98: {  	s19 =	sld [smem:$0x3FDB];
	_ =	sdelay $0x1  }
0x99: {  	s20 =	simm.s32 $_scs_section_size  }
0x9a: {  	s4 =	simm.s32 $_size__tile_overlayer_lowered;
	s5 =	simm.s32 $_tile_overlayer_lowered  }
0x9b: {  	s6 =	simm.s32 $0x1BFF;
	s21 =	sshll.u32 s5, $0x1;
	s3 =	sadd.s32 s20, s19  }
0x9c: {  	s22 =	simm.s32 $0x0;
	s4 =	sshll.u32 s4, $0x1;
	s5 =	sadd.s32 s21, s3  }
0x9d: {  	[timem:s22], [sflag:s6] =	dma.local [hbm:s5], s4  }
0x9e: {  	_ =	swait.ge [sflag:s6], s4  }
0x9f: {  	s4 =	ssub.s32 $0x0, s4;
	[sflag:s6] =	ssyncset.done $0x0  }
0xa0: {  	[sflag:s6] =	ssyncadd.s32 s4;
	_ =	sdelay $0x1  }
0xa1: {  	s23 =	simm.s32 $0x1B8B  }
0xa2: {  	_ =	swait.ge [sflag:s23], $0x1  }
0xa3: {  	[sflag:s23] =	ssyncset.done $0x0  }
0xa4: {  	[sflag:s23] =	ssyncadd.s32 $0xFFFFFFFF  }
0xa5: {  	s4 =	sld [smem:$0x0]  }
0xa6: {  	s5 =	sand.u32 $0xFFFFFFFE, s1  }
0xa7: {  	p0 =	sne.s32 s1, s5  }
0xa8: {  	s5 =	sshll.u32 @p0 s5, $0xE  }
0xa9: {  	s5 =	sadd.s32 @p0 $0x11B8D, s5;
	s6 =	sshll.u32 @p0 s4, $0x11  }
0xaa: {  	s5 =	sor.u32 @p0 s6, s5  }
0xab: {  	[sflag:s5] =	ssyncadd.remote.s32 @p0 $0x1;
	_ =	sdelay $0x1  }
0xac: {  	s5 =	simm.s32 @p0 $0x1B8D  }
0xad: {  	_ =	swait.eq @p0 [sflag:s5], $0x1  }
0xae: {  	[sflag:s5] =	ssyncadd.s32 @p0 $0xFFFFFFFF  }
0xaf: {  	s6 =	sshll.u32 @!p0 s1, $0xE  }
0xb0: {  	s6 =	sor.u32 @!p0 $0x4000, s6;
	s5 =	simm.s32 @!p0 $0x1B8D  }
0xb1: {  	s4 =	sshll.u32 @!p0 s4, $0x11;
	s6 =	sadd.s32 @!p0 $0x11B8D, s6;
	_ =	swait.eq @!p0 [sflag:s5], $0x1  }
0xb2: {  	s4 =	sor.u32 @!p0 s4, s6;
	[sflag:s5] =	ssyncadd.s32 @!p0 $0xFFFFFFFF  }
0xb3: {  	s25 =	simm.s32 $0x1B8E;
	s24 =	sld [smem:$0x3FFE];
	[sflag:s4] =	ssyncadd.remote.s32 @!p0 $0x1  }
0xb4: {  	s26 =	simm.s32 $execute0_lowered;
	[smem:$0x3FD2] =	sst s25  }
0xb5: {  	s5 =	sshll.u32 s26, $0x1;
	_ =	strace $0x80000058;
	[dreg:$0x1] =	wrdreg $0xFFFFFFFF  }
0xb6: {  	s28 =	simm.s32 $_size_execute0_lowered;
	s3 =	sadd.s32 s3, s5;
	[dreg:$0x0] =	wrdreg $0x0  }
0xb7: {  	s5 =	sshll.u32 s28, $0x1;
	[dreg:$0x2] =	wrdreg s3  }
0xb8: {  	[dreg:$0x3] =	wrdreg s5  }
0xb9: {  	[dreg:$0x4] =	wrdreg $0xC0  }
0xba: {  	_ =	task [dreg:s22], $0x5FFFF  }
0xbb: {  	[dreg:$0x1] =	wrdreg $0xFFFFFFFF  }
0xbc: {  	[dreg:$0x0] =	wrdreg $0x60  }
0xbd: {  	[dreg:$0x2] =	wrdreg s24  }
0xbe: {  	[dreg:$0x3] =	wrdreg $0xA  }
0xbf: {  	_ =	task.clear_ibuf [dreg:s22], $0x4FFFF;
	_ =	strace $0x90000058  }
0xc0: {  	s29 =	simm.s32 $0xA;
	_ =	strace $0x8000005A  }
0xc1: {  	_ =	swait.ge [sflag:s29], $0x1  }
0xc2: {  	[sflag:s29] =	ssyncadd.s32 $0xFFFFFFFF  }
0xc3: {  	_ =	strace $0x9000005A  }
0xc4: {  	_ =	sfence  }
0xc5: {  	s30 =	sld [smem:$0x0];
	_ =	sdelay $0x2  }
0xc6: {  	s31 =	sshll.u32 s1, $0xD;
	s1 =	sshrl.u32 s1, $0x2  }
0xc7: {  	s4 =	sand.u32 $0x4000, s31;
	s1 =	sadd.s32 s1, s30  }
0xc8: {  	s0 =	sor.u32 s4, s0;
	s1 =	sshll.u32 s1, $0x11  }
0xc9: {  	s0 =	sor.u32 s1, s0  }
0xca: {  	s0 =	sadd.s32 $0x8F2B, s0  }
0xcb: {  	[sflag:s0] =	ssyncadd.remote.s32 $0x1  }
0xcc: {  	_ =	sfence.sel $0xFFFF  }
0xcd: {  	[dreg:$0x0] =	wrdreg $0xFFFFFFFF;
	(pc) =	sbr.abs _section_cstart, $3  }
0xce: {  	[dreg:$0x1] =	wrdreg $0xFFFFFFFF  }
0xcf: {  	_ =	task.clear_ibuf [dreg:s22], $0x2FFFF;
	_ =	strace $0x9FFFFFFF  }
0xd0: {  	(tm) =	ssettm $0x7FFFFFFF  }
0xd1: {  	_ =	shalt  }
tec
execute0_lowered:
.L_overlay_start_1:
0x0: {  	(tag) =	ssettag $0x1  }
0x1: {  	s4 =	rddreg [dreg:$0x0];
	s1 =	srdreg.scid  }
0x2: {  	s0 =	stileid.u32;
	s9 =	simm.s32 $0x400;
	s10 =	simm.s32 $0x1  }
0x3: {  	s11 =	simm.s32 $0x2800;
	s12 =	simm.s32 $0x5000;
	s13 =	simm.s32 $0x7800  }
0x4: {  	s14 =	simm.s32 $0x0;
	s3 =	sand.u32 $0x1, s1;
	s28 =	sshrl.u32 s0, $0x2  }
0x5: {  	s2 =	sshll.u32 s0, $0x8;
	s1 =	rddreg [dreg:$0x1];
	s5 =	smul.u32 $0x14000, s28  }
0x6: {  	s6 =	sshll.u32 s3, $0x7;
	s7 =	sand.u32 $0x300, s2;
	s2 =	simm.s32 $0x0  }
0x7: {  	s29 =	ssub.s32 $0x2, s3;
	s3 =	sadd.s32 $0x12E00, s4;
	s6 =	sor.u32 s6, s7  }
0x8: {  	[smem:$0x7FF] =	sst s2;
	s31 =	sshrl.u32 s29, $0x1;
	s5 =	sor.u32 s5, s6  }
0x9: {  	_ =	strace $0x80000059;
	s8 =	ssub.s32 s29, s31;
	s5 =	sshrl.u32 s5, $0x3  }
0xa: {  	s7 =	smax.u32 s8, $0x1;
	s8 =	simm.s32 $0x80;
	s30 =	sadd.s32 s5, s4  }
0xb: {  	v0 =	vimm.f32 $0.0e+00;
	s4 =	sadd.s32 $0x95600, s30;
	s5 =	sadd.s32 $0x9F600, s30;
	s6 =	sadd.s32 $0x13400, s30  }
.LBB2_1:
0xc: {  	[tilespmem:s2], [sflag:$0x1] =	stream.strided.gather [hbm4b:s4+s8], $0x2800, s9, s8, $0x38;
	[tilespmem:$0xA000] =	vst v63  }
0xd: {  	_ =	swait.ge [sflag:s10], $0x2800  }
0xe: {  	[sflag:s10] =	ssyncset.done $0x0  }
0xf: {  	[sflag:s10] =	ssyncadd.s32 $0xFFFFD800  }
0x10: {  	[tilespmem:s11], [sflag:$0x1] =	stream.strided.gather [hbm4b:s5+s8], $0x2800, s9, s8, $0x38;
	[tilespmem:$0xA000] =	vst v63  }
0x11: {  	_ =	swait.ge [sflag:s10], $0x2800  }
0x12: {  	[sflag:s10] =	ssyncset.done $0x0  }
0x13: {  	[sflag:s10] =	ssyncadd.s32 $0xFFFFD800  }
0x14: {  	[tilespmem:s12], [sflag:$0x1] =	stream.linear.gather [hbm4b:s3+s2], $0x2800, $0x38;
	[tilespmem:$0xA000] =	vst v63  }
0x15: {  	_ =	swait.ge [sflag:s10], $0x2800  }
0x16: {  	[sflag:s10] =	ssyncset.done $0x0  }
0x17: {  	s15 =	simm.s32 $0x0;
	[sflag:s10] =	ssyncadd.s32 $0xFFFFD800  }
.LBB2_2:
0x18: {  	p0 =	sne.s32 s15, $0x9FC0  }
.Ltmp0:
0x19: {  	_ = 	snop;
	(pc) =	sbr.rel @p0 .LBB2_2-.Ltmp0, $3  }
0x1a: {  	_ =	sdelay $0x1  }
0x1b: {  	s16 =	sshra.s32 s15, $0x2  }
0x1c: {  	s15 =	sadd.s32 $0x40, s15;
	[tilespmem:s16+$0x7800] =	vst v0  }
0x1d: {  	s16 =	simm.s32 $0x0;
	s15 =	simm.s32 $0x40  }
.LBB2_4:
0x1e: {  	p0 =	sne.s32 s15, $0x9FC0;
	v1 =	vld [tilespmem:s16+$0x0];
	_ =	sdelay $0x5  }
0x1f: {  	v2 =	vld [tilespmem:s16+$0x2800];
	_ =	sdelay $0x1  }
0x20: {  	v1 =	vld.idx.msk [tilespmem:v1+s12+$0x0], $0xffff;
	_ =	sdelay $0x1  }
.Ltmp1:
0x21: {  	(pc) =	sbr.rel @p0 .LBB2_4-.Ltmp1, $2  }
0x22: {  	_ =	sdelay $0x2  }
0x23: {  	s16 =	sshra.s32 s15, $0x2;
	s15 =	sadd.s32 $0x40, s15;
	[tilespmem:v2+s13+$0x0] =	vst.idx.add.f32.msk $0xffff, v1  }
0x24: {  	v1 =	vld [tilespmem:s16+$0x0];
	_ =	sdelay $0x4  }
0x25: {  	v2 =	vld [tilespmem:s16+$0x2800];
	_ =	sdelay $0x2  }
0x26: {  	v1 =	vld.idx.msk [tilespmem:v1+s12+$0x0], $0xffff;
	_ =	sdelay $0x2  }
0x27: {  	s14 =	sadd.s32 $0x1, s14  }
0x28: {  	p0 =	sne.s32 s14, s7  }
.Ltmp2:
0x29: {  	[tilespmem:v2+s13+$0x0] =	vst.idx.add.f32.msk $0xffff, v1;
	(pc) =	sbr.rel @p0 .LBB2_1-.Ltmp2, $4  }
0x2a: {  	[hbm4b:s6+s8] =	stream.strided.scatter [tilespmem:s13], [sflag:$0x1], $0x2800, s9, s8, $0x38;
	[tilespmem:$0xA000] =	vst v63  }
0x2b: {  	_ =	swait.ge [sflag:s10], $0x2800  }
0x2c: {  	[sflag:s10] =	ssyncset.done $0x0  }
0x2d: {  	[sflag:s10] =	ssyncadd.s32 $0xFFFFD800  }
0x2e: {  	_ =	sfence.sel $0x180000  }
0x2f: {  	[bflag:$0x0] =	sbarrier.arrive $0xFFFF  }
0x30: {  	p0 =	sne.s32 s0, $0x0;
	_ =	strace $0x90000059  }
0x31: {  	s0 =	sadd.s32 @!p0 $0x100000, s1;
	[bflag:$0x2] =	sbarrier.arrive $0xFFFF  }
0x32: {  	[sflag:s0] =	ssyncadd.tile.s32 @!p0 $0x1;
	_ =	shalt  }
.Lfunc_end2:
_tile_overlayer_lowered:
.L_overlay_start_2:
0x33: {  	(tag) =	ssettag $0x2  }
0x34: {  	s0 =	rddreg [dreg:$0x0];
	s2 =	stileid.u32  }
0x35: {  	s1 =	rddreg [dreg:$0x1];
	p0 =	sne.s32 s2, $0x0  }
0x36: {  	s3 =	rddreg [dreg:$0x2];
	[bflag:$0x3] =	sbarrier.arrive $0xFFFF;
	s2 =	simm.s32 @!p0 $0x1C01  }
0x37: {  	[timem:s3], [sflag:s2] =	dma.local @!p0 [hbm:s0], s1  }
0x38: {  	s0 =	simm.s32 @!p0 $0x1  }
0x39: {  	_ =	swait.ge @!p0 [sflag:s0], s1  }
0x3a: {  	s1 =	ssub.s32 @!p0 $0x0, s1;
	[sflag:s0] =	ssyncset.done @!p0 $0x0  }
0x3b: {  	[sflag:s0] =	ssyncadd.s32 @!p0 s1  }
0x3c: {  	[bflag:$0x3] =	sbarrier.arrive $0xFFFF  }
0x3d: {  	_ =	shalt  }

</sc_bundles>
